<compile_context>
chip_gen: v7x
topology: tpu7x:2x2x1
jax: 0.10.2.dev20260603
libtpu: 0.0.44.dev20260713+nightly
codegen_flags: <defaults>
</compile_context>

<pallas_src>
import functools
import math

import jax
import jax.numpy as jnp
from jax import lax
from jax.experimental import pallas as pl
from jax.experimental.pallas import tpu as pltpu
from jax.experimental.pallas import tpu_sc as plsc

D = 128
B, K, A = 16, 64, 32
N = B * K
C = 6
NW = 32
CHUNK = 128
NBUF = 7
AHEAD = 6
GROUP_COMBOS = (4, 2)
GROUPS = len(GROUP_COMBOS)


def _sc_gather(ent_embed, rel_embed, self_idx, adj_idx, rel_idx):
    sc = self_idx.shape[1]
    ac = adj_idx.shape[1]
    rc = rel_idx.shape[1]
    mesh = plsc.VectorSubcoreMesh(core_axis_name="c", subcore_axis_name="s")

    @functools.partial(
        pl.kernel,
        mesh=mesh,
        out_type=[
            jax.ShapeDtypeStruct((NW * sc * CHUNK, D), jnp.float32),
            jax.ShapeDtypeStruct((NW * ac * CHUNK, D), jnp.float32),
            jax.ShapeDtypeStruct((NW * rc * CHUNK, D), jnp.float32),
        ],
        scratch_types=[
            pltpu.VMEM((sc, CHUNK), jnp.int32),
            pltpu.VMEM((ac, CHUNK), jnp.int32),
            pltpu.VMEM((rc, CHUNK), jnp.int32),
            pltpu.VMEM((NBUF, CHUNK, D), jnp.float32),
            pltpu.SemaphoreType.DMA,
            pltpu.SemaphoreType.DMA,
        ],
    )
    def k(ent_hbm, rel_hbm, selfidx_hbm, adjidx_hbm, relidx_hbm,
          self_out, adj_out, rel_out,
          selfidx_v, adjidx_v, relidx_v, rows_v, gsem, wsem):
        wid = lax.axis_index("s") * 2 + lax.axis_index("c")
        pltpu.sync_copy(selfidx_hbm.at[wid], selfidx_v)
        pltpu.sync_copy(adjidx_hbm.at[wid], adjidx_v)
        pltpu.sync_copy(relidx_hbm.at[wid], relidx_v)

        def seg(idx_v, table_hbm, out_hbm, n_chunks):
            base_w = wid * n_chunks * CHUNK

            def gather(i):
                pltpu.make_async_copy(
                    table_hbm.at[idx_v.at[i]], rows_v.at[i % NBUF],
                    gsem).start()

            def wait_gather():
                pltpu.make_async_copy(
                    table_hbm.at[idx_v.at[0]], rows_v.at[0], gsem).wait()

            def write(i):
                pltpu.make_async_copy(
                    rows_v.at[i % NBUF],
                    out_hbm.at[pl.ds(base_w + i * CHUNK, CHUNK)],
                    wsem).start()

            def wait_write():
                pltpu.make_async_copy(
                    rows_v.at[0], out_hbm.at[pl.ds(base_w, CHUNK)],
                    wsem).wait()

            for j in range(min(AHEAD, n_chunks)):
                gather(j)

            def body(i, carry):
                @pl.when(i >= 2)
                def _():
                    wait_write()

                @pl.when(i + AHEAD < n_chunks)
                def _():
                    gather(i + AHEAD)

                wait_gather()
                write(i)
                return carry

            lax.fori_loop(0, n_chunks, body, 0)
            wait_write()
            if n_chunks >= 2:
                wait_write()

        seg(selfidx_v, ent_hbm, self_out, sc)
        seg(adjidx_v, ent_hbm, adj_out, ac)
        seg(relidx_v, rel_hbm, rel_out, rc)

    return k(ent_embed, rel_embed, self_idx, adj_idx, rel_idx)


TN = 256


def _split_bf16(w):
    wh = w.astype(jnp.bfloat16)
    wl = (w - wh.astype(jnp.float32)).astype(jnp.bfloat16)
    return wh, wl


def _dot3(x, wsplit):
    wh, wl = wsplit
    xh = x.astype(jnp.bfloat16)
    xl = (x - xh.astype(jnp.float32)).astype(jnp.bfloat16)

    def d(a, b):
        return jnp.dot(a, b, preferred_element_type=jnp.float32)

    return d(xh, wh) + (d(xh, wl) + d(xl, wh))


SUB = 16


def _encode_body(self_ref, adj_ref, rel_ref, relidx_ref,
                 wm_ref, bm_ref, wself_ref, out_ref):
    wm = wm_ref[...]
    wm_top = _split_bf16(wm[:D])
    wm_bot = _split_bf16(wm[D:])
    bm = bm_ref[...]
    self_h = jnp.dot(self_ref[...], wself_ref[...],
                     preferred_element_type=jnp.float32,
                     precision=lax.Precision.HIGHEST)
    mask = relidx_ref[...] != 0
    scale = 1.0 / math.sqrt(float(D))
    for j in range(TN // SUB):
        r = slice(j * SUB * A, (j + 1) * SUB * A)
        pre = (_dot3(rel_ref[r, :], wm_top) + _dot3(adj_ref[r, :], wm_bot)
               + bm)
        msg3 = jnp.tanh(pre).reshape(SUB, A, D)
        sh = self_h[j * SUB:(j + 1) * SUB]
        logits = jnp.sum(msg3 * sh[:, None, :], axis=-1) * scale
        logits = jnp.where(mask[j * SUB:(j + 1) * SUB], logits, -1e9)
        lmax = jnp.max(logits, axis=-1, keepdims=True)
        e = jnp.exp(logits - lmax)
        attn = e / jnp.sum(e, axis=-1, keepdims=True)
        agg = jnp.sum(msg3 * attn[:, :, None], axis=1)
        out_ref[j * SUB:(j + 1) * SUB, :] = jnp.maximum(sh + agg, 0.0)


def _tc_encode(self_rows, adj_rows, rel_rows, relidx2d, W_msg, b_msg, W_self):
    n_nodes = relidx2d.shape[0]
    grid = (n_nodes // TN,)
    return pl.pallas_call(
        _encode_body,
        grid=grid,
        in_specs=[
            pl.BlockSpec((TN, D), lambda g: (g, 0)),
            pl.BlockSpec((TN * A, D), lambda g: (g, 0)),
            pl.BlockSpec((TN * A, D), lambda g: (g, 0)),
            pl.BlockSpec((TN, A), lambda g: (g, 0)),
            pl.BlockSpec((2 * D, D), lambda g: (0, 0)),
            pl.BlockSpec((1, D), lambda g: (0, 0)),
            pl.BlockSpec((D, D), lambda g: (0, 0)),
        ],
        out_specs=pl.BlockSpec((TN, D), lambda g: (g, 0)),
        out_shape=jax.ShapeDtypeStruct((n_nodes, D), jnp.float32),
    )(self_rows, adj_rows, rel_rows, relidx2d, W_msg, b_msg, W_self)


def _compare_body(*refs):
    att_refs = refs[:GROUPS]
    w1_ref, b1_ref, w2_ref, b2_ref, out_ref = refs[GROUPS:]
    att = jnp.concatenate([r[...] for r in att_refs], axis=0)
    means = []
    for c in range(C):
        seg = att[c * N:(c + 1) * N, :].reshape(B, K, D)
        means.append(jnp.mean(seg, axis=1))
    support = jnp.concatenate([means[0], means[1]], axis=-1)
    positive = jnp.concatenate([means[2], means[3]], axis=-1)
    negative = jnp.concatenate([means[4], means[5]], axis=-1)
    w1 = w1_ref[...]
    b1 = b1_ref[...]
    w2 = w2_ref[...]
    b2 = b2_ref[...]

    def score(q):
        h = jnp.maximum(
            jnp.dot(jnp.concatenate([support, q], axis=-1), w1,
                    preferred_element_type=jnp.float32,
                    precision=lax.Precision.HIGHEST) + b1, 0.0)
        return jnp.sum(h * w2, axis=-1, keepdims=True) + b2

    pos_s = score(positive)
    neg_s = score(negative)
    out_ref[...] = jnp.concatenate([pos_s, neg_s], axis=1)


def _tc_compare(attn_parts, W1, b1, W2, b2):
    return pl.pallas_call(
        _compare_body,
        out_shape=jax.ShapeDtypeStruct((B, 2), jnp.float32),
    )(*attn_parts, W1, b1, W2, b2)


def _worker_chunks(flat, pad_to_chunks=None):
    total = flat.shape[0]
    per = NW * CHUNK
    n_chunks = -(-total // per)
    if pad_to_chunks is not None:
        n_chunks = pad_to_chunks
    padded = n_chunks * per
    if padded != total:
        flat = jnp.concatenate(
            [flat, jnp.zeros((padded - total,), jnp.int32)])
    return flat.reshape(NW, n_chunks, CHUNK)


def kernel(sup, pos, neg, sup_src_meta, sup_dst_meta, pos_src_meta,
           pos_dst_meta, neg_src_meta, neg_dst_meta, ent_embed, rel_embed,
           W_msg, b_msg, W_self, W1, b1, W2, b2):
    i32 = jnp.int32
    self_idx = jnp.stack([sup[:, 0], sup[:, 1], pos[:, 0], pos[:, 1],
                          neg[:, 0], neg[:, 1]]).astype(i32).reshape(-1)
    adj_idx = jnp.stack([sup_src_meta[:, 1], sup_dst_meta[:, 1],
                         pos_src_meta[:, 1], pos_dst_meta[:, 1],
                         neg_src_meta[:, 1], neg_dst_meta[:, 1]]
                        ).astype(i32).reshape(-1)
    rel_idx = jnp.stack([sup_src_meta[:, 0], sup_dst_meta[:, 0],
                         pos_src_meta[:, 0], pos_dst_meta[:, 0],
                         neg_src_meta[:, 0], neg_dst_meta[:, 0]]
                        ).astype(i32).reshape(-1)

    bm = b_msg.reshape(1, D)
    attn_parts = []
    c_lo = 0
    for cpg in GROUP_COMBOS:
        s_lo, s_hi = c_lo * N, (c_lo + cpg) * N
        a_lo, a_hi = s_lo * A, s_hi * A
        c_lo += cpg
        self_w = _worker_chunks(self_idx[s_lo:s_hi])
        adj_w = _worker_chunks(adj_idx[a_lo:a_hi])
        rel_w = _worker_chunks(rel_idx[a_lo:a_hi])
        self_rows, adj_rows, rel_rows = _sc_gather(
            ent_embed, rel_embed, self_w, adj_w, rel_w)
        attn_parts.append(_tc_encode(
            self_rows, adj_rows, rel_rows,
            rel_idx[a_lo:a_hi].reshape(cpg * N, A), W_msg, bm, W_self))

    scores = _tc_compare(attn_parts, W1, b1.reshape(1, 2 * D),
                         W2.reshape(1, 2 * D), b2.reshape(1, 1))
    return (scores[:, 0], scores[:, 1])

# --- scband reference (transcript-rebuilt; emitter-appended) ---
"""Pipeline reference for scband-model-45913200394534 (READ-ONLY COPY).

The authoritative reference and input builder live on the scoring server;
editing this copy changes nothing except your own understanding.
"""

import jax, jax.numpy as jnp
import numpy as np

NUM_ENT = 100000
NUM_REL = 100000
D = 128
B, K, A = 16, 64, 32


def setup_inputs(seed: int = 0) -> dict:
    key = jax.random.key(seed)
    ks = jax.random.split(key, 18)
    inp = {}
    inp['sup'] = jax.random.randint(ks[0], (B, 2, K), 0, NUM_ENT)
    inp['pos'] = jax.random.randint(ks[1], (B, 2, K), 0, NUM_ENT)
    inp['neg'] = jax.random.randint(ks[2], (B, 2, K), 0, NUM_ENT)
    inp['sup_src_meta'] = jax.random.randint(ks[3], (B, 2, K, A), 0, NUM_REL)
    inp['sup_dst_meta'] = jax.random.randint(ks[4], (B, 2, K, A), 0, NUM_REL)
    inp['pos_src_meta'] = jax.random.randint(ks[5], (B, 2, K, A), 0, NUM_REL)
    inp['pos_dst_meta'] = jax.random.randint(ks[6], (B, 2, K, A), 0, NUM_REL)
    inp['neg_src_meta'] = jax.random.randint(ks[7], (B, 2, K, A), 0, NUM_REL)
    inp['neg_dst_meta'] = jax.random.randint(ks[8], (B, 2, K, A), 0, NUM_REL)
    inp['ent_embed'] = jax.random.normal(ks[9], (NUM_ENT, D), dtype=jnp.float32) * 0.02
    inp['rel_embed'] = jax.random.normal(ks[10], (NUM_REL, D), dtype=jnp.float32) * 0.02
    inp['W_msg'] = jax.random.normal(ks[11], (2 * D, D), dtype=jnp.float32) * 0.05
    inp['b_msg'] = jnp.zeros((D,), dtype=jnp.float32)
    inp['W_self'] = jax.random.normal(ks[12], (D, D), dtype=jnp.float32) * 0.05
    inp['W1'] = jax.random.normal(ks[13], (4 * D, 2 * D), dtype=jnp.float32) * 0.05
    inp['b1'] = jnp.zeros((2 * D,), dtype=jnp.float32)
    inp['W2'] = jax.random.normal(ks[14], (2 * D, 1), dtype=jnp.float32) * 0.05
    inp['b2'] = jnp.zeros((1,), dtype=jnp.float32)
    return inp


def _encode(self_e, rel_e, adj_e, mask, W_msg, b_msg, W_self):
    # attention-based neighbor aggregation (MyEntityEncoder)
    msg = jnp.tanh(jnp.concatenate([rel_e, adj_e], axis=-1) @ W_msg + b_msg)  # [N, A, H]
    self_h = self_e @ W_self  # [N, H]
    logits = jnp.einsum('nh,nah->na', self_h, msg) / jnp.sqrt(jnp.float32(msg.shape[-1]))
    logits = jnp.where(mask, logits, -1e9)
    attn = jax.nn.softmax(logits, axis=-1)
    agg = jnp.einsum('na,nah->nh', attn, msg)
    return jax.nn.relu(self_h + agg)


def _gnn_aggregate(src, src_rel, src_adj, dst, dst_rel, dst_adj, ent_embed, rel_embed, W_msg, b_msg, W_self):
    b, n = src.shape
    a = src_rel.shape[-1]
    src_f = src.reshape(-1)
    dst_f = dst.reshape(-1)
    src_rel_f = src_rel.reshape(-1, a)
    src_adj_f = src_adj.reshape(-1, a)
    dst_rel_f = dst_rel.reshape(-1, a)
    dst_adj_f = dst_adj.reshape(-1, a)
    src_e = ent_embed[src_f]
    dst_e = ent_embed[dst_f]
    src_mask = (src_rel_f != 0)
    dst_mask = (dst_rel_f != 0)
    src_rel_e = rel_embed[src_rel_f]
    src_adj_e = ent_embed[src_adj_f]
    dst_rel_e = rel_embed[dst_rel_f]
    dst_adj_e = ent_embed[dst_adj_f]
    attn_src = _encode(src_e, src_rel_e, src_adj_e, src_mask, W_msg, b_msg, W_self)
    attn_dst = _encode(dst_e, dst_rel_e, dst_adj_e, dst_mask, W_msg, b_msg, W_self)
    return attn_src.reshape(b, n, -1), attn_dst.reshape(b, n, -1)


def _compare(support, query, W1, b1, W2, b2):
    s = support.mean(axis=1)
    q = query.mean(axis=1)
    h = jax.nn.relu(jnp.concatenate([s, q], axis=-1) @ W1 + b1)
    return (h @ W2 + b2).squeeze(-1)


def reference(sup, pos, neg, sup_src_meta, sup_dst_meta, pos_src_meta, pos_dst_meta, neg_src_meta, neg_dst_meta, ent_embed, rel_embed, W_msg, b_msg, W_self, W1, b1, W2, b2):
    sup_src, sup_dst = _gnn_aggregate(sup[:, 0, :], sup_src_meta[:, 0], sup_src_meta[:, 1], sup[:, 1, :], sup_dst_meta[:, 0], sup_dst_meta[:, 1], ent_embed, rel_embed, W_msg, b_msg, W_self)
    pos_src, pos_dst = _gnn_aggregate(pos[:, 0, :], pos_src_meta[:, 0], pos_src_meta[:, 1], pos[:, 1, :], pos_dst_meta[:, 0], pos_dst_meta[:, 1], ent_embed, rel_embed, W_msg, b_msg, W_self)
    neg_src, neg_dst = _gnn_aggregate(neg[:, 0, :], neg_src_meta[:, 0], neg_src_meta[:, 1], neg[:, 1, :], neg_dst_meta[:, 0], neg_dst_meta[:, 1], ent_embed, rel_embed, W_msg, b_msg, W_self)
    support = jnp.concatenate([sup_src, sup_dst], axis=-1)
    positive = jnp.concatenate([pos_src, pos_dst], axis=-1)
    negative = jnp.concatenate([neg_src, neg_dst], axis=-1)
    positive_score = _compare(support, positive, W1, b1, W2, b2)
    negative_score = _compare(support, negative, W1, b1, W2, b2)
    return (positive_score, negative_score)

if __name__ == "__main__":
    import jax
    _d = setup_inputs()
    print(jax.jit(kernel)(*tuple(_d.values())))

</pallas_src>

<mosaic_0001>
#map = affine_map<(d0, d1) -> (0, 0)>
#map1 = affine_map<(d0, d1) -> (0, 0, 0)>
module attributes {stable_mosaic.version = 14 : i64} {
  func.func @k(%arg0: i32, %arg1: i32, %arg2: memref<100000x128xf32, #tpu.memory_space<hbm>>, %arg3: memref<100000x128xf32, #tpu.memory_space<hbm>>, %arg4: memref<32x1x128xi32, #tpu.memory_space<hbm>>, %arg5: memref<32x16x128xi32, #tpu.memory_space<hbm>>, %arg6: memref<32x16x128xi32, #tpu.memory_space<hbm>>, %arg7: memref<4096x128xf32, #tpu.memory_space<hbm>>, %arg8: memref<65536x128xf32, #tpu.memory_space<hbm>>, %arg9: memref<65536x128xf32, #tpu.memory_space<hbm>>, %arg10: memref<1x128xi32, #tpu.memory_space<vmem>>, %arg11: memref<16x128xi32, #tpu.memory_space<vmem>>, %arg12: memref<16x128xi32, #tpu.memory_space<vmem>>, %arg13: memref<7x128x128xf32, #tpu.memory_space<vmem>>, %arg14: memref<!tpu.dma_semaphore, #tpu.memory_space<semaphore_mem>>, %arg15: memref<!tpu.dma_semaphore, #tpu.memory_space<semaphore_mem>>) attributes {dimension_semantics = [#tpu.dimension_semantics<core_parallel>, #tpu.dimension_semantics<subcore_parallel>], iteration_bounds = array<i64: 2, 16>, scalar_prefetch = 0 : i64, scratch_operands = 6 : i64, tpu.core_type = #tpu.core_type<sc_vector_subcore>, window_params = [{transform_indices = #map}, {transform_indices = #map}, {transform_indices = #map1}, {transform_indices = #map1}, {transform_indices = #map1}, {transform_indices = #map}, {transform_indices = #map}, {transform_indices = #map}]} {
    %mul3A = arith.constant 2 : i32
    %mul3A_0 = arith.muli %arg1, %mul3A : i32
    %add3A = arith.addi %mul3A_0, %arg0 : i32
    "tpu.region"() ({
      %run_scoped3A = tpu.sem_alloc : memref<!tpu.dma_semaphore, #tpu.memory_space<semaphore_mem>>
      %dma_start3A_291 = arith.constant 0 : i32
      %dma_start3A_292 = arith.constant 0 : i32
      %dma_start3A_293 = tpu.memref_slice %arg4[%add3A, %dma_start3A_291, %dma_start3A_292] : memref<32x1x128xi32, #tpu.memory_space<hbm>> -> memref<1x1x128xi32, #tpu.memory_space<hbm>>
      %dma_start3A_294 = tpu.memref_squeeze %dma_start3A_293 : memref<1x1x128xi32, #tpu.memory_space<hbm>> -> memref<1x128xi32, #tpu.memory_space<hbm>>
      %dma_start3A_295 = arith.constant 0 : i32
      %dma_start3A_296 = arith.constant 0 : i32
      %dma_start3A_297 = tpu.memref_slice %arg4[%add3A, %dma_start3A_295, %dma_start3A_296] : memref<32x1x128xi32, #tpu.memory_space<hbm>> -> memref<1x1x128xi32, #tpu.memory_space<hbm>>
      %dma_start3A_298 = tpu.memref_squeeze %dma_start3A_297 : memref<1x1x128xi32, #tpu.memory_space<hbm>> -> memref<1x128xi32, #tpu.memory_space<hbm>>
      tpu.enqueue_dma source(%dma_start3A_298 : memref<1x128xi32, #tpu.memory_space<hbm>>) target(%arg10 : memref<1x128xi32, #tpu.memory_space<vmem>>) target_semaphore(%run_scoped3A : memref<!tpu.dma_semaphore, #tpu.memory_space<semaphore_mem>>)
      %dma_wait3A_299 = arith.constant 0 : i32
      %dma_wait3A_300 = arith.constant 0 : i32
      %dma_wait3A_301 = tpu.memref_slice %arg4[%add3A, %dma_wait3A_299, %dma_wait3A_300] : memref<32x1x128xi32, #tpu.memory_space<hbm>> -> memref<1x1x128xi32, #tpu.memory_space<hbm>>
      %dma_wait3A_302 = tpu.memref_squeeze %dma_wait3A_301 : memref<1x1x128xi32, #tpu.memory_space<hbm>> -> memref<1x128xi32, #tpu.memory_space<hbm>>
      %dma_wait3A_303 = arith.constant 0 : i32
      %dma_wait3A_304 = arith.constant 0 : i32
      %dma_wait3A_305 = tpu.memref_slice %arg4[%add3A, %dma_wait3A_303, %dma_wait3A_304] : memref<32x1x128xi32, #tpu.memory_space<hbm>> -> memref<1x1x128xi32, #tpu.memory_space<hbm>>
      %dma_wait3A_306 = tpu.memref_squeeze %dma_wait3A_305 : memref<1x1x128xi32, #tpu.memory_space<hbm>> -> memref<1x128xi32, #tpu.memory_space<hbm>>
      tpu.wait_dma2 semaphore(%run_scoped3A : memref<!tpu.dma_semaphore, #tpu.memory_space<semaphore_mem>>) src(%dma_wait3A_306 : memref<1x128xi32, #tpu.memory_space<hbm>>) dst(%arg10 : memref<1x128xi32, #tpu.memory_space<vmem>>)
      tpu.yield
    }) : () -> ()
    "tpu.region"() ({
      %run_scoped3A = tpu.sem_alloc : memref<!tpu.dma_semaphore, #tpu.memory_space<semaphore_mem>>
      %dma_start3A_291 = arith.constant 0 : i32
      %dma_start3A_292 = arith.constant 0 : i32
      %dma_start3A_293 = tpu.memref_slice %arg5[%add3A, %dma_start3A_291, %dma_start3A_292] : memref<32x16x128xi32, #tpu.memory_space<hbm>> -> memref<1x16x128xi32, #tpu.memory_space<hbm>>
      %dma_start3A_294 = tpu.memref_squeeze %dma_start3A_293 : memref<1x16x128xi32, #tpu.memory_space<hbm>> -> memref<16x128xi32, #tpu.memory_space<hbm>>
      %dma_start3A_295 = arith.constant 0 : i32
      %dma_start3A_296 = arith.constant 0 : i32
      %dma_start3A_297 = tpu.memref_slice %arg5[%add3A, %dma_start3A_295, %dma_start3A_296] : memref<32x16x128xi32, #tpu.memory_space<hbm>> -> memref<1x16x128xi32, #tpu.memory_space<hbm>>
      %dma_start3A_298 = tpu.memref_squeeze %dma_start3A_297 : memref<1x16x128xi32, #tpu.memory_space<hbm>> -> memref<16x128xi32, #tpu.memory_space<hbm>>
      tpu.enqueue_dma source(%dma_start3A_298 : memref<16x128xi32, #tpu.memory_space<hbm>>) target(%arg11 : memref<16x128xi32, #tpu.memory_space<vmem>>) target_semaphore(%run_scoped3A : memref<!tpu.dma_semaphore, #tpu.memory_space<semaphore_mem>>)
      %dma_wait3A_299 = arith.constant 0 : i32
      %dma_wait3A_300 = arith.constant 0 : i32
      %dma_wait3A_301 = tpu.memref_slice %arg5[%add3A, %dma_wait3A_299, %dma_wait3A_300] : memref<32x16x128xi32, #tpu.memory_space<hbm>> -> memref<1x16x128xi32, #tpu.memory_space<hbm>>
      %dma_wait3A_302 = tpu.memref_squeeze %dma_wait3A_301 : memref<1x16x128xi32, #tpu.memory_space<hbm>> -> memref<16x128xi32, #tpu.memory_space<hbm>>
      %dma_wait3A_303 = arith.constant 0 : i32
      %dma_wait3A_304 = arith.constant 0 : i32
      %dma_wait3A_305 = tpu.memref_slice %arg5[%add3A, %dma_wait3A_303, %dma_wait3A_304] : memref<32x16x128xi32, #tpu.memory_space<hbm>> -> memref<1x16x128xi32, #tpu.memory_space<hbm>>
      %dma_wait3A_306 = tpu.memref_squeeze %dma_wait3A_305 : memref<1x16x128xi32, #tpu.memory_space<hbm>> -> memref<16x128xi32, #tpu.memory_space<hbm>>
      tpu.wait_dma2 semaphore(%run_scoped3A : memref<!tpu.dma_semaphore, #tpu.memory_space<semaphore_mem>>) src(%dma_wait3A_306 : memref<16x128xi32, #tpu.memory_space<hbm>>) dst(%arg11 : memref<16x128xi32, #tpu.memory_space<vmem>>)
      tpu.yield
    }) : () -> ()
    "tpu.region"() ({
      %run_scoped3A = tpu.sem_alloc : memref<!tpu.dma_semaphore, #tpu.memory_space<semaphore_mem>>
      %dma_start3A_291 = arith.constant 0 : i32
      %dma_start3A_292 = arith.constant 0 : i32
      %dma_start3A_293 = tpu.memref_slice %arg6[%add3A, %dma_start3A_291, %dma_start3A_292] : memref<32x16x128xi32, #tpu.memory_space<hbm>> -> memref<1x16x128xi32, #tpu.memory_space<hbm>>
      %dma_start3A_294 = tpu.memref_squeeze %dma_start3A_293 : memref<1x16x128xi32, #tpu.memory_space<hbm>> -> memref<16x128xi32, #tpu.memory_space<hbm>>
      %dma_start3A_295 = arith.constant 0 : i32
      %dma_start3A_296 = arith.constant 0 : i32
      %dma_start3A_297 = tpu.memref_slice %arg6[%add3A, %dma_start3A_295, %dma_start3A_296] : memref<32x16x128xi32, #tpu.memory_space<hbm>> -> memref<1x16x128xi32, #tpu.memory_space<hbm>>
      %dma_start3A_298 = tpu.memref_squeeze %dma_start3A_297 : memref<1x16x128xi32, #tpu.memory_space<hbm>> -> memref<16x128xi32, #tpu.memory_space<hbm>>
      tpu.enqueue_dma source(%dma_start3A_298 : memref<16x128xi32, #tpu.memory_space<hbm>>) target(%arg12 : memref<16x128xi32, #tpu.memory_space<vmem>>) target_semaphore(%run_scoped3A : memref<!tpu.dma_semaphore, #tpu.memory_space<semaphore_mem>>)
      %dma_wait3A_299 = arith.constant 0 : i32
      %dma_wait3A_300 = arith.constant 0 : i32
      %dma_wait3A_301 = tpu.memref_slice %arg6[%add3A, %dma_wait3A_299, %dma_wait3A_300] : memref<32x16x128xi32, #tpu.memory_space<hbm>> -> memref<1x16x128xi32, #tpu.memory_space<hbm>>
      %dma_wait3A_302 = tpu.memref_squeeze %dma_wait3A_301 : memref<1x16x128xi32, #tpu.memory_space<hbm>> -> memref<16x128xi32, #tpu.memory_space<hbm>>
      %dma_wait3A_303 = arith.constant 0 : i32
      %dma_wait3A_304 = arith.constant 0 : i32
      %dma_wait3A_305 = tpu.memref_slice %arg6[%add3A, %dma_wait3A_303, %dma_wait3A_304] : memref<32x16x128xi32, #tpu.memory_space<hbm>> -> memref<1x16x128xi32, #tpu.memory_space<hbm>>
      %dma_wait3A_306 = tpu.memref_squeeze %dma_wait3A_305 : memref<1x16x128xi32, #tpu.memory_space<hbm>> -> memref<16x128xi32, #tpu.memory_space<hbm>>
      tpu.wait_dma2 semaphore(%run_scoped3A : memref<!tpu.dma_semaphore, #tpu.memory_space<semaphore_mem>>) src(%dma_wait3A_306 : memref<16x128xi32, #tpu.memory_space<hbm>>) dst(%arg12 : memref<16x128xi32, #tpu.memory_space<vmem>>)
      tpu.yield
    }) : () -> ()
    %mul3A_1 = arith.constant 1 : i32
    %mul3A_2 = arith.muli %add3A, %mul3A_1 : i32
    %mul3A_3 = arith.constant 128 : i32
    %mul3A_4 = arith.muli %mul3A_2, %mul3A_3 : i32
    %dma_start3A = arith.constant 0 : i32
    %dma_start3A_5 = arith.constant 0 : i32
    %dma_start3A_6 = arith.constant 0 : i32
    %dma_start3A_7 = arith.constant 0 : i32
    %dma_start3A_8 = tpu.memref_slice %arg13[%dma_start3A_5, %dma_start3A_6, %dma_start3A_7] : memref<7x128x128xf32, #tpu.memory_space<vmem>> -> memref<1x128x128xf32, #tpu.memory_space<vmem>>
    %dma_start3A_9 = tpu.memref_squeeze %dma_start3A_8 : memref<1x128x128xf32, #tpu.memory_space<vmem>> -> memref<128x128xf32, #tpu.memory_space<vmem>>
    %dma_start3A_10 = arith.constant 0 : i32
    %dma_start3A_11 = tpu.memref_slice %arg10[%dma_start3A, %dma_start3A_10] : memref<1x128xi32, #tpu.memory_space<vmem>> -> memref<1x128xi32, #tpu.memory_space<vmem>>
    %dma_start3A_12 = tpu.memref_squeeze %dma_start3A_11 : memref<1x128xi32, #tpu.memory_space<vmem>> -> memref<128xi32, #tpu.memory_space<vmem>>
    %dma_start3A_13 = arith.constant 0 : i32
    %dma_start3A_14 = arith.constant 0 : i32
    %dma_start3A_15 = tpu.memref_slice %arg2[%dma_start3A_13, %dma_start3A_14] : memref<100000x128xf32, #tpu.memory_space<hbm>> -> memref<100000x128xf32, #tpu.memory_space<hbm>>
    tpu.enqueue_indirect_dma source(%dma_start3A_15 : memref<100000x128xf32, #tpu.memory_space<hbm>>) target(%dma_start3A_9 : memref<128x128xf32, #tpu.memory_space<vmem>>) offsets(%dma_start3A_12 : memref<128xi32, #tpu.memory_space<vmem>>) semaphore(%arg14 : memref<!tpu.dma_semaphore, #tpu.memory_space<semaphore_mem>>)
    %scan3A = arith.constant 0 : i32
    %scan3A_16 = arith.constant 0 : i32
    %ge3A = arith.constant 2 : i32
    %ge3A_17 = arith.cmpi sge, %scan3A_16, %ge3A : i32
    %convert_element_type3A = arith.extui %ge3A_17 : i1 to i32
    %cond3A = arith.constant 0 : i32
    %cond3A_18 = arith.cmpi ne, %convert_element_type3A, %cond3A : i32
    scf.if %cond3A_18 {
      %dma_wait3A_291 = arith.constant 0 : i32
      %dma_wait3A_292 = arith.constant 0 : i32
      %dma_wait3A_293 = arith.constant 0 : i32
      %dma_wait3A_294 = tpu.memref_slice %arg13[%dma_wait3A_291, %dma_wait3A_292, %dma_wait3A_293] : memref<7x128x128xf32, #tpu.memory_space<vmem>> -> memref<1x128x128xf32, #tpu.memory_space<vmem>>
      %dma_wait3A_295 = tpu.memref_squeeze %dma_wait3A_294 : memref<1x128x128xf32, #tpu.memory_space<vmem>> -> memref<128x128xf32, #tpu.memory_space<vmem>>
      %dma_wait3A_296 = arith.constant 0 : i32
      %dma_wait3A_297 = tpu.memref_slice %arg7[%mul3A_4, %dma_wait3A_296] : memref<4096x128xf32, #tpu.memory_space<hbm>> -> memref<128x128xf32, #tpu.memory_space<hbm>>
      %dma_wait3A_298 = arith.constant 0 : i32
      %dma_wait3A_299 = tpu.memref_slice %arg7[%mul3A_4, %dma_wait3A_298] : memref<4096x128xf32, #tpu.memory_space<hbm>> -> memref<128x128xf32, #tpu.memory_space<hbm>>
      %dma_wait3A_300 = arith.constant 0 : i32
      %dma_wait3A_301 = arith.constant 0 : i32
      %dma_wait3A_302 = tpu.memref_slice %arg13[%dma_wait3A_291, %dma_wait3A_300, %dma_wait3A_301] : memref<7x128x128xf32, #tpu.memory_space<vmem>> -> memref<1x128x128xf32, #tpu.memory_space<vmem>>
      %dma_wait3A_303 = tpu.memref_squeeze %dma_wait3A_302 : memref<1x128x128xf32, #tpu.memory_space<vmem>> -> memref<128x128xf32, #tpu.memory_space<vmem>>
      tpu.wait_dma2 semaphore(%arg15 : memref<!tpu.dma_semaphore, #tpu.memory_space<semaphore_mem>>) src(%dma_wait3A_303 : memref<128x128xf32, #tpu.memory_space<vmem>>) dst(%dma_wait3A_299 : memref<128x128xf32, #tpu.memory_space<hbm>>)
    } else {
    }
    %add3A_19 = arith.constant 6 : i32
    %add3A_20 = arith.addi %scan3A_16, %add3A_19 : i32
    %lt3A = arith.constant 1 : i32
    %lt3A_21 = arith.cmpi slt, %add3A_20, %lt3A : i32
    %convert_element_type3A_22 = arith.extui %lt3A_21 : i1 to i32
    %cond3A_23 = arith.constant 0 : i32
    %cond3A_24 = arith.cmpi ne, %convert_element_type3A_22, %cond3A_23 : i32
    scf.if %cond3A_24 {
      %add3A_291 = arith.constant 6 : i32
      %add3A_292 = arith.addi %scan3A_16, %add3A_291 : i32
      %jit3A_293 = arith.constant 7 : i32
      %eq3A_294 = arith.constant 0 : i32
      %eq3A_295 = arith.cmpi eq, %jit3A_293, %eq3A_294 : i32
      %jit3A_296 = arith.constant 1 : i32
      %select_n3A_297 = arith.select %eq3A_295, %jit3A_296, %jit3A_293 : i32
      %rem3A_298 = arith.remsi %add3A_292, %select_n3A_297 : i32
      %ne3A_299 = arith.constant 0 : i32
      %ne3A_300 = arith.cmpi ne, %rem3A_298, %ne3A_299 : i32
      %lt3A_301 = arith.constant 0 : i32
      %lt3A_302 = arith.cmpi slt, %rem3A_298, %lt3A_301 : i32
      %lt3A_303 = arith.constant 0 : i32
      %lt3A_304 = arith.cmpi slt, %select_n3A_297, %lt3A_303 : i32
      %ne3A_305 = arith.xori %lt3A_302, %lt3A_304 : i1
      %and3A_306 = arith.andi %ne3A_305, %ne3A_300 : i1
      %add3A_307 = arith.addi %rem3A_298, %select_n3A_297 : i32
      %select_n3A_308 = arith.select %and3A_306, %add3A_307, %rem3A_298 : i32
      %dma_start3A_309 = arith.constant 0 : i32
      %dma_start3A_310 = arith.constant 0 : i32
      %dma_start3A_311 = tpu.memref_slice %arg13[%select_n3A_308, %dma_start3A_309, %dma_start3A_310] : memref<7x128x128xf32, #tpu.memory_space<vmem>> -> memref<1x128x128xf32, #tpu.memory_space<vmem>>
      %dma_start3A_312 = tpu.memref_squeeze %dma_start3A_311 : memref<1x128x128xf32, #tpu.memory_space<vmem>> -> memref<128x128xf32, #tpu.memory_space<vmem>>
      %dma_start3A_313 = arith.constant 0 : i32
      %dma_start3A_314 = tpu.memref_slice %arg10[%add3A_292, %dma_start3A_313] : memref<1x128xi32, #tpu.memory_space<vmem>> -> memref<1x128xi32, #tpu.memory_space<vmem>>
      %dma_start3A_315 = tpu.memref_squeeze %dma_start3A_314 : memref<1x128xi32, #tpu.memory_space<vmem>> -> memref<128xi32, #tpu.memory_space<vmem>>
      %dma_start3A_316 = arith.constant 0 : i32
      %dma_start3A_317 = arith.constant 0 : i32
      %dma_start3A_318 = tpu.memref_slice %arg2[%dma_start3A_316, %dma_start3A_317] : memref<100000x128xf32, #tpu.memory_space<hbm>> -> memref<100000x128xf32, #tpu.memory_space<hbm>>
      tpu.enqueue_indirect_dma source(%dma_start3A_318 : memref<100000x128xf32, #tpu.memory_space<hbm>>) target(%dma_start3A_312 : memref<128x128xf32, #tpu.memory_space<vmem>>) offsets(%dma_start3A_315 : memref<128xi32, #tpu.memory_space<vmem>>) semaphore(%arg14 : memref<!tpu.dma_semaphore, #tpu.memory_space<semaphore_mem>>)
    } else {
    }
    %dma_wait3A = arith.constant 0 : i32
    %dma_wait3A_25 = arith.constant 0 : i32
    %dma_wait3A_26 = arith.constant 0 : i32
    %dma_wait3A_27 = arith.constant 0 : i32
    %dma_wait3A_28 = tpu.memref_slice %arg13[%dma_wait3A_25, %dma_wait3A_26, %dma_wait3A_27] : memref<7x128x128xf32, #tpu.memory_space<vmem>> -> memref<1x128x128xf32, #tpu.memory_space<vmem>>
    %dma_wait3A_29 = tpu.memref_squeeze %dma_wait3A_28 : memref<1x128x128xf32, #tpu.memory_space<vmem>> -> memref<128x128xf32, #tpu.memory_space<vmem>>
    %dma_wait3A_30 = arith.constant 0 : i32
    %dma_wait3A_31 = tpu.memref_slice %arg10[%dma_wait3A, %dma_wait3A_30] : memref<1x128xi32, #tpu.memory_space<vmem>> -> memref<1x128xi32, #tpu.memory_space<vmem>>
    %dma_wait3A_32 = tpu.memref_squeeze %dma_wait3A_31 : memref<1x128xi32, #tpu.memory_space<vmem>> -> memref<128xi32, #tpu.memory_space<vmem>>
    %dma_wait3A_33 = arith.constant 0 : i32
    %dma_wait3A_34 = arith.constant 0 : i32
    %dma_wait3A_35 = tpu.memref_slice %arg2[%dma_wait3A_33, %dma_wait3A_34] : memref<100000x128xf32, #tpu.memory_space<hbm>> -> memref<100000x128xf32, #tpu.memory_space<hbm>>
    tpu.wait_indirect_dma semaphore(%arg14 : memref<!tpu.dma_semaphore, #tpu.memory_space<semaphore_mem>>) src(%dma_wait3A_35 : memref<100000x128xf32, #tpu.memory_space<hbm>>) dst(%dma_wait3A_29 : memref<128x128xf32, #tpu.memory_space<vmem>>)
    %jit3A = arith.constant 7 : i32
    %eq3A = arith.constant 0 : i32
    %eq3A_36 = arith.cmpi eq, %jit3A, %eq3A : i32
    %jit3A_37 = arith.constant 1 : i32
    %select_n3A = arith.select %eq3A_36, %jit3A_37, %jit3A : i32
    %rem3A = arith.remsi %scan3A_16, %select_n3A : i32
    %ne3A = arith.constant 0 : i32
    %ne3A_38 = arith.cmpi ne, %rem3A, %ne3A : i32
    %lt3A_39 = arith.constant 0 : i32
    %lt3A_40 = arith.cmpi slt, %rem3A, %lt3A_39 : i32
    %lt3A_41 = arith.constant 0 : i32
    %lt3A_42 = arith.cmpi slt, %select_n3A, %lt3A_41 : i32
    %ne3A_43 = arith.xori %lt3A_40, %lt3A_42 : i1
    %and3A = arith.andi %ne3A_43, %ne3A_38 : i1
    %add3A_44 = arith.addi %rem3A, %select_n3A : i32
    %select_n3A_45 = arith.select %and3A, %add3A_44, %rem3A : i32
    %mul3A_46 = arith.constant 128 : i32
    %mul3A_47 = arith.muli %scan3A_16, %mul3A_46 : i32
    %add3A_48 = arith.addi %mul3A_4, %mul3A_47 : i32
    %dma_start3A_49 = arith.constant 0 : i32
    %dma_start3A_50 = arith.constant 0 : i32
    %dma_start3A_51 = tpu.memref_slice %arg13[%select_n3A_45, %dma_start3A_49, %dma_start3A_50] : memref<7x128x128xf32, #tpu.memory_space<vmem>> -> memref<1x128x128xf32, #tpu.memory_space<vmem>>
    %dma_start3A_52 = tpu.memref_squeeze %dma_start3A_51 : memref<1x128x128xf32, #tpu.memory_space<vmem>> -> memref<128x128xf32, #tpu.memory_space<vmem>>
    %dma_start3A_53 = arith.constant 0 : i32
    %dma_start3A_54 = tpu.memref_slice %arg7[%add3A_48, %dma_start3A_53] : memref<4096x128xf32, #tpu.memory_space<hbm>> -> memref<128x128xf32, #tpu.memory_space<hbm>>
    %dma_start3A_55 = arith.constant 0 : i32
    %dma_start3A_56 = tpu.memref_slice %arg7[%add3A_48, %dma_start3A_55] : memref<4096x128xf32, #tpu.memory_space<hbm>> -> memref<128x128xf32, #tpu.memory_space<hbm>>
    %dma_start3A_57 = arith.constant 0 : i32
    %dma_start3A_58 = arith.constant 0 : i32
    %dma_start3A_59 = tpu.memref_slice %arg13[%select_n3A_45, %dma_start3A_57, %dma_start3A_58] : memref<7x128x128xf32, #tpu.memory_space<vmem>> -> memref<1x128x128xf32, #tpu.memory_space<vmem>>
    %dma_start3A_60 = tpu.memref_squeeze %dma_start3A_59 : memref<1x128x128xf32, #tpu.memory_space<vmem>> -> memref<128x128xf32, #tpu.memory_space<vmem>>
    tpu.enqueue_dma source(%dma_start3A_60 : memref<128x128xf32, #tpu.memory_space<vmem>>) target(%dma_start3A_56 : memref<128x128xf32, #tpu.memory_space<hbm>>) target_semaphore(%arg15 : memref<!tpu.dma_semaphore, #tpu.memory_space<semaphore_mem>>)
    %scan3A_61 = arith.constant 1 : i32
    %dma_wait3A_62 = arith.constant 0 : i32
    %dma_wait3A_63 = arith.constant 0 : i32
    %dma_wait3A_64 = arith.constant 0 : i32
    %dma_wait3A_65 = tpu.memref_slice %arg13[%dma_wait3A_62, %dma_wait3A_63, %dma_wait3A_64] : memref<7x128x128xf32, #tpu.memory_space<vmem>> -> memref<1x128x128xf32, #tpu.memory_space<vmem>>
    %dma_wait3A_66 = tpu.memref_squeeze %dma_wait3A_65 : memref<1x128x128xf32, #tpu.memory_space<vmem>> -> memref<128x128xf32, #tpu.memory_space<vmem>>
    %dma_wait3A_67 = arith.constant 0 : i32
    %dma_wait3A_68 = tpu.memref_slice %arg7[%mul3A_4, %dma_wait3A_67] : memref<4096x128xf32, #tpu.memory_space<hbm>> -> memref<128x128xf32, #tpu.memory_space<hbm>>
    %dma_wait3A_69 = arith.constant 0 : i32
    %dma_wait3A_70 = tpu.memref_slice %arg7[%mul3A_4, %dma_wait3A_69] : memref<4096x128xf32, #tpu.memory_space<hbm>> -> memref<128x128xf32, #tpu.memory_space<hbm>>
    %dma_wait3A_71 = arith.constant 0 : i32
    %dma_wait3A_72 = arith.constant 0 : i32
    %dma_wait3A_73 = tpu.memref_slice %arg13[%dma_wait3A_62, %dma_wait3A_71, %dma_wait3A_72] : memref<7x128x128xf32, #tpu.memory_space<vmem>> -> memref<1x128x128xf32, #tpu.memory_space<vmem>>
    %dma_wait3A_74 = tpu.memref_squeeze %dma_wait3A_73 : memref<1x128x128xf32, #tpu.memory_space<vmem>> -> memref<128x128xf32, #tpu.memory_space<vmem>>
    tpu.wait_dma2 semaphore(%arg15 : memref<!tpu.dma_semaphore, #tpu.memory_space<semaphore_mem>>) src(%dma_wait3A_74 : memref<128x128xf32, #tpu.memory_space<vmem>>) dst(%dma_wait3A_70 : memref<128x128xf32, #tpu.memory_space<hbm>>)
    %mul3A_75 = arith.constant 16 : i32
    %mul3A_76 = arith.muli %add3A, %mul3A_75 : i32
    %mul3A_77 = arith.constant 128 : i32
    %mul3A_78 = arith.muli %mul3A_76, %mul3A_77 : i32
    %dma_start3A_79 = arith.constant 0 : i32
    %dma_start3A_80 = arith.constant 0 : i32
    %dma_start3A_81 = arith.constant 0 : i32
    %dma_start3A_82 = arith.constant 0 : i32
    %dma_start3A_83 = tpu.memref_slice %arg13[%dma_start3A_80, %dma_start3A_81, %dma_start3A_82] : memref<7x128x128xf32, #tpu.memory_space<vmem>> -> memref<1x128x128xf32, #tpu.memory_space<vmem>>
    %dma_start3A_84 = tpu.memref_squeeze %dma_start3A_83 : memref<1x128x128xf32, #tpu.memory_space<vmem>> -> memref<128x128xf32, #tpu.memory_space<vmem>>
    %dma_start3A_85 = arith.constant 0 : i32
    %dma_start3A_86 = tpu.memref_slice %arg11[%dma_start3A_79, %dma_start3A_85] : memref<16x128xi32, #tpu.memory_space<vmem>> -> memref<1x128xi32, #tpu.memory_space<vmem>>
    %dma_start3A_87 = tpu.memref_squeeze %dma_start3A_86 : memref<1x128xi32, #tpu.memory_space<vmem>> -> memref<128xi32, #tpu.memory_space<vmem>>
    %dma_start3A_88 = arith.constant 0 : i32
    %dma_start3A_89 = arith.constant 0 : i32
    %dma_start3A_90 = tpu.memref_slice %arg2[%dma_start3A_88, %dma_start3A_89] : memref<100000x128xf32, #tpu.memory_space<hbm>> -> memref<100000x128xf32, #tpu.memory_space<hbm>>
    tpu.enqueue_indirect_dma source(%dma_start3A_90 : memref<100000x128xf32, #tpu.memory_space<hbm>>) target(%dma_start3A_84 : memref<128x128xf32, #tpu.memory_space<vmem>>) offsets(%dma_start3A_87 : memref<128xi32, #tpu.memory_space<vmem>>) semaphore(%arg14 : memref<!tpu.dma_semaphore, #tpu.memory_space<semaphore_mem>>)
    %dma_start3A_91 = arith.constant 1 : i32
    %dma_start3A_92 = arith.constant 1 : i32
    %dma_start3A_93 = arith.constant 0 : i32
    %dma_start3A_94 = arith.constant 0 : i32
    %dma_start3A_95 = tpu.memref_slice %arg13[%dma_start3A_92, %dma_start3A_93, %dma_start3A_94] : memref<7x128x128xf32, #tpu.memory_space<vmem>> -> memref<1x128x128xf32, #tpu.memory_space<vmem>>
    %dma_start3A_96 = tpu.memref_squeeze %dma_start3A_95 : memref<1x128x128xf32, #tpu.memory_space<vmem>> -> memref<128x128xf32, #tpu.memory_space<vmem>>
    %dma_start3A_97 = arith.constant 0 : i32
    %dma_start3A_98 = tpu.memref_slice %arg11[%dma_start3A_91, %dma_start3A_97] : memref<16x128xi32, #tpu.memory_space<vmem>> -> memref<1x128xi32, #tpu.memory_space<vmem>>
    %dma_start3A_99 = tpu.memref_squeeze %dma_start3A_98 : memref<1x128xi32, #tpu.memory_space<vmem>> -> memref<128xi32, #tpu.memory_space<vmem>>
    %dma_start3A_100 = arith.constant 0 : i32
    %dma_start3A_101 = arith.constant 0 : i32
    %dma_start3A_102 = tpu.memref_slice %arg2[%dma_start3A_100, %dma_start3A_101] : memref<100000x128xf32, #tpu.memory_space<hbm>> -> memref<100000x128xf32, #tpu.memory_space<hbm>>
    tpu.enqueue_indirect_dma source(%dma_start3A_102 : memref<100000x128xf32, #tpu.memory_space<hbm>>) target(%dma_start3A_96 : memref<128x128xf32, #tpu.memory_space<vmem>>) offsets(%dma_start3A_99 : memref<128xi32, #tpu.memory_space<vmem>>) semaphore(%arg14 : memref<!tpu.dma_semaphore, #tpu.memory_space<semaphore_mem>>)
    %dma_start3A_103 = arith.constant 2 : i32
    %dma_start3A_104 = arith.constant 2 : i32
    %dma_start3A_105 = arith.constant 0 : i32
    %dma_start3A_106 = arith.constant 0 : i32
    %dma_start3A_107 = tpu.memref_slice %arg13[%dma_start3A_104, %dma_start3A_105, %dma_start3A_106] : memref<7x128x128xf32, #tpu.memory_space<vmem>> -> memref<1x128x128xf32, #tpu.memory_space<vmem>>
    %dma_start3A_108 = tpu.memref_squeeze %dma_start3A_107 : memref<1x128x128xf32, #tpu.memory_space<vmem>> -> memref<128x128xf32, #tpu.memory_space<vmem>>
    %dma_start3A_109 = arith.constant 0 : i32
    %dma_start3A_110 = tpu.memref_slice %arg11[%dma_start3A_103, %dma_start3A_109] : memref<16x128xi32, #tpu.memory_space<vmem>> -> memref<1x128xi32, #tpu.memory_space<vmem>>
    %dma_start3A_111 = tpu.memref_squeeze %dma_start3A_110 : memref<1x128xi32, #tpu.memory_space<vmem>> -> memref<128xi32, #tpu.memory_space<vmem>>
    %dma_start3A_112 = arith.constant 0 : i32
    %dma_start3A_113 = arith.constant 0 : i32
    %dma_start3A_114 = tpu.memref_slice %arg2[%dma_start3A_112, %dma_start3A_113] : memref<100000x128xf32, #tpu.memory_space<hbm>> -> memref<100000x128xf32, #tpu.memory_space<hbm>>
    tpu.enqueue_indirect_dma source(%dma_start3A_114 : memref<100000x128xf32, #tpu.memory_space<hbm>>) target(%dma_start3A_108 : memref<128x128xf32, #tpu.memory_space<vmem>>) offsets(%dma_start3A_111 : memref<128xi32, #tpu.memory_space<vmem>>) semaphore(%arg14 : memref<!tpu.dma_semaphore, #tpu.memory_space<semaphore_mem>>)
    %dma_start3A_115 = arith.constant 3 : i32
    %dma_start3A_116 = arith.constant 3 : i32
    %dma_start3A_117 = arith.constant 0 : i32
    %dma_start3A_118 = arith.constant 0 : i32
    %dma_start3A_119 = tpu.memref_slice %arg13[%dma_start3A_116, %dma_start3A_117, %dma_start3A_118] : memref<7x128x128xf32, #tpu.memory_space<vmem>> -> memref<1x128x128xf32, #tpu.memory_space<vmem>>
    %dma_start3A_120 = tpu.memref_squeeze %dma_start3A_119 : memref<1x128x128xf32, #tpu.memory_space<vmem>> -> memref<128x128xf32, #tpu.memory_space<vmem>>
    %dma_start3A_121 = arith.constant 0 : i32
    %dma_start3A_122 = tpu.memref_slice %arg11[%dma_start3A_115, %dma_start3A_121] : memref<16x128xi32, #tpu.memory_space<vmem>> -> memref<1x128xi32, #tpu.memory_space<vmem>>
    %dma_start3A_123 = tpu.memref_squeeze %dma_start3A_122 : memref<1x128xi32, #tpu.memory_space<vmem>> -> memref<128xi32, #tpu.memory_space<vmem>>
    %dma_start3A_124 = arith.constant 0 : i32
    %dma_start3A_125 = arith.constant 0 : i32
    %dma_start3A_126 = tpu.memref_slice %arg2[%dma_start3A_124, %dma_start3A_125] : memref<100000x128xf32, #tpu.memory_space<hbm>> -> memref<100000x128xf32, #tpu.memory_space<hbm>>
    tpu.enqueue_indirect_dma source(%dma_start3A_126 : memref<100000x128xf32, #tpu.memory_space<hbm>>) target(%dma_start3A_120 : memref<128x128xf32, #tpu.memory_space<vmem>>) offsets(%dma_start3A_123 : memref<128xi32, #tpu.memory_space<vmem>>) semaphore(%arg14 : memref<!tpu.dma_semaphore, #tpu.memory_space<semaphore_mem>>)
    %dma_start3A_127 = arith.constant 4 : i32
    %dma_start3A_128 = arith.constant 4 : i32
    %dma_start3A_129 = arith.constant 0 : i32
    %dma_start3A_130 = arith.constant 0 : i32
    %dma_start3A_131 = tpu.memref_slice %arg13[%dma_start3A_128, %dma_start3A_129, %dma_start3A_130] : memref<7x128x128xf32, #tpu.memory_space<vmem>> -> memref<1x128x128xf32, #tpu.memory_space<vmem>>
    %dma_start3A_132 = tpu.memref_squeeze %dma_start3A_131 : memref<1x128x128xf32, #tpu.memory_space<vmem>> -> memref<128x128xf32, #tpu.memory_space<vmem>>
    %dma_start3A_133 = arith.constant 0 : i32
    %dma_start3A_134 = tpu.memref_slice %arg11[%dma_start3A_127, %dma_start3A_133] : memref<16x128xi32, #tpu.memory_space<vmem>> -> memref<1x128xi32, #tpu.memory_space<vmem>>
    %dma_start3A_135 = tpu.memref_squeeze %dma_start3A_134 : memref<1x128xi32, #tpu.memory_space<vmem>> -> memref<128xi32, #tpu.memory_space<vmem>>
    %dma_start3A_136 = arith.constant 0 : i32
    %dma_start3A_137 = arith.constant 0 : i32
    %dma_start3A_138 = tpu.memref_slice %arg2[%dma_start3A_136, %dma_start3A_137] : memref<100000x128xf32, #tpu.memory_space<hbm>> -> memref<100000x128xf32, #tpu.memory_space<hbm>>
    tpu.enqueue_indirect_dma source(%dma_start3A_138 : memref<100000x128xf32, #tpu.memory_space<hbm>>) target(%dma_start3A_132 : memref<128x128xf32, #tpu.memory_space<vmem>>) offsets(%dma_start3A_135 : memref<128xi32, #tpu.memory_space<vmem>>) semaphore(%arg14 : memref<!tpu.dma_semaphore, #tpu.memory_space<semaphore_mem>>)
    %dma_start3A_139 = arith.constant 5 : i32
    %dma_start3A_140 = arith.constant 5 : i32
    %dma_start3A_141 = arith.constant 0 : i32
    %dma_start3A_142 = arith.constant 0 : i32
    %dma_start3A_143 = tpu.memref_slice %arg13[%dma_start3A_140, %dma_start3A_141, %dma_start3A_142] : memref<7x128x128xf32, #tpu.memory_space<vmem>> -> memref<1x128x128xf32, #tpu.memory_space<vmem>>
    %dma_start3A_144 = tpu.memref_squeeze %dma_start3A_143 : memref<1x128x128xf32, #tpu.memory_space<vmem>> -> memref<128x128xf32, #tpu.memory_space<vmem>>
    %dma_start3A_145 = arith.constant 0 : i32
    %dma_start3A_146 = tpu.memref_slice %arg11[%dma_start3A_139, %dma_start3A_145] : memref<16x128xi32, #tpu.memory_space<vmem>> -> memref<1x128xi32, #tpu.memory_space<vmem>>
    %dma_start3A_147 = tpu.memref_squeeze %dma_start3A_146 : memref<1x128xi32, #tpu.memory_space<vmem>> -> memref<128xi32, #tpu.memory_space<vmem>>
    %dma_start3A_148 = arith.constant 0 : i32
    %dma_start3A_149 = arith.constant 0 : i32
    %dma_start3A_150 = tpu.memref_slice %arg2[%dma_start3A_148, %dma_start3A_149] : memref<100000x128xf32, #tpu.memory_space<hbm>> -> memref<100000x128xf32, #tpu.memory_space<hbm>>
    tpu.enqueue_indirect_dma source(%dma_start3A_150 : memref<100000x128xf32, #tpu.memory_space<hbm>>) target(%dma_start3A_144 : memref<128x128xf32, #tpu.memory_space<vmem>>) offsets(%dma_start3A_147 : memref<128xi32, #tpu.memory_space<vmem>>) semaphore(%arg14 : memref<!tpu.dma_semaphore, #tpu.memory_space<semaphore_mem>>)
    %scan3A_151 = arith.constant 0 : i32
    %scan3A_152 = arith.constant 0 : i32
    %scan3A_153 = arith.constant 16 : i32
    %scan3A_154 = arith.addi %scan3A_152, %scan3A_153 : i32
    %scan3A_155 = arith.constant 1 : i32
    scf.for %scan3A_291 = %scan3A_152 to %scan3A_154 step %scan3A_155  : i32 {
      %ge3A_292 = arith.constant 2 : i32
      %ge3A_293 = arith.cmpi sge, %scan3A_291, %ge3A_292 : i32
      %convert_element_type3A_294 = arith.extui %ge3A_293 : i1 to i32
      %cond3A_295 = arith.constant 0 : i32
      %cond3A_296 = arith.cmpi ne, %convert_element_type3A_294, %cond3A_295 : i32
      scf.if %cond3A_296 {
        %dma_wait3A_347 = arith.constant 0 : i32
        %dma_wait3A_348 = arith.constant 0 : i32
        %dma_wait3A_349 = arith.constant 0 : i32
        %dma_wait3A_350 = tpu.memref_slice %arg13[%dma_wait3A_347, %dma_wait3A_348, %dma_wait3A_349] : memref<7x128x128xf32, #tpu.memory_space<vmem>> -> memref<1x128x128xf32, #tpu.memory_space<vmem>>
        %dma_wait3A_351 = tpu.memref_squeeze %dma_wait3A_350 : memref<1x128x128xf32, #tpu.memory_space<vmem>> -> memref<128x128xf32, #tpu.memory_space<vmem>>
        %dma_wait3A_352 = arith.constant 0 : i32
        %dma_wait3A_353 = tpu.memref_slice %arg8[%mul3A_78, %dma_wait3A_352] : memref<65536x128xf32, #tpu.memory_space<hbm>> -> memref<128x128xf32, #tpu.memory_space<hbm>>
        %dma_wait3A_354 = arith.constant 0 : i32
        %dma_wait3A_355 = tpu.memref_slice %arg8[%mul3A_78, %dma_wait3A_354] : memref<65536x128xf32, #tpu.memory_space<hbm>> -> memref<128x128xf32, #tpu.memory_space<hbm>>
        %dma_wait3A_356 = arith.constant 0 : i32
        %dma_wait3A_357 = arith.constant 0 : i32
        %dma_wait3A_358 = tpu.memref_slice %arg13[%dma_wait3A_347, %dma_wait3A_356, %dma_wait3A_357] : memref<7x128x128xf32, #tpu.memory_space<vmem>> -> memref<1x128x128xf32, #tpu.memory_space<vmem>>
        %dma_wait3A_359 = tpu.memref_squeeze %dma_wait3A_358 : memref<1x128x128xf32, #tpu.memory_space<vmem>> -> memref<128x128xf32, #tpu.memory_space<vmem>>
        tpu.wait_dma2 semaphore(%arg15 : memref<!tpu.dma_semaphore, #tpu.memory_space<semaphore_mem>>) src(%dma_wait3A_359 : memref<128x128xf32, #tpu.memory_space<vmem>>) dst(%dma_wait3A_355 : memref<128x128xf32, #tpu.memory_space<hbm>>)
      } else {
      }
      %add3A_297 = arith.constant 6 : i32
      %add3A_298 = arith.addi %scan3A_291, %add3A_297 : i32
      %lt3A_299 = arith.constant 16 : i32
      %lt3A_300 = arith.cmpi slt, %add3A_298, %lt3A_299 : i32
      %convert_element_type3A_301 = arith.extui %lt3A_300 : i1 to i32
      %cond3A_302 = arith.constant 0 : i32
      %cond3A_303 = arith.cmpi ne, %convert_element_type3A_301, %cond3A_302 : i32
      scf.if %cond3A_303 {
        %add3A_347 = arith.constant 6 : i32
        %add3A_348 = arith.addi %scan3A_291, %add3A_347 : i32
        %jit3A_349 = arith.constant 7 : i32
        %eq3A_350 = arith.constant 0 : i32
        %eq3A_351 = arith.cmpi eq, %jit3A_349, %eq3A_350 : i32
        %jit3A_352 = arith.constant 1 : i32
        %select_n3A_353 = arith.select %eq3A_351, %jit3A_352, %jit3A_349 : i32
        %rem3A_354 = arith.remsi %add3A_348, %select_n3A_353 : i32
        %ne3A_355 = arith.constant 0 : i32
        %ne3A_356 = arith.cmpi ne, %rem3A_354, %ne3A_355 : i32
        %lt3A_357 = arith.constant 0 : i32
        %lt3A_358 = arith.cmpi slt, %rem3A_354, %lt3A_357 : i32
        %lt3A_359 = arith.constant 0 : i32
        %lt3A_360 = arith.cmpi slt, %select_n3A_353, %lt3A_359 : i32
        %ne3A_361 = arith.xori %lt3A_358, %lt3A_360 : i1
        %and3A_362 = arith.andi %ne3A_361, %ne3A_356 : i1
        %add3A_363 = arith.addi %rem3A_354, %select_n3A_353 : i32
        %select_n3A_364 = arith.select %and3A_362, %add3A_363, %rem3A_354 : i32
        %dma_start3A_365 = arith.constant 0 : i32
        %dma_start3A_366 = arith.constant 0 : i32
        %dma_start3A_367 = tpu.memref_slice %arg13[%select_n3A_364, %dma_start3A_365, %dma_start3A_366] : memref<7x128x128xf32, #tpu.memory_space<vmem>> -> memref<1x128x128xf32, #tpu.memory_space<vmem>>
        %dma_start3A_368 = tpu.memref_squeeze %dma_start3A_367 : memref<1x128x128xf32, #tpu.memory_space<vmem>> -> memref<128x128xf32, #tpu.memory_space<vmem>>
        %dma_start3A_369 = arith.constant 0 : i32
        %dma_start3A_370 = tpu.memref_slice %arg11[%add3A_348, %dma_start3A_369] : memref<16x128xi32, #tpu.memory_space<vmem>> -> memref<1x128xi32, #tpu.memory_space<vmem>>
        %dma_start3A_371 = tpu.memref_squeeze %dma_start3A_370 : memref<1x128xi32, #tpu.memory_space<vmem>> -> memref<128xi32, #tpu.memory_space<vmem>>
        %dma_start3A_372 = arith.constant 0 : i32
        %dma_start3A_373 = arith.constant 0 : i32
        %dma_start3A_374 = tpu.memref_slice %arg2[%dma_start3A_372, %dma_start3A_373] : memref<100000x128xf32, #tpu.memory_space<hbm>> -> memref<100000x128xf32, #tpu.memory_space<hbm>>
        tpu.enqueue_indirect_dma source(%dma_start3A_374 : memref<100000x128xf32, #tpu.memory_space<hbm>>) target(%dma_start3A_368 : memref<128x128xf32, #tpu.memory_space<vmem>>) offsets(%dma_start3A_371 : memref<128xi32, #tpu.memory_space<vmem>>) semaphore(%arg14 : memref<!tpu.dma_semaphore, #tpu.memory_space<semaphore_mem>>)
      } else {
      }
      %dma_wait3A_304 = arith.constant 0 : i32
      %dma_wait3A_305 = arith.constant 0 : i32
      %dma_wait3A_306 = arith.constant 0 : i32
      %dma_wait3A_307 = arith.constant 0 : i32
      %dma_wait3A_308 = tpu.memref_slice %arg13[%dma_wait3A_305, %dma_wait3A_306, %dma_wait3A_307] : memref<7x128x128xf32, #tpu.memory_space<vmem>> -> memref<1x128x128xf32, #tpu.memory_space<vmem>>
      %dma_wait3A_309 = tpu.memref_squeeze %dma_wait3A_308 : memref<1x128x128xf32, #tpu.memory_space<vmem>> -> memref<128x128xf32, #tpu.memory_space<vmem>>
      %dma_wait3A_310 = arith.constant 0 : i32
      %dma_wait3A_311 = tpu.memref_slice %arg11[%dma_wait3A_304, %dma_wait3A_310] : memref<16x128xi32, #tpu.memory_space<vmem>> -> memref<1x128xi32, #tpu.memory_space<vmem>>
      %dma_wait3A_312 = tpu.memref_squeeze %dma_wait3A_311 : memref<1x128xi32, #tpu.memory_space<vmem>> -> memref<128xi32, #tpu.memory_space<vmem>>
      %dma_wait3A_313 = arith.constant 0 : i32
      %dma_wait3A_314 = arith.constant 0 : i32
      %dma_wait3A_315 = tpu.memref_slice %arg2[%dma_wait3A_313, %dma_wait3A_314] : memref<100000x128xf32, #tpu.memory_space<hbm>> -> memref<100000x128xf32, #tpu.memory_space<hbm>>
      tpu.wait_indirect_dma semaphore(%arg14 : memref<!tpu.dma_semaphore, #tpu.memory_space<semaphore_mem>>) src(%dma_wait3A_315 : memref<100000x128xf32, #tpu.memory_space<hbm>>) dst(%dma_wait3A_309 : memref<128x128xf32, #tpu.memory_space<vmem>>)
      %jit3A_316 = arith.constant 7 : i32
      %eq3A_317 = arith.constant 0 : i32
      %eq3A_318 = arith.cmpi eq, %jit3A_316, %eq3A_317 : i32
      %jit3A_319 = arith.constant 1 : i32
      %select_n3A_320 = arith.select %eq3A_318, %jit3A_319, %jit3A_316 : i32
      %rem3A_321 = arith.remsi %scan3A_291, %select_n3A_320 : i32
      %ne3A_322 = arith.constant 0 : i32
      %ne3A_323 = arith.cmpi ne, %rem3A_321, %ne3A_322 : i32
      %lt3A_324 = arith.constant 0 : i32
      %lt3A_325 = arith.cmpi slt, %rem3A_321, %lt3A_324 : i32
      %lt3A_326 = arith.constant 0 : i32
      %lt3A_327 = arith.cmpi slt, %select_n3A_320, %lt3A_326 : i32
      %ne3A_328 = arith.xori %lt3A_325, %lt3A_327 : i1
      %and3A_329 = arith.andi %ne3A_328, %ne3A_323 : i1
      %add3A_330 = arith.addi %rem3A_321, %select_n3A_320 : i32
      %select_n3A_331 = arith.select %and3A_329, %add3A_330, %rem3A_321 : i32
      %mul3A_332 = arith.constant 128 : i32
      %mul3A_333 = arith.muli %scan3A_291, %mul3A_332 : i32
      %add3A_334 = arith.addi %mul3A_78, %mul3A_333 : i32
      %dma_start3A_335 = arith.constant 0 : i32
      %dma_start3A_336 = arith.constant 0 : i32
      %dma_start3A_337 = tpu.memref_slice %arg13[%select_n3A_331, %dma_start3A_335, %dma_start3A_336] : memref<7x128x128xf32, #tpu.memory_space<vmem>> -> memref<1x128x128xf32, #tpu.memory_space<vmem>>
      %dma_start3A_338 = tpu.memref_squeeze %dma_start3A_337 : memref<1x128x128xf32, #tpu.memory_space<vmem>> -> memref<128x128xf32, #tpu.memory_space<vmem>>
      %dma_start3A_339 = arith.constant 0 : i32
      %dma_start3A_340 = tpu.memref_slice %arg8[%add3A_334, %dma_start3A_339] : memref<65536x128xf32, #tpu.memory_space<hbm>> -> memref<128x128xf32, #tpu.memory_space<hbm>>
      %dma_start3A_341 = arith.constant 0 : i32
      %dma_start3A_342 = tpu.memref_slice %arg8[%add3A_334, %dma_start3A_341] : memref<65536x128xf32, #tpu.memory_space<hbm>> -> memref<128x128xf32, #tpu.memory_space<hbm>>
      %dma_start3A_343 = arith.constant 0 : i32
      %dma_start3A_344 = arith.constant 0 : i32
      %dma_start3A_345 = tpu.memref_slice %arg13[%select_n3A_331, %dma_start3A_343, %dma_start3A_344] : memref<7x128x128xf32, #tpu.memory_space<vmem>> -> memref<1x128x128xf32, #tpu.memory_space<vmem>>
      %dma_start3A_346 = tpu.memref_squeeze %dma_start3A_345 : memref<1x128x128xf32, #tpu.memory_space<vmem>> -> memref<128x128xf32, #tpu.memory_space<vmem>>
      tpu.enqueue_dma source(%dma_start3A_346 : memref<128x128xf32, #tpu.memory_space<vmem>>) target(%dma_start3A_342 : memref<128x128xf32, #tpu.memory_space<hbm>>) target_semaphore(%arg15 : memref<!tpu.dma_semaphore, #tpu.memory_space<semaphore_mem>>)
    }
    %scan3A_156 = arith.constant 16 : i32
    %dma_wait3A_157 = arith.constant 0 : i32
    %dma_wait3A_158 = arith.constant 0 : i32
    %dma_wait3A_159 = arith.constant 0 : i32
    %dma_wait3A_160 = tpu.memref_slice %arg13[%dma_wait3A_157, %dma_wait3A_158, %dma_wait3A_159] : memref<7x128x128xf32, #tpu.memory_space<vmem>> -> memref<1x128x128xf32, #tpu.memory_space<vmem>>
    %dma_wait3A_161 = tpu.memref_squeeze %dma_wait3A_160 : memref<1x128x128xf32, #tpu.memory_space<vmem>> -> memref<128x128xf32, #tpu.memory_space<vmem>>
    %dma_wait3A_162 = arith.constant 0 : i32
    %dma_wait3A_163 = tpu.memref_slice %arg8[%mul3A_78, %dma_wait3A_162] : memref<65536x128xf32, #tpu.memory_space<hbm>> -> memref<128x128xf32, #tpu.memory_space<hbm>>
    %dma_wait3A_164 = arith.constant 0 : i32
    %dma_wait3A_165 = tpu.memref_slice %arg8[%mul3A_78, %dma_wait3A_164] : memref<65536x128xf32, #tpu.memory_space<hbm>> -> memref<128x128xf32, #tpu.memory_space<hbm>>
    %dma_wait3A_166 = arith.constant 0 : i32
    %dma_wait3A_167 = arith.constant 0 : i32
    %dma_wait3A_168 = tpu.memref_slice %arg13[%dma_wait3A_157, %dma_wait3A_166, %dma_wait3A_167] : memref<7x128x128xf32, #tpu.memory_space<vmem>> -> memref<1x128x128xf32, #tpu.memory_space<vmem>>
    %dma_wait3A_169 = tpu.memref_squeeze %dma_wait3A_168 : memref<1x128x128xf32, #tpu.memory_space<vmem>> -> memref<128x128xf32, #tpu.memory_space<vmem>>
    tpu.wait_dma2 semaphore(%arg15 : memref<!tpu.dma_semaphore, #tpu.memory_space<semaphore_mem>>) src(%dma_wait3A_169 : memref<128x128xf32, #tpu.memory_space<vmem>>) dst(%dma_wait3A_165 : memref<128x128xf32, #tpu.memory_space<hbm>>)
    %dma_wait3A_170 = arith.constant 0 : i32
    %dma_wait3A_171 = arith.constant 0 : i32
    %dma_wait3A_172 = arith.constant 0 : i32
    %dma_wait3A_173 = tpu.memref_slice %arg13[%dma_wait3A_170, %dma_wait3A_171, %dma_wait3A_172] : memref<7x128x128xf32, #tpu.memory_space<vmem>> -> memref<1x128x128xf32, #tpu.memory_space<vmem>>
    %dma_wait3A_174 = tpu.memref_squeeze %dma_wait3A_173 : memref<1x128x128xf32, #tpu.memory_space<vmem>> -> memref<128x128xf32, #tpu.memory_space<vmem>>
    %dma_wait3A_175 = arith.constant 0 : i32
    %dma_wait3A_176 = tpu.memref_slice %arg8[%mul3A_78, %dma_wait3A_175] : memref<65536x128xf32, #tpu.memory_space<hbm>> -> memref<128x128xf32, #tpu.memory_space<hbm>>
    %dma_wait3A_177 = arith.constant 0 : i32
    %dma_wait3A_178 = tpu.memref_slice %arg8[%mul3A_78, %dma_wait3A_177] : memref<65536x128xf32, #tpu.memory_space<hbm>> -> memref<128x128xf32, #tpu.memory_space<hbm>>
    %dma_wait3A_179 = arith.constant 0 : i32
    %dma_wait3A_180 = arith.constant 0 : i32
    %dma_wait3A_181 = tpu.memref_slice %arg13[%dma_wait3A_170, %dma_wait3A_179, %dma_wait3A_180] : memref<7x128x128xf32, #tpu.memory_space<vmem>> -> memref<1x128x128xf32, #tpu.memory_space<vmem>>
    %dma_wait3A_182 = tpu.memref_squeeze %dma_wait3A_181 : memref<1x128x128xf32, #tpu.memory_space<vmem>> -> memref<128x128xf32, #tpu.memory_space<vmem>>
    tpu.wait_dma2 semaphore(%arg15 : memref<!tpu.dma_semaphore, #tpu.memory_space<semaphore_mem>>) src(%dma_wait3A_182 : memref<128x128xf32, #tpu.memory_space<vmem>>) dst(%dma_wait3A_178 : memref<128x128xf32, #tpu.memory_space<hbm>>)
    %mul3A_183 = arith.constant 16 : i32
    %mul3A_184 = arith.muli %add3A, %mul3A_183 : i32
    %mul3A_185 = arith.constant 128 : i32
    %mul3A_186 = arith.muli %mul3A_184, %mul3A_185 : i32
    %dma_start3A_187 = arith.constant 0 : i32
    %dma_start3A_188 = arith.constant 0 : i32
    %dma_start3A_189 = arith.constant 0 : i32
    %dma_start3A_190 = arith.constant 0 : i32
    %dma_start3A_191 = tpu.memref_slice %arg13[%dma_start3A_188, %dma_start3A_189, %dma_start3A_190] : memref<7x128x128xf32, #tpu.memory_space<vmem>> -> memref<1x128x128xf32, #tpu.memory_space<vmem>>
    %dma_start3A_192 = tpu.memref_squeeze %dma_start3A_191 : memref<1x128x128xf32, #tpu.memory_space<vmem>> -> memref<128x128xf32, #tpu.memory_space<vmem>>
    %dma_start3A_193 = arith.constant 0 : i32
    %dma_start3A_194 = tpu.memref_slice %arg12[%dma_start3A_187, %dma_start3A_193] : memref<16x128xi32, #tpu.memory_space<vmem>> -> memref<1x128xi32, #tpu.memory_space<vmem>>
    %dma_start3A_195 = tpu.memref_squeeze %dma_start3A_194 : memref<1x128xi32, #tpu.memory_space<vmem>> -> memref<128xi32, #tpu.memory_space<vmem>>
    %dma_start3A_196 = arith.constant 0 : i32
    %dma_start3A_197 = arith.constant 0 : i32
    %dma_start3A_198 = tpu.memref_slice %arg3[%dma_start3A_196, %dma_start3A_197] : memref<100000x128xf32, #tpu.memory_space<hbm>> -> memref<100000x128xf32, #tpu.memory_space<hbm>>
    tpu.enqueue_indirect_dma source(%dma_start3A_198 : memref<100000x128xf32, #tpu.memory_space<hbm>>) target(%dma_start3A_192 : memref<128x128xf32, #tpu.memory_space<vmem>>) offsets(%dma_start3A_195 : memref<128xi32, #tpu.memory_space<vmem>>) semaphore(%arg14 : memref<!tpu.dma_semaphore, #tpu.memory_space<semaphore_mem>>)
    %dma_start3A_199 = arith.constant 1 : i32
    %dma_start3A_200 = arith.constant 1 : i32
    %dma_start3A_201 = arith.constant 0 : i32
    %dma_start3A_202 = arith.constant 0 : i32
    %dma_start3A_203 = tpu.memref_slice %arg13[%dma_start3A_200, %dma_start3A_201, %dma_start3A_202] : memref<7x128x128xf32, #tpu.memory_space<vmem>> -> memref<1x128x128xf32, #tpu.memory_space<vmem>>
    %dma_start3A_204 = tpu.memref_squeeze %dma_start3A_203 : memref<1x128x128xf32, #tpu.memory_space<vmem>> -> memref<128x128xf32, #tpu.memory_space<vmem>>
    %dma_start3A_205 = arith.constant 0 : i32
    %dma_start3A_206 = tpu.memref_slice %arg12[%dma_start3A_199, %dma_start3A_205] : memref<16x128xi32, #tpu.memory_space<vmem>> -> memref<1x128xi32, #tpu.memory_space<vmem>>
    %dma_start3A_207 = tpu.memref_squeeze %dma_start3A_206 : memref<1x128xi32, #tpu.memory_space<vmem>> -> memref<128xi32, #tpu.memory_space<vmem>>
    %dma_start3A_208 = arith.constant 0 : i32
    %dma_start3A_209 = arith.constant 0 : i32
    %dma_start3A_210 = tpu.memref_slice %arg3[%dma_start3A_208, %dma_start3A_209] : memref<100000x128xf32, #tpu.memory_space<hbm>> -> memref<100000x128xf32, #tpu.memory_space<hbm>>
    tpu.enqueue_indirect_dma source(%dma_start3A_210 : memref<100000x128xf32, #tpu.memory_space<hbm>>) target(%dma_start3A_204 : memref<128x128xf32, #tpu.memory_space<vmem>>) offsets(%dma_start3A_207 : memref<128xi32, #tpu.memory_space<vmem>>) semaphore(%arg14 : memref<!tpu.dma_semaphore, #tpu.memory_space<semaphore_mem>>)
    %dma_start3A_211 = arith.constant 2 : i32
    %dma_start3A_212 = arith.constant 2 : i32
    %dma_start3A_213 = arith.constant 0 : i32
    %dma_start3A_214 = arith.constant 0 : i32
    %dma_start3A_215 = tpu.memref_slice %arg13[%dma_start3A_212, %dma_start3A_213, %dma_start3A_214] : memref<7x128x128xf32, #tpu.memory_space<vmem>> -> memref<1x128x128xf32, #tpu.memory_space<vmem>>
    %dma_start3A_216 = tpu.memref_squeeze %dma_start3A_215 : memref<1x128x128xf32, #tpu.memory_space<vmem>> -> memref<128x128xf32, #tpu.memory_space<vmem>>
    %dma_start3A_217 = arith.constant 0 : i32
    %dma_start3A_218 = tpu.memref_slice %arg12[%dma_start3A_211, %dma_start3A_217] : memref<16x128xi32, #tpu.memory_space<vmem>> -> memref<1x128xi32, #tpu.memory_space<vmem>>
    %dma_start3A_219 = tpu.memref_squeeze %dma_start3A_218 : memref<1x128xi32, #tpu.memory_space<vmem>> -> memref<128xi32, #tpu.memory_space<vmem>>
    %dma_start3A_220 = arith.constant 0 : i32
    %dma_start3A_221 = arith.constant 0 : i32
    %dma_start3A_222 = tpu.memref_slice %arg3[%dma_start3A_220, %dma_start3A_221] : memref<100000x128xf32, #tpu.memory_space<hbm>> -> memref<100000x128xf32, #tpu.memory_space<hbm>>
    tpu.enqueue_indirect_dma source(%dma_start3A_222 : memref<100000x128xf32, #tpu.memory_space<hbm>>) target(%dma_start3A_216 : memref<128x128xf32, #tpu.memory_space<vmem>>) offsets(%dma_start3A_219 : memref<128xi32, #tpu.memory_space<vmem>>) semaphore(%arg14 : memref<!tpu.dma_semaphore, #tpu.memory_space<semaphore_mem>>)
    %dma_start3A_223 = arith.constant 3 : i32
    %dma_start3A_224 = arith.constant 3 : i32
    %dma_start3A_225 = arith.constant 0 : i32
    %dma_start3A_226 = arith.constant 0 : i32
    %dma_start3A_227 = tpu.memref_slice %arg13[%dma_start3A_224, %dma_start3A_225, %dma_start3A_226] : memref<7x128x128xf32, #tpu.memory_space<vmem>> -> memref<1x128x128xf32, #tpu.memory_space<vmem>>
    %dma_start3A_228 = tpu.memref_squeeze %dma_start3A_227 : memref<1x128x128xf32, #tpu.memory_space<vmem>> -> memref<128x128xf32, #tpu.memory_space<vmem>>
    %dma_start3A_229 = arith.constant 0 : i32
    %dma_start3A_230 = tpu.memref_slice %arg12[%dma_start3A_223, %dma_start3A_229] : memref<16x128xi32, #tpu.memory_space<vmem>> -> memref<1x128xi32, #tpu.memory_space<vmem>>
    %dma_start3A_231 = tpu.memref_squeeze %dma_start3A_230 : memref<1x128xi32, #tpu.memory_space<vmem>> -> memref<128xi32, #tpu.memory_space<vmem>>
    %dma_start3A_232 = arith.constant 0 : i32
    %dma_start3A_233 = arith.constant 0 : i32
    %dma_start3A_234 = tpu.memref_slice %arg3[%dma_start3A_232, %dma_start3A_233] : memref<100000x128xf32, #tpu.memory_space<hbm>> -> memref<100000x128xf32, #tpu.memory_space<hbm>>
    tpu.enqueue_indirect_dma source(%dma_start3A_234 : memref<100000x128xf32, #tpu.memory_space<hbm>>) target(%dma_start3A_228 : memref<128x128xf32, #tpu.memory_space<vmem>>) offsets(%dma_start3A_231 : memref<128xi32, #tpu.memory_space<vmem>>) semaphore(%arg14 : memref<!tpu.dma_semaphore, #tpu.memory_space<semaphore_mem>>)
    %dma_start3A_235 = arith.constant 4 : i32
    %dma_start3A_236 = arith.constant 4 : i32
    %dma_start3A_237 = arith.constant 0 : i32
    %dma_start3A_238 = arith.constant 0 : i32
    %dma_start3A_239 = tpu.memref_slice %arg13[%dma_start3A_236, %dma_start3A_237, %dma_start3A_238] : memref<7x128x128xf32, #tpu.memory_space<vmem>> -> memref<1x128x128xf32, #tpu.memory_space<vmem>>
    %dma_start3A_240 = tpu.memref_squeeze %dma_start3A_239 : memref<1x128x128xf32, #tpu.memory_space<vmem>> -> memref<128x128xf32, #tpu.memory_space<vmem>>
    %dma_start3A_241 = arith.constant 0 : i32
    %dma_start3A_242 = tpu.memref_slice %arg12[%dma_start3A_235, %dma_start3A_241] : memref<16x128xi32, #tpu.memory_space<vmem>> -> memref<1x128xi32, #tpu.memory_space<vmem>>
    %dma_start3A_243 = tpu.memref_squeeze %dma_start3A_242 : memref<1x128xi32, #tpu.memory_space<vmem>> -> memref<128xi32, #tpu.memory_space<vmem>>
    %dma_start3A_244 = arith.constant 0 : i32
    %dma_start3A_245 = arith.constant 0 : i32
    %dma_start3A_246 = tpu.memref_slice %arg3[%dma_start3A_244, %dma_start3A_245] : memref<100000x128xf32, #tpu.memory_space<hbm>> -> memref<100000x128xf32, #tpu.memory_space<hbm>>
    tpu.enqueue_indirect_dma source(%dma_start3A_246 : memref<100000x128xf32, #tpu.memory_space<hbm>>) target(%dma_start3A_240 : memref<128x128xf32, #tpu.memory_space<vmem>>) offsets(%dma_start3A_243 : memref<128xi32, #tpu.memory_space<vmem>>) semaphore(%arg14 : memref<!tpu.dma_semaphore, #tpu.memory_space<semaphore_mem>>)
    %dma_start3A_247 = arith.constant 5 : i32
    %dma_start3A_248 = arith.constant 5 : i32
    %dma_start3A_249 = arith.constant 0 : i32
    %dma_start3A_250 = arith.constant 0 : i32
    %dma_start3A_251 = tpu.memref_slice %arg13[%dma_start3A_248, %dma_start3A_249, %dma_start3A_250] : memref<7x128x128xf32, #tpu.memory_space<vmem>> -> memref<1x128x128xf32, #tpu.memory_space<vmem>>
    %dma_start3A_252 = tpu.memref_squeeze %dma_start3A_251 : memref<1x128x128xf32, #tpu.memory_space<vmem>> -> memref<128x128xf32, #tpu.memory_space<vmem>>
    %dma_start3A_253 = arith.constant 0 : i32
    %dma_start3A_254 = tpu.memref_slice %arg12[%dma_start3A_247, %dma_start3A_253] : memref<16x128xi32, #tpu.memory_space<vmem>> -> memref<1x128xi32, #tpu.memory_space<vmem>>
    %dma_start3A_255 = tpu.memref_squeeze %dma_start3A_254 : memref<1x128xi32, #tpu.memory_space<vmem>> -> memref<128xi32, #tpu.memory_space<vmem>>
    %dma_start3A_256 = arith.constant 0 : i32
    %dma_start3A_257 = arith.constant 0 : i32
    %dma_start3A_258 = tpu.memref_slice %arg3[%dma_start3A_256, %dma_start3A_257] : memref<100000x128xf32, #tpu.memory_space<hbm>> -> memref<100000x128xf32, #tpu.memory_space<hbm>>
    tpu.enqueue_indirect_dma source(%dma_start3A_258 : memref<100000x128xf32, #tpu.memory_space<hbm>>) target(%dma_start3A_252 : memref<128x128xf32, #tpu.memory_space<vmem>>) offsets(%dma_start3A_255 : memref<128xi32, #tpu.memory_space<vmem>>) semaphore(%arg14 : memref<!tpu.dma_semaphore, #tpu.memory_space<semaphore_mem>>)
    %scan3A_259 = arith.constant 0 : i32
    %scan3A_260 = arith.constant 0 : i32
    %scan3A_261 = arith.constant 16 : i32
    %scan3A_262 = arith.addi %scan3A_260, %scan3A_261 : i32
    %scan3A_263 = arith.constant 1 : i32
    scf.for %scan3A_291 = %scan3A_260 to %scan3A_262 step %scan3A_263  : i32 {
      %ge3A_292 = arith.constant 2 : i32
      %ge3A_293 = arith.cmpi sge, %scan3A_291, %ge3A_292 : i32
      %convert_element_type3A_294 = arith.extui %ge3A_293 : i1 to i32
      %cond3A_295 = arith.constant 0 : i32
      %cond3A_296 = arith.cmpi ne, %convert_element_type3A_294, %cond3A_295 : i32
      scf.if %cond3A_296 {
        %dma_wait3A_347 = arith.constant 0 : i32
        %dma_wait3A_348 = arith.constant 0 : i32
        %dma_wait3A_349 = arith.constant 0 : i32
        %dma_wait3A_350 = tpu.memref_slice %arg13[%dma_wait3A_347, %dma_wait3A_348, %dma_wait3A_349] : memref<7x128x128xf32, #tpu.memory_space<vmem>> -> memref<1x128x128xf32, #tpu.memory_space<vmem>>
        %dma_wait3A_351 = tpu.memref_squeeze %dma_wait3A_350 : memref<1x128x128xf32, #tpu.memory_space<vmem>> -> memref<128x128xf32, #tpu.memory_space<vmem>>
        %dma_wait3A_352 = arith.constant 0 : i32
        %dma_wait3A_353 = tpu.memref_slice %arg9[%mul3A_186, %dma_wait3A_352] : memref<65536x128xf32, #tpu.memory_space<hbm>> -> memref<128x128xf32, #tpu.memory_space<hbm>>
        %dma_wait3A_354 = arith.constant 0 : i32
        %dma_wait3A_355 = tpu.memref_slice %arg9[%mul3A_186, %dma_wait3A_354] : memref<65536x128xf32, #tpu.memory_space<hbm>> -> memref<128x128xf32, #tpu.memory_space<hbm>>
        %dma_wait3A_356 = arith.constant 0 : i32
        %dma_wait3A_357 = arith.constant 0 : i32
        %dma_wait3A_358 = tpu.memref_slice %arg13[%dma_wait3A_347, %dma_wait3A_356, %dma_wait3A_357] : memref<7x128x128xf32, #tpu.memory_space<vmem>> -> memref<1x128x128xf32, #tpu.memory_space<vmem>>
        %dma_wait3A_359 = tpu.memref_squeeze %dma_wait3A_358 : memref<1x128x128xf32, #tpu.memory_space<vmem>> -> memref<128x128xf32, #tpu.memory_space<vmem>>
        tpu.wait_dma2 semaphore(%arg15 : memref<!tpu.dma_semaphore, #tpu.memory_space<semaphore_mem>>) src(%dma_wait3A_359 : memref<128x128xf32, #tpu.memory_space<vmem>>) dst(%dma_wait3A_355 : memref<128x128xf32, #tpu.memory_space<hbm>>)
      } else {
      }
      %add3A_297 = arith.constant 6 : i32
      %add3A_298 = arith.addi %scan3A_291, %add3A_297 : i32
      %lt3A_299 = arith.constant 16 : i32
      %lt3A_300 = arith.cmpi slt, %add3A_298, %lt3A_299 : i32
      %convert_element_type3A_301 = arith.extui %lt3A_300 : i1 to i32
      %cond3A_302 = arith.constant 0 : i32
      %cond3A_303 = arith.cmpi ne, %convert_element_type3A_301, %cond3A_302 : i32
      scf.if %cond3A_303 {
        %add3A_347 = arith.constant 6 : i32
        %add3A_348 = arith.addi %scan3A_291, %add3A_347 : i32
        %jit3A_349 = arith.constant 7 : i32
        %eq3A_350 = arith.constant 0 : i32
        %eq3A_351 = arith.cmpi eq, %jit3A_349, %eq3A_350 : i32
        %jit3A_352 = arith.constant 1 : i32
        %select_n3A_353 = arith.select %eq3A_351, %jit3A_352, %jit3A_349 : i32
        %rem3A_354 = arith.remsi %add3A_348, %select_n3A_353 : i32
        %ne3A_355 = arith.constant 0 : i32
        %ne3A_356 = arith.cmpi ne, %rem3A_354, %ne3A_355 : i32
        %lt3A_357 = arith.constant 0 : i32
        %lt3A_358 = arith.cmpi slt, %rem3A_354, %lt3A_357 : i32
        %lt3A_359 = arith.constant 0 : i32
        %lt3A_360 = arith.cmpi slt, %select_n3A_353, %lt3A_359 : i32
        %ne3A_361 = arith.xori %lt3A_358, %lt3A_360 : i1
        %and3A_362 = arith.andi %ne3A_361, %ne3A_356 : i1
        %add3A_363 = arith.addi %rem3A_354, %select_n3A_353 : i32
        %select_n3A_364 = arith.select %and3A_362, %add3A_363, %rem3A_354 : i32
        %dma_start3A_365 = arith.constant 0 : i32
        %dma_start3A_366 = arith.constant 0 : i32
        %dma_start3A_367 = tpu.memref_slice %arg13[%select_n3A_364, %dma_start3A_365, %dma_start3A_366] : memref<7x128x128xf32, #tpu.memory_space<vmem>> -> memref<1x128x128xf32, #tpu.memory_space<vmem>>
        %dma_start3A_368 = tpu.memref_squeeze %dma_start3A_367 : memref<1x128x128xf32, #tpu.memory_space<vmem>> -> memref<128x128xf32, #tpu.memory_space<vmem>>
        %dma_start3A_369 = arith.constant 0 : i32
        %dma_start3A_370 = tpu.memref_slice %arg12[%add3A_348, %dma_start3A_369] : memref<16x128xi32, #tpu.memory_space<vmem>> -> memref<1x128xi32, #tpu.memory_space<vmem>>
        %dma_start3A_371 = tpu.memref_squeeze %dma_start3A_370 : memref<1x128xi32, #tpu.memory_space<vmem>> -> memref<128xi32, #tpu.memory_space<vmem>>
        %dma_start3A_372 = arith.constant 0 : i32
        %dma_start3A_373 = arith.constant 0 : i32
        %dma_start3A_374 = tpu.memref_slice %arg3[%dma_start3A_372, %dma_start3A_373] : memref<100000x128xf32, #tpu.memory_space<hbm>> -> memref<100000x128xf32, #tpu.memory_space<hbm>>
        tpu.enqueue_indirect_dma source(%dma_start3A_374 : memref<100000x128xf32, #tpu.memory_space<hbm>>) target(%dma_start3A_368 : memref<128x128xf32, #tpu.memory_space<vmem>>) offsets(%dma_start3A_371 : memref<128xi32, #tpu.memory_space<vmem>>) semaphore(%arg14 : memref<!tpu.dma_semaphore, #tpu.memory_space<semaphore_mem>>)
      } else {
      }
      %dma_wait3A_304 = arith.constant 0 : i32
      %dma_wait3A_305 = arith.constant 0 : i32
      %dma_wait3A_306 = arith.constant 0 : i32
      %dma_wait3A_307 = arith.constant 0 : i32
      %dma_wait3A_308 = tpu.memref_slice %arg13[%dma_wait3A_305, %dma_wait3A_306, %dma_wait3A_307] : memref<7x128x128xf32, #tpu.memory_space<vmem>> -> memref<1x128x128xf32, #tpu.memory_space<vmem>>
      %dma_wait3A_309 = tpu.memref_squeeze %dma_wait3A_308 : memref<1x128x128xf32, #tpu.memory_space<vmem>> -> memref<128x128xf32, #tpu.memory_space<vmem>>
      %dma_wait3A_310 = arith.constant 0 : i32
      %dma_wait3A_311 = tpu.memref_slice %arg12[%dma_wait3A_304, %dma_wait3A_310] : memref<16x128xi32, #tpu.memory_space<vmem>> -> memref<1x128xi32, #tpu.memory_space<vmem>>
      %dma_wait3A_312 = tpu.memref_squeeze %dma_wait3A_311 : memref<1x128xi32, #tpu.memory_space<vmem>> -> memref<128xi32, #tpu.memory_space<vmem>>
      %dma_wait3A_313 = arith.constant 0 : i32
      %dma_wait3A_314 = arith.constant 0 : i32
      %dma_wait3A_315 = tpu.memref_slice %arg3[%dma_wait3A_313, %dma_wait3A_314] : memref<100000x128xf32, #tpu.memory_space<hbm>> -> memref<100000x128xf32, #tpu.memory_space<hbm>>
      tpu.wait_indirect_dma semaphore(%arg14 : memref<!tpu.dma_semaphore, #tpu.memory_space<semaphore_mem>>) src(%dma_wait3A_315 : memref<100000x128xf32, #tpu.memory_space<hbm>>) dst(%dma_wait3A_309 : memref<128x128xf32, #tpu.memory_space<vmem>>)
      %jit3A_316 = arith.constant 7 : i32
      %eq3A_317 = arith.constant 0 : i32
      %eq3A_318 = arith.cmpi eq, %jit3A_316, %eq3A_317 : i32
      %jit3A_319 = arith.constant 1 : i32
      %select_n3A_320 = arith.select %eq3A_318, %jit3A_319, %jit3A_316 : i32
      %rem3A_321 = arith.remsi %scan3A_291, %select_n3A_320 : i32
      %ne3A_322 = arith.constant 0 : i32
      %ne3A_323 = arith.cmpi ne, %rem3A_321, %ne3A_322 : i32
      %lt3A_324 = arith.constant 0 : i32
      %lt3A_325 = arith.cmpi slt, %rem3A_321, %lt3A_324 : i32
      %lt3A_326 = arith.constant 0 : i32
      %lt3A_327 = arith.cmpi slt, %select_n3A_320, %lt3A_326 : i32
      %ne3A_328 = arith.xori %lt3A_325, %lt3A_327 : i1
      %and3A_329 = arith.andi %ne3A_328, %ne3A_323 : i1
      %add3A_330 = arith.addi %rem3A_321, %select_n3A_320 : i32
      %select_n3A_331 = arith.select %and3A_329, %add3A_330, %rem3A_321 : i32
      %mul3A_332 = arith.constant 128 : i32
      %mul3A_333 = arith.muli %scan3A_291, %mul3A_332 : i32
      %add3A_334 = arith.addi %mul3A_186, %mul3A_333 : i32
      %dma_start3A_335 = arith.constant 0 : i32
      %dma_start3A_336 = arith.constant 0 : i32
      %dma_start3A_337 = tpu.memref_slice %arg13[%select_n3A_331, %dma_start3A_335, %dma_start3A_336] : memref<7x128x128xf32, #tpu.memory_space<vmem>> -> memref<1x128x128xf32, #tpu.memory_space<vmem>>
      %dma_start3A_338 = tpu.memref_squeeze %dma_start3A_337 : memref<1x128x128xf32, #tpu.memory_space<vmem>> -> memref<128x128xf32, #tpu.memory_space<vmem>>
      %dma_start3A_339 = arith.constant 0 : i32
      %dma_start3A_340 = tpu.memref_slice %arg9[%add3A_334, %dma_start3A_339] : memref<65536x128xf32, #tpu.memory_space<hbm>> -> memref<128x128xf32, #tpu.memory_space<hbm>>
      %dma_start3A_341 = arith.constant 0 : i32
      %dma_start3A_342 = tpu.memref_slice %arg9[%add3A_334, %dma_start3A_341] : memref<65536x128xf32, #tpu.memory_space<hbm>> -> memref<128x128xf32, #tpu.memory_space<hbm>>
      %dma_start3A_343 = arith.constant 0 : i32
      %dma_start3A_344 = arith.constant 0 : i32
      %dma_start3A_345 = tpu.memref_slice %arg13[%select_n3A_331, %dma_start3A_343, %dma_start3A_344] : memref<7x128x128xf32, #tpu.memory_space<vmem>> -> memref<1x128x128xf32, #tpu.memory_space<vmem>>
      %dma_start3A_346 = tpu.memref_squeeze %dma_start3A_345 : memref<1x128x128xf32, #tpu.memory_space<vmem>> -> memref<128x128xf32, #tpu.memory_space<vmem>>
      tpu.enqueue_dma source(%dma_start3A_346 : memref<128x128xf32, #tpu.memory_space<vmem>>) target(%dma_start3A_342 : memref<128x128xf32, #tpu.memory_space<hbm>>) target_semaphore(%arg15 : memref<!tpu.dma_semaphore, #tpu.memory_space<semaphore_mem>>)
    }
    %scan3A_264 = arith.constant 16 : i32
    %dma_wait3A_265 = arith.constant 0 : i32
    %dma_wait3A_266 = arith.constant 0 : i32
    %dma_wait3A_267 = arith.constant 0 : i32
    %dma_wait3A_268 = tpu.memref_slice %arg13[%dma_wait3A_265, %dma_wait3A_266, %dma_wait3A_267] : memref<7x128x128xf32, #tpu.memory_space<vmem>> -> memref<1x128x128xf32, #tpu.memory_space<vmem>>
    %dma_wait3A_269 = tpu.memref_squeeze %dma_wait3A_268 : memref<1x128x128xf32, #tpu.memory_space<vmem>> -> memref<128x128xf32, #tpu.memory_space<vmem>>
    %dma_wait3A_270 = arith.constant 0 : i32
    %dma_wait3A_271 = tpu.memref_slice %arg9[%mul3A_186, %dma_wait3A_270] : memref<65536x128xf32, #tpu.memory_space<hbm>> -> memref<128x128xf32, #tpu.memory_space<hbm>>
    %dma_wait3A_272 = arith.constant 0 : i32
    %dma_wait3A_273 = tpu.memref_slice %arg9[%mul3A_186, %dma_wait3A_272] : memref<65536x128xf32, #tpu.memory_space<hbm>> -> memref<128x128xf32, #tpu.memory_space<hbm>>
    %dma_wait3A_274 = arith.constant 0 : i32
    %dma_wait3A_275 = arith.constant 0 : i32
    %dma_wait3A_276 = tpu.memref_slice %arg13[%dma_wait3A_265, %dma_wait3A_274, %dma_wait3A_275] : memref<7x128x128xf32, #tpu.memory_space<vmem>> -> memref<1x128x128xf32, #tpu.memory_space<vmem>>
    %dma_wait3A_277 = tpu.memref_squeeze %dma_wait3A_276 : memref<1x128x128xf32, #tpu.memory_space<vmem>> -> memref<128x128xf32, #tpu.memory_space<vmem>>
    tpu.wait_dma2 semaphore(%arg15 : memref<!tpu.dma_semaphore, #tpu.memory_space<semaphore_mem>>) src(%dma_wait3A_277 : memref<128x128xf32, #tpu.memory_space<vmem>>) dst(%dma_wait3A_273 : memref<128x128xf32, #tpu.memory_space<hbm>>)
    %dma_wait3A_278 = arith.constant 0 : i32
    %dma_wait3A_279 = arith.constant 0 : i32
    %dma_wait3A_280 = arith.constant 0 : i32
    %dma_wait3A_281 = tpu.memref_slice %arg13[%dma_wait3A_278, %dma_wait3A_279, %dma_wait3A_280] : memref<7x128x128xf32, #tpu.memory_space<vmem>> -> memref<1x128x128xf32, #tpu.memory_space<vmem>>
    %dma_wait3A_282 = tpu.memref_squeeze %dma_wait3A_281 : memref<1x128x128xf32, #tpu.memory_space<vmem>> -> memref<128x128xf32, #tpu.memory_space<vmem>>
    %dma_wait3A_283 = arith.constant 0 : i32
    %dma_wait3A_284 = tpu.memref_slice %arg9[%mul3A_186, %dma_wait3A_283] : memref<65536x128xf32, #tpu.memory_space<hbm>> -> memref<128x128xf32, #tpu.memory_space<hbm>>
    %dma_wait3A_285 = arith.constant 0 : i32
    %dma_wait3A_286 = tpu.memref_slice %arg9[%mul3A_186, %dma_wait3A_285] : memref<65536x128xf32, #tpu.memory_space<hbm>> -> memref<128x128xf32, #tpu.memory_space<hbm>>
    %dma_wait3A_287 = arith.constant 0 : i32
    %dma_wait3A_288 = arith.constant 0 : i32
    %dma_wait3A_289 = tpu.memref_slice %arg13[%dma_wait3A_278, %dma_wait3A_287, %dma_wait3A_288] : memref<7x128x128xf32, #tpu.memory_space<vmem>> -> memref<1x128x128xf32, #tpu.memory_space<vmem>>
    %dma_wait3A_290 = tpu.memref_squeeze %dma_wait3A_289 : memref<1x128x128xf32, #tpu.memory_space<vmem>> -> memref<128x128xf32, #tpu.memory_space<vmem>>
    tpu.wait_dma2 semaphore(%arg15 : memref<!tpu.dma_semaphore, #tpu.memory_space<semaphore_mem>>) src(%dma_wait3A_290 : memref<128x128xf32, #tpu.memory_space<vmem>>) dst(%dma_wait3A_286 : memref<128x128xf32, #tpu.memory_space<hbm>>)
    return
  }
}

#map = affine_map<(d0, d1) -> (0, 0)>
#map1 = affine_map<(d0, d1) -> (0, 0, 0)>
module attributes {stable_mosaic.version = 14 : i64} {
  func.func @k(%arg0: i32, %arg1: i32, %arg2: memref<100000x128xf32, #tpu.memory_space<hbm>>, %arg3: memref<100000x128xf32, #tpu.memory_space<hbm>>, %arg4: memref<32x1x128xi32, #tpu.memory_space<hbm>>, %arg5: memref<32x32x128xi32, #tpu.memory_space<hbm>>, %arg6: memref<32x32x128xi32, #tpu.memory_space<hbm>>, %arg7: memref<4096x128xf32, #tpu.memory_space<hbm>>, %arg8: memref<131072x128xf32, #tpu.memory_space<hbm>>, %arg9: memref<131072x128xf32, #tpu.memory_space<hbm>>, %arg10: memref<1x128xi32, #tpu.memory_space<vmem>>, %arg11: memref<32x128xi32, #tpu.memory_space<vmem>>, %arg12: memref<32x128xi32, #tpu.memory_space<vmem>>, %arg13: memref<7x128x128xf32, #tpu.memory_space<vmem>>, %arg14: memref<!tpu.dma_semaphore, #tpu.memory_space<semaphore_mem>>, %arg15: memref<!tpu.dma_semaphore, #tpu.memory_space<semaphore_mem>>) attributes {dimension_semantics = [#tpu.dimension_semantics<core_parallel>, #tpu.dimension_semantics<subcore_parallel>], iteration_bounds = array<i64: 2, 16>, scalar_prefetch = 0 : i64, scratch_operands = 6 : i64, tpu.core_type = #tpu.core_type<sc_vector_subcore>, window_params = [{transform_indices = #map}, {transform_indices = #map}, {transform_indices = #map1}, {transform_indices = #map1}, {transform_indices = #map1}, {transform_indices = #map}, {transform_indices = #map}, {transform_indices = #map}]} {
    %mul3A = arith.constant 2 : i32
    %mul3A_0 = arith.muli %arg1, %mul3A : i32
    %add3A = arith.addi %mul3A_0, %arg0 : i32
    "tpu.region"() ({
      %run_scoped3A = tpu.sem_alloc : memref<!tpu.dma_semaphore, #tpu.memory_space<semaphore_mem>>
      %dma_start3A_291 = arith.constant 0 : i32
      %dma_start3A_292 = arith.constant 0 : i32
      %dma_start3A_293 = tpu.memref_slice %arg4[%add3A, %dma_start3A_291, %dma_start3A_292] : memref<32x1x128xi32, #tpu.memory_space<hbm>> -> memref<1x1x128xi32, #tpu.memory_space<hbm>>
      %dma_start3A_294 = tpu.memref_squeeze %dma_start3A_293 : memref<1x1x128xi32, #tpu.memory_space<hbm>> -> memref<1x128xi32, #tpu.memory_space<hbm>>
      %dma_start3A_295 = arith.constant 0 : i32
      %dma_start3A_296 = arith.constant 0 : i32
      %dma_start3A_297 = tpu.memref_slice %arg4[%add3A, %dma_start3A_295, %dma_start3A_296] : memref<32x1x128xi32, #tpu.memory_space<hbm>> -> memref<1x1x128xi32, #tpu.memory_space<hbm>>
      %dma_start3A_298 = tpu.memref_squeeze %dma_start3A_297 : memref<1x1x128xi32, #tpu.memory_space<hbm>> -> memref<1x128xi32, #tpu.memory_space<hbm>>
      tpu.enqueue_dma source(%dma_start3A_298 : memref<1x128xi32, #tpu.memory_space<hbm>>) target(%arg10 : memref<1x128xi32, #tpu.memory_space<vmem>>) target_semaphore(%run_scoped3A : memref<!tpu.dma_semaphore, #tpu.memory_space<semaphore_mem>>)
      %dma_wait3A_299 = arith.constant 0 : i32
      %dma_wait3A_300 = arith.constant 0 : i32
      %dma_wait3A_301 = tpu.memref_slice %arg4[%add3A, %dma_wait3A_299, %dma_wait3A_300] : memref<32x1x128xi32, #tpu.memory_space<hbm>> -> memref<1x1x128xi32, #tpu.memory_space<hbm>>
      %dma_wait3A_302 = tpu.memref_squeeze %dma_wait3A_301 : memref<1x1x128xi32, #tpu.memory_space<hbm>> -> memref<1x128xi32, #tpu.memory_space<hbm>>
      %dma_wait3A_303 = arith.constant 0 : i32
      %dma_wait3A_304 = arith.constant 0 : i32
      %dma_wait3A_305 = tpu.memref_slice %arg4[%add3A, %dma_wait3A_303, %dma_wait3A_304] : memref<32x1x128xi32, #tpu.memory_space<hbm>> -> memref<1x1x128xi32, #tpu.memory_space<hbm>>
      %dma_wait3A_306 = tpu.memref_squeeze %dma_wait3A_305 : memref<1x1x128xi32, #tpu.memory_space<hbm>> -> memref<1x128xi32, #tpu.memory_space<hbm>>
      tpu.wait_dma2 semaphore(%run_scoped3A : memref<!tpu.dma_semaphore, #tpu.memory_space<semaphore_mem>>) src(%dma_wait3A_306 : memref<1x128xi32, #tpu.memory_space<hbm>>) dst(%arg10 : memref<1x128xi32, #tpu.memory_space<vmem>>)
      tpu.yield
    }) : () -> ()
    "tpu.region"() ({
      %run_scoped3A = tpu.sem_alloc : memref<!tpu.dma_semaphore, #tpu.memory_space<semaphore_mem>>
      %dma_start3A_291 = arith.constant 0 : i32
      %dma_start3A_292 = arith.constant 0 : i32
      %dma_start3A_293 = tpu.memref_slice %arg5[%add3A, %dma_start3A_291, %dma_start3A_292] : memref<32x32x128xi32, #tpu.memory_space<hbm>> -> memref<1x32x128xi32, #tpu.memory_space<hbm>>
      %dma_start3A_294 = tpu.memref_squeeze %dma_start3A_293 : memref<1x32x128xi32, #tpu.memory_space<hbm>> -> memref<32x128xi32, #tpu.memory_space<hbm>>
      %dma_start3A_295 = arith.constant 0 : i32
      %dma_start3A_296 = arith.constant 0 : i32
      %dma_start3A_297 = tpu.memref_slice %arg5[%add3A, %dma_start3A_295, %dma_start3A_296] : memref<32x32x128xi32, #tpu.memory_space<hbm>> -> memref<1x32x128xi32, #tpu.memory_space<hbm>>
      %dma_start3A_298 = tpu.memref_squeeze %dma_start3A_297 : memref<1x32x128xi32, #tpu.memory_space<hbm>> -> memref<32x128xi32, #tpu.memory_space<hbm>>
      tpu.enqueue_dma source(%dma_start3A_298 : memref<32x128xi32, #tpu.memory_space<hbm>>) target(%arg11 : memref<32x128xi32, #tpu.memory_space<vmem>>) target_semaphore(%run_scoped3A : memref<!tpu.dma_semaphore, #tpu.memory_space<semaphore_mem>>)
      %dma_wait3A_299 = arith.constant 0 : i32
      %dma_wait3A_300 = arith.constant 0 : i32
      %dma_wait3A_301 = tpu.memref_slice %arg5[%add3A, %dma_wait3A_299, %dma_wait3A_300] : memref<32x32x128xi32, #tpu.memory_space<hbm>> -> memref<1x32x128xi32, #tpu.memory_space<hbm>>
      %dma_wait3A_302 = tpu.memref_squeeze %dma_wait3A_301 : memref<1x32x128xi32, #tpu.memory_space<hbm>> -> memref<32x128xi32, #tpu.memory_space<hbm>>
      %dma_wait3A_303 = arith.constant 0 : i32
      %dma_wait3A_304 = arith.constant 0 : i32
      %dma_wait3A_305 = tpu.memref_slice %arg5[%add3A, %dma_wait3A_303, %dma_wait3A_304] : memref<32x32x128xi32, #tpu.memory_space<hbm>> -> memref<1x32x128xi32, #tpu.memory_space<hbm>>
      %dma_wait3A_306 = tpu.memref_squeeze %dma_wait3A_305 : memref<1x32x128xi32, #tpu.memory_space<hbm>> -> memref<32x128xi32, #tpu.memory_space<hbm>>
      tpu.wait_dma2 semaphore(%run_scoped3A : memref<!tpu.dma_semaphore, #tpu.memory_space<semaphore_mem>>) src(%dma_wait3A_306 : memref<32x128xi32, #tpu.memory_space<hbm>>) dst(%arg11 : memref<32x128xi32, #tpu.memory_space<vmem>>)
      tpu.yield
    }) : () -> ()
    "tpu.region"() ({
      %run_scoped3A = tpu.sem_alloc : memref<!tpu.dma_semaphore, #tpu.memory_space<semaphore_mem>>
      %dma_start3A_291 = arith.constant 0 : i32
      %dma_start3A_292 = arith.constant 0 : i32
      %dma_start3A_293 = tpu.memref_slice %arg6[%add3A, %dma_start3A_291, %dma_start3A_292] : memref<32x32x128xi32, #tpu.memory_space<hbm>> -> memref<1x32x128xi32, #tpu.memory_space<hbm>>
      %dma_start3A_294 = tpu.memref_squeeze %dma_start3A_293 : memref<1x32x128xi32, #tpu.memory_space<hbm>> -> memref<32x128xi32, #tpu.memory_space<hbm>>
      %dma_start3A_295 = arith.constant 0 : i32
      %dma_start3A_296 = arith.constant 0 : i32
      %dma_start3A_297 = tpu.memref_slice %arg6[%add3A, %dma_start3A_295, %dma_start3A_296] : memref<32x32x128xi32, #tpu.memory_space<hbm>> -> memref<1x32x128xi32, #tpu.memory_space<hbm>>
      %dma_start3A_298 = tpu.memref_squeeze %dma_start3A_297 : memref<1x32x128xi32, #tpu.memory_space<hbm>> -> memref<32x128xi32, #tpu.memory_space<hbm>>
      tpu.enqueue_dma source(%dma_start3A_298 : memref<32x128xi32, #tpu.memory_space<hbm>>) target(%arg12 : memref<32x128xi32, #tpu.memory_space<vmem>>) target_semaphore(%run_scoped3A : memref<!tpu.dma_semaphore, #tpu.memory_space<semaphore_mem>>)
      %dma_wait3A_299 = arith.constant 0 : i32
      %dma_wait3A_300 = arith.constant 0 : i32
      %dma_wait3A_301 = tpu.memref_slice %arg6[%add3A, %dma_wait3A_299, %dma_wait3A_300] : memref<32x32x128xi32, #tpu.memory_space<hbm>> -> memref<1x32x128xi32, #tpu.memory_space<hbm>>
      %dma_wait3A_302 = tpu.memref_squeeze %dma_wait3A_301 : memref<1x32x128xi32, #tpu.memory_space<hbm>> -> memref<32x128xi32, #tpu.memory_space<hbm>>
      %dma_wait3A_303 = arith.constant 0 : i32
      %dma_wait3A_304 = arith.constant 0 : i32
      %dma_wait3A_305 = tpu.memref_slice %arg6[%add3A, %dma_wait3A_303, %dma_wait3A_304] : memref<32x32x128xi32, #tpu.memory_space<hbm>> -> memref<1x32x128xi32, #tpu.memory_space<hbm>>
      %dma_wait3A_306 = tpu.memref_squeeze %dma_wait3A_305 : memref<1x32x128xi32, #tpu.memory_space<hbm>> -> memref<32x128xi32, #tpu.memory_space<hbm>>
      tpu.wait_dma2 semaphore(%run_scoped3A : memref<!tpu.dma_semaphore, #tpu.memory_space<semaphore_mem>>) src(%dma_wait3A_306 : memref<32x128xi32, #tpu.memory_space<hbm>>) dst(%arg12 : memref<32x128xi32, #tpu.memory_space<vmem>>)
      tpu.yield
    }) : () -> ()
    %mul3A_1 = arith.constant 1 : i32
    %mul3A_2 = arith.muli %add3A, %mul3A_1 : i32
    %mul3A_3 = arith.constant 128 : i32
    %mul3A_4 = arith.muli %mul3A_2, %mul3A_3 : i32
    %dma_start3A = arith.constant 0 : i32
    %dma_start3A_5 = arith.constant 0 : i32
    %dma_start3A_6 = arith.constant 0 : i32
    %dma_start3A_7 = arith.constant 0 : i32
    %dma_start3A_8 = tpu.memref_slice %arg13[%dma_start3A_5, %dma_start3A_6, %dma_start3A_7] : memref<7x128x128xf32, #tpu.memory_space<vmem>> -> memref<1x128x128xf32, #tpu.memory_space<vmem>>
    %dma_start3A_9 = tpu.memref_squeeze %dma_start3A_8 : memref<1x128x128xf32, #tpu.memory_space<vmem>> -> memref<128x128xf32, #tpu.memory_space<vmem>>
    %dma_start3A_10 = arith.constant 0 : i32
    %dma_start3A_11 = tpu.memref_slice %arg10[%dma_start3A, %dma_start3A_10] : memref<1x128xi32, #tpu.memory_space<vmem>> -> memref<1x128xi32, #tpu.memory_space<vmem>>
    %dma_start3A_12 = tpu.memref_squeeze %dma_start3A_11 : memref<1x128xi32, #tpu.memory_space<vmem>> -> memref<128xi32, #tpu.memory_space<vmem>>
    %dma_start3A_13 = arith.constant 0 : i32
    %dma_start3A_14 = arith.constant 0 : i32
    %dma_start3A_15 = tpu.memref_slice %arg2[%dma_start3A_13, %dma_start3A_14] : memref<100000x128xf32, #tpu.memory_space<hbm>> -> memref<100000x128xf32, #tpu.memory_space<hbm>>
    tpu.enqueue_indirect_dma source(%dma_start3A_15 : memref<100000x128xf32, #tpu.memory_space<hbm>>) target(%dma_start3A_9 : memref<128x128xf32, #tpu.memory_space<vmem>>) offsets(%dma_start3A_12 : memref<128xi32, #tpu.memory_space<vmem>>) semaphore(%arg14 : memref<!tpu.dma_semaphore, #tpu.memory_space<semaphore_mem>>)
    %scan3A = arith.constant 0 : i32
    %scan3A_16 = arith.constant 0 : i32
    %ge3A = arith.constant 2 : i32
    %ge3A_17 = arith.cmpi sge, %scan3A_16, %ge3A : i32
    %convert_element_type3A = arith.extui %ge3A_17 : i1 to i32
    %cond3A = arith.constant 0 : i32
    %cond3A_18 = arith.cmpi ne, %convert_element_type3A, %cond3A : i32
    scf.if %cond3A_18 {
      %dma_wait3A_291 = arith.constant 0 : i32
      %dma_wait3A_292 = arith.constant 0 : i32
      %dma_wait3A_293 = arith.constant 0 : i32
      %dma_wait3A_294 = tpu.memref_slice %arg13[%dma_wait3A_291, %dma_wait3A_292, %dma_wait3A_293] : memref<7x128x128xf32, #tpu.memory_space<vmem>> -> memref<1x128x128xf32, #tpu.memory_space<vmem>>
      %dma_wait3A_295 = tpu.memref_squeeze %dma_wait3A_294 : memref<1x128x128xf32, #tpu.memory_space<vmem>> -> memref<128x128xf32, #tpu.memory_space<vmem>>
      %dma_wait3A_296 = arith.constant 0 : i32
      %dma_wait3A_297 = tpu.memref_slice %arg7[%mul3A_4, %dma_wait3A_296] : memref<4096x128xf32, #tpu.memory_space<hbm>> -> memref<128x128xf32, #tpu.memory_space<hbm>>
      %dma_wait3A_298 = arith.constant 0 : i32
      %dma_wait3A_299 = tpu.memref_slice %arg7[%mul3A_4, %dma_wait3A_298] : memref<4096x128xf32, #tpu.memory_space<hbm>> -> memref<128x128xf32, #tpu.memory_space<hbm>>
      %dma_wait3A_300 = arith.constant 0 : i32
      %dma_wait3A_301 = arith.constant 0 : i32
      %dma_wait3A_302 = tpu.memref_slice %arg13[%dma_wait3A_291, %dma_wait3A_300, %dma_wait3A_301] : memref<7x128x128xf32, #tpu.memory_space<vmem>> -> memref<1x128x128xf32, #tpu.memory_space<vmem>>
      %dma_wait3A_303 = tpu.memref_squeeze %dma_wait3A_302 : memref<1x128x128xf32, #tpu.memory_space<vmem>> -> memref<128x128xf32, #tpu.memory_space<vmem>>
      tpu.wait_dma2 semaphore(%arg15 : memref<!tpu.dma_semaphore, #tpu.memory_space<semaphore_mem>>) src(%dma_wait3A_303 : memref<128x128xf32, #tpu.memory_space<vmem>>) dst(%dma_wait3A_299 : memref<128x128xf32, #tpu.memory_space<hbm>>)
    } else {
    }
    %add3A_19 = arith.constant 6 : i32
    %add3A_20 = arith.addi %scan3A_16, %add3A_19 : i32
    %lt3A = arith.constant 1 : i32
    %lt3A_21 = arith.cmpi slt, %add3A_20, %lt3A : i32
    %convert_element_type3A_22 = arith.extui %lt3A_21 : i1 to i32
    %cond3A_23 = arith.constant 0 : i32
    %cond3A_24 = arith.cmpi ne, %convert_element_type3A_22, %cond3A_23 : i32
    scf.if %cond3A_24 {
      %add3A_291 = arith.constant 6 : i32
      %add3A_292 = arith.addi %scan3A_16, %add3A_291 : i32
      %jit3A_293 = arith.constant 7 : i32
      %eq3A_294 = arith.constant 0 : i32
      %eq3A_295 = arith.cmpi eq, %jit3A_293, %eq3A_294 : i32
      %jit3A_296 = arith.constant 1 : i32
      %select_n3A_297 = arith.select %eq3A_295, %jit3A_296, %jit3A_293 : i32
      %rem3A_298 = arith.remsi %add3A_292, %select_n3A_297 : i32
      %ne3A_299 = arith.constant 0 : i32
      %ne3A_300 = arith.cmpi ne, %rem3A_298, %ne3A_299 : i32
      %lt3A_301 = arith.constant 0 : i32
      %lt3A_302 = arith.cmpi slt, %rem3A_298, %lt3A_301 : i32
      %lt3A_303 = arith.constant 0 : i32
      %lt3A_304 = arith.cmpi slt, %select_n3A_297, %lt3A_303 : i32
      %ne3A_305 = arith.xori %lt3A_302, %lt3A_304 : i1
      %and3A_306 = arith.andi %ne3A_305, %ne3A_300 : i1
      %add3A_307 = arith.addi %rem3A_298, %select_n3A_297 : i32
      %select_n3A_308 = arith.select %and3A_306, %add3A_307, %rem3A_298 : i32
      %dma_start3A_309 = arith.constant 0 : i32
      %dma_start3A_310 = arith.constant 0 : i32
      %dma_start3A_311 = tpu.memref_slice %arg13[%select_n3A_308, %dma_start3A_309, %dma_start3A_310] : memref<7x128x128xf32, #tpu.memory_space<vmem>> -> memref<1x128x128xf32, #tpu.memory_space<vmem>>
      %dma_start3A_312 = tpu.memref_squeeze %dma_start3A_311 : memref<1x128x128xf32, #tpu.memory_space<vmem>> -> memref<128x128xf32, #tpu.memory_space<vmem>>
      %dma_start3A_313 = arith.constant 0 : i32
      %dma_start3A_314 = tpu.memref_slice %arg10[%add3A_292, %dma_start3A_313] : memref<1x128xi32, #tpu.memory_space<vmem>> -> memref<1x128xi32, #tpu.memory_space<vmem>>
      %dma_start3A_315 = tpu.memref_squeeze %dma_start3A_314 : memref<1x128xi32, #tpu.memory_space<vmem>> -> memref<128xi32, #tpu.memory_space<vmem>>
      %dma_start3A_316 = arith.constant 0 : i32
      %dma_start3A_317 = arith.constant 0 : i32
      %dma_start3A_318 = tpu.memref_slice %arg2[%dma_start3A_316, %dma_start3A_317] : memref<100000x128xf32, #tpu.memory_space<hbm>> -> memref<100000x128xf32, #tpu.memory_space<hbm>>
      tpu.enqueue_indirect_dma source(%dma_start3A_318 : memref<100000x128xf32, #tpu.memory_space<hbm>>) target(%dma_start3A_312 : memref<128x128xf32, #tpu.memory_space<vmem>>) offsets(%dma_start3A_315 : memref<128xi32, #tpu.memory_space<vmem>>) semaphore(%arg14 : memref<!tpu.dma_semaphore, #tpu.memory_space<semaphore_mem>>)
    } else {
    }
    %dma_wait3A = arith.constant 0 : i32
    %dma_wait3A_25 = arith.constant 0 : i32
    %dma_wait3A_26 = arith.constant 0 : i32
    %dma_wait3A_27 = arith.constant 0 : i32
    %dma_wait3A_28 = tpu.memref_slice %arg13[%dma_wait3A_25, %dma_wait3A_26, %dma_wait3A_27] : memref<7x128x128xf32, #tpu.memory_space<vmem>> -> memref<1x128x128xf32, #tpu.memory_space<vmem>>
    %dma_wait3A_29 = tpu.memref_squeeze %dma_wait3A_28 : memref<1x128x128xf32, #tpu.memory_space<vmem>> -> memref<128x128xf32, #tpu.memory_space<vmem>>
    %dma_wait3A_30 = arith.constant 0 : i32
    %dma_wait3A_31 = tpu.memref_slice %arg10[%dma_wait3A, %dma_wait3A_30] : memref<1x128xi32, #tpu.memory_space<vmem>> -> memref<1x128xi32, #tpu.memory_space<vmem>>
    %dma_wait3A_32 = tpu.memref_squeeze %dma_wait3A_31 : memref<1x128xi32, #tpu.memory_space<vmem>> -> memref<128xi32, #tpu.memory_space<vmem>>
    %dma_wait3A_33 = arith.constant 0 : i32
    %dma_wait3A_34 = arith.constant 0 : i32
    %dma_wait3A_35 = tpu.memref_slice %arg2[%dma_wait3A_33, %dma_wait3A_34] : memref<100000x128xf32, #tpu.memory_space<hbm>> -> memref<100000x128xf32, #tpu.memory_space<hbm>>
    tpu.wait_indirect_dma semaphore(%arg14 : memref<!tpu.dma_semaphore, #tpu.memory_space<semaphore_mem>>) src(%dma_wait3A_35 : memref<100000x128xf32, #tpu.memory_space<hbm>>) dst(%dma_wait3A_29 : memref<128x128xf32, #tpu.memory_space<vmem>>)
    %jit3A = arith.constant 7 : i32
    %eq3A = arith.constant 0 : i32
    %eq3A_36 = arith.cmpi eq, %jit3A, %eq3A : i32
    %jit3A_37 = arith.constant 1 : i32
    %select_n3A = arith.select %eq3A_36, %jit3A_37, %jit3A : i32
    %rem3A = arith.remsi %scan3A_16, %select_n3A : i32
    %ne3A = arith.constant 0 : i32
    %ne3A_38 = arith.cmpi ne, %rem3A, %ne3A : i32
    %lt3A_39 = arith.constant 0 : i32
    %lt3A_40 = arith.cmpi slt, %rem3A, %lt3A_39 : i32
    %lt3A_41 = arith.constant 0 : i32
    %lt3A_42 = arith.cmpi slt, %select_n3A, %lt3A_41 : i32
    %ne3A_43 = arith.xori %lt3A_40, %lt3A_42 : i1
    %and3A = arith.andi %ne3A_43, %ne3A_38 : i1
    %add3A_44 = arith.addi %rem3A, %select_n3A : i32
    %select_n3A_45 = arith.select %and3A, %add3A_44, %rem3A : i32
    %mul3A_46 = arith.constant 128 : i32
    %mul3A_47 = arith.muli %scan3A_16, %mul3A_46 : i32
    %add3A_48 = arith.addi %mul3A_4, %mul3A_47 : i32
    %dma_start3A_49 = arith.constant 0 : i32
    %dma_start3A_50 = arith.constant 0 : i32
    %dma_start3A_51 = tpu.memref_slice %arg13[%select_n3A_45, %dma_start3A_49, %dma_start3A_50] : memref<7x128x128xf32, #tpu.memory_space<vmem>> -> memref<1x128x128xf32, #tpu.memory_space<vmem>>
    %dma_start3A_52 = tpu.memref_squeeze %dma_start3A_51 : memref<1x128x128xf32, #tpu.memory_space<vmem>> -> memref<128x128xf32, #tpu.memory_space<vmem>>
    %dma_start3A_53 = arith.constant 0 : i32
    %dma_start3A_54 = tpu.memref_slice %arg7[%add3A_48, %dma_start3A_53] : memref<4096x128xf32, #tpu.memory_space<hbm>> -> memref<128x128xf32, #tpu.memory_space<hbm>>
    %dma_start3A_55 = arith.constant 0 : i32
    %dma_start3A_56 = tpu.memref_slice %arg7[%add3A_48, %dma_start3A_55] : memref<4096x128xf32, #tpu.memory_space<hbm>> -> memref<128x128xf32, #tpu.memory_space<hbm>>
    %dma_start3A_57 = arith.constant 0 : i32
    %dma_start3A_58 = arith.constant 0 : i32
    %dma_start3A_59 = tpu.memref_slice %arg13[%select_n3A_45, %dma_start3A_57, %dma_start3A_58] : memref<7x128x128xf32, #tpu.memory_space<vmem>> -> memref<1x128x128xf32, #tpu.memory_space<vmem>>
    %dma_start3A_60 = tpu.memref_squeeze %dma_start3A_59 : memref<1x128x128xf32, #tpu.memory_space<vmem>> -> memref<128x128xf32, #tpu.memory_space<vmem>>
    tpu.enqueue_dma source(%dma_start3A_60 : memref<128x128xf32, #tpu.memory_space<vmem>>) target(%dma_start3A_56 : memref<128x128xf32, #tpu.memory_space<hbm>>) target_semaphore(%arg15 : memref<!tpu.dma_semaphore, #tpu.memory_space<semaphore_mem>>)
    %scan3A_61 = arith.constant 1 : i32
    %dma_wait3A_62 = arith.constant 0 : i32
    %dma_wait3A_63 = arith.constant 0 : i32
    %dma_wait3A_64 = arith.constant 0 : i32
    %dma_wait3A_65 = tpu.memref_slice %arg13[%dma_wait3A_62, %dma_wait3A_63, %dma_wait3A_64] : memref<7x128x128xf32, #tpu.memory_space<vmem>> -> memref<1x128x128xf32, #tpu.memory_space<vmem>>
    %dma_wait3A_66 = tpu.memref_squeeze %dma_wait3A_65 : memref<1x128x128xf32, #tpu.memory_space<vmem>> -> memref<128x128xf32, #tpu.memory_space<vmem>>
    %dma_wait3A_67 = arith.constant 0 : i32
    %dma_wait3A_68 = tpu.memref_slice %arg7[%mul3A_4, %dma_wait3A_67] : memref<4096x128xf32, #tpu.memory_space<hbm>> -> memref<128x128xf32, #tpu.memory_space<hbm>>
    %dma_wait3A_69 = arith.constant 0 : i32
    %dma_wait3A_70 = tpu.memref_slice %arg7[%mul3A_4, %dma_wait3A_69] : memref<4096x128xf32, #tpu.memory_space<hbm>> -> memref<128x128xf32, #tpu.memory_space<hbm>>
    %dma_wait3A_71 = arith.constant 0 : i32
    %dma_wait3A_72 = arith.constant 0 : i32
    %dma_wait3A_73 = tpu.memref_slice %arg13[%dma_wait3A_62, %dma_wait3A_71, %dma_wait3A_72] : memref<7x128x128xf32, #tpu.memory_space<vmem>> -> memref<1x128x128xf32, #tpu.memory_space<vmem>>
    %dma_wait3A_74 = tpu.memref_squeeze %dma_wait3A_73 : memref<1x128x128xf32, #tpu.memory_space<vmem>> -> memref<128x128xf32, #tpu.memory_space<vmem>>
    tpu.wait_dma2 semaphore(%arg15 : memref<!tpu.dma_semaphore, #tpu.memory_space<semaphore_mem>>) src(%dma_wait3A_74 : memref<128x128xf32, #tpu.memory_space<vmem>>) dst(%dma_wait3A_70 : memref<128x128xf32, #tpu.memory_space<hbm>>)
    %mul3A_75 = arith.constant 32 : i32
    %mul3A_76 = arith.muli %add3A, %mul3A_75 : i32
    %mul3A_77 = arith.constant 128 : i32
    %mul3A_78 = arith.muli %mul3A_76, %mul3A_77 : i32
    %dma_start3A_79 = arith.constant 0 : i32
    %dma_start3A_80 = arith.constant 0 : i32
    %dma_start3A_81 = arith.constant 0 : i32
    %dma_start3A_82 = arith.constant 0 : i32
    %dma_start3A_83 = tpu.memref_slice %arg13[%dma_start3A_80, %dma_start3A_81, %dma_start3A_82] : memref<7x128x128xf32, #tpu.memory_space<vmem>> -> memref<1x128x128xf32, #tpu.memory_space<vmem>>
    %dma_start3A_84 = tpu.memref_squeeze %dma_start3A_83 : memref<1x128x128xf32, #tpu.memory_space<vmem>> -> memref<128x128xf32, #tpu.memory_space<vmem>>
    %dma_start3A_85 = arith.constant 0 : i32
    %dma_start3A_86 = tpu.memref_slice %arg11[%dma_start3A_79, %dma_start3A_85] : memref<32x128xi32, #tpu.memory_space<vmem>> -> memref<1x128xi32, #tpu.memory_space<vmem>>
    %dma_start3A_87 = tpu.memref_squeeze %dma_start3A_86 : memref<1x128xi32, #tpu.memory_space<vmem>> -> memref<128xi32, #tpu.memory_space<vmem>>
    %dma_start3A_88 = arith.constant 0 : i32
    %dma_start3A_89 = arith.constant 0 : i32
    %dma_start3A_90 = tpu.memref_slice %arg2[%dma_start3A_88, %dma_start3A_89] : memref<100000x128xf32, #tpu.memory_space<hbm>> -> memref<100000x128xf32, #tpu.memory_space<hbm>>
    tpu.enqueue_indirect_dma source(%dma_start3A_90 : memref<100000x128xf32, #tpu.memory_space<hbm>>) target(%dma_start3A_84 : memref<128x128xf32, #tpu.memory_space<vmem>>) offsets(%dma_start3A_87 : memref<128xi32, #tpu.memory_space<vmem>>) semaphore(%arg14 : memref<!tpu.dma_semaphore, #tpu.memory_space<semaphore_mem>>)
    %dma_start3A_91 = arith.constant 1 : i32
    %dma_start3A_92 = arith.constant 1 : i32
    %dma_start3A_93 = arith.constant 0 : i32
    %dma_start3A_94 = arith.constant 0 : i32
    %dma_start3A_95 = tpu.memref_slice %arg13[%dma_start3A_92, %dma_start3A_93, %dma_start3A_94] : memref<7x128x128xf32, #tpu.memory_space<vmem>> -> memref<1x128x128xf32, #tpu.memory_space<vmem>>
    %dma_start3A_96 = tpu.memref_squeeze %dma_start3A_95 : memref<1x128x128xf32, #tpu.memory_space<vmem>> -> memref<128x128xf32, #tpu.memory_space<vmem>>
    %dma_start3A_97 = arith.constant 0 : i32
    %dma_start3A_98 = tpu.memref_slice %arg11[%dma_start3A_91, %dma_start3A_97] : memref<32x128xi32, #tpu.memory_space<vmem>> -> memref<1x128xi32, #tpu.memory_space<vmem>>
    %dma_start3A_99 = tpu.memref_squeeze %dma_start3A_98 : memref<1x128xi32, #tpu.memory_space<vmem>> -> memref<128xi32, #tpu.memory_space<vmem>>
    %dma_start3A_100 = arith.constant 0 : i32
    %dma_start3A_101 = arith.constant 0 : i32
    %dma_start3A_102 = tpu.memref_slice %arg2[%dma_start3A_100, %dma_start3A_101] : memref<100000x128xf32, #tpu.memory_space<hbm>> -> memref<100000x128xf32, #tpu.memory_space<hbm>>
    tpu.enqueue_indirect_dma source(%dma_start3A_102 : memref<100000x128xf32, #tpu.memory_space<hbm>>) target(%dma_start3A_96 : memref<128x128xf32, #tpu.memory_space<vmem>>) offsets(%dma_start3A_99 : memref<128xi32, #tpu.memory_space<vmem>>) semaphore(%arg14 : memref<!tpu.dma_semaphore, #tpu.memory_space<semaphore_mem>>)
    %dma_start3A_103 = arith.constant 2 : i32
    %dma_start3A_104 = arith.constant 2 : i32
    %dma_start3A_105 = arith.constant 0 : i32
    %dma_start3A_106 = arith.constant 0 : i32
    %dma_start3A_107 = tpu.memref_slice %arg13[%dma_start3A_104, %dma_start3A_105, %dma_start3A_106] : memref<7x128x128xf32, #tpu.memory_space<vmem>> -> memref<1x128x128xf32, #tpu.memory_space<vmem>>
    %dma_start3A_108 = tpu.memref_squeeze %dma_start3A_107 : memref<1x128x128xf32, #tpu.memory_space<vmem>> -> memref<128x128xf32, #tpu.memory_space<vmem>>
    %dma_start3A_109 = arith.constant 0 : i32
    %dma_start3A_110 = tpu.memref_slice %arg11[%dma_start3A_103, %dma_start3A_109] : memref<32x128xi32, #tpu.memory_space<vmem>> -> memref<1x128xi32, #tpu.memory_space<vmem>>
    %dma_start3A_111 = tpu.memref_squeeze %dma_start3A_110 : memref<1x128xi32, #tpu.memory_space<vmem>> -> memref<128xi32, #tpu.memory_space<vmem>>
    %dma_start3A_112 = arith.constant 0 : i32
    %dma_start3A_113 = arith.constant 0 : i32
    %dma_start3A_114 = tpu.memref_slice %arg2[%dma_start3A_112, %dma_start3A_113] : memref<100000x128xf32, #tpu.memory_space<hbm>> -> memref<100000x128xf32, #tpu.memory_space<hbm>>
    tpu.enqueue_indirect_dma source(%dma_start3A_114 : memref<100000x128xf32, #tpu.memory_space<hbm>>) target(%dma_start3A_108 : memref<128x128xf32, #tpu.memory_space<vmem>>) offsets(%dma_start3A_111 : memref<128xi32, #tpu.memory_space<vmem>>) semaphore(%arg14 : memref<!tpu.dma_semaphore, #tpu.memory_space<semaphore_mem>>)
    %dma_start3A_115 = arith.constant 3 : i32
    %dma_start3A_116 = arith.constant 3 : i32
    %dma_start3A_117 = arith.constant 0 : i32
    %dma_start3A_118 = arith.constant 0 : i32
    %dma_start3A_119 = tpu.memref_slice %arg13[%dma_start3A_116, %dma_start3A_117, %dma_start3A_118] : memref<7x128x128xf32, #tpu.memory_space<vmem>> -> memref<1x128x128xf32, #tpu.memory_space<vmem>>
    %dma_start3A_120 = tpu.memref_squeeze %dma_start3A_119 : memref<1x128x128xf32, #tpu.memory_space<vmem>> -> memref<128x128xf32, #tpu.memory_space<vmem>>
    %dma_start3A_121 = arith.constant 0 : i32
    %dma_start3A_122 = tpu.memref_slice %arg11[%dma_start3A_115, %dma_start3A_121] : memref<32x128xi32, #tpu.memory_space<vmem>> -> memref<1x128xi32, #tpu.memory_space<vmem>>
    %dma_start3A_123 = tpu.memref_squeeze %dma_start3A_122 : memref<1x128xi32, #tpu.memory_space<vmem>> -> memref<128xi32, #tpu.memory_space<vmem>>
    %dma_start3A_124 = arith.constant 0 : i32
    %dma_start3A_125 = arith.constant 0 : i32
    %dma_start3A_126 = tpu.memref_slice %arg2[%dma_start3A_124, %dma_start3A_125] : memref<100000x128xf32, #tpu.memory_space<hbm>> -> memref<100000x128xf32, #tpu.memory_space<hbm>>
    tpu.enqueue_indirect_dma source(%dma_start3A_126 : memref<100000x128xf32, #tpu.memory_space<hbm>>) target(%dma_start3A_120 : memref<128x128xf32, #tpu.memory_space<vmem>>) offsets(%dma_start3A_123 : memref<128xi32, #tpu.memory_space<vmem>>) semaphore(%arg14 : memref<!tpu.dma_semaphore, #tpu.memory_space<semaphore_mem>>)
    %dma_start3A_127 = arith.constant 4 : i32
    %dma_start3A_128 = arith.constant 4 : i32
    %dma_start3A_129 = arith.constant 0 : i32
    %dma_start3A_130 = arith.constant 0 : i32
    %dma_start3A_131 = tpu.memref_slice %arg13[%dma_start3A_128, %dma_start3A_129, %dma_start3A_130] : memref<7x128x128xf32, #tpu.memory_space<vmem>> -> memref<1x128x128xf32, #tpu.memory_space<vmem>>
    %dma_start3A_132 = tpu.memref_squeeze %dma_start3A_131 : memref<1x128x128xf32, #tpu.memory_space<vmem>> -> memref<128x128xf32, #tpu.memory_space<vmem>>
    %dma_start3A_133 = arith.constant 0 : i32
    %dma_start3A_134 = tpu.memref_slice %arg11[%dma_start3A_127, %dma_start3A_133] : memref<32x128xi32, #tpu.memory_space<vmem>> -> memref<1x128xi32, #tpu.memory_space<vmem>>
    %dma_start3A_135 = tpu.memref_squeeze %dma_start3A_134 : memref<1x128xi32, #tpu.memory_space<vmem>> -> memref<128xi32, #tpu.memory_space<vmem>>
    %dma_start3A_136 = arith.constant 0 : i32
    %dma_start3A_137 = arith.constant 0 : i32
    %dma_start3A_138 = tpu.memref_slice %arg2[%dma_start3A_136, %dma_start3A_137] : memref<100000x128xf32, #tpu.memory_space<hbm>> -> memref<100000x128xf32, #tpu.memory_space<hbm>>
    tpu.enqueue_indirect_dma source(%dma_start3A_138 : memref<100000x128xf32, #tpu.memory_space<hbm>>) target(%dma_start3A_132 : memref<128x128xf32, #tpu.memory_space<vmem>>) offsets(%dma_start3A_135 : memref<128xi32, #tpu.memory_space<vmem>>) semaphore(%arg14 : memref<!tpu.dma_semaphore, #tpu.memory_space<semaphore_mem>>)
    %dma_start3A_139 = arith.constant 5 : i32
    %dma_start3A_140 = arith.constant 5 : i32
    %dma_start3A_141 = arith.constant 0 : i32
    %dma_start3A_142 = arith.constant 0 : i32
    %dma_start3A_143 = tpu.memref_slice %arg13[%dma_start3A_140, %dma_start3A_141, %dma_start3A_142] : memref<7x128x128xf32, #tpu.memory_space<vmem>> -> memref<1x128x128xf32, #tpu.memory_space<vmem>>
    %dma_start3A_144 = tpu.memref_squeeze %dma_start3A_143 : memref<1x128x128xf32, #tpu.memory_space<vmem>> -> memref<128x128xf32, #tpu.memory_space<vmem>>
    %dma_start3A_145 = arith.constant 0 : i32
    %dma_start3A_146 = tpu.memref_slice %arg11[%dma_start3A_139, %dma_start3A_145] : memref<32x128xi32, #tpu.memory_space<vmem>> -> memref<1x128xi32, #tpu.memory_space<vmem>>
    %dma_start3A_147 = tpu.memref_squeeze %dma_start3A_146 : memref<1x128xi32, #tpu.memory_space<vmem>> -> memref<128xi32, #tpu.memory_space<vmem>>
    %dma_start3A_148 = arith.constant 0 : i32
    %dma_start3A_149 = arith.constant 0 : i32
    %dma_start3A_150 = tpu.memref_slice %arg2[%dma_start3A_148, %dma_start3A_149] : memref<100000x128xf32, #tpu.memory_space<hbm>> -> memref<100000x128xf32, #tpu.memory_space<hbm>>
    tpu.enqueue_indirect_dma source(%dma_start3A_150 : memref<100000x128xf32, #tpu.memory_space<hbm>>) target(%dma_start3A_144 : memref<128x128xf32, #tpu.memory_space<vmem>>) offsets(%dma_start3A_147 : memref<128xi32, #tpu.memory_space<vmem>>) semaphore(%arg14 : memref<!tpu.dma_semaphore, #tpu.memory_space<semaphore_mem>>)
    %scan3A_151 = arith.constant 0 : i32
    %scan3A_152 = arith.constant 0 : i32
    %scan3A_153 = arith.constant 32 : i32
    %scan3A_154 = arith.addi %scan3A_152, %scan3A_153 : i32
    %scan3A_155 = arith.constant 1 : i32
    scf.for %scan3A_291 = %scan3A_152 to %scan3A_154 step %scan3A_155  : i32 {
      %ge3A_292 = arith.constant 2 : i32
      %ge3A_293 = arith.cmpi sge, %scan3A_291, %ge3A_292 : i32
      %convert_element_type3A_294 = arith.extui %ge3A_293 : i1 to i32
      %cond3A_295 = arith.constant 0 : i32
      %cond3A_296 = arith.cmpi ne, %convert_element_type3A_294, %cond3A_295 : i32
      scf.if %cond3A_296 {
        %dma_wait3A_347 = arith.constant 0 : i32
        %dma_wait3A_348 = arith.constant 0 : i32
        %dma_wait3A_349 = arith.constant 0 : i32
        %dma_wait3A_350 = tpu.memref_slice %arg13[%dma_wait3A_347, %dma_wait3A_348, %dma_wait3A_349] : memref<7x128x128xf32, #tpu.memory_space<vmem>> -> memref<1x128x128xf32, #tpu.memory_space<vmem>>
        %dma_wait3A_351 = tpu.memref_squeeze %dma_wait3A_350 : memref<1x128x128xf32, #tpu.memory_space<vmem>> -> memref<128x128xf32, #tpu.memory_space<vmem>>
        %dma_wait3A_352 = arith.constant 0 : i32
        %dma_wait3A_353 = tpu.memref_slice %arg8[%mul3A_78, %dma_wait3A_352] : memref<131072x128xf32, #tpu.memory_space<hbm>> -> memref<128x128xf32, #tpu.memory_space<hbm>>
        %dma_wait3A_354 = arith.constant 0 : i32
        %dma_wait3A_355 = tpu.memref_slice %arg8[%mul3A_78, %dma_wait3A_354] : memref<131072x128xf32, #tpu.memory_space<hbm>> -> memref<128x128xf32, #tpu.memory_space<hbm>>
        %dma_wait3A_356 = arith.constant 0 : i32
        %dma_wait3A_357 = arith.constant 0 : i32
        %dma_wait3A_358 = tpu.memref_slice %arg13[%dma_wait3A_347, %dma_wait3A_356, %dma_wait3A_357] : memref<7x128x128xf32, #tpu.memory_space<vmem>> -> memref<1x128x128xf32, #tpu.memory_space<vmem>>
        %dma_wait3A_359 = tpu.memref_squeeze %dma_wait3A_358 : memref<1x128x128xf32, #tpu.memory_space<vmem>> -> memref<128x128xf32, #tpu.memory_space<vmem>>
        tpu.wait_dma2 semaphore(%arg15 : memref<!tpu.dma_semaphore, #tpu.memory_space<semaphore_mem>>) src(%dma_wait3A_359 : memref<128x128xf32, #tpu.memory_space<vmem>>) dst(%dma_wait3A_355 : memref<128x128xf32, #tpu.memory_space<hbm>>)
      } else {
      }
      %add3A_297 = arith.constant 6 : i32
      %add3A_298 = arith.addi %scan3A_291, %add3A_297 : i32
      %lt3A_299 = arith.constant 32 : i32
      %lt3A_300 = arith.cmpi slt, %add3A_298, %lt3A_299 : i32
      %convert_element_type3A_301 = arith.extui %lt3A_300 : i1 to i32
      %cond3A_302 = arith.constant 0 : i32
      %cond3A_303 = arith.cmpi ne, %convert_element_type3A_301, %cond3A_302 : i32
      scf.if %cond3A_303 {
        %add3A_347 = arith.constant 6 : i32
        %add3A_348 = arith.addi %scan3A_291, %add3A_347 : i32
        %jit3A_349 = arith.constant 7 : i32
        %eq3A_350 = arith.constant 0 : i32
        %eq3A_351 = arith.cmpi eq, %jit3A_349, %eq3A_350 : i32
        %jit3A_352 = arith.constant 1 : i32
        %select_n3A_353 = arith.select %eq3A_351, %jit3A_352, %jit3A_349 : i32
        %rem3A_354 = arith.remsi %add3A_348, %select_n3A_353 : i32
        %ne3A_355 = arith.constant 0 : i32
        %ne3A_356 = arith.cmpi ne, %rem3A_354, %ne3A_355 : i32
        %lt3A_357 = arith.constant 0 : i32
        %lt3A_358 = arith.cmpi slt, %rem3A_354, %lt3A_357 : i32
        %lt3A_359 = arith.constant 0 : i32
        %lt3A_360 = arith.cmpi slt, %select_n3A_353, %lt3A_359 : i32
        %ne3A_361 = arith.xori %lt3A_358, %lt3A_360 : i1
        %and3A_362 = arith.andi %ne3A_361, %ne3A_356 : i1
        %add3A_363 = arith.addi %rem3A_354, %select_n3A_353 : i32
        %select_n3A_364 = arith.select %and3A_362, %add3A_363, %rem3A_354 : i32
        %dma_start3A_365 = arith.constant 0 : i32
        %dma_start3A_366 = arith.constant 0 : i32
        %dma_start3A_367 = tpu.memref_slice %arg13[%select_n3A_364, %dma_start3A_365, %dma_start3A_366] : memref<7x128x128xf32, #tpu.memory_space<vmem>> -> memref<1x128x128xf32, #tpu.memory_space<vmem>>
        %dma_start3A_368 = tpu.memref_squeeze %dma_start3A_367 : memref<1x128x128xf32, #tpu.memory_space<vmem>> -> memref<128x128xf32, #tpu.memory_space<vmem>>
        %dma_start3A_369 = arith.constant 0 : i32
        %dma_start3A_370 = tpu.memref_slice %arg11[%add3A_348, %dma_start3A_369] : memref<32x128xi32, #tpu.memory_space<vmem>> -> memref<1x128xi32, #tpu.memory_space<vmem>>
        %dma_start3A_371 = tpu.memref_squeeze %dma_start3A_370 : memref<1x128xi32, #tpu.memory_space<vmem>> -> memref<128xi32, #tpu.memory_space<vmem>>
        %dma_start3A_372 = arith.constant 0 : i32
        %dma_start3A_373 = arith.constant 0 : i32
        %dma_start3A_374 = tpu.memref_slice %arg2[%dma_start3A_372, %dma_start3A_373] : memref<100000x128xf32, #tpu.memory_space<hbm>> -> memref<100000x128xf32, #tpu.memory_space<hbm>>
        tpu.enqueue_indirect_dma source(%dma_start3A_374 : memref<100000x128xf32, #tpu.memory_space<hbm>>) target(%dma_start3A_368 : memref<128x128xf32, #tpu.memory_space<vmem>>) offsets(%dma_start3A_371 : memref<128xi32, #tpu.memory_space<vmem>>) semaphore(%arg14 : memref<!tpu.dma_semaphore, #tpu.memory_space<semaphore_mem>>)
      } else {
      }
      %dma_wait3A_304 = arith.constant 0 : i32
      %dma_wait3A_305 = arith.constant 0 : i32
      %dma_wait3A_306 = arith.constant 0 : i32
      %dma_wait3A_307 = arith.constant 0 : i32
      %dma_wait3A_308 = tpu.memref_slice %arg13[%dma_wait3A_305, %dma_wait3A_306, %dma_wait3A_307] : memref<7x128x128xf32, #tpu.memory_space<vmem>> -> memref<1x128x128xf32, #tpu.memory_space<vmem>>
      %dma_wait3A_309 = tpu.memref_squeeze %dma_wait3A_308 : memref<1x128x128xf32, #tpu.memory_space<vmem>> -> memref<128x128xf32, #tpu.memory_space<vmem>>
      %dma_wait3A_310 = arith.constant 0 : i32
      %dma_wait3A_311 = tpu.memref_slice %arg11[%dma_wait3A_304, %dma_wait3A_310] : memref<32x128xi32, #tpu.memory_space<vmem>> -> memref<1x128xi32, #tpu.memory_space<vmem>>
      %dma_wait3A_312 = tpu.memref_squeeze %dma_wait3A_311 : memref<1x128xi32, #tpu.memory_space<vmem>> -> memref<128xi32, #tpu.memory_space<vmem>>
      %dma_wait3A_313 = arith.constant 0 : i32
      %dma_wait3A_314 = arith.constant 0 : i32
      %dma_wait3A_315 = tpu.memref_slice %arg2[%dma_wait3A_313, %dma_wait3A_314] : memref<100000x128xf32, #tpu.memory_space<hbm>> -> memref<100000x128xf32, #tpu.memory_space<hbm>>
      tpu.wait_indirect_dma semaphore(%arg14 : memref<!tpu.dma_semaphore, #tpu.memory_space<semaphore_mem>>) src(%dma_wait3A_315 : memref<100000x128xf32, #tpu.memory_space<hbm>>) dst(%dma_wait3A_309 : memref<128x128xf32, #tpu.memory_space<vmem>>)
      %jit3A_316 = arith.constant 7 : i32
      %eq3A_317 = arith.constant 0 : i32
      %eq3A_318 = arith.cmpi eq, %jit3A_316, %eq3A_317 : i32
      %jit3A_319 = arith.constant 1 : i32
      %select_n3A_320 = arith.select %eq3A_318, %jit3A_319, %jit3A_316 : i32
      %rem3A_321 = arith.remsi %scan3A_291, %select_n3A_320 : i32
      %ne3A_322 = arith.constant 0 : i32
      %ne3A_323 = arith.cmpi ne, %rem3A_321, %ne3A_322 : i32
      %lt3A_324 = arith.constant 0 : i32
      %lt3A_325 = arith.cmpi slt, %rem3A_321, %lt3A_324 : i32
      %lt3A_326 = arith.constant 0 : i32
      %lt3A_327 = arith.cmpi slt, %select_n3A_320, %lt3A_326 : i32
      %ne3A_328 = arith.xori %lt3A_325, %lt3A_327 : i1
      %and3A_329 = arith.andi %ne3A_328, %ne3A_323 : i1
      %add3A_330 = arith.addi %rem3A_321, %select_n3A_320 : i32
      %select_n3A_331 = arith.select %and3A_329, %add3A_330, %rem3A_321 : i32
      %mul3A_332 = arith.constant 128 : i32
      %mul3A_333 = arith.muli %scan3A_291, %mul3A_332 : i32
      %add3A_334 = arith.addi %mul3A_78, %mul3A_333 : i32
      %dma_start3A_335 = arith.constant 0 : i32
      %dma_start3A_336 = arith.constant 0 : i32
      %dma_start3A_337 = tpu.memref_slice %arg13[%select_n3A_331, %dma_start3A_335, %dma_start3A_336] : memref<7x128x128xf32, #tpu.memory_space<vmem>> -> memref<1x128x128xf32, #tpu.memory_space<vmem>>
      %dma_start3A_338 = tpu.memref_squeeze %dma_start3A_337 : memref<1x128x128xf32, #tpu.memory_space<vmem>> -> memref<128x128xf32, #tpu.memory_space<vmem>>
      %dma_start3A_339 = arith.constant 0 : i32
      %dma_start3A_340 = tpu.memref_slice %arg8[%add3A_334, %dma_start3A_339] : memref<131072x128xf32, #tpu.memory_space<hbm>> -> memref<128x128xf32, #tpu.memory_space<hbm>>
      %dma_start3A_341 = arith.constant 0 : i32
      %dma_start3A_342 = tpu.memref_slice %arg8[%add3A_334, %dma_start3A_341] : memref<131072x128xf32, #tpu.memory_space<hbm>> -> memref<128x128xf32, #tpu.memory_space<hbm>>
      %dma_start3A_343 = arith.constant 0 : i32
      %dma_start3A_344 = arith.constant 0 : i32
      %dma_start3A_345 = tpu.memref_slice %arg13[%select_n3A_331, %dma_start3A_343, %dma_start3A_344] : memref<7x128x128xf32, #tpu.memory_space<vmem>> -> memref<1x128x128xf32, #tpu.memory_space<vmem>>
      %dma_start3A_346 = tpu.memref_squeeze %dma_start3A_345 : memref<1x128x128xf32, #tpu.memory_space<vmem>> -> memref<128x128xf32, #tpu.memory_space<vmem>>
      tpu.enqueue_dma source(%dma_start3A_346 : memref<128x128xf32, #tpu.memory_space<vmem>>) target(%dma_start3A_342 : memref<128x128xf32, #tpu.memory_space<hbm>>) target_semaphore(%arg15 : memref<!tpu.dma_semaphore, #tpu.memory_space<semaphore_mem>>)
    }
    %scan3A_156 = arith.constant 32 : i32
    %dma_wait3A_157 = arith.constant 0 : i32
    %dma_wait3A_158 = arith.constant 0 : i32
    %dma_wait3A_159 = arith.constant 0 : i32
    %dma_wait3A_160 = tpu.memref_slice %arg13[%dma_wait3A_157, %dma_wait3A_158, %dma_wait3A_159] : memref<7x128x128xf32, #tpu.memory_space<vmem>> -> memref<1x128x128xf32, #tpu.memory_space<vmem>>
    %dma_wait3A_161 = tpu.memref_squeeze %dma_wait3A_160 : memref<1x128x128xf32, #tpu.memory_space<vmem>> -> memref<128x128xf32, #tpu.memory_space<vmem>>
    %dma_wait3A_162 = arith.constant 0 : i32
    %dma_wait3A_163 = tpu.memref_slice %arg8[%mul3A_78, %dma_wait3A_162] : memref<131072x128xf32, #tpu.memory_space<hbm>> -> memref<128x128xf32, #tpu.memory_space<hbm>>
    %dma_wait3A_164 = arith.constant 0 : i32
    %dma_wait3A_165 = tpu.memref_slice %arg8[%mul3A_78, %dma_wait3A_164] : memref<131072x128xf32, #tpu.memory_space<hbm>> -> memref<128x128xf32, #tpu.memory_space<hbm>>
    %dma_wait3A_166 = arith.constant 0 : i32
    %dma_wait3A_167 = arith.constant 0 : i32
    %dma_wait3A_168 = tpu.memref_slice %arg13[%dma_wait3A_157, %dma_wait3A_166, %dma_wait3A_167] : memref<7x128x128xf32, #tpu.memory_space<vmem>> -> memref<1x128x128xf32, #tpu.memory_space<vmem>>
    %dma_wait3A_169 = tpu.memref_squeeze %dma_wait3A_168 : memref<1x128x128xf32, #tpu.memory_space<vmem>> -> memref<128x128xf32, #tpu.memory_space<vmem>>
    tpu.wait_dma2 semaphore(%arg15 : memref<!tpu.dma_semaphore, #tpu.memory_space<semaphore_mem>>) src(%dma_wait3A_169 : memref<128x128xf32, #tpu.memory_space<vmem>>) dst(%dma_wait3A_165 : memref<128x128xf32, #tpu.memory_space<hbm>>)
    %dma_wait3A_170 = arith.constant 0 : i32
    %dma_wait3A_171 = arith.constant 0 : i32
    %dma_wait3A_172 = arith.constant 0 : i32
    %dma_wait3A_173 = tpu.memref_slice %arg13[%dma_wait3A_170, %dma_wait3A_171, %dma_wait3A_172] : memref<7x128x128xf32, #tpu.memory_space<vmem>> -> memref<1x128x128xf32, #tpu.memory_space<vmem>>
    %dma_wait3A_174 = tpu.memref_squeeze %dma_wait3A_173 : memref<1x128x128xf32, #tpu.memory_space<vmem>> -> memref<128x128xf32, #tpu.memory_space<vmem>>
    %dma_wait3A_175 = arith.constant 0 : i32
    %dma_wait3A_176 = tpu.memref_slice %arg8[%mul3A_78, %dma_wait3A_175] : memref<131072x128xf32, #tpu.memory_space<hbm>> -> memref<128x128xf32, #tpu.memory_space<hbm>>
    %dma_wait3A_177 = arith.constant 0 : i32
    %dma_wait3A_178 = tpu.memref_slice %arg8[%mul3A_78, %dma_wait3A_177] : memref<131072x128xf32, #tpu.memory_space<hbm>> -> memref<128x128xf32, #tpu.memory_space<hbm>>
    %dma_wait3A_179 = arith.constant 0 : i32
    %dma_wait3A_180 = arith.constant 0 : i32
    %dma_wait3A_181 = tpu.memref_slice %arg13[%dma_wait3A_170, %dma_wait3A_179, %dma_wait3A_180] : memref<7x128x128xf32, #tpu.memory_space<vmem>> -> memref<1x128x128xf32, #tpu.memory_space<vmem>>
    %dma_wait3A_182 = tpu.memref_squeeze %dma_wait3A_181 : memref<1x128x128xf32, #tpu.memory_space<vmem>> -> memref<128x128xf32, #tpu.memory_space<vmem>>
    tpu.wait_dma2 semaphore(%arg15 : memref<!tpu.dma_semaphore, #tpu.memory_space<semaphore_mem>>) src(%dma_wait3A_182 : memref<128x128xf32, #tpu.memory_space<vmem>>) dst(%dma_wait3A_178 : memref<128x128xf32, #tpu.memory_space<hbm>>)
    %mul3A_183 = arith.constant 32 : i32
    %mul3A_184 = arith.muli %add3A, %mul3A_183 : i32
    %mul3A_185 = arith.constant 128 : i32
    %mul3A_186 = arith.muli %mul3A_184, %mul3A_185 : i32
    %dma_start3A_187 = arith.constant 0 : i32
    %dma_start3A_188 = arith.constant 0 : i32
    %dma_start3A_189 = arith.constant 0 : i32
    %dma_start3A_190 = arith.constant 0 : i32
    %dma_start3A_191 = tpu.memref_slice %arg13[%dma_start3A_188, %dma_start3A_189, %dma_start3A_190] : memref<7x128x128xf32, #tpu.memory_space<vmem>> -> memref<1x128x128xf32, #tpu.memory_space<vmem>>
    %dma_start3A_192 = tpu.memref_squeeze %dma_start3A_191 : memref<1x128x128xf32, #tpu.memory_space<vmem>> -> memref<128x128xf32, #tpu.memory_space<vmem>>
    %dma_start3A_193 = arith.constant 0 : i32
    %dma_start3A_194 = tpu.memref_slice %arg12[%dma_start3A_187, %dma_start3A_193] : memref<32x128xi32, #tpu.memory_space<vmem>> -> memref<1x128xi32, #tpu.memory_space<vmem>>
    %dma_start3A_195 = tpu.memref_squeeze %dma_start3A_194 : memref<1x128xi32, #tpu.memory_space<vmem>> -> memref<128xi32, #tpu.memory_space<vmem>>
    %dma_start3A_196 = arith.constant 0 : i32
    %dma_start3A_197 = arith.constant 0 : i32
    %dma_start3A_198 = tpu.memref_slice %arg3[%dma_start3A_196, %dma_start3A_197] : memref<100000x128xf32, #tpu.memory_space<hbm>> -> memref<100000x128xf32, #tpu.memory_space<hbm>>
    tpu.enqueue_indirect_dma source(%dma_start3A_198 : memref<100000x128xf32, #tpu.memory_space<hbm>>) target(%dma_start3A_192 : memref<128x128xf32, #tpu.memory_space<vmem>>) offsets(%dma_start3A_195 : memref<128xi32, #tpu.memory_space<vmem>>) semaphore(%arg14 : memref<!tpu.dma_semaphore, #tpu.memory_space<semaphore_mem>>)
    %dma_start3A_199 = arith.constant 1 : i32
    %dma_start3A_200 = arith.constant 1 : i32
    %dma_start3A_201 = arith.constant 0 : i32
    %dma_start3A_202 = arith.constant 0 : i32
    %dma_start3A_203 = tpu.memref_slice %arg13[%dma_start3A_200, %dma_start3A_201, %dma_start3A_202] : memref<7x128x128xf32, #tpu.memory_space<vmem>> -> memref<1x128x128xf32, #tpu.memory_space<vmem>>
    %dma_start3A_204 = tpu.memref_squeeze %dma_start3A_203 : memref<1x128x128xf32, #tpu.memory_space<vmem>> -> memref<128x128xf32, #tpu.memory_space<vmem>>
    %dma_start3A_205 = arith.constant 0 : i32
    %dma_start3A_206 = tpu.memref_slice %arg12[%dma_start3A_199, %dma_start3A_205] : memref<32x128xi32, #tpu.memory_space<vmem>> -> memref<1x128xi32, #tpu.memory_space<vmem>>
    %dma_start3A_207 = tpu.memref_squeeze %dma_start3A_206 : memref<1x128xi32, #tpu.memory_space<vmem>> -> memref<128xi32, #tpu.memory_space<vmem>>
    %dma_start3A_208 = arith.constant 0 : i32
    %dma_start3A_209 = arith.constant 0 : i32
    %dma_start3A_210 = tpu.memref_slice %arg3[%dma_start3A_208, %dma_start3A_209] : memref<100000x128xf32, #tpu.memory_space<hbm>> -> memref<100000x128xf32, #tpu.memory_space<hbm>>
    tpu.enqueue_indirect_dma source(%dma_start3A_210 : memref<100000x128xf32, #tpu.memory_space<hbm>>) target(%dma_start3A_204 : memref<128x128xf32, #tpu.memory_space<vmem>>) offsets(%dma_start3A_207 : memref<128xi32, #tpu.memory_space<vmem>>) semaphore(%arg14 : memref<!tpu.dma_semaphore, #tpu.memory_space<semaphore_mem>>)
    %dma_start3A_211 = arith.constant 2 : i32
    %dma_start3A_212 = arith.constant 2 : i32
    %dma_start3A_213 = arith.constant 0 : i32
    %dma_start3A_214 = arith.constant 0 : i32
    %dma_start3A_215 = tpu.memref_slice %arg13[%dma_start3A_212, %dma_start3A_213, %dma_start3A_214] : memref<7x128x128xf32, #tpu.memory_space<vmem>> -> memref<1x128x128xf32, #tpu.memory_space<vmem>>
    %dma_start3A_216 = tpu.memref_squeeze %dma_start3A_215 : memref<1x128x128xf32, #tpu.memory_space<vmem>> -> memref<128x128xf32, #tpu.memory_space<vmem>>
    %dma_start3A_217 = arith.constant 0 : i32
    %dma_start3A_218 = tpu.memref_slice %arg12[%dma_start3A_211, %dma_start3A_217] : memref<32x128xi32, #tpu.memory_space<vmem>> -> memref<1x128xi32, #tpu.memory_space<vmem>>
    %dma_start3A_219 = tpu.memref_squeeze %dma_start3A_218 : memref<1x128xi32, #tpu.memory_space<vmem>> -> memref<128xi32, #tpu.memory_space<vmem>>
    %dma_start3A_220 = arith.constant 0 : i32
    %dma_start3A_221 = arith.constant 0 : i32
    %dma_start3A_222 = tpu.memref_slice %arg3[%dma_start3A_220, %dma_start3A_221] : memref<100000x128xf32, #tpu.memory_space<hbm>> -> memref<100000x128xf32, #tpu.memory_space<hbm>>
    tpu.enqueue_indirect_dma source(%dma_start3A_222 : memref<100000x128xf32, #tpu.memory_space<hbm>>) target(%dma_start3A_216 : memref<128x128xf32, #tpu.memory_space<vmem>>) offsets(%dma_start3A_219 : memref<128xi32, #tpu.memory_space<vmem>>) semaphore(%arg14 : memref<!tpu.dma_semaphore, #tpu.memory_space<semaphore_mem>>)
    %dma_start3A_223 = arith.constant 3 : i32
    %dma_start3A_224 = arith.constant 3 : i32
    %dma_start3A_225 = arith.constant 0 : i32
    %dma_start3A_226 = arith.constant 0 : i32
    %dma_start3A_227 = tpu.memref_slice %arg13[%dma_start3A_224, %dma_start3A_225, %dma_start3A_226] : memref<7x128x128xf32, #tpu.memory_space<vmem>> -> memref<1x128x128xf32, #tpu.memory_space<vmem>>
    %dma_start3A_228 = tpu.memref_squeeze %dma_start3A_227 : memref<1x128x128xf32, #tpu.memory_space<vmem>> -> memref<128x128xf32, #tpu.memory_space<vmem>>
    %dma_start3A_229 = arith.constant 0 : i32
    %dma_start3A_230 = tpu.memref_slice %arg12[%dma_start3A_223, %dma_start3A_229] : memref<32x128xi32, #tpu.memory_space<vmem>> -> memref<1x128xi32, #tpu.memory_space<vmem>>
    %dma_start3A_231 = tpu.memref_squeeze %dma_start3A_230 : memref<1x128xi32, #tpu.memory_space<vmem>> -> memref<128xi32, #tpu.memory_space<vmem>>
    %dma_start3A_232 = arith.constant 0 : i32
    %dma_start3A_233 = arith.constant 0 : i32
    %dma_start3A_234 = tpu.memref_slice %arg3[%dma_start3A_232, %dma_start3A_233] : memref<100000x128xf32, #tpu.memory_space<hbm>> -> memref<100000x128xf32, #tpu.memory_space<hbm>>
    tpu.enqueue_indirect_dma source(%dma_start3A_234 : memref<100000x128xf32, #tpu.memory_space<hbm>>) target(%dma_start3A_228 : memref<128x128xf32, #tpu.memory_space<vmem>>) offsets(%dma_start3A_231 : memref<128xi32, #tpu.memory_space<vmem>>) semaphore(%arg14 : memref<!tpu.dma_semaphore, #tpu.memory_space<semaphore_mem>>)
    %dma_start3A_235 = arith.constant 4 : i32
    %dma_start3A_236 = arith.constant 4 : i32
    %dma_start3A_237 = arith.constant 0 : i32
    %dma_start3A_238 = arith.constant 0 : i32
    %dma_start3A_239 = tpu.memref_slice %arg13[%dma_start3A_236, %dma_start3A_237, %dma_start3A_238] : memref<7x128x128xf32, #tpu.memory_space<vmem>> -> memref<1x128x128xf32, #tpu.memory_space<vmem>>
    %dma_start3A_240 = tpu.memref_squeeze %dma_start3A_239 : memref<1x128x128xf32, #tpu.memory_space<vmem>> -> memref<128x128xf32, #tpu.memory_space<vmem>>
    %dma_start3A_241 = arith.constant 0 : i32
    %dma_start3A_242 = tpu.memref_slice %arg12[%dma_start3A_235, %dma_start3A_241] : memref<32x128xi32, #tpu.memory_space<vmem>> -> memref<1x128xi32, #tpu.memory_space<vmem>>
    %dma_start3A_243 = tpu.memref_squeeze %dma_start3A_242 : memref<1x128xi32, #tpu.memory_space<vmem>> -> memref<128xi32, #tpu.memory_space<vmem>>
    %dma_start3A_244 = arith.constant 0 : i32
    %dma_start3A_245 = arith.constant 0 : i32
    %dma_start3A_246 = tpu.memref_slice %arg3[%dma_start3A_244, %dma_start3A_245] : memref<100000x128xf32, #tpu.memory_space<hbm>> -> memref<100000x128xf32, #tpu.memory_space<hbm>>
    tpu.enqueue_indirect_dma source(%dma_start3A_246 : memref<100000x128xf32, #tpu.memory_space<hbm>>) target(%dma_start3A_240 : memref<128x128xf32, #tpu.memory_space<vmem>>) offsets(%dma_start3A_243 : memref<128xi32, #tpu.memory_space<vmem>>) semaphore(%arg14 : memref<!tpu.dma_semaphore, #tpu.memory_space<semaphore_mem>>)
    %dma_start3A_247 = arith.constant 5 : i32
    %dma_start3A_248 = arith.constant 5 : i32
    %dma_start3A_249 = arith.constant 0 : i32
    %dma_start3A_250 = arith.constant 0 : i32
    %dma_start3A_251 = tpu.memref_slice %arg13[%dma_start3A_248, %dma_start3A_249, %dma_start3A_250] : memref<7x128x128xf32, #tpu.memory_space<vmem>> -> memref<1x128x128xf32, #tpu.memory_space<vmem>>
    %dma_start3A_252 = tpu.memref_squeeze %dma_start3A_251 : memref<1x128x128xf32, #tpu.memory_space<vmem>> -> memref<128x128xf32, #tpu.memory_space<vmem>>
    %dma_start3A_253 = arith.constant 0 : i32
    %dma_start3A_254 = tpu.memref_slice %arg12[%dma_start3A_247, %dma_start3A_253] : memref<32x128xi32, #tpu.memory_space<vmem>> -> memref<1x128xi32, #tpu.memory_space<vmem>>
    %dma_start3A_255 = tpu.memref_squeeze %dma_start3A_254 : memref<1x128xi32, #tpu.memory_space<vmem>> -> memref<128xi32, #tpu.memory_space<vmem>>
    %dma_start3A_256 = arith.constant 0 : i32
    %dma_start3A_257 = arith.constant 0 : i32
    %dma_start3A_258 = tpu.memref_slice %arg3[%dma_start3A_256, %dma_start3A_257] : memref<100000x128xf32, #tpu.memory_space<hbm>> -> memref<100000x128xf32, #tpu.memory_space<hbm>>
    tpu.enqueue_indirect_dma source(%dma_start3A_258 : memref<100000x128xf32, #tpu.memory_space<hbm>>) target(%dma_start3A_252 : memref<128x128xf32, #tpu.memory_space<vmem>>) offsets(%dma_start3A_255 : memref<128xi32, #tpu.memory_space<vmem>>) semaphore(%arg14 : memref<!tpu.dma_semaphore, #tpu.memory_space<semaphore_mem>>)
    %scan3A_259 = arith.constant 0 : i32
    %scan3A_260 = arith.constant 0 : i32
    %scan3A_261 = arith.constant 32 : i32
    %scan3A_262 = arith.addi %scan3A_260, %scan3A_261 : i32
    %scan3A_263 = arith.constant 1 : i32
    scf.for %scan3A_291 = %scan3A_260 to %scan3A_262 step %scan3A_263  : i32 {
      %ge3A_292 = arith.constant 2 : i32
      %ge3A_293 = arith.cmpi sge, %scan3A_291, %ge3A_292 : i32
      %convert_element_type3A_294 = arith.extui %ge3A_293 : i1 to i32
      %cond3A_295 = arith.constant 0 : i32
      %cond3A_296 = arith.cmpi ne, %convert_element_type3A_294, %cond3A_295 : i32
      scf.if %cond3A_296 {
        %dma_wait3A_347 = arith.constant 0 : i32
        %dma_wait3A_348 = arith.constant 0 : i32
        %dma_wait3A_349 = arith.constant 0 : i32
        %dma_wait3A_350 = tpu.memref_slice %arg13[%dma_wait3A_347, %dma_wait3A_348, %dma_wait3A_349] : memref<7x128x128xf32, #tpu.memory_space<vmem>> -> memref<1x128x128xf32, #tpu.memory_space<vmem>>
        %dma_wait3A_351 = tpu.memref_squeeze %dma_wait3A_350 : memref<1x128x128xf32, #tpu.memory_space<vmem>> -> memref<128x128xf32, #tpu.memory_space<vmem>>
        %dma_wait3A_352 = arith.constant 0 : i32
        %dma_wait3A_353 = tpu.memref_slice %arg9[%mul3A_186, %dma_wait3A_352] : memref<131072x128xf32, #tpu.memory_space<hbm>> -> memref<128x128xf32, #tpu.memory_space<hbm>>
        %dma_wait3A_354 = arith.constant 0 : i32
        %dma_wait3A_355 = tpu.memref_slice %arg9[%mul3A_186, %dma_wait3A_354] : memref<131072x128xf32, #tpu.memory_space<hbm>> -> memref<128x128xf32, #tpu.memory_space<hbm>>
        %dma_wait3A_356 = arith.constant 0 : i32
        %dma_wait3A_357 = arith.constant 0 : i32
        %dma_wait3A_358 = tpu.memref_slice %arg13[%dma_wait3A_347, %dma_wait3A_356, %dma_wait3A_357] : memref<7x128x128xf32, #tpu.memory_space<vmem>> -> memref<1x128x128xf32, #tpu.memory_space<vmem>>
        %dma_wait3A_359 = tpu.memref_squeeze %dma_wait3A_358 : memref<1x128x128xf32, #tpu.memory_space<vmem>> -> memref<128x128xf32, #tpu.memory_space<vmem>>
        tpu.wait_dma2 semaphore(%arg15 : memref<!tpu.dma_semaphore, #tpu.memory_space<semaphore_mem>>) src(%dma_wait3A_359 : memref<128x128xf32, #tpu.memory_space<vmem>>) dst(%dma_wait3A_355 : memref<128x128xf32, #tpu.memory_space<hbm>>)
      } else {
      }
      %add3A_297 = arith.constant 6 : i32
      %add3A_298 = arith.addi %scan3A_291, %add3A_297 : i32
      %lt3A_299 = arith.constant 32 : i32
      %lt3A_300 = arith.cmpi slt, %add3A_298, %lt3A_299 : i32
      %convert_element_type3A_301 = arith.extui %lt3A_300 : i1 to i32
      %cond3A_302 = arith.constant 0 : i32
      %cond3A_303 = arith.cmpi ne, %convert_element_type3A_301, %cond3A_302 : i32
      scf.if %cond3A_303 {
        %add3A_347 = arith.constant 6 : i32
        %add3A_348 = arith.addi %scan3A_291, %add3A_347 : i32
        %jit3A_349 = arith.constant 7 : i32
        %eq3A_350 = arith.constant 0 : i32
        %eq3A_351 = arith.cmpi eq, %jit3A_349, %eq3A_350 : i32
        %jit3A_352 = arith.constant 1 : i32
        %select_n3A_353 = arith.select %eq3A_351, %jit3A_352, %jit3A_349 : i32
        %rem3A_354 = arith.remsi %add3A_348, %select_n3A_353 : i32
        %ne3A_355 = arith.constant 0 : i32
        %ne3A_356 = arith.cmpi ne, %rem3A_354, %ne3A_355 : i32
        %lt3A_357 = arith.constant 0 : i32
        %lt3A_358 = arith.cmpi slt, %rem3A_354, %lt3A_357 : i32
        %lt3A_359 = arith.constant 0 : i32
        %lt3A_360 = arith.cmpi slt, %select_n3A_353, %lt3A_359 : i32
        %ne3A_361 = arith.xori %lt3A_358, %lt3A_360 : i1
        %and3A_362 = arith.andi %ne3A_361, %ne3A_356 : i1
        %add3A_363 = arith.addi %rem3A_354, %select_n3A_353 : i32
        %select_n3A_364 = arith.select %and3A_362, %add3A_363, %rem3A_354 : i32
        %dma_start3A_365 = arith.constant 0 : i32
        %dma_start3A_366 = arith.constant 0 : i32
        %dma_start3A_367 = tpu.memref_slice %arg13[%select_n3A_364, %dma_start3A_365, %dma_start3A_366] : memref<7x128x128xf32, #tpu.memory_space<vmem>> -> memref<1x128x128xf32, #tpu.memory_space<vmem>>
        %dma_start3A_368 = tpu.memref_squeeze %dma_start3A_367 : memref<1x128x128xf32, #tpu.memory_space<vmem>> -> memref<128x128xf32, #tpu.memory_space<vmem>>
        %dma_start3A_369 = arith.constant 0 : i32
        %dma_start3A_370 = tpu.memref_slice %arg12[%add3A_348, %dma_start3A_369] : memref<32x128xi32, #tpu.memory_space<vmem>> -> memref<1x128xi32, #tpu.memory_space<vmem>>
        %dma_start3A_371 = tpu.memref_squeeze %dma_start3A_370 : memref<1x128xi32, #tpu.memory_space<vmem>> -> memref<128xi32, #tpu.memory_space<vmem>>
        %dma_start3A_372 = arith.constant 0 : i32
        %dma_start3A_373 = arith.constant 0 : i32
        %dma_start3A_374 = tpu.memref_slice %arg3[%dma_start3A_372, %dma_start3A_373] : memref<100000x128xf32, #tpu.memory_space<hbm>> -> memref<100000x128xf32, #tpu.memory_space<hbm>>
        tpu.enqueue_indirect_dma source(%dma_start3A_374 : memref<100000x128xf32, #tpu.memory_space<hbm>>) target(%dma_start3A_368 : memref<128x128xf32, #tpu.memory_space<vmem>>) offsets(%dma_start3A_371 : memref<128xi32, #tpu.memory_space<vmem>>) semaphore(%arg14 : memref<!tpu.dma_semaphore, #tpu.memory_space<semaphore_mem>>)
      } else {
      }
      %dma_wait3A_304 = arith.constant 0 : i32
      %dma_wait3A_305 = arith.constant 0 : i32
      %dma_wait3A_306 = arith.constant 0 : i32
      %dma_wait3A_307 = arith.constant 0 : i32
      %dma_wait3A_308 = tpu.memref_slice %arg13[%dma_wait3A_305, %dma_wait3A_306, %dma_wait3A_307] : memref<7x128x128xf32, #tpu.memory_space<vmem>> -> memref<1x128x128xf32, #tpu.memory_space<vmem>>
      %dma_wait3A_309 = tpu.memref_squeeze %dma_wait3A_308 : memref<1x128x128xf32, #tpu.memory_space<vmem>> -> memref<128x128xf32, #tpu.memory_space<vmem>>
      %dma_wait3A_310 = arith.constant 0 : i32
      %dma_wait3A_311 = tpu.memref_slice %arg12[%dma_wait3A_304, %dma_wait3A_310] : memref<32x128xi32, #tpu.memory_space<vmem>> -> memref<1x128xi32, #tpu.memory_space<vmem>>
      %dma_wait3A_312 = tpu.memref_squeeze %dma_wait3A_311 : memref<1x128xi32, #tpu.memory_space<vmem>> -> memref<128xi32, #tpu.memory_space<vmem>>
      %dma_wait3A_313 = arith.constant 0 : i32
      %dma_wait3A_314 = arith.constant 0 : i32
      %dma_wait3A_315 = tpu.memref_slice %arg3[%dma_wait3A_313, %dma_wait3A_314] : memref<100000x128xf32, #tpu.memory_space<hbm>> -> memref<100000x128xf32, #tpu.memory_space<hbm>>
      tpu.wait_indirect_dma semaphore(%arg14 : memref<!tpu.dma_semaphore, #tpu.memory_space<semaphore_mem>>) src(%dma_wait3A_315 : memref<100000x128xf32, #tpu.memory_space<hbm>>) dst(%dma_wait3A_309 : memref<128x128xf32, #tpu.memory_space<vmem>>)
      %jit3A_316 = arith.constant 7 : i32
      %eq3A_317 = arith.constant 0 : i32
      %eq3A_318 = arith.cmpi eq, %jit3A_316, %eq3A_317 : i32
      %jit3A_319 = arith.constant 1 : i32
      %select_n3A_320 = arith.select %eq3A_318, %jit3A_319, %jit3A_316 : i32
      %rem3A_321 = arith.remsi %scan3A_291, %select_n3A_320 : i32
      %ne3A_322 = arith.constant 0 : i32
      %ne3A_323 = arith.cmpi ne, %rem3A_321, %ne3A_322 : i32
      %lt3A_324 = arith.constant 0 : i32
      %lt3A_325 = arith.cmpi slt, %rem3A_321, %lt3A_324 : i32
      %lt3A_326 = arith.constant 0 : i32
      %lt3A_327 = arith.cmpi slt, %select_n3A_320, %lt3A_326 : i32
      %ne3A_328 = arith.xori %lt3A_325, %lt3A_327 : i1
      %and3A_329 = arith.andi %ne3A_328, %ne3A_323 : i1
      %add3A_330 = arith.addi %rem3A_321, %select_n3A_320 : i32
      %select_n3A_331 = arith.select %and3A_329, %add3A_330, %rem3A_321 : i32
      %mul3A_332 = arith.constant 128 : i32
      %mul3A_333 = arith.muli %scan3A_291, %mul3A_332 : i32
      %add3A_334 = arith.addi %mul3A_186, %mul3A_333 : i32
      %dma_start3A_335 = arith.constant 0 : i32
      %dma_start3A_336 = arith.constant 0 : i32
      %dma_start3A_337 = tpu.memref_slice %arg13[%select_n3A_331, %dma_start3A_335, %dma_start3A_336] : memref<7x128x128xf32, #tpu.memory_space<vmem>> -> memref<1x128x128xf32, #tpu.memory_space<vmem>>
      %dma_start3A_338 = tpu.memref_squeeze %dma_start3A_337 : memref<1x128x128xf32, #tpu.memory_space<vmem>> -> memref<128x128xf32, #tpu.memory_space<vmem>>
      %dma_start3A_339 = arith.constant 0 : i32
      %dma_start3A_340 = tpu.memref_slice %arg9[%add3A_334, %dma_start3A_339] : memref<131072x128xf32, #tpu.memory_space<hbm>> -> memref<128x128xf32, #tpu.memory_space<hbm>>
      %dma_start3A_341 = arith.constant 0 : i32
      %dma_start3A_342 = tpu.memref_slice %arg9[%add3A_334, %dma_start3A_341] : memref<131072x128xf32, #tpu.memory_space<hbm>> -> memref<128x128xf32, #tpu.memory_space<hbm>>
      %dma_start3A_343 = arith.constant 0 : i32
      %dma_start3A_344 = arith.constant 0 : i32
      %dma_start3A_345 = tpu.memref_slice %arg13[%select_n3A_331, %dma_start3A_343, %dma_start3A_344] : memref<7x128x128xf32, #tpu.memory_space<vmem>> -> memref<1x128x128xf32, #tpu.memory_space<vmem>>
      %dma_start3A_346 = tpu.memref_squeeze %dma_start3A_345 : memref<1x128x128xf32, #tpu.memory_space<vmem>> -> memref<128x128xf32, #tpu.memory_space<vmem>>
      tpu.enqueue_dma source(%dma_start3A_346 : memref<128x128xf32, #tpu.memory_space<vmem>>) target(%dma_start3A_342 : memref<128x128xf32, #tpu.memory_space<hbm>>) target_semaphore(%arg15 : memref<!tpu.dma_semaphore, #tpu.memory_space<semaphore_mem>>)
    }
    %scan3A_264 = arith.constant 32 : i32
    %dma_wait3A_265 = arith.constant 0 : i32
    %dma_wait3A_266 = arith.constant 0 : i32
    %dma_wait3A_267 = arith.constant 0 : i32
    %dma_wait3A_268 = tpu.memref_slice %arg13[%dma_wait3A_265, %dma_wait3A_266, %dma_wait3A_267] : memref<7x128x128xf32, #tpu.memory_space<vmem>> -> memref<1x128x128xf32, #tpu.memory_space<vmem>>
    %dma_wait3A_269 = tpu.memref_squeeze %dma_wait3A_268 : memref<1x128x128xf32, #tpu.memory_space<vmem>> -> memref<128x128xf32, #tpu.memory_space<vmem>>
    %dma_wait3A_270 = arith.constant 0 : i32
    %dma_wait3A_271 = tpu.memref_slice %arg9[%mul3A_186, %dma_wait3A_270] : memref<131072x128xf32, #tpu.memory_space<hbm>> -> memref<128x128xf32, #tpu.memory_space<hbm>>
    %dma_wait3A_272 = arith.constant 0 : i32
    %dma_wait3A_273 = tpu.memref_slice %arg9[%mul3A_186, %dma_wait3A_272] : memref<131072x128xf32, #tpu.memory_space<hbm>> -> memref<128x128xf32, #tpu.memory_space<hbm>>
    %dma_wait3A_274 = arith.constant 0 : i32
    %dma_wait3A_275 = arith.constant 0 : i32
    %dma_wait3A_276 = tpu.memref_slice %arg13[%dma_wait3A_265, %dma_wait3A_274, %dma_wait3A_275] : memref<7x128x128xf32, #tpu.memory_space<vmem>> -> memref<1x128x128xf32, #tpu.memory_space<vmem>>
    %dma_wait3A_277 = tpu.memref_squeeze %dma_wait3A_276 : memref<1x128x128xf32, #tpu.memory_space<vmem>> -> memref<128x128xf32, #tpu.memory_space<vmem>>
    tpu.wait_dma2 semaphore(%arg15 : memref<!tpu.dma_semaphore, #tpu.memory_space<semaphore_mem>>) src(%dma_wait3A_277 : memref<128x128xf32, #tpu.memory_space<vmem>>) dst(%dma_wait3A_273 : memref<128x128xf32, #tpu.memory_space<hbm>>)
    %dma_wait3A_278 = arith.constant 0 : i32
    %dma_wait3A_279 = arith.constant 0 : i32
    %dma_wait3A_280 = arith.constant 0 : i32
    %dma_wait3A_281 = tpu.memref_slice %arg13[%dma_wait3A_278, %dma_wait3A_279, %dma_wait3A_280] : memref<7x128x128xf32, #tpu.memory_space<vmem>> -> memref<1x128x128xf32, #tpu.memory_space<vmem>>
    %dma_wait3A_282 = tpu.memref_squeeze %dma_wait3A_281 : memref<1x128x128xf32, #tpu.memory_space<vmem>> -> memref<128x128xf32, #tpu.memory_space<vmem>>
    %dma_wait3A_283 = arith.constant 0 : i32
    %dma_wait3A_284 = tpu.memref_slice %arg9[%mul3A_186, %dma_wait3A_283] : memref<131072x128xf32, #tpu.memory_space<hbm>> -> memref<128x128xf32, #tpu.memory_space<hbm>>
    %dma_wait3A_285 = arith.constant 0 : i32
    %dma_wait3A_286 = tpu.memref_slice %arg9[%mul3A_186, %dma_wait3A_285] : memref<131072x128xf32, #tpu.memory_space<hbm>> -> memref<128x128xf32, #tpu.memory_space<hbm>>
    %dma_wait3A_287 = arith.constant 0 : i32
    %dma_wait3A_288 = arith.constant 0 : i32
    %dma_wait3A_289 = tpu.memref_slice %arg13[%dma_wait3A_278, %dma_wait3A_287, %dma_wait3A_288] : memref<7x128x128xf32, #tpu.memory_space<vmem>> -> memref<1x128x128xf32, #tpu.memory_space<vmem>>
    %dma_wait3A_290 = tpu.memref_squeeze %dma_wait3A_289 : memref<1x128x128xf32, #tpu.memory_space<vmem>> -> memref<128x128xf32, #tpu.memory_space<vmem>>
    tpu.wait_dma2 semaphore(%arg15 : memref<!tpu.dma_semaphore, #tpu.memory_space<semaphore_mem>>) src(%dma_wait3A_290 : memref<128x128xf32, #tpu.memory_space<vmem>>) dst(%dma_wait3A_286 : memref<128x128xf32, #tpu.memory_space<hbm>>)
    return
  }
}

module attributes {stable_mosaic.version = 14 : i64} {
  func.func @_encode_body(%arg0: i32, %arg1: memref<256x128xf32, #tpu.memory_space<vmem>>, %arg2: memref<8192x128xf32, #tpu.memory_space<vmem>>, %arg3: memref<8192x128xf32, #tpu.memory_space<vmem>>, %arg4: memref<256x32xi32, #tpu.memory_space<vmem>>, %arg5: memref<256x128xf32, #tpu.memory_space<vmem>>, %arg6: memref<1x128xf32, #tpu.memory_space<vmem>>, %arg7: memref<128x128xf32, #tpu.memory_space<vmem>>, %arg8: memref<256x128xf32, #tpu.memory_space<vmem>>) attributes {dimension_semantics = [#tpu.dimension_semantics<arbitrary>], iteration_bounds = array<i64: 16>, scalar_prefetch = 0 : i64, scratch_operands = 0 : i64, tpu.core_type = #tpu.core_type<tc>, window_params = [{transform_indices = @transform_0, window_bounds = array<i64: 256, 128>}, {transform_indices = @transform_1, window_bounds = array<i64: 8192, 128>}, {transform_indices = @transform_2, window_bounds = array<i64: 8192, 128>}, {transform_indices = @transform_3, window_bounds = array<i64: 256, 32>}, {pipeline_mode = #tpu.pipeline_mode<synchronous>, transform_indices = @transform_4, window_bounds = array<i64: 256, 128>}, {pipeline_mode = #tpu.pipeline_mode<synchronous>, transform_indices = @transform_5, window_bounds = array<i64: 1, 128>}, {pipeline_mode = #tpu.pipeline_mode<synchronous>, transform_indices = @transform_6, window_bounds = array<i64: 128, 128>}, {transform_indices = @transform_7, window_bounds = array<i64: 256, 128>}]} {
    %get3A = arith.constant 0 : index
    %get3A_0 = arith.constant 0 : index
    %get3A_1 = vector.load %arg5[%get3A, %get3A_0] : memref<256x128xf32, #tpu.memory_space<vmem>>, vector<256x128xf32>
    %slice3A = vector.extract_strided_slice %get3A_1 {offsets = [0, 0], sizes = [128, 128], strides = [1, 1]} : vector<256x128xf32> to vector<128x128xf32>
    %convert_element_type3A = arith.truncf %slice3A : vector<128x128xf32> to vector<128x128xbf16>
    %convert_element_type3A_2 = arith.extf %convert_element_type3A : vector<128x128xbf16> to vector<128x128xf32>
    %sub3A = arith.subf %slice3A, %convert_element_type3A_2 : vector<128x128xf32>
    %convert_element_type3A_3 = arith.truncf %sub3A : vector<128x128xf32> to vector<128x128xbf16>
    %slice3A_4 = vector.extract_strided_slice %get3A_1 {offsets = [128, 0], sizes = [128, 128], strides = [1, 1]} : vector<256x128xf32> to vector<128x128xf32>
    %convert_element_type3A_5 = arith.truncf %slice3A_4 : vector<128x128xf32> to vector<128x128xbf16>
    %convert_element_type3A_6 = arith.extf %convert_element_type3A_5 : vector<128x128xbf16> to vector<128x128xf32>
    %sub3A_7 = arith.subf %slice3A_4, %convert_element_type3A_6 : vector<128x128xf32>
    %convert_element_type3A_8 = arith.truncf %sub3A_7 : vector<128x128xf32> to vector<128x128xbf16>
    %get3A_9 = arith.constant 0 : index
    %get3A_10 = arith.constant 0 : index
    %get3A_11 = vector.load %arg6[%get3A_9, %get3A_10] : memref<1x128xf32, #tpu.memory_space<vmem>>, vector<1x128xf32>
    %get3A_12 = arith.constant 0 : index
    %get3A_13 = arith.constant 0 : index
    %get3A_14 = vector.load %arg1[%get3A_12, %get3A_13] : memref<256x128xf32, #tpu.memory_space<vmem>>, vector<256x128xf32>
    %get3A_15 = arith.constant 0 : index
    %get3A_16 = arith.constant 0 : index
    %get3A_17 = vector.load %arg7[%get3A_15, %get3A_16] : memref<128x128xf32, #tpu.memory_space<vmem>>, vector<128x128xf32>
    %dot_general3A = arith.constant dense<0.000000e+00> : vector<256x128xf32>
    %dot_general3A_18 = tpu.matmul %get3A_14, %get3A_17, %dot_general3A {dimension_numbers = #tpu.dot_dimension_numbers<[1], [0], [0], [1], [0, 0, 1, 1], [], []>, precision = #tpu.contract_precision<fp32>, transpose_lhs_hint = false} : vector<256x128xf32>, vector<128x128xf32>, vector<256x128xf32> -> vector<256x128xf32>
    %get3A_19 = arith.constant 0 : index
    %get3A_20 = arith.constant 0 : index
    %get3A_21 = vector.load %arg4[%get3A_19, %get3A_20] : memref<256x32xi32, #tpu.memory_space<vmem>>, vector<256x32xi32>
    %ne3A = arith.constant 0 : i32
    %ne3A_22 = vector.broadcast %ne3A : i32 to vector<256x32xi32>
    %ne3A_23 = arith.cmpi ne, %get3A_21, %ne3A_22 : vector<256x32xi32>
    %get3A_24 = arith.constant 0 : index
    %get3A_25 = arith.constant 0 : index
    %get3A_26 = vector.load %arg3[%get3A_24, %get3A_25] : memref<8192x128xf32, #tpu.memory_space<vmem>>, vector<512x128xf32>
    %convert_element_type3A_27 = arith.truncf %get3A_26 : vector<512x128xf32> to vector<512x128xbf16>
    %convert_element_type3A_28 = arith.extf %convert_element_type3A_27 : vector<512x128xbf16> to vector<512x128xf32>
    %sub3A_29 = arith.subf %get3A_26, %convert_element_type3A_28 : vector<512x128xf32>
    %convert_element_type3A_30 = arith.truncf %sub3A_29 : vector<512x128xf32> to vector<512x128xbf16>
    %dot_general3A_31 = arith.constant dense<0.000000e+00> : vector<512x128xf32>
    %dot_general3A_32 = tpu.matmul %convert_element_type3A_27, %convert_element_type3A, %dot_general3A_31 {dimension_numbers = #tpu.dot_dimension_numbers<[1], [0], [0], [1], [0, 0, 1, 1], [], []>, transpose_lhs_hint = false} : vector<512x128xbf16>, vector<128x128xbf16>, vector<512x128xf32> -> vector<512x128xf32>
    %dot_general3A_33 = arith.constant dense<0.000000e+00> : vector<512x128xf32>
    %dot_general3A_34 = tpu.matmul %convert_element_type3A_27, %convert_element_type3A_3, %dot_general3A_33 {dimension_numbers = #tpu.dot_dimension_numbers<[1], [0], [0], [1], [0, 0, 1, 1], [], []>, transpose_lhs_hint = false} : vector<512x128xbf16>, vector<128x128xbf16>, vector<512x128xf32> -> vector<512x128xf32>
    %dot_general3A_35 = arith.constant dense<0.000000e+00> : vector<512x128xf32>
    %dot_general3A_36 = tpu.matmul %convert_element_type3A_30, %convert_element_type3A, %dot_general3A_35 {dimension_numbers = #tpu.dot_dimension_numbers<[1], [0], [0], [1], [0, 0, 1, 1], [], []>, transpose_lhs_hint = false} : vector<512x128xbf16>, vector<128x128xbf16>, vector<512x128xf32> -> vector<512x128xf32>
    %add3A = arith.addf %dot_general3A_34, %dot_general3A_36 : vector<512x128xf32>
    %add3A_37 = arith.addf %dot_general3A_32, %add3A : vector<512x128xf32>
    %get3A_38 = arith.constant 0 : index
    %get3A_39 = arith.constant 0 : index
    %get3A_40 = vector.load %arg2[%get3A_38, %get3A_39] : memref<8192x128xf32, #tpu.memory_space<vmem>>, vector<512x128xf32>
    %convert_element_type3A_41 = arith.truncf %get3A_40 : vector<512x128xf32> to vector<512x128xbf16>
    %convert_element_type3A_42 = arith.extf %convert_element_type3A_41 : vector<512x128xbf16> to vector<512x128xf32>
    %sub3A_43 = arith.subf %get3A_40, %convert_element_type3A_42 : vector<512x128xf32>
    %convert_element_type3A_44 = arith.truncf %sub3A_43 : vector<512x128xf32> to vector<512x128xbf16>
    %dot_general3A_45 = arith.constant dense<0.000000e+00> : vector<512x128xf32>
    %dot_general3A_46 = tpu.matmul %convert_element_type3A_41, %convert_element_type3A_5, %dot_general3A_45 {dimension_numbers = #tpu.dot_dimension_numbers<[1], [0], [0], [1], [0, 0, 1, 1], [], []>, transpose_lhs_hint = false} : vector<512x128xbf16>, vector<128x128xbf16>, vector<512x128xf32> -> vector<512x128xf32>
    %dot_general3A_47 = arith.constant dense<0.000000e+00> : vector<512x128xf32>
    %dot_general3A_48 = tpu.matmul %convert_element_type3A_41, %convert_element_type3A_8, %dot_general3A_47 {dimension_numbers = #tpu.dot_dimension_numbers<[1], [0], [0], [1], [0, 0, 1, 1], [], []>, transpose_lhs_hint = false} : vector<512x128xbf16>, vector<128x128xbf16>, vector<512x128xf32> -> vector<512x128xf32>
    %dot_general3A_49 = arith.constant dense<0.000000e+00> : vector<512x128xf32>
    %dot_general3A_50 = tpu.matmul %convert_element_type3A_44, %convert_element_type3A_5, %dot_general3A_49 {dimension_numbers = #tpu.dot_dimension_numbers<[1], [0], [0], [1], [0, 0, 1, 1], [], []>, transpose_lhs_hint = false} : vector<512x128xbf16>, vector<128x128xbf16>, vector<512x128xf32> -> vector<512x128xf32>
    %add3A_51 = arith.addf %dot_general3A_48, %dot_general3A_50 : vector<512x128xf32>
    %add3A_52 = arith.addf %dot_general3A_46, %add3A_51 : vector<512x128xf32>
    %add3A_53 = arith.addf %add3A_37, %add3A_52 : vector<512x128xf32>
    %add3A_54 = vector.broadcast %get3A_11 : vector<1x128xf32> to vector<512x128xf32>
    %add3A_55 = arith.addf %add3A_53, %add3A_54 : vector<512x128xf32>
    %tanh3A = math.tanh %add3A_55 : vector<512x128xf32>
    %reshape3A = vector.shape_cast %tanh3A : vector<512x128xf32> to vector<16x32x128xf32>
    %slice3A_56 = vector.extract_strided_slice %dot_general3A_18 {offsets = [0, 0], sizes = [16, 128], strides = [1, 1]} : vector<256x128xf32> to vector<16x128xf32>
    %broadcast_in_dim3A = vector.shape_cast %slice3A_56 : vector<16x128xf32> to vector<16x1x128xf32>
    %mul3A = vector.broadcast %broadcast_in_dim3A : vector<16x1x128xf32> to vector<16x32x128xf32>
    %mul3A_57 = arith.mulf %reshape3A, %mul3A : vector<16x32x128xf32>
    %reduce_sum3A = arith.constant dense<0.000000e+00> : vector<16x32xf32>
    %reduce_sum3A_58 = vector.multi_reduction <add>, %mul3A_57, %reduce_sum3A [2] : vector<16x32x128xf32> to vector<16x32xf32>
    %mul3A_59 = arith.constant 0.0883883461 : f32
    %mul3A_60 = vector.broadcast %mul3A_59 : f32 to vector<16x32xf32>
    %mul3A_61 = arith.mulf %reduce_sum3A_58, %mul3A_60 : vector<16x32xf32>
    %slice3A_62 = vector.extract_strided_slice %ne3A_23 {offsets = [0, 0], sizes = [16, 32], strides = [1, 1]} : vector<256x32xi1> to vector<16x32xi1>
    %jit3A = arith.constant -1.000000e+09 : f32
    %broadcast_in_dim3A_63 = vector.broadcast %jit3A : f32 to vector<16x32xf32>
    %select_n3A = arith.select %slice3A_62, %mul3A_61, %broadcast_in_dim3A_63 : vector<16x32xi1>, vector<16x32xf32>
    %reduce_max3A = arith.constant dense<0xFF800000> : vector<16xf32>
    %reduce_max3A_64 = vector.multi_reduction <maximumf>, %select_n3A, %reduce_max3A [1] : vector<16x32xf32> to vector<16xf32>
    %broadcast_in_dim3A_65 = vector.shape_cast %reduce_max3A_64 : vector<16xf32> to vector<16x1xf32>
    %sub3A_66 = vector.broadcast %broadcast_in_dim3A_65 : vector<16x1xf32> to vector<16x32xf32>
    %sub3A_67 = arith.subf %select_n3A, %sub3A_66 : vector<16x32xf32>
    %exp3A = math.exp %sub3A_67 : vector<16x32xf32>
    %reduce_sum3A_68 = arith.constant dense<0.000000e+00> : vector<16xf32>
    %reduce_sum3A_69 = vector.multi_reduction <add>, %exp3A, %reduce_sum3A_68 [1] : vector<16x32xf32> to vector<16xf32>
    %broadcast_in_dim3A_70 = vector.shape_cast %reduce_sum3A_69 : vector<16xf32> to vector<16x1xf32>
    %div3A = vector.broadcast %broadcast_in_dim3A_70 : vector<16x1xf32> to vector<16x32xf32>
    %div3A_71 = arith.divf %exp3A, %div3A : vector<16x32xf32>
    %broadcast_in_dim3A_72 = vector.shape_cast %div3A_71 : vector<16x32xf32> to vector<16x32x1xf32>
    %mul3A_73 = vector.broadcast %broadcast_in_dim3A_72 : vector<16x32x1xf32> to vector<16x32x128xf32>
    %mul3A_74 = arith.mulf %reshape3A, %mul3A_73 : vector<16x32x128xf32>
    %reduce_sum3A_75 = arith.constant dense<0.000000e+00> : vector<16x128xf32>
    %reduce_sum3A_76 = vector.multi_reduction <add>, %mul3A_74, %reduce_sum3A_75 [1] : vector<16x32x128xf32> to vector<16x128xf32>
    %add3A_77 = arith.addf %slice3A_56, %reduce_sum3A_76 : vector<16x128xf32>
    %max3A = arith.constant 0.000000e+00 : f32
    %max3A_78 = vector.broadcast %max3A : f32 to vector<16x128xf32>
    %max3A_79 = arith.maximumf %add3A_77, %max3A_78 : vector<16x128xf32>
    %swap3A = arith.constant 0 : index
    %swap3A_80 = arith.constant 0 : index
    %swap3A_81 = vector.load %arg8[%swap3A, %swap3A_80] : memref<256x128xf32, #tpu.memory_space<vmem>>, vector<16x128xf32>
    tpu.vector_store %arg8[%swap3A, %swap3A_80], %max3A_79 {strides = array<i32>} : memref<256x128xf32, #tpu.memory_space<vmem>>, vector<16x128xf32>,
    %get3A_82 = arith.constant 512 : index
    %get3A_83 = arith.constant 0 : index
    %get3A_84 = vector.load %arg3[%get3A_82, %get3A_83] : memref<8192x128xf32, #tpu.memory_space<vmem>>, vector<512x128xf32>
    %convert_element_type3A_85 = arith.truncf %get3A_84 : vector<512x128xf32> to vector<512x128xbf16>
    %convert_element_type3A_86 = arith.extf %convert_element_type3A_85 : vector<512x128xbf16> to vector<512x128xf32>
    %sub3A_87 = arith.subf %get3A_84, %convert_element_type3A_86 : vector<512x128xf32>
    %convert_element_type3A_88 = arith.truncf %sub3A_87 : vector<512x128xf32> to vector<512x128xbf16>
    %dot_general3A_89 = arith.constant dense<0.000000e+00> : vector<512x128xf32>
    %dot_general3A_90 = tpu.matmul %convert_element_type3A_85, %convert_element_type3A, %dot_general3A_89 {dimension_numbers = #tpu.dot_dimension_numbers<[1], [0], [0], [1], [0, 0, 1, 1], [], []>, transpose_lhs_hint = false} : vector<512x128xbf16>, vector<128x128xbf16>, vector<512x128xf32> -> vector<512x128xf32>
    %dot_general3A_91 = arith.constant dense<0.000000e+00> : vector<512x128xf32>
    %dot_general3A_92 = tpu.matmul %convert_element_type3A_85, %convert_element_type3A_3, %dot_general3A_91 {dimension_numbers = #tpu.dot_dimension_numbers<[1], [0], [0], [1], [0, 0, 1, 1], [], []>, transpose_lhs_hint = false} : vector<512x128xbf16>, vector<128x128xbf16>, vector<512x128xf32> -> vector<512x128xf32>
    %dot_general3A_93 = arith.constant dense<0.000000e+00> : vector<512x128xf32>
    %dot_general3A_94 = tpu.matmul %convert_element_type3A_88, %convert_element_type3A, %dot_general3A_93 {dimension_numbers = #tpu.dot_dimension_numbers<[1], [0], [0], [1], [0, 0, 1, 1], [], []>, transpose_lhs_hint = false} : vector<512x128xbf16>, vector<128x128xbf16>, vector<512x128xf32> -> vector<512x128xf32>
    %add3A_95 = arith.addf %dot_general3A_92, %dot_general3A_94 : vector<512x128xf32>
    %add3A_96 = arith.addf %dot_general3A_90, %add3A_95 : vector<512x128xf32>
    %get3A_97 = arith.constant 512 : index
    %get3A_98 = arith.constant 0 : index
    %get3A_99 = vector.load %arg2[%get3A_97, %get3A_98] : memref<8192x128xf32, #tpu.memory_space<vmem>>, vector<512x128xf32>
    %convert_element_type3A_100 = arith.truncf %get3A_99 : vector<512x128xf32> to vector<512x128xbf16>
    %convert_element_type3A_101 = arith.extf %convert_element_type3A_100 : vector<512x128xbf16> to vector<512x128xf32>
    %sub3A_102 = arith.subf %get3A_99, %convert_element_type3A_101 : vector<512x128xf32>
    %convert_element_type3A_103 = arith.truncf %sub3A_102 : vector<512x128xf32> to vector<512x128xbf16>
    %dot_general3A_104 = arith.constant dense<0.000000e+00> : vector<512x128xf32>
    %dot_general3A_105 = tpu.matmul %convert_element_type3A_100, %convert_element_type3A_5, %dot_general3A_104 {dimension_numbers = #tpu.dot_dimension_numbers<[1], [0], [0], [1], [0, 0, 1, 1], [], []>, transpose_lhs_hint = false} : vector<512x128xbf16>, vector<128x128xbf16>, vector<512x128xf32> -> vector<512x128xf32>
    %dot_general3A_106 = arith.constant dense<0.000000e+00> : vector<512x128xf32>
    %dot_general3A_107 = tpu.matmul %convert_element_type3A_100, %convert_element_type3A_8, %dot_general3A_106 {dimension_numbers = #tpu.dot_dimension_numbers<[1], [0], [0], [1], [0, 0, 1, 1], [], []>, transpose_lhs_hint = false} : vector<512x128xbf16>, vector<128x128xbf16>, vector<512x128xf32> -> vector<512x128xf32>
    %dot_general3A_108 = arith.constant dense<0.000000e+00> : vector<512x128xf32>
    %dot_general3A_109 = tpu.matmul %convert_element_type3A_103, %convert_element_type3A_5, %dot_general3A_108 {dimension_numbers = #tpu.dot_dimension_numbers<[1], [0], [0], [1], [0, 0, 1, 1], [], []>, transpose_lhs_hint = false} : vector<512x128xbf16>, vector<128x128xbf16>, vector<512x128xf32> -> vector<512x128xf32>
    %add3A_110 = arith.addf %dot_general3A_107, %dot_general3A_109 : vector<512x128xf32>
    %add3A_111 = arith.addf %dot_general3A_105, %add3A_110 : vector<512x128xf32>
    %add3A_112 = arith.addf %add3A_96, %add3A_111 : vector<512x128xf32>
    %add3A_113 = vector.broadcast %get3A_11 : vector<1x128xf32> to vector<512x128xf32>
    %add3A_114 = arith.addf %add3A_112, %add3A_113 : vector<512x128xf32>
    %tanh3A_115 = math.tanh %add3A_114 : vector<512x128xf32>
    %reshape3A_116 = vector.shape_cast %tanh3A_115 : vector<512x128xf32> to vector<16x32x128xf32>
    %slice3A_117 = vector.extract_strided_slice %dot_general3A_18 {offsets = [16, 0], sizes = [16, 128], strides = [1, 1]} : vector<256x128xf32> to vector<16x128xf32>
    %broadcast_in_dim3A_118 = vector.shape_cast %slice3A_117 : vector<16x128xf32> to vector<16x1x128xf32>
    %mul3A_119 = vector.broadcast %broadcast_in_dim3A_118 : vector<16x1x128xf32> to vector<16x32x128xf32>
    %mul3A_120 = arith.mulf %reshape3A_116, %mul3A_119 : vector<16x32x128xf32>
    %reduce_sum3A_121 = arith.constant dense<0.000000e+00> : vector<16x32xf32>
    %reduce_sum3A_122 = vector.multi_reduction <add>, %mul3A_120, %reduce_sum3A_121 [2] : vector<16x32x128xf32> to vector<16x32xf32>
    %mul3A_123 = arith.constant 0.0883883461 : f32
    %mul3A_124 = vector.broadcast %mul3A_123 : f32 to vector<16x32xf32>
    %mul3A_125 = arith.mulf %reduce_sum3A_122, %mul3A_124 : vector<16x32xf32>
    %slice3A_126 = vector.extract_strided_slice %ne3A_23 {offsets = [16, 0], sizes = [16, 32], strides = [1, 1]} : vector<256x32xi1> to vector<16x32xi1>
    %jit3A_127 = arith.constant -1.000000e+09 : f32
    %broadcast_in_dim3A_128 = vector.broadcast %jit3A_127 : f32 to vector<16x32xf32>
    %select_n3A_129 = arith.select %slice3A_126, %mul3A_125, %broadcast_in_dim3A_128 : vector<16x32xi1>, vector<16x32xf32>
    %reduce_max3A_130 = arith.constant dense<0xFF800000> : vector<16xf32>
    %reduce_max3A_131 = vector.multi_reduction <maximumf>, %select_n3A_129, %reduce_max3A_130 [1] : vector<16x32xf32> to vector<16xf32>
    %broadcast_in_dim3A_132 = vector.shape_cast %reduce_max3A_131 : vector<16xf32> to vector<16x1xf32>
    %sub3A_133 = vector.broadcast %broadcast_in_dim3A_132 : vector<16x1xf32> to vector<16x32xf32>
    %sub3A_134 = arith.subf %select_n3A_129, %sub3A_133 : vector<16x32xf32>
    %exp3A_135 = math.exp %sub3A_134 : vector<16x32xf32>
    %reduce_sum3A_136 = arith.constant dense<0.000000e+00> : vector<16xf32>
    %reduce_sum3A_137 = vector.multi_reduction <add>, %exp3A_135, %reduce_sum3A_136 [1] : vector<16x32xf32> to vector<16xf32>
    %broadcast_in_dim3A_138 = vector.shape_cast %reduce_sum3A_137 : vector<16xf32> to vector<16x1xf32>
    %div3A_139 = vector.broadcast %broadcast_in_dim3A_138 : vector<16x1xf32> to vector<16x32xf32>
    %div3A_140 = arith.divf %exp3A_135, %div3A_139 : vector<16x32xf32>
    %broadcast_in_dim3A_141 = vector.shape_cast %div3A_140 : vector<16x32xf32> to vector<16x32x1xf32>
    %mul3A_142 = vector.broadcast %broadcast_in_dim3A_141 : vector<16x32x1xf32> to vector<16x32x128xf32>
    %mul3A_143 = arith.mulf %reshape3A_116, %mul3A_142 : vector<16x32x128xf32>
    %reduce_sum3A_144 = arith.constant dense<0.000000e+00> : vector<16x128xf32>
    %reduce_sum3A_145 = vector.multi_reduction <add>, %mul3A_143, %reduce_sum3A_144 [1] : vector<16x32x128xf32> to vector<16x128xf32>
    %add3A_146 = arith.addf %slice3A_117, %reduce_sum3A_145 : vector<16x128xf32>
    %max3A_147 = arith.constant 0.000000e+00 : f32
    %max3A_148 = vector.broadcast %max3A_147 : f32 to vector<16x128xf32>
    %max3A_149 = arith.maximumf %add3A_146, %max3A_148 : vector<16x128xf32>
    %swap3A_150 = arith.constant 16 : index
    %swap3A_151 = arith.constant 0 : index
    %swap3A_152 = vector.load %arg8[%swap3A_150, %swap3A_151] : memref<256x128xf32, #tpu.memory_space<vmem>>, vector<16x128xf32>
    tpu.vector_store %arg8[%swap3A_150, %swap3A_151], %max3A_149 {strides = array<i32>} : memref<256x128xf32, #tpu.memory_space<vmem>>, vector<16x128xf32>,
    %get3A_153 = arith.constant 1024 : index
    %get3A_154 = arith.constant 0 : index
    %get3A_155 = vector.load %arg3[%get3A_153, %get3A_154] : memref<8192x128xf32, #tpu.memory_space<vmem>>, vector<512x128xf32>
    %convert_element_type3A_156 = arith.truncf %get3A_155 : vector<512x128xf32> to vector<512x128xbf16>
    %convert_element_type3A_157 = arith.extf %convert_element_type3A_156 : vector<512x128xbf16> to vector<512x128xf32>
    %sub3A_158 = arith.subf %get3A_155, %convert_element_type3A_157 : vector<512x128xf32>
    %convert_element_type3A_159 = arith.truncf %sub3A_158 : vector<512x128xf32> to vector<512x128xbf16>
    %dot_general3A_160 = arith.constant dense<0.000000e+00> : vector<512x128xf32>
    %dot_general3A_161 = tpu.matmul %convert_element_type3A_156, %convert_element_type3A, %dot_general3A_160 {dimension_numbers = #tpu.dot_dimension_numbers<[1], [0], [0], [1], [0, 0, 1, 1], [], []>, transpose_lhs_hint = false} : vector<512x128xbf16>, vector<128x128xbf16>, vector<512x128xf32> -> vector<512x128xf32>
    %dot_general3A_162 = arith.constant dense<0.000000e+00> : vector<512x128xf32>
    %dot_general3A_163 = tpu.matmul %convert_element_type3A_156, %convert_element_type3A_3, %dot_general3A_162 {dimension_numbers = #tpu.dot_dimension_numbers<[1], [0], [0], [1], [0, 0, 1, 1], [], []>, transpose_lhs_hint = false} : vector<512x128xbf16>, vector<128x128xbf16>, vector<512x128xf32> -> vector<512x128xf32>
    %dot_general3A_164 = arith.constant dense<0.000000e+00> : vector<512x128xf32>
    %dot_general3A_165 = tpu.matmul %convert_element_type3A_159, %convert_element_type3A, %dot_general3A_164 {dimension_numbers = #tpu.dot_dimension_numbers<[1], [0], [0], [1], [0, 0, 1, 1], [], []>, transpose_lhs_hint = false} : vector<512x128xbf16>, vector<128x128xbf16>, vector<512x128xf32> -> vector<512x128xf32>
    %add3A_166 = arith.addf %dot_general3A_163, %dot_general3A_165 : vector<512x128xf32>
    %add3A_167 = arith.addf %dot_general3A_161, %add3A_166 : vector<512x128xf32>
    %get3A_168 = arith.constant 1024 : index
    %get3A_169 = arith.constant 0 : index
    %get3A_170 = vector.load %arg2[%get3A_168, %get3A_169] : memref<8192x128xf32, #tpu.memory_space<vmem>>, vector<512x128xf32>
    %convert_element_type3A_171 = arith.truncf %get3A_170 : vector<512x128xf32> to vector<512x128xbf16>
    %convert_element_type3A_172 = arith.extf %convert_element_type3A_171 : vector<512x128xbf16> to vector<512x128xf32>
    %sub3A_173 = arith.subf %get3A_170, %convert_element_type3A_172 : vector<512x128xf32>
    %convert_element_type3A_174 = arith.truncf %sub3A_173 : vector<512x128xf32> to vector<512x128xbf16>
    %dot_general3A_175 = arith.constant dense<0.000000e+00> : vector<512x128xf32>
    %dot_general3A_176 = tpu.matmul %convert_element_type3A_171, %convert_element_type3A_5, %dot_general3A_175 {dimension_numbers = #tpu.dot_dimension_numbers<[1], [0], [0], [1], [0, 0, 1, 1], [], []>, transpose_lhs_hint = false} : vector<512x128xbf16>, vector<128x128xbf16>, vector<512x128xf32> -> vector<512x128xf32>
    %dot_general3A_177 = arith.constant dense<0.000000e+00> : vector<512x128xf32>
    %dot_general3A_178 = tpu.matmul %convert_element_type3A_171, %convert_element_type3A_8, %dot_general3A_177 {dimension_numbers = #tpu.dot_dimension_numbers<[1], [0], [0], [1], [0, 0, 1, 1], [], []>, transpose_lhs_hint = false} : vector<512x128xbf16>, vector<128x128xbf16>, vector<512x128xf32> -> vector<512x128xf32>
    %dot_general3A_179 = arith.constant dense<0.000000e+00> : vector<512x128xf32>
    %dot_general3A_180 = tpu.matmul %convert_element_type3A_174, %convert_element_type3A_5, %dot_general3A_179 {dimension_numbers = #tpu.dot_dimension_numbers<[1], [0], [0], [1], [0, 0, 1, 1], [], []>, transpose_lhs_hint = false} : vector<512x128xbf16>, vector<128x128xbf16>, vector<512x128xf32> -> vector<512x128xf32>
    %add3A_181 = arith.addf %dot_general3A_178, %dot_general3A_180 : vector<512x128xf32>
    %add3A_182 = arith.addf %dot_general3A_176, %add3A_181 : vector<512x128xf32>
    %add3A_183 = arith.addf %add3A_167, %add3A_182 : vector<512x128xf32>
    %add3A_184 = vector.broadcast %get3A_11 : vector<1x128xf32> to vector<512x128xf32>
    %add3A_185 = arith.addf %add3A_183, %add3A_184 : vector<512x128xf32>
    %tanh3A_186 = math.tanh %add3A_185 : vector<512x128xf32>
    %reshape3A_187 = vector.shape_cast %tanh3A_186 : vector<512x128xf32> to vector<16x32x128xf32>
    %slice3A_188 = vector.extract_strided_slice %dot_general3A_18 {offsets = [32, 0], sizes = [16, 128], strides = [1, 1]} : vector<256x128xf32> to vector<16x128xf32>
    %broadcast_in_dim3A_189 = vector.shape_cast %slice3A_188 : vector<16x128xf32> to vector<16x1x128xf32>
    %mul3A_190 = vector.broadcast %broadcast_in_dim3A_189 : vector<16x1x128xf32> to vector<16x32x128xf32>
    %mul3A_191 = arith.mulf %reshape3A_187, %mul3A_190 : vector<16x32x128xf32>
    %reduce_sum3A_192 = arith.constant dense<0.000000e+00> : vector<16x32xf32>
    %reduce_sum3A_193 = vector.multi_reduction <add>, %mul3A_191, %reduce_sum3A_192 [2] : vector<16x32x128xf32> to vector<16x32xf32>
    %mul3A_194 = arith.constant 0.0883883461 : f32
    %mul3A_195 = vector.broadcast %mul3A_194 : f32 to vector<16x32xf32>
    %mul3A_196 = arith.mulf %reduce_sum3A_193, %mul3A_195 : vector<16x32xf32>
    %slice3A_197 = vector.extract_strided_slice %ne3A_23 {offsets = [32, 0], sizes = [16, 32], strides = [1, 1]} : vector<256x32xi1> to vector<16x32xi1>
    %jit3A_198 = arith.constant -1.000000e+09 : f32
    %broadcast_in_dim3A_199 = vector.broadcast %jit3A_198 : f32 to vector<16x32xf32>
    %select_n3A_200 = arith.select %slice3A_197, %mul3A_196, %broadcast_in_dim3A_199 : vector<16x32xi1>, vector<16x32xf32>
    %reduce_max3A_201 = arith.constant dense<0xFF800000> : vector<16xf32>
    %reduce_max3A_202 = vector.multi_reduction <maximumf>, %select_n3A_200, %reduce_max3A_201 [1] : vector<16x32xf32> to vector<16xf32>
    %broadcast_in_dim3A_203 = vector.shape_cast %reduce_max3A_202 : vector<16xf32> to vector<16x1xf32>
    %sub3A_204 = vector.broadcast %broadcast_in_dim3A_203 : vector<16x1xf32> to vector<16x32xf32>
    %sub3A_205 = arith.subf %select_n3A_200, %sub3A_204 : vector<16x32xf32>
    %exp3A_206 = math.exp %sub3A_205 : vector<16x32xf32>
    %reduce_sum3A_207 = arith.constant dense<0.000000e+00> : vector<16xf32>
    %reduce_sum3A_208 = vector.multi_reduction <add>, %exp3A_206, %reduce_sum3A_207 [1] : vector<16x32xf32> to vector<16xf32>
    %broadcast_in_dim3A_209 = vector.shape_cast %reduce_sum3A_208 : vector<16xf32> to vector<16x1xf32>
    %div3A_210 = vector.broadcast %broadcast_in_dim3A_209 : vector<16x1xf32> to vector<16x32xf32>
    %div3A_211 = arith.divf %exp3A_206, %div3A_210 : vector<16x32xf32>
    %broadcast_in_dim3A_212 = vector.shape_cast %div3A_211 : vector<16x32xf32> to vector<16x32x1xf32>
    %mul3A_213 = vector.broadcast %broadcast_in_dim3A_212 : vector<16x32x1xf32> to vector<16x32x128xf32>
    %mul3A_214 = arith.mulf %reshape3A_187, %mul3A_213 : vector<16x32x128xf32>
    %reduce_sum3A_215 = arith.constant dense<0.000000e+00> : vector<16x128xf32>
    %reduce_sum3A_216 = vector.multi_reduction <add>, %mul3A_214, %reduce_sum3A_215 [1] : vector<16x32x128xf32> to vector<16x128xf32>
    %add3A_217 = arith.addf %slice3A_188, %reduce_sum3A_216 : vector<16x128xf32>
    %max3A_218 = arith.constant 0.000000e+00 : f32
    %max3A_219 = vector.broadcast %max3A_218 : f32 to vector<16x128xf32>
    %max3A_220 = arith.maximumf %add3A_217, %max3A_219 : vector<16x128xf32>
    %swap3A_221 = arith.constant 32 : index
    %swap3A_222 = arith.constant 0 : index
    %swap3A_223 = vector.load %arg8[%swap3A_221, %swap3A_222] : memref<256x128xf32, #tpu.memory_space<vmem>>, vector<16x128xf32>
    tpu.vector_store %arg8[%swap3A_221, %swap3A_222], %max3A_220 {strides = array<i32>} : memref<256x128xf32, #tpu.memory_space<vmem>>, vector<16x128xf32>,
    %get3A_224 = arith.constant 1536 : index
    %get3A_225 = arith.constant 0 : index
    %get3A_226 = vector.load %arg3[%get3A_224, %get3A_225] : memref<8192x128xf32, #tpu.memory_space<vmem>>, vector<512x128xf32>
    %convert_element_type3A_227 = arith.truncf %get3A_226 : vector<512x128xf32> to vector<512x128xbf16>
    %convert_element_type3A_228 = arith.extf %convert_element_type3A_227 : vector<512x128xbf16> to vector<512x128xf32>
    %sub3A_229 = arith.subf %get3A_226, %convert_element_type3A_228 : vector<512x128xf32>
    %convert_element_type3A_230 = arith.truncf %sub3A_229 : vector<512x128xf32> to vector<512x128xbf16>
    %dot_general3A_231 = arith.constant dense<0.000000e+00> : vector<512x128xf32>
    %dot_general3A_232 = tpu.matmul %convert_element_type3A_227, %convert_element_type3A, %dot_general3A_231 {dimension_numbers = #tpu.dot_dimension_numbers<[1], [0], [0], [1], [0, 0, 1, 1], [], []>, transpose_lhs_hint = false} : vector<512x128xbf16>, vector<128x128xbf16>, vector<512x128xf32> -> vector<512x128xf32>
    %dot_general3A_233 = arith.constant dense<0.000000e+00> : vector<512x128xf32>
    %dot_general3A_234 = tpu.matmul %convert_element_type3A_227, %convert_element_type3A_3, %dot_general3A_233 {dimension_numbers = #tpu.dot_dimension_numbers<[1], [0], [0], [1], [0, 0, 1, 1], [], []>, transpose_lhs_hint = false} : vector<512x128xbf16>, vector<128x128xbf16>, vector<512x128xf32> -> vector<512x128xf32>
    %dot_general3A_235 = arith.constant dense<0.000000e+00> : vector<512x128xf32>
    %dot_general3A_236 = tpu.matmul %convert_element_type3A_230, %convert_element_type3A, %dot_general3A_235 {dimension_numbers = #tpu.dot_dimension_numbers<[1], [0], [0], [1], [0, 0, 1, 1], [], []>, transpose_lhs_hint = false} : vector<512x128xbf16>, vector<128x128xbf16>, vector<512x128xf32> -> vector<512x128xf32>
    %add3A_237 = arith.addf %dot_general3A_234, %dot_general3A_236 : vector<512x128xf32>
    %add3A_238 = arith.addf %dot_general3A_232, %add3A_237 : vector<512x128xf32>
    %get3A_239 = arith.constant 1536 : index
    %get3A_240 = arith.constant 0 : index
    %get3A_241 = vector.load %arg2[%get3A_239, %get3A_240] : memref<8192x128xf32, #tpu.memory_space<vmem>>, vector<512x128xf32>
    %convert_element_type3A_242 = arith.truncf %get3A_241 : vector<512x128xf32> to vector<512x128xbf16>
    %convert_element_type3A_243 = arith.extf %convert_element_type3A_242 : vector<512x128xbf16> to vector<512x128xf32>
    %sub3A_244 = arith.subf %get3A_241, %convert_element_type3A_243 : vector<512x128xf32>
    %convert_element_type3A_245 = arith.truncf %sub3A_244 : vector<512x128xf32> to vector<512x128xbf16>
    %dot_general3A_246 = arith.constant dense<0.000000e+00> : vector<512x128xf32>
    %dot_general3A_247 = tpu.matmul %convert_element_type3A_242, %convert_element_type3A_5, %dot_general3A_246 {dimension_numbers = #tpu.dot_dimension_numbers<[1], [0], [0], [1], [0, 0, 1, 1], [], []>, transpose_lhs_hint = false} : vector<512x128xbf16>, vector<128x128xbf16>, vector<512x128xf32> -> vector<512x128xf32>
    %dot_general3A_248 = arith.constant dense<0.000000e+00> : vector<512x128xf32>
    %dot_general3A_249 = tpu.matmul %convert_element_type3A_242, %convert_element_type3A_8, %dot_general3A_248 {dimension_numbers = #tpu.dot_dimension_numbers<[1], [0], [0], [1], [0, 0, 1, 1], [], []>, transpose_lhs_hint = false} : vector<512x128xbf16>, vector<128x128xbf16>, vector<512x128xf32> -> vector<512x128xf32>
    %dot_general3A_250 = arith.constant dense<0.000000e+00> : vector<512x128xf32>
    %dot_general3A_251 = tpu.matmul %convert_element_type3A_245, %convert_element_type3A_5, %dot_general3A_250 {dimension_numbers = #tpu.dot_dimension_numbers<[1], [0], [0], [1], [0, 0, 1, 1], [], []>, transpose_lhs_hint = false} : vector<512x128xbf16>, vector<128x128xbf16>, vector<512x128xf32> -> vector<512x128xf32>
    %add3A_252 = arith.addf %dot_general3A_249, %dot_general3A_251 : vector<512x128xf32>
    %add3A_253 = arith.addf %dot_general3A_247, %add3A_252 : vector<512x128xf32>
    %add3A_254 = arith.addf %add3A_238, %add3A_253 : vector<512x128xf32>
    %add3A_255 = vector.broadcast %get3A_11 : vector<1x128xf32> to vector<512x128xf32>
    %add3A_256 = arith.addf %add3A_254, %add3A_255 : vector<512x128xf32>
    %tanh3A_257 = math.tanh %add3A_256 : vector<512x128xf32>
    %reshape3A_258 = vector.shape_cast %tanh3A_257 : vector<512x128xf32> to vector<16x32x128xf32>
    %slice3A_259 = vector.extract_strided_slice %dot_general3A_18 {offsets = [48, 0], sizes = [16, 128], strides = [1, 1]} : vector<256x128xf32> to vector<16x128xf32>
    %broadcast_in_dim3A_260 = vector.shape_cast %slice3A_259 : vector<16x128xf32> to vector<16x1x128xf32>
    %mul3A_261 = vector.broadcast %broadcast_in_dim3A_260 : vector<16x1x128xf32> to vector<16x32x128xf32>
    %mul3A_262 = arith.mulf %reshape3A_258, %mul3A_261 : vector<16x32x128xf32>
    %reduce_sum3A_263 = arith.constant dense<0.000000e+00> : vector<16x32xf32>
    %reduce_sum3A_264 = vector.multi_reduction <add>, %mul3A_262, %reduce_sum3A_263 [2] : vector<16x32x128xf32> to vector<16x32xf32>
    %mul3A_265 = arith.constant 0.0883883461 : f32
    %mul3A_266 = vector.broadcast %mul3A_265 : f32 to vector<16x32xf32>
    %mul3A_267 = arith.mulf %reduce_sum3A_264, %mul3A_266 : vector<16x32xf32>
    %slice3A_268 = vector.extract_strided_slice %ne3A_23 {offsets = [48, 0], sizes = [16, 32], strides = [1, 1]} : vector<256x32xi1> to vector<16x32xi1>
    %jit3A_269 = arith.constant -1.000000e+09 : f32
    %broadcast_in_dim3A_270 = vector.broadcast %jit3A_269 : f32 to vector<16x32xf32>
    %select_n3A_271 = arith.select %slice3A_268, %mul3A_267, %broadcast_in_dim3A_270 : vector<16x32xi1>, vector<16x32xf32>
    %reduce_max3A_272 = arith.constant dense<0xFF800000> : vector<16xf32>
    %reduce_max3A_273 = vector.multi_reduction <maximumf>, %select_n3A_271, %reduce_max3A_272 [1] : vector<16x32xf32> to vector<16xf32>
    %broadcast_in_dim3A_274 = vector.shape_cast %reduce_max3A_273 : vector<16xf32> to vector<16x1xf32>
    %sub3A_275 = vector.broadcast %broadcast_in_dim3A_274 : vector<16x1xf32> to vector<16x32xf32>
    %sub3A_276 = arith.subf %select_n3A_271, %sub3A_275 : vector<16x32xf32>
    %exp3A_277 = math.exp %sub3A_276 : vector<16x32xf32>
    %reduce_sum3A_278 = arith.constant dense<0.000000e+00> : vector<16xf32>
    %reduce_sum3A_279 = vector.multi_reduction <add>, %exp3A_277, %reduce_sum3A_278 [1] : vector<16x32xf32> to vector<16xf32>
    %broadcast_in_dim3A_280 = vector.shape_cast %reduce_sum3A_279 : vector<16xf32> to vector<16x1xf32>
    %div3A_281 = vector.broadcast %broadcast_in_dim3A_280 : vector<16x1xf32> to vector<16x32xf32>
    %div3A_282 = arith.divf %exp3A_277, %div3A_281 : vector<16x32xf32>
    %broadcast_in_dim3A_283 = vector.shape_cast %div3A_282 : vector<16x32xf32> to vector<16x32x1xf32>
    %mul3A_284 = vector.broadcast %broadcast_in_dim3A_283 : vector<16x32x1xf32> to vector<16x32x128xf32>
    %mul3A_285 = arith.mulf %reshape3A_258, %mul3A_284 : vector<16x32x128xf32>
    %reduce_sum3A_286 = arith.constant dense<0.000000e+00> : vector<16x128xf32>
    %reduce_sum3A_287 = vector.multi_reduction <add>, %mul3A_285, %reduce_sum3A_286 [1] : vector<16x32x128xf32> to vector<16x128xf32>
    %add3A_288 = arith.addf %slice3A_259, %reduce_sum3A_287 : vector<16x128xf32>
    %max3A_289 = arith.constant 0.000000e+00 : f32
    %max3A_290 = vector.broadcast %max3A_289 : f32 to vector<16x128xf32>
    %max3A_291 = arith.maximumf %add3A_288, %max3A_290 : vector<16x128xf32>
    %swap3A_292 = arith.constant 48 : index
    %swap3A_293 = arith.constant 0 : index
    %swap3A_294 = vector.load %arg8[%swap3A_292, %swap3A_293] : memref<256x128xf32, #tpu.memory_space<vmem>>, vector<16x128xf32>
    tpu.vector_store %arg8[%swap3A_292, %swap3A_293], %max3A_291 {strides = array<i32>} : memref<256x128xf32, #tpu.memory_space<vmem>>, vector<16x128xf32>,
    %get3A_295 = arith.constant 2048 : index
    %get3A_296 = arith.constant 0 : index
    %get3A_297 = vector.load %arg3[%get3A_295, %get3A_296] : memref<8192x128xf32, #tpu.memory_space<vmem>>, vector<512x128xf32>
    %convert_element_type3A_298 = arith.truncf %get3A_297 : vector<512x128xf32> to vector<512x128xbf16>
    %convert_element_type3A_299 = arith.extf %convert_element_type3A_298 : vector<512x128xbf16> to vector<512x128xf32>
    %sub3A_300 = arith.subf %get3A_297, %convert_element_type3A_299 : vector<512x128xf32>
    %convert_element_type3A_301 = arith.truncf %sub3A_300 : vector<512x128xf32> to vector<512x128xbf16>
    %dot_general3A_302 = arith.constant dense<0.000000e+00> : vector<512x128xf32>
    %dot_general3A_303 = tpu.matmul %convert_element_type3A_298, %convert_element_type3A, %dot_general3A_302 {dimension_numbers = #tpu.dot_dimension_numbers<[1], [0], [0], [1], [0, 0, 1, 1], [], []>, transpose_lhs_hint = false} : vector<512x128xbf16>, vector<128x128xbf16>, vector<512x128xf32> -> vector<512x128xf32>
    %dot_general3A_304 = arith.constant dense<0.000000e+00> : vector<512x128xf32>
    %dot_general3A_305 = tpu.matmul %convert_element_type3A_298, %convert_element_type3A_3, %dot_general3A_304 {dimension_numbers = #tpu.dot_dimension_numbers<[1], [0], [0], [1], [0, 0, 1, 1], [], []>, transpose_lhs_hint = false} : vector<512x128xbf16>, vector<128x128xbf16>, vector<512x128xf32> -> vector<512x128xf32>
    %dot_general3A_306 = arith.constant dense<0.000000e+00> : vector<512x128xf32>
    %dot_general3A_307 = tpu.matmul %convert_element_type3A_301, %convert_element_type3A, %dot_general3A_306 {dimension_numbers = #tpu.dot_dimension_numbers<[1], [0], [0], [1], [0, 0, 1, 1], [], []>, transpose_lhs_hint = false} : vector<512x128xbf16>, vector<128x128xbf16>, vector<512x128xf32> -> vector<512x128xf32>
    %add3A_308 = arith.addf %dot_general3A_305, %dot_general3A_307 : vector<512x128xf32>
    %add3A_309 = arith.addf %dot_general3A_303, %add3A_308 : vector<512x128xf32>
    %get3A_310 = arith.constant 2048 : index
    %get3A_311 = arith.constant 0 : index
    %get3A_312 = vector.load %arg2[%get3A_310, %get3A_311] : memref<8192x128xf32, #tpu.memory_space<vmem>>, vector<512x128xf32>
    %convert_element_type3A_313 = arith.truncf %get3A_312 : vector<512x128xf32> to vector<512x128xbf16>
    %convert_element_type3A_314 = arith.extf %convert_element_type3A_313 : vector<512x128xbf16> to vector<512x128xf32>
    %sub3A_315 = arith.subf %get3A_312, %convert_element_type3A_314 : vector<512x128xf32>
    %convert_element_type3A_316 = arith.truncf %sub3A_315 : vector<512x128xf32> to vector<512x128xbf16>
    %dot_general3A_317 = arith.constant dense<0.000000e+00> : vector<512x128xf32>
    %dot_general3A_318 = tpu.matmul %convert_element_type3A_313, %convert_element_type3A_5, %dot_general3A_317 {dimension_numbers = #tpu.dot_dimension_numbers<[1], [0], [0], [1], [0, 0, 1, 1], [], []>, transpose_lhs_hint = false} : vector<512x128xbf16>, vector<128x128xbf16>, vector<512x128xf32> -> vector<512x128xf32>
    %dot_general3A_319 = arith.constant dense<0.000000e+00> : vector<512x128xf32>
    %dot_general3A_320 = tpu.matmul %convert_element_type3A_313, %convert_element_type3A_8, %dot_general3A_319 {dimension_numbers = #tpu.dot_dimension_numbers<[1], [0], [0], [1], [0, 0, 1, 1], [], []>, transpose_lhs_hint = false} : vector<512x128xbf16>, vector<128x128xbf16>, vector<512x128xf32> -> vector<512x128xf32>
    %dot_general3A_321 = arith.constant dense<0.000000e+00> : vector<512x128xf32>
    %dot_general3A_322 = tpu.matmul %convert_element_type3A_316, %convert_element_type3A_5, %dot_general3A_321 {dimension_numbers = #tpu.dot_dimension_numbers<[1], [0], [0], [1], [0, 0, 1, 1], [], []>, transpose_lhs_hint = false} : vector<512x128xbf16>, vector<128x128xbf16>, vector<512x128xf32> -> vector<512x128xf32>
    %add3A_323 = arith.addf %dot_general3A_320, %dot_general3A_322 : vector<512x128xf32>
    %add3A_324 = arith.addf %dot_general3A_318, %add3A_323 : vector<512x128xf32>
    %add3A_325 = arith.addf %add3A_309, %add3A_324 : vector<512x128xf32>
    %add3A_326 = vector.broadcast %get3A_11 : vector<1x128xf32> to vector<512x128xf32>
    %add3A_327 = arith.addf %add3A_325, %add3A_326 : vector<512x128xf32>
    %tanh3A_328 = math.tanh %add3A_327 : vector<512x128xf32>
    %reshape3A_329 = vector.shape_cast %tanh3A_328 : vector<512x128xf32> to vector<16x32x128xf32>
    %slice3A_330 = vector.extract_strided_slice %dot_general3A_18 {offsets = [64, 0], sizes = [16, 128], strides = [1, 1]} : vector<256x128xf32> to vector<16x128xf32>
    %broadcast_in_dim3A_331 = vector.shape_cast %slice3A_330 : vector<16x128xf32> to vector<16x1x128xf32>
    %mul3A_332 = vector.broadcast %broadcast_in_dim3A_331 : vector<16x1x128xf32> to vector<16x32x128xf32>
    %mul3A_333 = arith.mulf %reshape3A_329, %mul3A_332 : vector<16x32x128xf32>
    %reduce_sum3A_334 = arith.constant dense<0.000000e+00> : vector<16x32xf32>
    %reduce_sum3A_335 = vector.multi_reduction <add>, %mul3A_333, %reduce_sum3A_334 [2] : vector<16x32x128xf32> to vector<16x32xf32>
    %mul3A_336 = arith.constant 0.0883883461 : f32
    %mul3A_337 = vector.broadcast %mul3A_336 : f32 to vector<16x32xf32>
    %mul3A_338 = arith.mulf %reduce_sum3A_335, %mul3A_337 : vector<16x32xf32>
    %slice3A_339 = vector.extract_strided_slice %ne3A_23 {offsets = [64, 0], sizes = [16, 32], strides = [1, 1]} : vector<256x32xi1> to vector<16x32xi1>
    %jit3A_340 = arith.constant -1.000000e+09 : f32
    %broadcast_in_dim3A_341 = vector.broadcast %jit3A_340 : f32 to vector<16x32xf32>
    %select_n3A_342 = arith.select %slice3A_339, %mul3A_338, %broadcast_in_dim3A_341 : vector<16x32xi1>, vector<16x32xf32>
    %reduce_max3A_343 = arith.constant dense<0xFF800000> : vector<16xf32>
    %reduce_max3A_344 = vector.multi_reduction <maximumf>, %select_n3A_342, %reduce_max3A_343 [1] : vector<16x32xf32> to vector<16xf32>
    %broadcast_in_dim3A_345 = vector.shape_cast %reduce_max3A_344 : vector<16xf32> to vector<16x1xf32>
    %sub3A_346 = vector.broadcast %broadcast_in_dim3A_345 : vector<16x1xf32> to vector<16x32xf32>
    %sub3A_347 = arith.subf %select_n3A_342, %sub3A_346 : vector<16x32xf32>
    %exp3A_348 = math.exp %sub3A_347 : vector<16x32xf32>
    %reduce_sum3A_349 = arith.constant dense<0.000000e+00> : vector<16xf32>
    %reduce_sum3A_350 = vector.multi_reduction <add>, %exp3A_348, %reduce_sum3A_349 [1] : vector<16x32xf32> to vector<16xf32>
    %broadcast_in_dim3A_351 = vector.shape_cast %reduce_sum3A_350 : vector<16xf32> to vector<16x1xf32>
    %div3A_352 = vector.broadcast %broadcast_in_dim3A_351 : vector<16x1xf32> to vector<16x32xf32>
    %div3A_353 = arith.divf %exp3A_348, %div3A_352 : vector<16x32xf32>
    %broadcast_in_dim3A_354 = vector.shape_cast %div3A_353 : vector<16x32xf32> to vector<16x32x1xf32>
    %mul3A_355 = vector.broadcast %broadcast_in_dim3A_354 : vector<16x32x1xf32> to vector<16x32x128xf32>
    %mul3A_356 = arith.mulf %reshape3A_329, %mul3A_355 : vector<16x32x128xf32>
    %reduce_sum3A_357 = arith.constant dense<0.000000e+00> : vector<16x128xf32>
    %reduce_sum3A_358 = vector.multi_reduction <add>, %mul3A_356, %reduce_sum3A_357 [1] : vector<16x32x128xf32> to vector<16x128xf32>
    %add3A_359 = arith.addf %slice3A_330, %reduce_sum3A_358 : vector<16x128xf32>
    %max3A_360 = arith.constant 0.000000e+00 : f32
    %max3A_361 = vector.broadcast %max3A_360 : f32 to vector<16x128xf32>
    %max3A_362 = arith.maximumf %add3A_359, %max3A_361 : vector<16x128xf32>
    %swap3A_363 = arith.constant 64 : index
    %swap3A_364 = arith.constant 0 : index
    %swap3A_365 = vector.load %arg8[%swap3A_363, %swap3A_364] : memref<256x128xf32, #tpu.memory_space<vmem>>, vector<16x128xf32>
    tpu.vector_store %arg8[%swap3A_363, %swap3A_364], %max3A_362 {strides = array<i32>} : memref<256x128xf32, #tpu.memory_space<vmem>>, vector<16x128xf32>,
    %get3A_366 = arith.constant 2560 : index
    %get3A_367 = arith.constant 0 : index
    %get3A_368 = vector.load %arg3[%get3A_366, %get3A_367] : memref<8192x128xf32, #tpu.memory_space<vmem>>, vector<512x128xf32>
    %convert_element_type3A_369 = arith.truncf %get3A_368 : vector<512x128xf32> to vector<512x128xbf16>
    %convert_element_type3A_370 = arith.extf %convert_element_type3A_369 : vector<512x128xbf16> to vector<512x128xf32>
    %sub3A_371 = arith.subf %get3A_368, %convert_element_type3A_370 : vector<512x128xf32>
    %convert_element_type3A_372 = arith.truncf %sub3A_371 : vector<512x128xf32> to vector<512x128xbf16>
    %dot_general3A_373 = arith.constant dense<0.000000e+00> : vector<512x128xf32>
    %dot_general3A_374 = tpu.matmul %convert_element_type3A_369, %convert_element_type3A, %dot_general3A_373 {dimension_numbers = #tpu.dot_dimension_numbers<[1], [0], [0], [1], [0, 0, 1, 1], [], []>, transpose_lhs_hint = false} : vector<512x128xbf16>, vector<128x128xbf16>, vector<512x128xf32> -> vector<512x128xf32>
    %dot_general3A_375 = arith.constant dense<0.000000e+00> : vector<512x128xf32>
    %dot_general3A_376 = tpu.matmul %convert_element_type3A_369, %convert_element_type3A_3, %dot_general3A_375 {dimension_numbers = #tpu.dot_dimension_numbers<[1], [0], [0], [1], [0, 0, 1, 1], [], []>, transpose_lhs_hint = false} : vector<512x128xbf16>, vector<128x128xbf16>, vector<512x128xf32> -> vector<512x128xf32>
    %dot_general3A_377 = arith.constant dense<0.000000e+00> : vector<512x128xf32>
    %dot_general3A_378 = tpu.matmul %convert_element_type3A_372, %convert_element_type3A, %dot_general3A_377 {dimension_numbers = #tpu.dot_dimension_numbers<[1], [0], [0], [1], [0, 0, 1, 1], [], []>, transpose_lhs_hint = false} : vector<512x128xbf16>, vector<128x128xbf16>, vector<512x128xf32> -> vector<512x128xf32>
    %add3A_379 = arith.addf %dot_general3A_376, %dot_general3A_378 : vector<512x128xf32>
    %add3A_380 = arith.addf %dot_general3A_374, %add3A_379 : vector<512x128xf32>
    %get3A_381 = arith.constant 2560 : index
    %get3A_382 = arith.constant 0 : index
    %get3A_383 = vector.load %arg2[%get3A_381, %get3A_382] : memref<8192x128xf32, #tpu.memory_space<vmem>>, vector<512x128xf32>
    %convert_element_type3A_384 = arith.truncf %get3A_383 : vector<512x128xf32> to vector<512x128xbf16>
    %convert_element_type3A_385 = arith.extf %convert_element_type3A_384 : vector<512x128xbf16> to vector<512x128xf32>
    %sub3A_386 = arith.subf %get3A_383, %convert_element_type3A_385 : vector<512x128xf32>
    %convert_element_type3A_387 = arith.truncf %sub3A_386 : vector<512x128xf32> to vector<512x128xbf16>
    %dot_general3A_388 = arith.constant dense<0.000000e+00> : vector<512x128xf32>
    %dot_general3A_389 = tpu.matmul %convert_element_type3A_384, %convert_element_type3A_5, %dot_general3A_388 {dimension_numbers = #tpu.dot_dimension_numbers<[1], [0], [0], [1], [0, 0, 1, 1], [], []>, transpose_lhs_hint = false} : vector<512x128xbf16>, vector<128x128xbf16>, vector<512x128xf32> -> vector<512x128xf32>
    %dot_general3A_390 = arith.constant dense<0.000000e+00> : vector<512x128xf32>
    %dot_general3A_391 = tpu.matmul %convert_element_type3A_384, %convert_element_type3A_8, %dot_general3A_390 {dimension_numbers = #tpu.dot_dimension_numbers<[1], [0], [0], [1], [0, 0, 1, 1], [], []>, transpose_lhs_hint = false} : vector<512x128xbf16>, vector<128x128xbf16>, vector<512x128xf32> -> vector<512x128xf32>
    %dot_general3A_392 = arith.constant dense<0.000000e+00> : vector<512x128xf32>
    %dot_general3A_393 = tpu.matmul %convert_element_type3A_387, %convert_element_type3A_5, %dot_general3A_392 {dimension_numbers = #tpu.dot_dimension_numbers<[1], [0], [0], [1], [0, 0, 1, 1], [], []>, transpose_lhs_hint = false} : vector<512x128xbf16>, vector<128x128xbf16>, vector<512x128xf32> -> vector<512x128xf32>
    %add3A_394 = arith.addf %dot_general3A_391, %dot_general3A_393 : vector<512x128xf32>
    %add3A_395 = arith.addf %dot_general3A_389, %add3A_394 : vector<512x128xf32>
    %add3A_396 = arith.addf %add3A_380, %add3A_395 : vector<512x128xf32>
    %add3A_397 = vector.broadcast %get3A_11 : vector<1x128xf32> to vector<512x128xf32>
    %add3A_398 = arith.addf %add3A_396, %add3A_397 : vector<512x128xf32>
    %tanh3A_399 = math.tanh %add3A_398 : vector<512x128xf32>
    %reshape3A_400 = vector.shape_cast %tanh3A_399 : vector<512x128xf32> to vector<16x32x128xf32>
    %slice3A_401 = vector.extract_strided_slice %dot_general3A_18 {offsets = [80, 0], sizes = [16, 128], strides = [1, 1]} : vector<256x128xf32> to vector<16x128xf32>
    %broadcast_in_dim3A_402 = vector.shape_cast %slice3A_401 : vector<16x128xf32> to vector<16x1x128xf32>
    %mul3A_403 = vector.broadcast %broadcast_in_dim3A_402 : vector<16x1x128xf32> to vector<16x32x128xf32>
    %mul3A_404 = arith.mulf %reshape3A_400, %mul3A_403 : vector<16x32x128xf32>
    %reduce_sum3A_405 = arith.constant dense<0.000000e+00> : vector<16x32xf32>
    %reduce_sum3A_406 = vector.multi_reduction <add>, %mul3A_404, %reduce_sum3A_405 [2] : vector<16x32x128xf32> to vector<16x32xf32>
    %mul3A_407 = arith.constant 0.0883883461 : f32
    %mul3A_408 = vector.broadcast %mul3A_407 : f32 to vector<16x32xf32>
    %mul3A_409 = arith.mulf %reduce_sum3A_406, %mul3A_408 : vector<16x32xf32>
    %slice3A_410 = vector.extract_strided_slice %ne3A_23 {offsets = [80, 0], sizes = [16, 32], strides = [1, 1]} : vector<256x32xi1> to vector<16x32xi1>
    %jit3A_411 = arith.constant -1.000000e+09 : f32
    %broadcast_in_dim3A_412 = vector.broadcast %jit3A_411 : f32 to vector<16x32xf32>
    %select_n3A_413 = arith.select %slice3A_410, %mul3A_409, %broadcast_in_dim3A_412 : vector<16x32xi1>, vector<16x32xf32>
    %reduce_max3A_414 = arith.constant dense<0xFF800000> : vector<16xf32>
    %reduce_max3A_415 = vector.multi_reduction <maximumf>, %select_n3A_413, %reduce_max3A_414 [1] : vector<16x32xf32> to vector<16xf32>
    %broadcast_in_dim3A_416 = vector.shape_cast %reduce_max3A_415 : vector<16xf32> to vector<16x1xf32>
    %sub3A_417 = vector.broadcast %broadcast_in_dim3A_416 : vector<16x1xf32> to vector<16x32xf32>
    %sub3A_418 = arith.subf %select_n3A_413, %sub3A_417 : vector<16x32xf32>
    %exp3A_419 = math.exp %sub3A_418 : vector<16x32xf32>
    %reduce_sum3A_420 = arith.constant dense<0.000000e+00> : vector<16xf32>
    %reduce_sum3A_421 = vector.multi_reduction <add>, %exp3A_419, %reduce_sum3A_420 [1] : vector<16x32xf32> to vector<16xf32>
    %broadcast_in_dim3A_422 = vector.shape_cast %reduce_sum3A_421 : vector<16xf32> to vector<16x1xf32>
    %div3A_423 = vector.broadcast %broadcast_in_dim3A_422 : vector<16x1xf32> to vector<16x32xf32>
    %div3A_424 = arith.divf %exp3A_419, %div3A_423 : vector<16x32xf32>
    %broadcast_in_dim3A_425 = vector.shape_cast %div3A_424 : vector<16x32xf32> to vector<16x32x1xf32>
    %mul3A_426 = vector.broadcast %broadcast_in_dim3A_425 : vector<16x32x1xf32> to vector<16x32x128xf32>
    %mul3A_427 = arith.mulf %reshape3A_400, %mul3A_426 : vector<16x32x128xf32>
    %reduce_sum3A_428 = arith.constant dense<0.000000e+00> : vector<16x128xf32>
    %reduce_sum3A_429 = vector.multi_reduction <add>, %mul3A_427, %reduce_sum3A_428 [1] : vector<16x32x128xf32> to vector<16x128xf32>
    %add3A_430 = arith.addf %slice3A_401, %reduce_sum3A_429 : vector<16x128xf32>
    %max3A_431 = arith.constant 0.000000e+00 : f32
    %max3A_432 = vector.broadcast %max3A_431 : f32 to vector<16x128xf32>
    %max3A_433 = arith.maximumf %add3A_430, %max3A_432 : vector<16x128xf32>
    %swap3A_434 = arith.constant 80 : index
    %swap3A_435 = arith.constant 0 : index
    %swap3A_436 = vector.load %arg8[%swap3A_434, %swap3A_435] : memref<256x128xf32, #tpu.memory_space<vmem>>, vector<16x128xf32>
    tpu.vector_store %arg8[%swap3A_434, %swap3A_435], %max3A_433 {strides = array<i32>} : memref<256x128xf32, #tpu.memory_space<vmem>>, vector<16x128xf32>,
    %get3A_437 = arith.constant 3072 : index
    %get3A_438 = arith.constant 0 : index
    %get3A_439 = vector.load %arg3[%get3A_437, %get3A_438] : memref<8192x128xf32, #tpu.memory_space<vmem>>, vector<512x128xf32>
    %convert_element_type3A_440 = arith.truncf %get3A_439 : vector<512x128xf32> to vector<512x128xbf16>
    %convert_element_type3A_441 = arith.extf %convert_element_type3A_440 : vector<512x128xbf16> to vector<512x128xf32>
    %sub3A_442 = arith.subf %get3A_439, %convert_element_type3A_441 : vector<512x128xf32>
    %convert_element_type3A_443 = arith.truncf %sub3A_442 : vector<512x128xf32> to vector<512x128xbf16>
    %dot_general3A_444 = arith.constant dense<0.000000e+00> : vector<512x128xf32>
    %dot_general3A_445 = tpu.matmul %convert_element_type3A_440, %convert_element_type3A, %dot_general3A_444 {dimension_numbers = #tpu.dot_dimension_numbers<[1], [0], [0], [1], [0, 0, 1, 1], [], []>, transpose_lhs_hint = false} : vector<512x128xbf16>, vector<128x128xbf16>, vector<512x128xf32> -> vector<512x128xf32>
    %dot_general3A_446 = arith.constant dense<0.000000e+00> : vector<512x128xf32>
    %dot_general3A_447 = tpu.matmul %convert_element_type3A_440, %convert_element_type3A_3, %dot_general3A_446 {dimension_numbers = #tpu.dot_dimension_numbers<[1], [0], [0], [1], [0, 0, 1, 1], [], []>, transpose_lhs_hint = false} : vector<512x128xbf16>, vector<128x128xbf16>, vector<512x128xf32> -> vector<512x128xf32>
    %dot_general3A_448 = arith.constant dense<0.000000e+00> : vector<512x128xf32>
    %dot_general3A_449 = tpu.matmul %convert_element_type3A_443, %convert_element_type3A, %dot_general3A_448 {dimension_numbers = #tpu.dot_dimension_numbers<[1], [0], [0], [1], [0, 0, 1, 1], [], []>, transpose_lhs_hint = false} : vector<512x128xbf16>, vector<128x128xbf16>, vector<512x128xf32> -> vector<512x128xf32>
    %add3A_450 = arith.addf %dot_general3A_447, %dot_general3A_449 : vector<512x128xf32>
    %add3A_451 = arith.addf %dot_general3A_445, %add3A_450 : vector<512x128xf32>
    %get3A_452 = arith.constant 3072 : index
    %get3A_453 = arith.constant 0 : index
    %get3A_454 = vector.load %arg2[%get3A_452, %get3A_453] : memref<8192x128xf32, #tpu.memory_space<vmem>>, vector<512x128xf32>
    %convert_element_type3A_455 = arith.truncf %get3A_454 : vector<512x128xf32> to vector<512x128xbf16>
    %convert_element_type3A_456 = arith.extf %convert_element_type3A_455 : vector<512x128xbf16> to vector<512x128xf32>
    %sub3A_457 = arith.subf %get3A_454, %convert_element_type3A_456 : vector<512x128xf32>
    %convert_element_type3A_458 = arith.truncf %sub3A_457 : vector<512x128xf32> to vector<512x128xbf16>
    %dot_general3A_459 = arith.constant dense<0.000000e+00> : vector<512x128xf32>
    %dot_general3A_460 = tpu.matmul %convert_element_type3A_455, %convert_element_type3A_5, %dot_general3A_459 {dimension_numbers = #tpu.dot_dimension_numbers<[1], [0], [0], [1], [0, 0, 1, 1], [], []>, transpose_lhs_hint = false} : vector<512x128xbf16>, vector<128x128xbf16>, vector<512x128xf32> -> vector<512x128xf32>
    %dot_general3A_461 = arith.constant dense<0.000000e+00> : vector<512x128xf32>
    %dot_general3A_462 = tpu.matmul %convert_element_type3A_455, %convert_element_type3A_8, %dot_general3A_461 {dimension_numbers = #tpu.dot_dimension_numbers<[1], [0], [0], [1], [0, 0, 1, 1], [], []>, transpose_lhs_hint = false} : vector<512x128xbf16>, vector<128x128xbf16>, vector<512x128xf32> -> vector<512x128xf32>
    %dot_general3A_463 = arith.constant dense<0.000000e+00> : vector<512x128xf32>
    %dot_general3A_464 = tpu.matmul %convert_element_type3A_458, %convert_element_type3A_5, %dot_general3A_463 {dimension_numbers = #tpu.dot_dimension_numbers<[1], [0], [0], [1], [0, 0, 1, 1], [], []>, transpose_lhs_hint = false} : vector<512x128xbf16>, vector<128x128xbf16>, vector<512x128xf32> -> vector<512x128xf32>
    %add3A_465 = arith.addf %dot_general3A_462, %dot_general3A_464 : vector<512x128xf32>
    %add3A_466 = arith.addf %dot_general3A_460, %add3A_465 : vector<512x128xf32>
    %add3A_467 = arith.addf %add3A_451, %add3A_466 : vector<512x128xf32>
    %add3A_468 = vector.broadcast %get3A_11 : vector<1x128xf32> to vector<512x128xf32>
    %add3A_469 = arith.addf %add3A_467, %add3A_468 : vector<512x128xf32>
    %tanh3A_470 = math.tanh %add3A_469 : vector<512x128xf32>
    %reshape3A_471 = vector.shape_cast %tanh3A_470 : vector<512x128xf32> to vector<16x32x128xf32>
    %slice3A_472 = vector.extract_strided_slice %dot_general3A_18 {offsets = [96, 0], sizes = [16, 128], strides = [1, 1]} : vector<256x128xf32> to vector<16x128xf32>
    %broadcast_in_dim3A_473 = vector.shape_cast %slice3A_472 : vector<16x128xf32> to vector<16x1x128xf32>
    %mul3A_474 = vector.broadcast %broadcast_in_dim3A_473 : vector<16x1x128xf32> to vector<16x32x128xf32>
    %mul3A_475 = arith.mulf %reshape3A_471, %mul3A_474 : vector<16x32x128xf32>
    %reduce_sum3A_476 = arith.constant dense<0.000000e+00> : vector<16x32xf32>
    %reduce_sum3A_477 = vector.multi_reduction <add>, %mul3A_475, %reduce_sum3A_476 [2] : vector<16x32x128xf32> to vector<16x32xf32>
    %mul3A_478 = arith.constant 0.0883883461 : f32
    %mul3A_479 = vector.broadcast %mul3A_478 : f32 to vector<16x32xf32>
    %mul3A_480 = arith.mulf %reduce_sum3A_477, %mul3A_479 : vector<16x32xf32>
    %slice3A_481 = vector.extract_strided_slice %ne3A_23 {offsets = [96, 0], sizes = [16, 32], strides = [1, 1]} : vector<256x32xi1> to vector<16x32xi1>
    %jit3A_482 = arith.constant -1.000000e+09 : f32
    %broadcast_in_dim3A_483 = vector.broadcast %jit3A_482 : f32 to vector<16x32xf32>
    %select_n3A_484 = arith.select %slice3A_481, %mul3A_480, %broadcast_in_dim3A_483 : vector<16x32xi1>, vector<16x32xf32>
    %reduce_max3A_485 = arith.constant dense<0xFF800000> : vector<16xf32>
    %reduce_max3A_486 = vector.multi_reduction <maximumf>, %select_n3A_484, %reduce_max3A_485 [1] : vector<16x32xf32> to vector<16xf32>
    %broadcast_in_dim3A_487 = vector.shape_cast %reduce_max3A_486 : vector<16xf32> to vector<16x1xf32>
    %sub3A_488 = vector.broadcast %broadcast_in_dim3A_487 : vector<16x1xf32> to vector<16x32xf32>
    %sub3A_489 = arith.subf %select_n3A_484, %sub3A_488 : vector<16x32xf32>
    %exp3A_490 = math.exp %sub3A_489 : vector<16x32xf32>
    %reduce_sum3A_491 = arith.constant dense<0.000000e+00> : vector<16xf32>
    %reduce_sum3A_492 = vector.multi_reduction <add>, %exp3A_490, %reduce_sum3A_491 [1] : vector<16x32xf32> to vector<16xf32>
    %broadcast_in_dim3A_493 = vector.shape_cast %reduce_sum3A_492 : vector<16xf32> to vector<16x1xf32>
    %div3A_494 = vector.broadcast %broadcast_in_dim3A_493 : vector<16x1xf32> to vector<16x32xf32>
    %div3A_495 = arith.divf %exp3A_490, %div3A_494 : vector<16x32xf32>
    %broadcast_in_dim3A_496 = vector.shape_cast %div3A_495 : vector<16x32xf32> to vector<16x32x1xf32>
    %mul3A_497 = vector.broadcast %broadcast_in_dim3A_496 : vector<16x32x1xf32> to vector<16x32x128xf32>
    %mul3A_498 = arith.mulf %reshape3A_471, %mul3A_497 : vector<16x32x128xf32>
    %reduce_sum3A_499 = arith.constant dense<0.000000e+00> : vector<16x128xf32>
    %reduce_sum3A_500 = vector.multi_reduction <add>, %mul3A_498, %reduce_sum3A_499 [1] : vector<16x32x128xf32> to vector<16x128xf32>
    %add3A_501 = arith.addf %slice3A_472, %reduce_sum3A_500 : vector<16x128xf32>
    %max3A_502 = arith.constant 0.000000e+00 : f32
    %max3A_503 = vector.broadcast %max3A_502 : f32 to vector<16x128xf32>
    %max3A_504 = arith.maximumf %add3A_501, %max3A_503 : vector<16x128xf32>
    %swap3A_505 = arith.constant 96 : index
    %swap3A_506 = arith.constant 0 : index
    %swap3A_507 = vector.load %arg8[%swap3A_505, %swap3A_506] : memref<256x128xf32, #tpu.memory_space<vmem>>, vector<16x128xf32>
    tpu.vector_store %arg8[%swap3A_505, %swap3A_506], %max3A_504 {strides = array<i32>} : memref<256x128xf32, #tpu.memory_space<vmem>>, vector<16x128xf32>,
    %get3A_508 = arith.constant 3584 : index
    %get3A_509 = arith.constant 0 : index
    %get3A_510 = vector.load %arg3[%get3A_508, %get3A_509] : memref<8192x128xf32, #tpu.memory_space<vmem>>, vector<512x128xf32>
    %convert_element_type3A_511 = arith.truncf %get3A_510 : vector<512x128xf32> to vector<512x128xbf16>
    %convert_element_type3A_512 = arith.extf %convert_element_type3A_511 : vector<512x128xbf16> to vector<512x128xf32>
    %sub3A_513 = arith.subf %get3A_510, %convert_element_type3A_512 : vector<512x128xf32>
    %convert_element_type3A_514 = arith.truncf %sub3A_513 : vector<512x128xf32> to vector<512x128xbf16>
    %dot_general3A_515 = arith.constant dense<0.000000e+00> : vector<512x128xf32>
    %dot_general3A_516 = tpu.matmul %convert_element_type3A_511, %convert_element_type3A, %dot_general3A_515 {dimension_numbers = #tpu.dot_dimension_numbers<[1], [0], [0], [1], [0, 0, 1, 1], [], []>, transpose_lhs_hint = false} : vector<512x128xbf16>, vector<128x128xbf16>, vector<512x128xf32> -> vector<512x128xf32>
    %dot_general3A_517 = arith.constant dense<0.000000e+00> : vector<512x128xf32>
    %dot_general3A_518 = tpu.matmul %convert_element_type3A_511, %convert_element_type3A_3, %dot_general3A_517 {dimension_numbers = #tpu.dot_dimension_numbers<[1], [0], [0], [1], [0, 0, 1, 1], [], []>, transpose_lhs_hint = false} : vector<512x128xbf16>, vector<128x128xbf16>, vector<512x128xf32> -> vector<512x128xf32>
    %dot_general3A_519 = arith.constant dense<0.000000e+00> : vector<512x128xf32>
    %dot_general3A_520 = tpu.matmul %convert_element_type3A_514, %convert_element_type3A, %dot_general3A_519 {dimension_numbers = #tpu.dot_dimension_numbers<[1], [0], [0], [1], [0, 0, 1, 1], [], []>, transpose_lhs_hint = false} : vector<512x128xbf16>, vector<128x128xbf16>, vector<512x128xf32> -> vector<512x128xf32>
    %add3A_521 = arith.addf %dot_general3A_518, %dot_general3A_520 : vector<512x128xf32>
    %add3A_522 = arith.addf %dot_general3A_516, %add3A_521 : vector<512x128xf32>
    %get3A_523 = arith.constant 3584 : index
    %get3A_524 = arith.constant 0 : index
    %get3A_525 = vector.load %arg2[%get3A_523, %get3A_524] : memref<8192x128xf32, #tpu.memory_space<vmem>>, vector<512x128xf32>
    %convert_element_type3A_526 = arith.truncf %get3A_525 : vector<512x128xf32> to vector<512x128xbf16>
    %convert_element_type3A_527 = arith.extf %convert_element_type3A_526 : vector<512x128xbf16> to vector<512x128xf32>
    %sub3A_528 = arith.subf %get3A_525, %convert_element_type3A_527 : vector<512x128xf32>
    %convert_element_type3A_529 = arith.truncf %sub3A_528 : vector<512x128xf32> to vector<512x128xbf16>
    %dot_general3A_530 = arith.constant dense<0.000000e+00> : vector<512x128xf32>
    %dot_general3A_531 = tpu.matmul %convert_element_type3A_526, %convert_element_type3A_5, %dot_general3A_530 {dimension_numbers = #tpu.dot_dimension_numbers<[1], [0], [0], [1], [0, 0, 1, 1], [], []>, transpose_lhs_hint = false} : vector<512x128xbf16>, vector<128x128xbf16>, vector<512x128xf32> -> vector<512x128xf32>
    %dot_general3A_532 = arith.constant dense<0.000000e+00> : vector<512x128xf32>
    %dot_general3A_533 = tpu.matmul %convert_element_type3A_526, %convert_element_type3A_8, %dot_general3A_532 {dimension_numbers = #tpu.dot_dimension_numbers<[1], [0], [0], [1], [0, 0, 1, 1], [], []>, transpose_lhs_hint = false} : vector<512x128xbf16>, vector<128x128xbf16>, vector<512x128xf32> -> vector<512x128xf32>
    %dot_general3A_534 = arith.constant dense<0.000000e+00> : vector<512x128xf32>
    %dot_general3A_535 = tpu.matmul %convert_element_type3A_529, %convert_element_type3A_5, %dot_general3A_534 {dimension_numbers = #tpu.dot_dimension_numbers<[1], [0], [0], [1], [0, 0, 1, 1], [], []>, transpose_lhs_hint = false} : vector<512x128xbf16>, vector<128x128xbf16>, vector<512x128xf32> -> vector<512x128xf32>
    %add3A_536 = arith.addf %dot_general3A_533, %dot_general3A_535 : vector<512x128xf32>
    %add3A_537 = arith.addf %dot_general3A_531, %add3A_536 : vector<512x128xf32>
    %add3A_538 = arith.addf %add3A_522, %add3A_537 : vector<512x128xf32>
    %add3A_539 = vector.broadcast %get3A_11 : vector<1x128xf32> to vector<512x128xf32>
    %add3A_540 = arith.addf %add3A_538, %add3A_539 : vector<512x128xf32>
    %tanh3A_541 = math.tanh %add3A_540 : vector<512x128xf32>
    %reshape3A_542 = vector.shape_cast %tanh3A_541 : vector<512x128xf32> to vector<16x32x128xf32>
    %slice3A_543 = vector.extract_strided_slice %dot_general3A_18 {offsets = [112, 0], sizes = [16, 128], strides = [1, 1]} : vector<256x128xf32> to vector<16x128xf32>
    %broadcast_in_dim3A_544 = vector.shape_cast %slice3A_543 : vector<16x128xf32> to vector<16x1x128xf32>
    %mul3A_545 = vector.broadcast %broadcast_in_dim3A_544 : vector<16x1x128xf32> to vector<16x32x128xf32>
    %mul3A_546 = arith.mulf %reshape3A_542, %mul3A_545 : vector<16x32x128xf32>
    %reduce_sum3A_547 = arith.constant dense<0.000000e+00> : vector<16x32xf32>
    %reduce_sum3A_548 = vector.multi_reduction <add>, %mul3A_546, %reduce_sum3A_547 [2] : vector<16x32x128xf32> to vector<16x32xf32>
    %mul3A_549 = arith.constant 0.0883883461 : f32
    %mul3A_550 = vector.broadcast %mul3A_549 : f32 to vector<16x32xf32>
    %mul3A_551 = arith.mulf %reduce_sum3A_548, %mul3A_550 : vector<16x32xf32>
    %slice3A_552 = vector.extract_strided_slice %ne3A_23 {offsets = [112, 0], sizes = [16, 32], strides = [1, 1]} : vector<256x32xi1> to vector<16x32xi1>
    %jit3A_553 = arith.constant -1.000000e+09 : f32
    %broadcast_in_dim3A_554 = vector.broadcast %jit3A_553 : f32 to vector<16x32xf32>
    %select_n3A_555 = arith.select %slice3A_552, %mul3A_551, %broadcast_in_dim3A_554 : vector<16x32xi1>, vector<16x32xf32>
    %reduce_max3A_556 = arith.constant dense<0xFF800000> : vector<16xf32>
    %reduce_max3A_557 = vector.multi_reduction <maximumf>, %select_n3A_555, %reduce_max3A_556 [1] : vector<16x32xf32> to vector<16xf32>
    %broadcast_in_dim3A_558 = vector.shape_cast %reduce_max3A_557 : vector<16xf32> to vector<16x1xf32>
    %sub3A_559 = vector.broadcast %broadcast_in_dim3A_558 : vector<16x1xf32> to vector<16x32xf32>
    %sub3A_560 = arith.subf %select_n3A_555, %sub3A_559 : vector<16x32xf32>
    %exp3A_561 = math.exp %sub3A_560 : vector<16x32xf32>
    %reduce_sum3A_562 = arith.constant dense<0.000000e+00> : vector<16xf32>
    %reduce_sum3A_563 = vector.multi_reduction <add>, %exp3A_561, %reduce_sum3A_562 [1] : vector<16x32xf32> to vector<16xf32>
    %broadcast_in_dim3A_564 = vector.shape_cast %reduce_sum3A_563 : vector<16xf32> to vector<16x1xf32>
    %div3A_565 = vector.broadcast %broadcast_in_dim3A_564 : vector<16x1xf32> to vector<16x32xf32>
    %div3A_566 = arith.divf %exp3A_561, %div3A_565 : vector<16x32xf32>
    %broadcast_in_dim3A_567 = vector.shape_cast %div3A_566 : vector<16x32xf32> to vector<16x32x1xf32>
    %mul3A_568 = vector.broadcast %broadcast_in_dim3A_567 : vector<16x32x1xf32> to vector<16x32x128xf32>
    %mul3A_569 = arith.mulf %reshape3A_542, %mul3A_568 : vector<16x32x128xf32>
    %reduce_sum3A_570 = arith.constant dense<0.000000e+00> : vector<16x128xf32>
    %reduce_sum3A_571 = vector.multi_reduction <add>, %mul3A_569, %reduce_sum3A_570 [1] : vector<16x32x128xf32> to vector<16x128xf32>
    %add3A_572 = arith.addf %slice3A_543, %reduce_sum3A_571 : vector<16x128xf32>
    %max3A_573 = arith.constant 0.000000e+00 : f32
    %max3A_574 = vector.broadcast %max3A_573 : f32 to vector<16x128xf32>
    %max3A_575 = arith.maximumf %add3A_572, %max3A_574 : vector<16x128xf32>
    %swap3A_576 = arith.constant 112 : index
    %swap3A_577 = arith.constant 0 : index
    %swap3A_578 = vector.load %arg8[%swap3A_576, %swap3A_577] : memref<256x128xf32, #tpu.memory_space<vmem>>, vector<16x128xf32>
    tpu.vector_store %arg8[%swap3A_576, %swap3A_577], %max3A_575 {strides = array<i32>} : memref<256x128xf32, #tpu.memory_space<vmem>>, vector<16x128xf32>,
    %get3A_579 = arith.constant 4096 : index
    %get3A_580 = arith.constant 0 : index
    %get3A_581 = vector.load %arg3[%get3A_579, %get3A_580] : memref<8192x128xf32, #tpu.memory_space<vmem>>, vector<512x128xf32>
    %convert_element_type3A_582 = arith.truncf %get3A_581 : vector<512x128xf32> to vector<512x128xbf16>
    %convert_element_type3A_583 = arith.extf %convert_element_type3A_582 : vector<512x128xbf16> to vector<512x128xf32>
    %sub3A_584 = arith.subf %get3A_581, %convert_element_type3A_583 : vector<512x128xf32>
    %convert_element_type3A_585 = arith.truncf %sub3A_584 : vector<512x128xf32> to vector<512x128xbf16>
    %dot_general3A_586 = arith.constant dense<0.000000e+00> : vector<512x128xf32>
    %dot_general3A_587 = tpu.matmul %convert_element_type3A_582, %convert_element_type3A, %dot_general3A_586 {dimension_numbers = #tpu.dot_dimension_numbers<[1], [0], [0], [1], [0, 0, 1, 1], [], []>, transpose_lhs_hint = false} : vector<512x128xbf16>, vector<128x128xbf16>, vector<512x128xf32> -> vector<512x128xf32>
    %dot_general3A_588 = arith.constant dense<0.000000e+00> : vector<512x128xf32>
    %dot_general3A_589 = tpu.matmul %convert_element_type3A_582, %convert_element_type3A_3, %dot_general3A_588 {dimension_numbers = #tpu.dot_dimension_numbers<[1], [0], [0], [1], [0, 0, 1, 1], [], []>, transpose_lhs_hint = false} : vector<512x128xbf16>, vector<128x128xbf16>, vector<512x128xf32> -> vector<512x128xf32>
    %dot_general3A_590 = arith.constant dense<0.000000e+00> : vector<512x128xf32>
    %dot_general3A_591 = tpu.matmul %convert_element_type3A_585, %convert_element_type3A, %dot_general3A_590 {dimension_numbers = #tpu.dot_dimension_numbers<[1], [0], [0], [1], [0, 0, 1, 1], [], []>, transpose_lhs_hint = false} : vector<512x128xbf16>, vector<128x128xbf16>, vector<512x128xf32> -> vector<512x128xf32>
    %add3A_592 = arith.addf %dot_general3A_589, %dot_general3A_591 : vector<512x128xf32>
    %add3A_593 = arith.addf %dot_general3A_587, %add3A_592 : vector<512x128xf32>
    %get3A_594 = arith.constant 4096 : index
    %get3A_595 = arith.constant 0 : index
    %get3A_596 = vector.load %arg2[%get3A_594, %get3A_595] : memref<8192x128xf32, #tpu.memory_space<vmem>>, vector<512x128xf32>
    %convert_element_type3A_597 = arith.truncf %get3A_596 : vector<512x128xf32> to vector<512x128xbf16>
    %convert_element_type3A_598 = arith.extf %convert_element_type3A_597 : vector<512x128xbf16> to vector<512x128xf32>
    %sub3A_599 = arith.subf %get3A_596, %convert_element_type3A_598 : vector<512x128xf32>
    %convert_element_type3A_600 = arith.truncf %sub3A_599 : vector<512x128xf32> to vector<512x128xbf16>
    %dot_general3A_601 = arith.constant dense<0.000000e+00> : vector<512x128xf32>
    %dot_general3A_602 = tpu.matmul %convert_element_type3A_597, %convert_element_type3A_5, %dot_general3A_601 {dimension_numbers = #tpu.dot_dimension_numbers<[1], [0], [0], [1], [0, 0, 1, 1], [], []>, transpose_lhs_hint = false} : vector<512x128xbf16>, vector<128x128xbf16>, vector<512x128xf32> -> vector<512x128xf32>
    %dot_general3A_603 = arith.constant dense<0.000000e+00> : vector<512x128xf32>
    %dot_general3A_604 = tpu.matmul %convert_element_type3A_597, %convert_element_type3A_8, %dot_general3A_603 {dimension_numbers = #tpu.dot_dimension_numbers<[1], [0], [0], [1], [0, 0, 1, 1], [], []>, transpose_lhs_hint = false} : vector<512x128xbf16>, vector<128x128xbf16>, vector<512x128xf32> -> vector<512x128xf32>
    %dot_general3A_605 = arith.constant dense<0.000000e+00> : vector<512x128xf32>
    %dot_general3A_606 = tpu.matmul %convert_element_type3A_600, %convert_element_type3A_5, %dot_general3A_605 {dimension_numbers = #tpu.dot_dimension_numbers<[1], [0], [0], [1], [0, 0, 1, 1], [], []>, transpose_lhs_hint = false} : vector<512x128xbf16>, vector<128x128xbf16>, vector<512x128xf32> -> vector<512x128xf32>
    %add3A_607 = arith.addf %dot_general3A_604, %dot_general3A_606 : vector<512x128xf32>
    %add3A_608 = arith.addf %dot_general3A_602, %add3A_607 : vector<512x128xf32>
    %add3A_609 = arith.addf %add3A_593, %add3A_608 : vector<512x128xf32>
    %add3A_610 = vector.broadcast %get3A_11 : vector<1x128xf32> to vector<512x128xf32>
    %add3A_611 = arith.addf %add3A_609, %add3A_610 : vector<512x128xf32>
    %tanh3A_612 = math.tanh %add3A_611 : vector<512x128xf32>
    %reshape3A_613 = vector.shape_cast %tanh3A_612 : vector<512x128xf32> to vector<16x32x128xf32>
    %slice3A_614 = vector.extract_strided_slice %dot_general3A_18 {offsets = [128, 0], sizes = [16, 128], strides = [1, 1]} : vector<256x128xf32> to vector<16x128xf32>
    %broadcast_in_dim3A_615 = vector.shape_cast %slice3A_614 : vector<16x128xf32> to vector<16x1x128xf32>
    %mul3A_616 = vector.broadcast %broadcast_in_dim3A_615 : vector<16x1x128xf32> to vector<16x32x128xf32>
    %mul3A_617 = arith.mulf %reshape3A_613, %mul3A_616 : vector<16x32x128xf32>
    %reduce_sum3A_618 = arith.constant dense<0.000000e+00> : vector<16x32xf32>
    %reduce_sum3A_619 = vector.multi_reduction <add>, %mul3A_617, %reduce_sum3A_618 [2] : vector<16x32x128xf32> to vector<16x32xf32>
    %mul3A_620 = arith.constant 0.0883883461 : f32
    %mul3A_621 = vector.broadcast %mul3A_620 : f32 to vector<16x32xf32>
    %mul3A_622 = arith.mulf %reduce_sum3A_619, %mul3A_621 : vector<16x32xf32>
    %slice3A_623 = vector.extract_strided_slice %ne3A_23 {offsets = [128, 0], sizes = [16, 32], strides = [1, 1]} : vector<256x32xi1> to vector<16x32xi1>
    %jit3A_624 = arith.constant -1.000000e+09 : f32
    %broadcast_in_dim3A_625 = vector.broadcast %jit3A_624 : f32 to vector<16x32xf32>
    %select_n3A_626 = arith.select %slice3A_623, %mul3A_622, %broadcast_in_dim3A_625 : vector<16x32xi1>, vector<16x32xf32>
    %reduce_max3A_627 = arith.constant dense<0xFF800000> : vector<16xf32>
    %reduce_max3A_628 = vector.multi_reduction <maximumf>, %select_n3A_626, %reduce_max3A_627 [1] : vector<16x32xf32> to vector<16xf32>
    %broadcast_in_dim3A_629 = vector.shape_cast %reduce_max3A_628 : vector<16xf32> to vector<16x1xf32>
    %sub3A_630 = vector.broadcast %broadcast_in_dim3A_629 : vector<16x1xf32> to vector<16x32xf32>
    %sub3A_631 = arith.subf %select_n3A_626, %sub3A_630 : vector<16x32xf32>
    %exp3A_632 = math.exp %sub3A_631 : vector<16x32xf32>
    %reduce_sum3A_633 = arith.constant dense<0.000000e+00> : vector<16xf32>
    %reduce_sum3A_634 = vector.multi_reduction <add>, %exp3A_632, %reduce_sum3A_633 [1] : vector<16x32xf32> to vector<16xf32>
    %broadcast_in_dim3A_635 = vector.shape_cast %reduce_sum3A_634 : vector<16xf32> to vector<16x1xf32>
    %div3A_636 = vector.broadcast %broadcast_in_dim3A_635 : vector<16x1xf32> to vector<16x32xf32>
    %div3A_637 = arith.divf %exp3A_632, %div3A_636 : vector<16x32xf32>
    %broadcast_in_dim3A_638 = vector.shape_cast %div3A_637 : vector<16x32xf32> to vector<16x32x1xf32>
    %mul3A_639 = vector.broadcast %broadcast_in_dim3A_638 : vector<16x32x1xf32> to vector<16x32x128xf32>
    %mul3A_640 = arith.mulf %reshape3A_613, %mul3A_639 : vector<16x32x128xf32>
    %reduce_sum3A_641 = arith.constant dense<0.000000e+00> : vector<16x128xf32>
    %reduce_sum3A_642 = vector.multi_reduction <add>, %mul3A_640, %reduce_sum3A_641 [1] : vector<16x32x128xf32> to vector<16x128xf32>
    %add3A_643 = arith.addf %slice3A_614, %reduce_sum3A_642 : vector<16x128xf32>
    %max3A_644 = arith.constant 0.000000e+00 : f32
    %max3A_645 = vector.broadcast %max3A_644 : f32 to vector<16x128xf32>
    %max3A_646 = arith.maximumf %add3A_643, %max3A_645 : vector<16x128xf32>
    %swap3A_647 = arith.constant 128 : index
    %swap3A_648 = arith.constant 0 : index
    %swap3A_649 = vector.load %arg8[%swap3A_647, %swap3A_648] : memref<256x128xf32, #tpu.memory_space<vmem>>, vector<16x128xf32>
    tpu.vector_store %arg8[%swap3A_647, %swap3A_648], %max3A_646 {strides = array<i32>} : memref<256x128xf32, #tpu.memory_space<vmem>>, vector<16x128xf32>,
    %get3A_650 = arith.constant 4608 : index
    %get3A_651 = arith.constant 0 : index
    %get3A_652 = vector.load %arg3[%get3A_650, %get3A_651] : memref<8192x128xf32, #tpu.memory_space<vmem>>, vector<512x128xf32>
    %convert_element_type3A_653 = arith.truncf %get3A_652 : vector<512x128xf32> to vector<512x128xbf16>
    %convert_element_type3A_654 = arith.extf %convert_element_type3A_653 : vector<512x128xbf16> to vector<512x128xf32>
    %sub3A_655 = arith.subf %get3A_652, %convert_element_type3A_654 : vector<512x128xf32>
    %convert_element_type3A_656 = arith.truncf %sub3A_655 : vector<512x128xf32> to vector<512x128xbf16>
    %dot_general3A_657 = arith.constant dense<0.000000e+00> : vector<512x128xf32>
    %dot_general3A_658 = tpu.matmul %convert_element_type3A_653, %convert_element_type3A, %dot_general3A_657 {dimension_numbers = #tpu.dot_dimension_numbers<[1], [0], [0], [1], [0, 0, 1, 1], [], []>, transpose_lhs_hint = false} : vector<512x128xbf16>, vector<128x128xbf16>, vector<512x128xf32> -> vector<512x128xf32>
    %dot_general3A_659 = arith.constant dense<0.000000e+00> : vector<512x128xf32>
    %dot_general3A_660 = tpu.matmul %convert_element_type3A_653, %convert_element_type3A_3, %dot_general3A_659 {dimension_numbers = #tpu.dot_dimension_numbers<[1], [0], [0], [1], [0, 0, 1, 1], [], []>, transpose_lhs_hint = false} : vector<512x128xbf16>, vector<128x128xbf16>, vector<512x128xf32> -> vector<512x128xf32>
    %dot_general3A_661 = arith.constant dense<0.000000e+00> : vector<512x128xf32>
    %dot_general3A_662 = tpu.matmul %convert_element_type3A_656, %convert_element_type3A, %dot_general3A_661 {dimension_numbers = #tpu.dot_dimension_numbers<[1], [0], [0], [1], [0, 0, 1, 1], [], []>, transpose_lhs_hint = false} : vector<512x128xbf16>, vector<128x128xbf16>, vector<512x128xf32> -> vector<512x128xf32>
    %add3A_663 = arith.addf %dot_general3A_660, %dot_general3A_662 : vector<512x128xf32>
    %add3A_664 = arith.addf %dot_general3A_658, %add3A_663 : vector<512x128xf32>
    %get3A_665 = arith.constant 4608 : index
    %get3A_666 = arith.constant 0 : index
    %get3A_667 = vector.load %arg2[%get3A_665, %get3A_666] : memref<8192x128xf32, #tpu.memory_space<vmem>>, vector<512x128xf32>
    %convert_element_type3A_668 = arith.truncf %get3A_667 : vector<512x128xf32> to vector<512x128xbf16>
    %convert_element_type3A_669 = arith.extf %convert_element_type3A_668 : vector<512x128xbf16> to vector<512x128xf32>
    %sub3A_670 = arith.subf %get3A_667, %convert_element_type3A_669 : vector<512x128xf32>
    %convert_element_type3A_671 = arith.truncf %sub3A_670 : vector<512x128xf32> to vector<512x128xbf16>
    %dot_general3A_672 = arith.constant dense<0.000000e+00> : vector<512x128xf32>
    %dot_general3A_673 = tpu.matmul %convert_element_type3A_668, %convert_element_type3A_5, %dot_general3A_672 {dimension_numbers = #tpu.dot_dimension_numbers<[1], [0], [0], [1], [0, 0, 1, 1], [], []>, transpose_lhs_hint = false} : vector<512x128xbf16>, vector<128x128xbf16>, vector<512x128xf32> -> vector<512x128xf32>
    %dot_general3A_674 = arith.constant dense<0.000000e+00> : vector<512x128xf32>
    %dot_general3A_675 = tpu.matmul %convert_element_type3A_668, %convert_element_type3A_8, %dot_general3A_674 {dimension_numbers = #tpu.dot_dimension_numbers<[1], [0], [0], [1], [0, 0, 1, 1], [], []>, transpose_lhs_hint = false} : vector<512x128xbf16>, vector<128x128xbf16>, vector<512x128xf32> -> vector<512x128xf32>
    %dot_general3A_676 = arith.constant dense<0.000000e+00> : vector<512x128xf32>
    %dot_general3A_677 = tpu.matmul %convert_element_type3A_671, %convert_element_type3A_5, %dot_general3A_676 {dimension_numbers = #tpu.dot_dimension_numbers<[1], [0], [0], [1], [0, 0, 1, 1], [], []>, transpose_lhs_hint = false} : vector<512x128xbf16>, vector<128x128xbf16>, vector<512x128xf32> -> vector<512x128xf32>
    %add3A_678 = arith.addf %dot_general3A_675, %dot_general3A_677 : vector<512x128xf32>
    %add3A_679 = arith.addf %dot_general3A_673, %add3A_678 : vector<512x128xf32>
    %add3A_680 = arith.addf %add3A_664, %add3A_679 : vector<512x128xf32>
    %add3A_681 = vector.broadcast %get3A_11 : vector<1x128xf32> to vector<512x128xf32>
    %add3A_682 = arith.addf %add3A_680, %add3A_681 : vector<512x128xf32>
    %tanh3A_683 = math.tanh %add3A_682 : vector<512x128xf32>
    %reshape3A_684 = vector.shape_cast %tanh3A_683 : vector<512x128xf32> to vector<16x32x128xf32>
    %slice3A_685 = vector.extract_strided_slice %dot_general3A_18 {offsets = [144, 0], sizes = [16, 128], strides = [1, 1]} : vector<256x128xf32> to vector<16x128xf32>
    %broadcast_in_dim3A_686 = vector.shape_cast %slice3A_685 : vector<16x128xf32> to vector<16x1x128xf32>
    %mul3A_687 = vector.broadcast %broadcast_in_dim3A_686 : vector<16x1x128xf32> to vector<16x32x128xf32>
    %mul3A_688 = arith.mulf %reshape3A_684, %mul3A_687 : vector<16x32x128xf32>
    %reduce_sum3A_689 = arith.constant dense<0.000000e+00> : vector<16x32xf32>
    %reduce_sum3A_690 = vector.multi_reduction <add>, %mul3A_688, %reduce_sum3A_689 [2] : vector<16x32x128xf32> to vector<16x32xf32>
    %mul3A_691 = arith.constant 0.0883883461 : f32
    %mul3A_692 = vector.broadcast %mul3A_691 : f32 to vector<16x32xf32>
    %mul3A_693 = arith.mulf %reduce_sum3A_690, %mul3A_692 : vector<16x32xf32>
    %slice3A_694 = vector.extract_strided_slice %ne3A_23 {offsets = [144, 0], sizes = [16, 32], strides = [1, 1]} : vector<256x32xi1> to vector<16x32xi1>
    %jit3A_695 = arith.constant -1.000000e+09 : f32
    %broadcast_in_dim3A_696 = vector.broadcast %jit3A_695 : f32 to vector<16x32xf32>
    %select_n3A_697 = arith.select %slice3A_694, %mul3A_693, %broadcast_in_dim3A_696 : vector<16x32xi1>, vector<16x32xf32>
    %reduce_max3A_698 = arith.constant dense<0xFF800000> : vector<16xf32>
    %reduce_max3A_699 = vector.multi_reduction <maximumf>, %select_n3A_697, %reduce_max3A_698 [1] : vector<16x32xf32> to vector<16xf32>
    %broadcast_in_dim3A_700 = vector.shape_cast %reduce_max3A_699 : vector<16xf32> to vector<16x1xf32>
    %sub3A_701 = vector.broadcast %broadcast_in_dim3A_700 : vector<16x1xf32> to vector<16x32xf32>
    %sub3A_702 = arith.subf %select_n3A_697, %sub3A_701 : vector<16x32xf32>
    %exp3A_703 = math.exp %sub3A_702 : vector<16x32xf32>
    %reduce_sum3A_704 = arith.constant dense<0.000000e+00> : vector<16xf32>
    %reduce_sum3A_705 = vector.multi_reduction <add>, %exp3A_703, %reduce_sum3A_704 [1] : vector<16x32xf32> to vector<16xf32>
    %broadcast_in_dim3A_706 = vector.shape_cast %reduce_sum3A_705 : vector<16xf32> to vector<16x1xf32>
    %div3A_707 = vector.broadcast %broadcast_in_dim3A_706 : vector<16x1xf32> to vector<16x32xf32>
    %div3A_708 = arith.divf %exp3A_703, %div3A_707 : vector<16x32xf32>
    %broadcast_in_dim3A_709 = vector.shape_cast %div3A_708 : vector<16x32xf32> to vector<16x32x1xf32>
    %mul3A_710 = vector.broadcast %broadcast_in_dim3A_709 : vector<16x32x1xf32> to vector<16x32x128xf32>
    %mul3A_711 = arith.mulf %reshape3A_684, %mul3A_710 : vector<16x32x128xf32>
    %reduce_sum3A_712 = arith.constant dense<0.000000e+00> : vector<16x128xf32>
    %reduce_sum3A_713 = vector.multi_reduction <add>, %mul3A_711, %reduce_sum3A_712 [1] : vector<16x32x128xf32> to vector<16x128xf32>
    %add3A_714 = arith.addf %slice3A_685, %reduce_sum3A_713 : vector<16x128xf32>
    %max3A_715 = arith.constant 0.000000e+00 : f32
    %max3A_716 = vector.broadcast %max3A_715 : f32 to vector<16x128xf32>
    %max3A_717 = arith.maximumf %add3A_714, %max3A_716 : vector<16x128xf32>
    %swap3A_718 = arith.constant 144 : index
    %swap3A_719 = arith.constant 0 : index
    %swap3A_720 = vector.load %arg8[%swap3A_718, %swap3A_719] : memref<256x128xf32, #tpu.memory_space<vmem>>, vector<16x128xf32>
    tpu.vector_store %arg8[%swap3A_718, %swap3A_719], %max3A_717 {strides = array<i32>} : memref<256x128xf32, #tpu.memory_space<vmem>>, vector<16x128xf32>,
    %get3A_721 = arith.constant 5120 : index
    %get3A_722 = arith.constant 0 : index
    %get3A_723 = vector.load %arg3[%get3A_721, %get3A_722] : memref<8192x128xf32, #tpu.memory_space<vmem>>, vector<512x128xf32>
    %convert_element_type3A_724 = arith.truncf %get3A_723 : vector<512x128xf32> to vector<512x128xbf16>
    %convert_element_type3A_725 = arith.extf %convert_element_type3A_724 : vector<512x128xbf16> to vector<512x128xf32>
    %sub3A_726 = arith.subf %get3A_723, %convert_element_type3A_725 : vector<512x128xf32>
    %convert_element_type3A_727 = arith.truncf %sub3A_726 : vector<512x128xf32> to vector<512x128xbf16>
    %dot_general3A_728 = arith.constant dense<0.000000e+00> : vector<512x128xf32>
    %dot_general3A_729 = tpu.matmul %convert_element_type3A_724, %convert_element_type3A, %dot_general3A_728 {dimension_numbers = #tpu.dot_dimension_numbers<[1], [0], [0], [1], [0, 0, 1, 1], [], []>, transpose_lhs_hint = false} : vector<512x128xbf16>, vector<128x128xbf16>, vector<512x128xf32> -> vector<512x128xf32>
    %dot_general3A_730 = arith.constant dense<0.000000e+00> : vector<512x128xf32>
    %dot_general3A_731 = tpu.matmul %convert_element_type3A_724, %convert_element_type3A_3, %dot_general3A_730 {dimension_numbers = #tpu.dot_dimension_numbers<[1], [0], [0], [1], [0, 0, 1, 1], [], []>, transpose_lhs_hint = false} : vector<512x128xbf16>, vector<128x128xbf16>, vector<512x128xf32> -> vector<512x128xf32>
    %dot_general3A_732 = arith.constant dense<0.000000e+00> : vector<512x128xf32>
    %dot_general3A_733 = tpu.matmul %convert_element_type3A_727, %convert_element_type3A, %dot_general3A_732 {dimension_numbers = #tpu.dot_dimension_numbers<[1], [0], [0], [1], [0, 0, 1, 1], [], []>, transpose_lhs_hint = false} : vector<512x128xbf16>, vector<128x128xbf16>, vector<512x128xf32> -> vector<512x128xf32>
    %add3A_734 = arith.addf %dot_general3A_731, %dot_general3A_733 : vector<512x128xf32>
    %add3A_735 = arith.addf %dot_general3A_729, %add3A_734 : vector<512x128xf32>
    %get3A_736 = arith.constant 5120 : index
    %get3A_737 = arith.constant 0 : index
    %get3A_738 = vector.load %arg2[%get3A_736, %get3A_737] : memref<8192x128xf32, #tpu.memory_space<vmem>>, vector<512x128xf32>
    %convert_element_type3A_739 = arith.truncf %get3A_738 : vector<512x128xf32> to vector<512x128xbf16>
    %convert_element_type3A_740 = arith.extf %convert_element_type3A_739 : vector<512x128xbf16> to vector<512x128xf32>
    %sub3A_741 = arith.subf %get3A_738, %convert_element_type3A_740 : vector<512x128xf32>
    %convert_element_type3A_742 = arith.truncf %sub3A_741 : vector<512x128xf32> to vector<512x128xbf16>
    %dot_general3A_743 = arith.constant dense<0.000000e+00> : vector<512x128xf32>
    %dot_general3A_744 = tpu.matmul %convert_element_type3A_739, %convert_element_type3A_5, %dot_general3A_743 {dimension_numbers = #tpu.dot_dimension_numbers<[1], [0], [0], [1], [0, 0, 1, 1], [], []>, transpose_lhs_hint = false} : vector<512x128xbf16>, vector<128x128xbf16>, vector<512x128xf32> -> vector<512x128xf32>
    %dot_general3A_745 = arith.constant dense<0.000000e+00> : vector<512x128xf32>
    %dot_general3A_746 = tpu.matmul %convert_element_type3A_739, %convert_element_type3A_8, %dot_general3A_745 {dimension_numbers = #tpu.dot_dimension_numbers<[1], [0], [0], [1], [0, 0, 1, 1], [], []>, transpose_lhs_hint = false} : vector<512x128xbf16>, vector<128x128xbf16>, vector<512x128xf32> -> vector<512x128xf32>
    %dot_general3A_747 = arith.constant dense<0.000000e+00> : vector<512x128xf32>
    %dot_general3A_748 = tpu.matmul %convert_element_type3A_742, %convert_element_type3A_5, %dot_general3A_747 {dimension_numbers = #tpu.dot_dimension_numbers<[1], [0], [0], [1], [0, 0, 1, 1], [], []>, transpose_lhs_hint = false} : vector<512x128xbf16>, vector<128x128xbf16>, vector<512x128xf32> -> vector<512x128xf32>
    %add3A_749 = arith.addf %dot_general3A_746, %dot_general3A_748 : vector<512x128xf32>
    %add3A_750 = arith.addf %dot_general3A_744, %add3A_749 : vector<512x128xf32>
    %add3A_751 = arith.addf %add3A_735, %add3A_750 : vector<512x128xf32>
    %add3A_752 = vector.broadcast %get3A_11 : vector<1x128xf32> to vector<512x128xf32>
    %add3A_753 = arith.addf %add3A_751, %add3A_752 : vector<512x128xf32>
    %tanh3A_754 = math.tanh %add3A_753 : vector<512x128xf32>
    %reshape3A_755 = vector.shape_cast %tanh3A_754 : vector<512x128xf32> to vector<16x32x128xf32>
    %slice3A_756 = vector.extract_strided_slice %dot_general3A_18 {offsets = [160, 0], sizes = [16, 128], strides = [1, 1]} : vector<256x128xf32> to vector<16x128xf32>
    %broadcast_in_dim3A_757 = vector.shape_cast %slice3A_756 : vector<16x128xf32> to vector<16x1x128xf32>
    %mul3A_758 = vector.broadcast %broadcast_in_dim3A_757 : vector<16x1x128xf32> to vector<16x32x128xf32>
    %mul3A_759 = arith.mulf %reshape3A_755, %mul3A_758 : vector<16x32x128xf32>
    %reduce_sum3A_760 = arith.constant dense<0.000000e+00> : vector<16x32xf32>
    %reduce_sum3A_761 = vector.multi_reduction <add>, %mul3A_759, %reduce_sum3A_760 [2] : vector<16x32x128xf32> to vector<16x32xf32>
    %mul3A_762 = arith.constant 0.0883883461 : f32
    %mul3A_763 = vector.broadcast %mul3A_762 : f32 to vector<16x32xf32>
    %mul3A_764 = arith.mulf %reduce_sum3A_761, %mul3A_763 : vector<16x32xf32>
    %slice3A_765 = vector.extract_strided_slice %ne3A_23 {offsets = [160, 0], sizes = [16, 32], strides = [1, 1]} : vector<256x32xi1> to vector<16x32xi1>
    %jit3A_766 = arith.constant -1.000000e+09 : f32
    %broadcast_in_dim3A_767 = vector.broadcast %jit3A_766 : f32 to vector<16x32xf32>
    %select_n3A_768 = arith.select %slice3A_765, %mul3A_764, %broadcast_in_dim3A_767 : vector<16x32xi1>, vector<16x32xf32>
    %reduce_max3A_769 = arith.constant dense<0xFF800000> : vector<16xf32>
    %reduce_max3A_770 = vector.multi_reduction <maximumf>, %select_n3A_768, %reduce_max3A_769 [1] : vector<16x32xf32> to vector<16xf32>
    %broadcast_in_dim3A_771 = vector.shape_cast %reduce_max3A_770 : vector<16xf32> to vector<16x1xf32>
    %sub3A_772 = vector.broadcast %broadcast_in_dim3A_771 : vector<16x1xf32> to vector<16x32xf32>
    %sub3A_773 = arith.subf %select_n3A_768, %sub3A_772 : vector<16x32xf32>
    %exp3A_774 = math.exp %sub3A_773 : vector<16x32xf32>
    %reduce_sum3A_775 = arith.constant dense<0.000000e+00> : vector<16xf32>
    %reduce_sum3A_776 = vector.multi_reduction <add>, %exp3A_774, %reduce_sum3A_775 [1] : vector<16x32xf32> to vector<16xf32>
    %broadcast_in_dim3A_777 = vector.shape_cast %reduce_sum3A_776 : vector<16xf32> to vector<16x1xf32>
    %div3A_778 = vector.broadcast %broadcast_in_dim3A_777 : vector<16x1xf32> to vector<16x32xf32>
    %div3A_779 = arith.divf %exp3A_774, %div3A_778 : vector<16x32xf32>
    %broadcast_in_dim3A_780 = vector.shape_cast %div3A_779 : vector<16x32xf32> to vector<16x32x1xf32>
    %mul3A_781 = vector.broadcast %broadcast_in_dim3A_780 : vector<16x32x1xf32> to vector<16x32x128xf32>
    %mul3A_782 = arith.mulf %reshape3A_755, %mul3A_781 : vector<16x32x128xf32>
    %reduce_sum3A_783 = arith.constant dense<0.000000e+00> : vector<16x128xf32>
    %reduce_sum3A_784 = vector.multi_reduction <add>, %mul3A_782, %reduce_sum3A_783 [1] : vector<16x32x128xf32> to vector<16x128xf32>
    %add3A_785 = arith.addf %slice3A_756, %reduce_sum3A_784 : vector<16x128xf32>
    %max3A_786 = arith.constant 0.000000e+00 : f32
    %max3A_787 = vector.broadcast %max3A_786 : f32 to vector<16x128xf32>
    %max3A_788 = arith.maximumf %add3A_785, %max3A_787 : vector<16x128xf32>
    %swap3A_789 = arith.constant 160 : index
    %swap3A_790 = arith.constant 0 : index
    %swap3A_791 = vector.load %arg8[%swap3A_789, %swap3A_790] : memref<256x128xf32, #tpu.memory_space<vmem>>, vector<16x128xf32>
    tpu.vector_store %arg8[%swap3A_789, %swap3A_790], %max3A_788 {strides = array<i32>} : memref<256x128xf32, #tpu.memory_space<vmem>>, vector<16x128xf32>,
    %get3A_792 = arith.constant 5632 : index
    %get3A_793 = arith.constant 0 : index
    %get3A_794 = vector.load %arg3[%get3A_792, %get3A_793] : memref<8192x128xf32, #tpu.memory_space<vmem>>, vector<512x128xf32>
    %convert_element_type3A_795 = arith.truncf %get3A_794 : vector<512x128xf32> to vector<512x128xbf16>
    %convert_element_type3A_796 = arith.extf %convert_element_type3A_795 : vector<512x128xbf16> to vector<512x128xf32>
    %sub3A_797 = arith.subf %get3A_794, %convert_element_type3A_796 : vector<512x128xf32>
    %convert_element_type3A_798 = arith.truncf %sub3A_797 : vector<512x128xf32> to vector<512x128xbf16>
    %dot_general3A_799 = arith.constant dense<0.000000e+00> : vector<512x128xf32>
    %dot_general3A_800 = tpu.matmul %convert_element_type3A_795, %convert_element_type3A, %dot_general3A_799 {dimension_numbers = #tpu.dot_dimension_numbers<[1], [0], [0], [1], [0, 0, 1, 1], [], []>, transpose_lhs_hint = false} : vector<512x128xbf16>, vector<128x128xbf16>, vector<512x128xf32> -> vector<512x128xf32>
    %dot_general3A_801 = arith.constant dense<0.000000e+00> : vector<512x128xf32>
    %dot_general3A_802 = tpu.matmul %convert_element_type3A_795, %convert_element_type3A_3, %dot_general3A_801 {dimension_numbers = #tpu.dot_dimension_numbers<[1], [0], [0], [1], [0, 0, 1, 1], [], []>, transpose_lhs_hint = false} : vector<512x128xbf16>, vector<128x128xbf16>, vector<512x128xf32> -> vector<512x128xf32>
    %dot_general3A_803 = arith.constant dense<0.000000e+00> : vector<512x128xf32>
    %dot_general3A_804 = tpu.matmul %convert_element_type3A_798, %convert_element_type3A, %dot_general3A_803 {dimension_numbers = #tpu.dot_dimension_numbers<[1], [0], [0], [1], [0, 0, 1, 1], [], []>, transpose_lhs_hint = false} : vector<512x128xbf16>, vector<128x128xbf16>, vector<512x128xf32> -> vector<512x128xf32>
    %add3A_805 = arith.addf %dot_general3A_802, %dot_general3A_804 : vector<512x128xf32>
    %add3A_806 = arith.addf %dot_general3A_800, %add3A_805 : vector<512x128xf32>
    %get3A_807 = arith.constant 5632 : index
    %get3A_808 = arith.constant 0 : index
    %get3A_809 = vector.load %arg2[%get3A_807, %get3A_808] : memref<8192x128xf32, #tpu.memory_space<vmem>>, vector<512x128xf32>
    %convert_element_type3A_810 = arith.truncf %get3A_809 : vector<512x128xf32> to vector<512x128xbf16>
    %convert_element_type3A_811 = arith.extf %convert_element_type3A_810 : vector<512x128xbf16> to vector<512x128xf32>
    %sub3A_812 = arith.subf %get3A_809, %convert_element_type3A_811 : vector<512x128xf32>
    %convert_element_type3A_813 = arith.truncf %sub3A_812 : vector<512x128xf32> to vector<512x128xbf16>
    %dot_general3A_814 = arith.constant dense<0.000000e+00> : vector<512x128xf32>
    %dot_general3A_815 = tpu.matmul %convert_element_type3A_810, %convert_element_type3A_5, %dot_general3A_814 {dimension_numbers = #tpu.dot_dimension_numbers<[1], [0], [0], [1], [0, 0, 1, 1], [], []>, transpose_lhs_hint = false} : vector<512x128xbf16>, vector<128x128xbf16>, vector<512x128xf32> -> vector<512x128xf32>
    %dot_general3A_816 = arith.constant dense<0.000000e+00> : vector<512x128xf32>
    %dot_general3A_817 = tpu.matmul %convert_element_type3A_810, %convert_element_type3A_8, %dot_general3A_816 {dimension_numbers = #tpu.dot_dimension_numbers<[1], [0], [0], [1], [0, 0, 1, 1], [], []>, transpose_lhs_hint = false} : vector<512x128xbf16>, vector<128x128xbf16>, vector<512x128xf32> -> vector<512x128xf32>
    %dot_general3A_818 = arith.constant dense<0.000000e+00> : vector<512x128xf32>
    %dot_general3A_819 = tpu.matmul %convert_element_type3A_813, %convert_element_type3A_5, %dot_general3A_818 {dimension_numbers = #tpu.dot_dimension_numbers<[1], [0], [0], [1], [0, 0, 1, 1], [], []>, transpose_lhs_hint = false} : vector<512x128xbf16>, vector<128x128xbf16>, vector<512x128xf32> -> vector<512x128xf32>
    %add3A_820 = arith.addf %dot_general3A_817, %dot_general3A_819 : vector<512x128xf32>
    %add3A_821 = arith.addf %dot_general3A_815, %add3A_820 : vector<512x128xf32>
    %add3A_822 = arith.addf %add3A_806, %add3A_821 : vector<512x128xf32>
    %add3A_823 = vector.broadcast %get3A_11 : vector<1x128xf32> to vector<512x128xf32>
    %add3A_824 = arith.addf %add3A_822, %add3A_823 : vector<512x128xf32>
    %tanh3A_825 = math.tanh %add3A_824 : vector<512x128xf32>
    %reshape3A_826 = vector.shape_cast %tanh3A_825 : vector<512x128xf32> to vector<16x32x128xf32>
    %slice3A_827 = vector.extract_strided_slice %dot_general3A_18 {offsets = [176, 0], sizes = [16, 128], strides = [1, 1]} : vector<256x128xf32> to vector<16x128xf32>
    %broadcast_in_dim3A_828 = vector.shape_cast %slice3A_827 : vector<16x128xf32> to vector<16x1x128xf32>
    %mul3A_829 = vector.broadcast %broadcast_in_dim3A_828 : vector<16x1x128xf32> to vector<16x32x128xf32>
    %mul3A_830 = arith.mulf %reshape3A_826, %mul3A_829 : vector<16x32x128xf32>
    %reduce_sum3A_831 = arith.constant dense<0.000000e+00> : vector<16x32xf32>
    %reduce_sum3A_832 = vector.multi_reduction <add>, %mul3A_830, %reduce_sum3A_831 [2] : vector<16x32x128xf32> to vector<16x32xf32>
    %mul3A_833 = arith.constant 0.0883883461 : f32
    %mul3A_834 = vector.broadcast %mul3A_833 : f32 to vector<16x32xf32>
    %mul3A_835 = arith.mulf %reduce_sum3A_832, %mul3A_834 : vector<16x32xf32>
    %slice3A_836 = vector.extract_strided_slice %ne3A_23 {offsets = [176, 0], sizes = [16, 32], strides = [1, 1]} : vector<256x32xi1> to vector<16x32xi1>
    %jit3A_837 = arith.constant -1.000000e+09 : f32
    %broadcast_in_dim3A_838 = vector.broadcast %jit3A_837 : f32 to vector<16x32xf32>
    %select_n3A_839 = arith.select %slice3A_836, %mul3A_835, %broadcast_in_dim3A_838 : vector<16x32xi1>, vector<16x32xf32>
    %reduce_max3A_840 = arith.constant dense<0xFF800000> : vector<16xf32>
    %reduce_max3A_841 = vector.multi_reduction <maximumf>, %select_n3A_839, %reduce_max3A_840 [1] : vector<16x32xf32> to vector<16xf32>
    %broadcast_in_dim3A_842 = vector.shape_cast %reduce_max3A_841 : vector<16xf32> to vector<16x1xf32>
    %sub3A_843 = vector.broadcast %broadcast_in_dim3A_842 : vector<16x1xf32> to vector<16x32xf32>
    %sub3A_844 = arith.subf %select_n3A_839, %sub3A_843 : vector<16x32xf32>
    %exp3A_845 = math.exp %sub3A_844 : vector<16x32xf32>
    %reduce_sum3A_846 = arith.constant dense<0.000000e+00> : vector<16xf32>
    %reduce_sum3A_847 = vector.multi_reduction <add>, %exp3A_845, %reduce_sum3A_846 [1] : vector<16x32xf32> to vector<16xf32>
    %broadcast_in_dim3A_848 = vector.shape_cast %reduce_sum3A_847 : vector<16xf32> to vector<16x1xf32>
    %div3A_849 = vector.broadcast %broadcast_in_dim3A_848 : vector<16x1xf32> to vector<16x32xf32>
    %div3A_850 = arith.divf %exp3A_845, %div3A_849 : vector<16x32xf32>
    %broadcast_in_dim3A_851 = vector.shape_cast %div3A_850 : vector<16x32xf32> to vector<16x32x1xf32>
    %mul3A_852 = vector.broadcast %broadcast_in_dim3A_851 : vector<16x32x1xf32> to vector<16x32x128xf32>
    %mul3A_853 = arith.mulf %reshape3A_826, %mul3A_852 : vector<16x32x128xf32>
    %reduce_sum3A_854 = arith.constant dense<0.000000e+00> : vector<16x128xf32>
    %reduce_sum3A_855 = vector.multi_reduction <add>, %mul3A_853, %reduce_sum3A_854 [1] : vector<16x32x128xf32> to vector<16x128xf32>
    %add3A_856 = arith.addf %slice3A_827, %reduce_sum3A_855 : vector<16x128xf32>
    %max3A_857 = arith.constant 0.000000e+00 : f32
    %max3A_858 = vector.broadcast %max3A_857 : f32 to vector<16x128xf32>
    %max3A_859 = arith.maximumf %add3A_856, %max3A_858 : vector<16x128xf32>
    %swap3A_860 = arith.constant 176 : index
    %swap3A_861 = arith.constant 0 : index
    %swap3A_862 = vector.load %arg8[%swap3A_860, %swap3A_861] : memref<256x128xf32, #tpu.memory_space<vmem>>, vector<16x128xf32>
    tpu.vector_store %arg8[%swap3A_860, %swap3A_861], %max3A_859 {strides = array<i32>} : memref<256x128xf32, #tpu.memory_space<vmem>>, vector<16x128xf32>,
    %get3A_863 = arith.constant 6144 : index
    %get3A_864 = arith.constant 0 : index
    %get3A_865 = vector.load %arg3[%get3A_863, %get3A_864] : memref<8192x128xf32, #tpu.memory_space<vmem>>, vector<512x128xf32>
    %convert_element_type3A_866 = arith.truncf %get3A_865 : vector<512x128xf32> to vector<512x128xbf16>
    %convert_element_type3A_867 = arith.extf %convert_element_type3A_866 : vector<512x128xbf16> to vector<512x128xf32>
    %sub3A_868 = arith.subf %get3A_865, %convert_element_type3A_867 : vector<512x128xf32>
    %convert_element_type3A_869 = arith.truncf %sub3A_868 : vector<512x128xf32> to vector<512x128xbf16>
    %dot_general3A_870 = arith.constant dense<0.000000e+00> : vector<512x128xf32>
    %dot_general3A_871 = tpu.matmul %convert_element_type3A_866, %convert_element_type3A, %dot_general3A_870 {dimension_numbers = #tpu.dot_dimension_numbers<[1], [0], [0], [1], [0, 0, 1, 1], [], []>, transpose_lhs_hint = false} : vector<512x128xbf16>, vector<128x128xbf16>, vector<512x128xf32> -> vector<512x128xf32>
    %dot_general3A_872 = arith.constant dense<0.000000e+00> : vector<512x128xf32>
    %dot_general3A_873 = tpu.matmul %convert_element_type3A_866, %convert_element_type3A_3, %dot_general3A_872 {dimension_numbers = #tpu.dot_dimension_numbers<[1], [0], [0], [1], [0, 0, 1, 1], [], []>, transpose_lhs_hint = false} : vector<512x128xbf16>, vector<128x128xbf16>, vector<512x128xf32> -> vector<512x128xf32>
    %dot_general3A_874 = arith.constant dense<0.000000e+00> : vector<512x128xf32>
    %dot_general3A_875 = tpu.matmul %convert_element_type3A_869, %convert_element_type3A, %dot_general3A_874 {dimension_numbers = #tpu.dot_dimension_numbers<[1], [0], [0], [1], [0, 0, 1, 1], [], []>, transpose_lhs_hint = false} : vector<512x128xbf16>, vector<128x128xbf16>, vector<512x128xf32> -> vector<512x128xf32>
    %add3A_876 = arith.addf %dot_general3A_873, %dot_general3A_875 : vector<512x128xf32>
    %add3A_877 = arith.addf %dot_general3A_871, %add3A_876 : vector<512x128xf32>
    %get3A_878 = arith.constant 6144 : index
    %get3A_879 = arith.constant 0 : index
    %get3A_880 = vector.load %arg2[%get3A_878, %get3A_879] : memref<8192x128xf32, #tpu.memory_space<vmem>>, vector<512x128xf32>
    %convert_element_type3A_881 = arith.truncf %get3A_880 : vector<512x128xf32> to vector<512x128xbf16>
    %convert_element_type3A_882 = arith.extf %convert_element_type3A_881 : vector<512x128xbf16> to vector<512x128xf32>
    %sub3A_883 = arith.subf %get3A_880, %convert_element_type3A_882 : vector<512x128xf32>
    %convert_element_type3A_884 = arith.truncf %sub3A_883 : vector<512x128xf32> to vector<512x128xbf16>
    %dot_general3A_885 = arith.constant dense<0.000000e+00> : vector<512x128xf32>
    %dot_general3A_886 = tpu.matmul %convert_element_type3A_881, %convert_element_type3A_5, %dot_general3A_885 {dimension_numbers = #tpu.dot_dimension_numbers<[1], [0], [0], [1], [0, 0, 1, 1], [], []>, transpose_lhs_hint = false} : vector<512x128xbf16>, vector<128x128xbf16>, vector<512x128xf32> -> vector<512x128xf32>
    %dot_general3A_887 = arith.constant dense<0.000000e+00> : vector<512x128xf32>
    %dot_general3A_888 = tpu.matmul %convert_element_type3A_881, %convert_element_type3A_8, %dot_general3A_887 {dimension_numbers = #tpu.dot_dimension_numbers<[1], [0], [0], [1], [0, 0, 1, 1], [], []>, transpose_lhs_hint = false} : vector<512x128xbf16>, vector<128x128xbf16>, vector<512x128xf32> -> vector<512x128xf32>
    %dot_general3A_889 = arith.constant dense<0.000000e+00> : vector<512x128xf32>
    %dot_general3A_890 = tpu.matmul %convert_element_type3A_884, %convert_element_type3A_5, %dot_general3A_889 {dimension_numbers = #tpu.dot_dimension_numbers<[1], [0], [0], [1], [0, 0, 1, 1], [], []>, transpose_lhs_hint = false} : vector<512x128xbf16>, vector<128x128xbf16>, vector<512x128xf32> -> vector<512x128xf32>
    %add3A_891 = arith.addf %dot_general3A_888, %dot_general3A_890 : vector<512x128xf32>
    %add3A_892 = arith.addf %dot_general3A_886, %add3A_891 : vector<512x128xf32>
    %add3A_893 = arith.addf %add3A_877, %add3A_892 : vector<512x128xf32>
    %add3A_894 = vector.broadcast %get3A_11 : vector<1x128xf32> to vector<512x128xf32>
    %add3A_895 = arith.addf %add3A_893, %add3A_894 : vector<512x128xf32>
    %tanh3A_896 = math.tanh %add3A_895 : vector<512x128xf32>
    %reshape3A_897 = vector.shape_cast %tanh3A_896 : vector<512x128xf32> to vector<16x32x128xf32>
    %slice3A_898 = vector.extract_strided_slice %dot_general3A_18 {offsets = [192, 0], sizes = [16, 128], strides = [1, 1]} : vector<256x128xf32> to vector<16x128xf32>
    %broadcast_in_dim3A_899 = vector.shape_cast %slice3A_898 : vector<16x128xf32> to vector<16x1x128xf32>
    %mul3A_900 = vector.broadcast %broadcast_in_dim3A_899 : vector<16x1x128xf32> to vector<16x32x128xf32>
    %mul3A_901 = arith.mulf %reshape3A_897, %mul3A_900 : vector<16x32x128xf32>
    %reduce_sum3A_902 = arith.constant dense<0.000000e+00> : vector<16x32xf32>
    %reduce_sum3A_903 = vector.multi_reduction <add>, %mul3A_901, %reduce_sum3A_902 [2] : vector<16x32x128xf32> to vector<16x32xf32>
    %mul3A_904 = arith.constant 0.0883883461 : f32
    %mul3A_905 = vector.broadcast %mul3A_904 : f32 to vector<16x32xf32>
    %mul3A_906 = arith.mulf %reduce_sum3A_903, %mul3A_905 : vector<16x32xf32>
    %slice3A_907 = vector.extract_strided_slice %ne3A_23 {offsets = [192, 0], sizes = [16, 32], strides = [1, 1]} : vector<256x32xi1> to vector<16x32xi1>
    %jit3A_908 = arith.constant -1.000000e+09 : f32
    %broadcast_in_dim3A_909 = vector.broadcast %jit3A_908 : f32 to vector<16x32xf32>
    %select_n3A_910 = arith.select %slice3A_907, %mul3A_906, %broadcast_in_dim3A_909 : vector<16x32xi1>, vector<16x32xf32>
    %reduce_max3A_911 = arith.constant dense<0xFF800000> : vector<16xf32>
    %reduce_max3A_912 = vector.multi_reduction <maximumf>, %select_n3A_910, %reduce_max3A_911 [1] : vector<16x32xf32> to vector<16xf32>
    %broadcast_in_dim3A_913 = vector.shape_cast %reduce_max3A_912 : vector<16xf32> to vector<16x1xf32>
    %sub3A_914 = vector.broadcast %broadcast_in_dim3A_913 : vector<16x1xf32> to vector<16x32xf32>
    %sub3A_915 = arith.subf %select_n3A_910, %sub3A_914 : vector<16x32xf32>
    %exp3A_916 = math.exp %sub3A_915 : vector<16x32xf32>
    %reduce_sum3A_917 = arith.constant dense<0.000000e+00> : vector<16xf32>
    %reduce_sum3A_918 = vector.multi_reduction <add>, %exp3A_916, %reduce_sum3A_917 [1] : vector<16x32xf32> to vector<16xf32>
    %broadcast_in_dim3A_919 = vector.shape_cast %reduce_sum3A_918 : vector<16xf32> to vector<16x1xf32>
    %div3A_920 = vector.broadcast %broadcast_in_dim3A_919 : vector<16x1xf32> to vector<16x32xf32>
    %div3A_921 = arith.divf %exp3A_916, %div3A_920 : vector<16x32xf32>
    %broadcast_in_dim3A_922 = vector.shape_cast %div3A_921 : vector<16x32xf32> to vector<16x32x1xf32>
    %mul3A_923 = vector.broadcast %broadcast_in_dim3A_922 : vector<16x32x1xf32> to vector<16x32x128xf32>
    %mul3A_924 = arith.mulf %reshape3A_897, %mul3A_923 : vector<16x32x128xf32>
    %reduce_sum3A_925 = arith.constant dense<0.000000e+00> : vector<16x128xf32>
    %reduce_sum3A_926 = vector.multi_reduction <add>, %mul3A_924, %reduce_sum3A_925 [1] : vector<16x32x128xf32> to vector<16x128xf32>
    %add3A_927 = arith.addf %slice3A_898, %reduce_sum3A_926 : vector<16x128xf32>
    %max3A_928 = arith.constant 0.000000e+00 : f32
    %max3A_929 = vector.broadcast %max3A_928 : f32 to vector<16x128xf32>
    %max3A_930 = arith.maximumf %add3A_927, %max3A_929 : vector<16x128xf32>
    %swap3A_931 = arith.constant 192 : index
    %swap3A_932 = arith.constant 0 : index
    %swap3A_933 = vector.load %arg8[%swap3A_931, %swap3A_932] : memref<256x128xf32, #tpu.memory_space<vmem>>, vector<16x128xf32>
    tpu.vector_store %arg8[%swap3A_931, %swap3A_932], %max3A_930 {strides = array<i32>} : memref<256x128xf32, #tpu.memory_space<vmem>>, vector<16x128xf32>,
    %get3A_934 = arith.constant 6656 : index
    %get3A_935 = arith.constant 0 : index
    %get3A_936 = vector.load %arg3[%get3A_934, %get3A_935] : memref<8192x128xf32, #tpu.memory_space<vmem>>, vector<512x128xf32>
    %convert_element_type3A_937 = arith.truncf %get3A_936 : vector<512x128xf32> to vector<512x128xbf16>
    %convert_element_type3A_938 = arith.extf %convert_element_type3A_937 : vector<512x128xbf16> to vector<512x128xf32>
    %sub3A_939 = arith.subf %get3A_936, %convert_element_type3A_938 : vector<512x128xf32>
    %convert_element_type3A_940 = arith.truncf %sub3A_939 : vector<512x128xf32> to vector<512x128xbf16>
    %dot_general3A_941 = arith.constant dense<0.000000e+00> : vector<512x128xf32>
    %dot_general3A_942 = tpu.matmul %convert_element_type3A_937, %convert_element_type3A, %dot_general3A_941 {dimension_numbers = #tpu.dot_dimension_numbers<[1], [0], [0], [1], [0, 0, 1, 1], [], []>, transpose_lhs_hint = false} : vector<512x128xbf16>, vector<128x128xbf16>, vector<512x128xf32> -> vector<512x128xf32>
    %dot_general3A_943 = arith.constant dense<0.000000e+00> : vector<512x128xf32>
    %dot_general3A_944 = tpu.matmul %convert_element_type3A_937, %convert_element_type3A_3, %dot_general3A_943 {dimension_numbers = #tpu.dot_dimension_numbers<[1], [0], [0], [1], [0, 0, 1, 1], [], []>, transpose_lhs_hint = false} : vector<512x128xbf16>, vector<128x128xbf16>, vector<512x128xf32> -> vector<512x128xf32>
    %dot_general3A_945 = arith.constant dense<0.000000e+00> : vector<512x128xf32>
    %dot_general3A_946 = tpu.matmul %convert_element_type3A_940, %convert_element_type3A, %dot_general3A_945 {dimension_numbers = #tpu.dot_dimension_numbers<[1], [0], [0], [1], [0, 0, 1, 1], [], []>, transpose_lhs_hint = false} : vector<512x128xbf16>, vector<128x128xbf16>, vector<512x128xf32> -> vector<512x128xf32>
    %add3A_947 = arith.addf %dot_general3A_944, %dot_general3A_946 : vector<512x128xf32>
    %add3A_948 = arith.addf %dot_general3A_942, %add3A_947 : vector<512x128xf32>
    %get3A_949 = arith.constant 6656 : index
    %get3A_950 = arith.constant 0 : index
    %get3A_951 = vector.load %arg2[%get3A_949, %get3A_950] : memref<8192x128xf32, #tpu.memory_space<vmem>>, vector<512x128xf32>
    %convert_element_type3A_952 = arith.truncf %get3A_951 : vector<512x128xf32> to vector<512x128xbf16>
    %convert_element_type3A_953 = arith.extf %convert_element_type3A_952 : vector<512x128xbf16> to vector<512x128xf32>
    %sub3A_954 = arith.subf %get3A_951, %convert_element_type3A_953 : vector<512x128xf32>
    %convert_element_type3A_955 = arith.truncf %sub3A_954 : vector<512x128xf32> to vector<512x128xbf16>
    %dot_general3A_956 = arith.constant dense<0.000000e+00> : vector<512x128xf32>
    %dot_general3A_957 = tpu.matmul %convert_element_type3A_952, %convert_element_type3A_5, %dot_general3A_956 {dimension_numbers = #tpu.dot_dimension_numbers<[1], [0], [0], [1], [0, 0, 1, 1], [], []>, transpose_lhs_hint = false} : vector<512x128xbf16>, vector<128x128xbf16>, vector<512x128xf32> -> vector<512x128xf32>
    %dot_general3A_958 = arith.constant dense<0.000000e+00> : vector<512x128xf32>
    %dot_general3A_959 = tpu.matmul %convert_element_type3A_952, %convert_element_type3A_8, %dot_general3A_958 {dimension_numbers = #tpu.dot_dimension_numbers<[1], [0], [0], [1], [0, 0, 1, 1], [], []>, transpose_lhs_hint = false} : vector<512x128xbf16>, vector<128x128xbf16>, vector<512x128xf32> -> vector<512x128xf32>
    %dot_general3A_960 = arith.constant dense<0.000000e+00> : vector<512x128xf32>
    %dot_general3A_961 = tpu.matmul %convert_element_type3A_955, %convert_element_type3A_5, %dot_general3A_960 {dimension_numbers = #tpu.dot_dimension_numbers<[1], [0], [0], [1], [0, 0, 1, 1], [], []>, transpose_lhs_hint = false} : vector<512x128xbf16>, vector<128x128xbf16>, vector<512x128xf32> -> vector<512x128xf32>
    %add3A_962 = arith.addf %dot_general3A_959, %dot_general3A_961 : vector<512x128xf32>
    %add3A_963 = arith.addf %dot_general3A_957, %add3A_962 : vector<512x128xf32>
    %add3A_964 = arith.addf %add3A_948, %add3A_963 : vector<512x128xf32>
    %add3A_965 = vector.broadcast %get3A_11 : vector<1x128xf32> to vector<512x128xf32>
    %add3A_966 = arith.addf %add3A_964, %add3A_965 : vector<512x128xf32>
    %tanh3A_967 = math.tanh %add3A_966 : vector<512x128xf32>
    %reshape3A_968 = vector.shape_cast %tanh3A_967 : vector<512x128xf32> to vector<16x32x128xf32>
    %slice3A_969 = vector.extract_strided_slice %dot_general3A_18 {offsets = [208, 0], sizes = [16, 128], strides = [1, 1]} : vector<256x128xf32> to vector<16x128xf32>
    %broadcast_in_dim3A_970 = vector.shape_cast %slice3A_969 : vector<16x128xf32> to vector<16x1x128xf32>
    %mul3A_971 = vector.broadcast %broadcast_in_dim3A_970 : vector<16x1x128xf32> to vector<16x32x128xf32>
    %mul3A_972 = arith.mulf %reshape3A_968, %mul3A_971 : vector<16x32x128xf32>
    %reduce_sum3A_973 = arith.constant dense<0.000000e+00> : vector<16x32xf32>
    %reduce_sum3A_974 = vector.multi_reduction <add>, %mul3A_972, %reduce_sum3A_973 [2] : vector<16x32x128xf32> to vector<16x32xf32>
    %mul3A_975 = arith.constant 0.0883883461 : f32
    %mul3A_976 = vector.broadcast %mul3A_975 : f32 to vector<16x32xf32>
    %mul3A_977 = arith.mulf %reduce_sum3A_974, %mul3A_976 : vector<16x32xf32>
    %slice3A_978 = vector.extract_strided_slice %ne3A_23 {offsets = [208, 0], sizes = [16, 32], strides = [1, 1]} : vector<256x32xi1> to vector<16x32xi1>
    %jit3A_979 = arith.constant -1.000000e+09 : f32
    %broadcast_in_dim3A_980 = vector.broadcast %jit3A_979 : f32 to vector<16x32xf32>
    %select_n3A_981 = arith.select %slice3A_978, %mul3A_977, %broadcast_in_dim3A_980 : vector<16x32xi1>, vector<16x32xf32>
    %reduce_max3A_982 = arith.constant dense<0xFF800000> : vector<16xf32>
    %reduce_max3A_983 = vector.multi_reduction <maximumf>, %select_n3A_981, %reduce_max3A_982 [1] : vector<16x32xf32> to vector<16xf32>
    %broadcast_in_dim3A_984 = vector.shape_cast %reduce_max3A_983 : vector<16xf32> to vector<16x1xf32>
    %sub3A_985 = vector.broadcast %broadcast_in_dim3A_984 : vector<16x1xf32> to vector<16x32xf32>
    %sub3A_986 = arith.subf %select_n3A_981, %sub3A_985 : vector<16x32xf32>
    %exp3A_987 = math.exp %sub3A_986 : vector<16x32xf32>
    %reduce_sum3A_988 = arith.constant dense<0.000000e+00> : vector<16xf32>
    %reduce_sum3A_989 = vector.multi_reduction <add>, %exp3A_987, %reduce_sum3A_988 [1] : vector<16x32xf32> to vector<16xf32>
    %broadcast_in_dim3A_990 = vector.shape_cast %reduce_sum3A_989 : vector<16xf32> to vector<16x1xf32>
    %div3A_991 = vector.broadcast %broadcast_in_dim3A_990 : vector<16x1xf32> to vector<16x32xf32>
    %div3A_992 = arith.divf %exp3A_987, %div3A_991 : vector<16x32xf32>
    %broadcast_in_dim3A_993 = vector.shape_cast %div3A_992 : vector<16x32xf32> to vector<16x32x1xf32>
    %mul3A_994 = vector.broadcast %broadcast_in_dim3A_993 : vector<16x32x1xf32> to vector<16x32x128xf32>
    %mul3A_995 = arith.mulf %reshape3A_968, %mul3A_994 : vector<16x32x128xf32>
    %reduce_sum3A_996 = arith.constant dense<0.000000e+00> : vector<16x128xf32>
    %reduce_sum3A_997 = vector.multi_reduction <add>, %mul3A_995, %reduce_sum3A_996 [1] : vector<16x32x128xf32> to vector<16x128xf32>
    %add3A_998 = arith.addf %slice3A_969, %reduce_sum3A_997 : vector<16x128xf32>
    %max3A_999 = arith.constant 0.000000e+00 : f32
    %max3A_1000 = vector.broadcast %max3A_999 : f32 to vector<16x128xf32>
    %max3A_1001 = arith.maximumf %add3A_998, %max3A_1000 : vector<16x128xf32>
    %swap3A_1002 = arith.constant 208 : index
    %swap3A_1003 = arith.constant 0 : index
    %swap3A_1004 = vector.load %arg8[%swap3A_1002, %swap3A_1003] : memref<256x128xf32, #tpu.memory_space<vmem>>, vector<16x128xf32>
    tpu.vector_store %arg8[%swap3A_1002, %swap3A_1003], %max3A_1001 {strides = array<i32>} : memref<256x128xf32, #tpu.memory_space<vmem>>, vector<16x128xf32>,
    %get3A_1005 = arith.constant 7168 : index
    %get3A_1006 = arith.constant 0 : index
    %get3A_1007 = vector.load %arg3[%get3A_1005, %get3A_1006] : memref<8192x128xf32, #tpu.memory_space<vmem>>, vector<512x128xf32>
    %convert_element_type3A_1008 = arith.truncf %get3A_1007 : vector<512x128xf32> to vector<512x128xbf16>
    %convert_element_type3A_1009 = arith.extf %convert_element_type3A_1008 : vector<512x128xbf16> to vector<512x128xf32>
    %sub3A_1010 = arith.subf %get3A_1007, %convert_element_type3A_1009 : vector<512x128xf32>
    %convert_element_type3A_1011 = arith.truncf %sub3A_1010 : vector<512x128xf32> to vector<512x128xbf16>
    %dot_general3A_1012 = arith.constant dense<0.000000e+00> : vector<512x128xf32>
    %dot_general3A_1013 = tpu.matmul %convert_element_type3A_1008, %convert_element_type3A, %dot_general3A_1012 {dimension_numbers = #tpu.dot_dimension_numbers<[1], [0], [0], [1], [0, 0, 1, 1], [], []>, transpose_lhs_hint = false} : vector<512x128xbf16>, vector<128x128xbf16>, vector<512x128xf32> -> vector<512x128xf32>
    %dot_general3A_1014 = arith.constant dense<0.000000e+00> : vector<512x128xf32>
    %dot_general3A_1015 = tpu.matmul %convert_element_type3A_1008, %convert_element_type3A_3, %dot_general3A_1014 {dimension_numbers = #tpu.dot_dimension_numbers<[1], [0], [0], [1], [0, 0, 1, 1], [], []>, transpose_lhs_hint = false} : vector<512x128xbf16>, vector<128x128xbf16>, vector<512x128xf32> -> vector<512x128xf32>
    %dot_general3A_1016 = arith.constant dense<0.000000e+00> : vector<512x128xf32>
    %dot_general3A_1017 = tpu.matmul %convert_element_type3A_1011, %convert_element_type3A, %dot_general3A_1016 {dimension_numbers = #tpu.dot_dimension_numbers<[1], [0], [0], [1], [0, 0, 1, 1], [], []>, transpose_lhs_hint = false} : vector<512x128xbf16>, vector<128x128xbf16>, vector<512x128xf32> -> vector<512x128xf32>
    %add3A_1018 = arith.addf %dot_general3A_1015, %dot_general3A_1017 : vector<512x128xf32>
    %add3A_1019 = arith.addf %dot_general3A_1013, %add3A_1018 : vector<512x128xf32>
    %get3A_1020 = arith.constant 7168 : index
    %get3A_1021 = arith.constant 0 : index
    %get3A_1022 = vector.load %arg2[%get3A_1020, %get3A_1021] : memref<8192x128xf32, #tpu.memory_space<vmem>>, vector<512x128xf32>
    %convert_element_type3A_1023 = arith.truncf %get3A_1022 : vector<512x128xf32> to vector<512x128xbf16>
    %convert_element_type3A_1024 = arith.extf %convert_element_type3A_1023 : vector<512x128xbf16> to vector<512x128xf32>
    %sub3A_1025 = arith.subf %get3A_1022, %convert_element_type3A_1024 : vector<512x128xf32>
    %convert_element_type3A_1026 = arith.truncf %sub3A_1025 : vector<512x128xf32> to vector<512x128xbf16>
    %dot_general3A_1027 = arith.constant dense<0.000000e+00> : vector<512x128xf32>
    %dot_general3A_1028 = tpu.matmul %convert_element_type3A_1023, %convert_element_type3A_5, %dot_general3A_1027 {dimension_numbers = #tpu.dot_dimension_numbers<[1], [0], [0], [1], [0, 0, 1, 1], [], []>, transpose_lhs_hint = false} : vector<512x128xbf16>, vector<128x128xbf16>, vector<512x128xf32> -> vector<512x128xf32>
    %dot_general3A_1029 = arith.constant dense<0.000000e+00> : vector<512x128xf32>
    %dot_general3A_1030 = tpu.matmul %convert_element_type3A_1023, %convert_element_type3A_8, %dot_general3A_1029 {dimension_numbers = #tpu.dot_dimension_numbers<[1], [0], [0], [1], [0, 0, 1, 1], [], []>, transpose_lhs_hint = false} : vector<512x128xbf16>, vector<128x128xbf16>, vector<512x128xf32> -> vector<512x128xf32>
    %dot_general3A_1031 = arith.constant dense<0.000000e+00> : vector<512x128xf32>
    %dot_general3A_1032 = tpu.matmul %convert_element_type3A_1026, %convert_element_type3A_5, %dot_general3A_1031 {dimension_numbers = #tpu.dot_dimension_numbers<[1], [0], [0], [1], [0, 0, 1, 1], [], []>, transpose_lhs_hint = false} : vector<512x128xbf16>, vector<128x128xbf16>, vector<512x128xf32> -> vector<512x128xf32>
    %add3A_1033 = arith.addf %dot_general3A_1030, %dot_general3A_1032 : vector<512x128xf32>
    %add3A_1034 = arith.addf %dot_general3A_1028, %add3A_1033 : vector<512x128xf32>
    %add3A_1035 = arith.addf %add3A_1019, %add3A_1034 : vector<512x128xf32>
    %add3A_1036 = vector.broadcast %get3A_11 : vector<1x128xf32> to vector<512x128xf32>
    %add3A_1037 = arith.addf %add3A_1035, %add3A_1036 : vector<512x128xf32>
    %tanh3A_1038 = math.tanh %add3A_1037 : vector<512x128xf32>
    %reshape3A_1039 = vector.shape_cast %tanh3A_1038 : vector<512x128xf32> to vector<16x32x128xf32>
    %slice3A_1040 = vector.extract_strided_slice %dot_general3A_18 {offsets = [224, 0], sizes = [16, 128], strides = [1, 1]} : vector<256x128xf32> to vector<16x128xf32>
    %broadcast_in_dim3A_1041 = vector.shape_cast %slice3A_1040 : vector<16x128xf32> to vector<16x1x128xf32>
    %mul3A_1042 = vector.broadcast %broadcast_in_dim3A_1041 : vector<16x1x128xf32> to vector<16x32x128xf32>
    %mul3A_1043 = arith.mulf %reshape3A_1039, %mul3A_1042 : vector<16x32x128xf32>
    %reduce_sum3A_1044 = arith.constant dense<0.000000e+00> : vector<16x32xf32>
    %reduce_sum3A_1045 = vector.multi_reduction <add>, %mul3A_1043, %reduce_sum3A_1044 [2] : vector<16x32x128xf32> to vector<16x32xf32>
    %mul3A_1046 = arith.constant 0.0883883461 : f32
    %mul3A_1047 = vector.broadcast %mul3A_1046 : f32 to vector<16x32xf32>
    %mul3A_1048 = arith.mulf %reduce_sum3A_1045, %mul3A_1047 : vector<16x32xf32>
    %slice3A_1049 = vector.extract_strided_slice %ne3A_23 {offsets = [224, 0], sizes = [16, 32], strides = [1, 1]} : vector<256x32xi1> to vector<16x32xi1>
    %jit3A_1050 = arith.constant -1.000000e+09 : f32
    %broadcast_in_dim3A_1051 = vector.broadcast %jit3A_1050 : f32 to vector<16x32xf32>
    %select_n3A_1052 = arith.select %slice3A_1049, %mul3A_1048, %broadcast_in_dim3A_1051 : vector<16x32xi1>, vector<16x32xf32>
    %reduce_max3A_1053 = arith.constant dense<0xFF800000> : vector<16xf32>
    %reduce_max3A_1054 = vector.multi_reduction <maximumf>, %select_n3A_1052, %reduce_max3A_1053 [1] : vector<16x32xf32> to vector<16xf32>
    %broadcast_in_dim3A_1055 = vector.shape_cast %reduce_max3A_1054 : vector<16xf32> to vector<16x1xf32>
    %sub3A_1056 = vector.broadcast %broadcast_in_dim3A_1055 : vector<16x1xf32> to vector<16x32xf32>
    %sub3A_1057 = arith.subf %select_n3A_1052, %sub3A_1056 : vector<16x32xf32>
    %exp3A_1058 = math.exp %sub3A_1057 : vector<16x32xf32>
    %reduce_sum3A_1059 = arith.constant dense<0.000000e+00> : vector<16xf32>
    %reduce_sum3A_1060 = vector.multi_reduction <add>, %exp3A_1058, %reduce_sum3A_1059 [1] : vector<16x32xf32> to vector<16xf32>
    %broadcast_in_dim3A_1061 = vector.shape_cast %reduce_sum3A_1060 : vector<16xf32> to vector<16x1xf32>
    %div3A_1062 = vector.broadcast %broadcast_in_dim3A_1061 : vector<16x1xf32> to vector<16x32xf32>
    %div3A_1063 = arith.divf %exp3A_1058, %div3A_1062 : vector<16x32xf32>
    %broadcast_in_dim3A_1064 = vector.shape_cast %div3A_1063 : vector<16x32xf32> to vector<16x32x1xf32>
    %mul3A_1065 = vector.broadcast %broadcast_in_dim3A_1064 : vector<16x32x1xf32> to vector<16x32x128xf32>
    %mul3A_1066 = arith.mulf %reshape3A_1039, %mul3A_1065 : vector<16x32x128xf32>
    %reduce_sum3A_1067 = arith.constant dense<0.000000e+00> : vector<16x128xf32>
    %reduce_sum3A_1068 = vector.multi_reduction <add>, %mul3A_1066, %reduce_sum3A_1067 [1] : vector<16x32x128xf32> to vector<16x128xf32>
    %add3A_1069 = arith.addf %slice3A_1040, %reduce_sum3A_1068 : vector<16x128xf32>
    %max3A_1070 = arith.constant 0.000000e+00 : f32
    %max3A_1071 = vector.broadcast %max3A_1070 : f32 to vector<16x128xf32>
    %max3A_1072 = arith.maximumf %add3A_1069, %max3A_1071 : vector<16x128xf32>
    %swap3A_1073 = arith.constant 224 : index
    %swap3A_1074 = arith.constant 0 : index
    %swap3A_1075 = vector.load %arg8[%swap3A_1073, %swap3A_1074] : memref<256x128xf32, #tpu.memory_space<vmem>>, vector<16x128xf32>
    tpu.vector_store %arg8[%swap3A_1073, %swap3A_1074], %max3A_1072 {strides = array<i32>} : memref<256x128xf32, #tpu.memory_space<vmem>>, vector<16x128xf32>,
    %get3A_1076 = arith.constant 7680 : index
    %get3A_1077 = arith.constant 0 : index
    %get3A_1078 = vector.load %arg3[%get3A_1076, %get3A_1077] : memref<8192x128xf32, #tpu.memory_space<vmem>>, vector<512x128xf32>
    %convert_element_type3A_1079 = arith.truncf %get3A_1078 : vector<512x128xf32> to vector<512x128xbf16>
    %convert_element_type3A_1080 = arith.extf %convert_element_type3A_1079 : vector<512x128xbf16> to vector<512x128xf32>
    %sub3A_1081 = arith.subf %get3A_1078, %convert_element_type3A_1080 : vector<512x128xf32>
    %convert_element_type3A_1082 = arith.truncf %sub3A_1081 : vector<512x128xf32> to vector<512x128xbf16>
    %dot_general3A_1083 = arith.constant dense<0.000000e+00> : vector<512x128xf32>
    %dot_general3A_1084 = tpu.matmul %convert_element_type3A_1079, %convert_element_type3A, %dot_general3A_1083 {dimension_numbers = #tpu.dot_dimension_numbers<[1], [0], [0], [1], [0, 0, 1, 1], [], []>, transpose_lhs_hint = false} : vector<512x128xbf16>, vector<128x128xbf16>, vector<512x128xf32> -> vector<512x128xf32>
    %dot_general3A_1085 = arith.constant dense<0.000000e+00> : vector<512x128xf32>
    %dot_general3A_1086 = tpu.matmul %convert_element_type3A_1079, %convert_element_type3A_3, %dot_general3A_1085 {dimension_numbers = #tpu.dot_dimension_numbers<[1], [0], [0], [1], [0, 0, 1, 1], [], []>, transpose_lhs_hint = false} : vector<512x128xbf16>, vector<128x128xbf16>, vector<512x128xf32> -> vector<512x128xf32>
    %dot_general3A_1087 = arith.constant dense<0.000000e+00> : vector<512x128xf32>
    %dot_general3A_1088 = tpu.matmul %convert_element_type3A_1082, %convert_element_type3A, %dot_general3A_1087 {dimension_numbers = #tpu.dot_dimension_numbers<[1], [0], [0], [1], [0, 0, 1, 1], [], []>, transpose_lhs_hint = false} : vector<512x128xbf16>, vector<128x128xbf16>, vector<512x128xf32> -> vector<512x128xf32>
    %add3A_1089 = arith.addf %dot_general3A_1086, %dot_general3A_1088 : vector<512x128xf32>
    %add3A_1090 = arith.addf %dot_general3A_1084, %add3A_1089 : vector<512x128xf32>
    %get3A_1091 = arith.constant 7680 : index
    %get3A_1092 = arith.constant 0 : index
    %get3A_1093 = vector.load %arg2[%get3A_1091, %get3A_1092] : memref<8192x128xf32, #tpu.memory_space<vmem>>, vector<512x128xf32>
    %convert_element_type3A_1094 = arith.truncf %get3A_1093 : vector<512x128xf32> to vector<512x128xbf16>
    %convert_element_type3A_1095 = arith.extf %convert_element_type3A_1094 : vector<512x128xbf16> to vector<512x128xf32>
    %sub3A_1096 = arith.subf %get3A_1093, %convert_element_type3A_1095 : vector<512x128xf32>
    %convert_element_type3A_1097 = arith.truncf %sub3A_1096 : vector<512x128xf32> to vector<512x128xbf16>
    %dot_general3A_1098 = arith.constant dense<0.000000e+00> : vector<512x128xf32>
    %dot_general3A_1099 = tpu.matmul %convert_element_type3A_1094, %convert_element_type3A_5, %dot_general3A_1098 {dimension_numbers = #tpu.dot_dimension_numbers<[1], [0], [0], [1], [0, 0, 1, 1], [], []>, transpose_lhs_hint = false} : vector<512x128xbf16>, vector<128x128xbf16>, vector<512x128xf32> -> vector<512x128xf32>
    %dot_general3A_1100 = arith.constant dense<0.000000e+00> : vector<512x128xf32>
    %dot_general3A_1101 = tpu.matmul %convert_element_type3A_1094, %convert_element_type3A_8, %dot_general3A_1100 {dimension_numbers = #tpu.dot_dimension_numbers<[1], [0], [0], [1], [0, 0, 1, 1], [], []>, transpose_lhs_hint = false} : vector<512x128xbf16>, vector<128x128xbf16>, vector<512x128xf32> -> vector<512x128xf32>
    %dot_general3A_1102 = arith.constant dense<0.000000e+00> : vector<512x128xf32>
    %dot_general3A_1103 = tpu.matmul %convert_element_type3A_1097, %convert_element_type3A_5, %dot_general3A_1102 {dimension_numbers = #tpu.dot_dimension_numbers<[1], [0], [0], [1], [0, 0, 1, 1], [], []>, transpose_lhs_hint = false} : vector<512x128xbf16>, vector<128x128xbf16>, vector<512x128xf32> -> vector<512x128xf32>
    %add3A_1104 = arith.addf %dot_general3A_1101, %dot_general3A_1103 : vector<512x128xf32>
    %add3A_1105 = arith.addf %dot_general3A_1099, %add3A_1104 : vector<512x128xf32>
    %add3A_1106 = arith.addf %add3A_1090, %add3A_1105 : vector<512x128xf32>
    %add3A_1107 = vector.broadcast %get3A_11 : vector<1x128xf32> to vector<512x128xf32>
    %add3A_1108 = arith.addf %add3A_1106, %add3A_1107 : vector<512x128xf32>
    %tanh3A_1109 = math.tanh %add3A_1108 : vector<512x128xf32>
    %reshape3A_1110 = vector.shape_cast %tanh3A_1109 : vector<512x128xf32> to vector<16x32x128xf32>
    %slice3A_1111 = vector.extract_strided_slice %dot_general3A_18 {offsets = [240, 0], sizes = [16, 128], strides = [1, 1]} : vector<256x128xf32> to vector<16x128xf32>
    %broadcast_in_dim3A_1112 = vector.shape_cast %slice3A_1111 : vector<16x128xf32> to vector<16x1x128xf32>
    %mul3A_1113 = vector.broadcast %broadcast_in_dim3A_1112 : vector<16x1x128xf32> to vector<16x32x128xf32>
    %mul3A_1114 = arith.mulf %reshape3A_1110, %mul3A_1113 : vector<16x32x128xf32>
    %reduce_sum3A_1115 = arith.constant dense<0.000000e+00> : vector<16x32xf32>
    %reduce_sum3A_1116 = vector.multi_reduction <add>, %mul3A_1114, %reduce_sum3A_1115 [2] : vector<16x32x128xf32> to vector<16x32xf32>
    %mul3A_1117 = arith.constant 0.0883883461 : f32
    %mul3A_1118 = vector.broadcast %mul3A_1117 : f32 to vector<16x32xf32>
    %mul3A_1119 = arith.mulf %reduce_sum3A_1116, %mul3A_1118 : vector<16x32xf32>
    %slice3A_1120 = vector.extract_strided_slice %ne3A_23 {offsets = [240, 0], sizes = [16, 32], strides = [1, 1]} : vector<256x32xi1> to vector<16x32xi1>
    %jit3A_1121 = arith.constant -1.000000e+09 : f32
    %broadcast_in_dim3A_1122 = vector.broadcast %jit3A_1121 : f32 to vector<16x32xf32>
    %select_n3A_1123 = arith.select %slice3A_1120, %mul3A_1119, %broadcast_in_dim3A_1122 : vector<16x32xi1>, vector<16x32xf32>
    %reduce_max3A_1124 = arith.constant dense<0xFF800000> : vector<16xf32>
    %reduce_max3A_1125 = vector.multi_reduction <maximumf>, %select_n3A_1123, %reduce_max3A_1124 [1] : vector<16x32xf32> to vector<16xf32>
    %broadcast_in_dim3A_1126 = vector.shape_cast %reduce_max3A_1125 : vector<16xf32> to vector<16x1xf32>
    %sub3A_1127 = vector.broadcast %broadcast_in_dim3A_1126 : vector<16x1xf32> to vector<16x32xf32>
    %sub3A_1128 = arith.subf %select_n3A_1123, %sub3A_1127 : vector<16x32xf32>
    %exp3A_1129 = math.exp %sub3A_1128 : vector<16x32xf32>
    %reduce_sum3A_1130 = arith.constant dense<0.000000e+00> : vector<16xf32>
    %reduce_sum3A_1131 = vector.multi_reduction <add>, %exp3A_1129, %reduce_sum3A_1130 [1] : vector<16x32xf32> to vector<16xf32>
    %broadcast_in_dim3A_1132 = vector.shape_cast %reduce_sum3A_1131 : vector<16xf32> to vector<16x1xf32>
    %div3A_1133 = vector.broadcast %broadcast_in_dim3A_1132 : vector<16x1xf32> to vector<16x32xf32>
    %div3A_1134 = arith.divf %exp3A_1129, %div3A_1133 : vector<16x32xf32>
    %broadcast_in_dim3A_1135 = vector.shape_cast %div3A_1134 : vector<16x32xf32> to vector<16x32x1xf32>
    %mul3A_1136 = vector.broadcast %broadcast_in_dim3A_1135 : vector<16x32x1xf32> to vector<16x32x128xf32>
    %mul3A_1137 = arith.mulf %reshape3A_1110, %mul3A_1136 : vector<16x32x128xf32>
    %reduce_sum3A_1138 = arith.constant dense<0.000000e+00> : vector<16x128xf32>
    %reduce_sum3A_1139 = vector.multi_reduction <add>, %mul3A_1137, %reduce_sum3A_1138 [1] : vector<16x32x128xf32> to vector<16x128xf32>
    %add3A_1140 = arith.addf %slice3A_1111, %reduce_sum3A_1139 : vector<16x128xf32>
    %max3A_1141 = arith.constant 0.000000e+00 : f32
    %max3A_1142 = vector.broadcast %max3A_1141 : f32 to vector<16x128xf32>
    %max3A_1143 = arith.maximumf %add3A_1140, %max3A_1142 : vector<16x128xf32>
    %swap3A_1144 = arith.constant 240 : index
    %swap3A_1145 = arith.constant 0 : index
    %swap3A_1146 = vector.load %arg8[%swap3A_1144, %swap3A_1145] : memref<256x128xf32, #tpu.memory_space<vmem>>, vector<16x128xf32>
    tpu.vector_store %arg8[%swap3A_1144, %swap3A_1145], %max3A_1143 {strides = array<i32>} : memref<256x128xf32, #tpu.memory_space<vmem>>, vector<16x128xf32>,
    return
  }
  func.func @transform_0(%arg0: i32) -> (i32, i32) {
    %c0_i32 = arith.constant 0 : i32
    %c0_i32_0 = arith.constant 0 : i32
    return %arg0, %c0_i32 : i32, i32
  }
  func.func @transform_1(%arg0: i32) -> (i32, i32) {
    %c0_i32 = arith.constant 0 : i32
    %c0_i32_0 = arith.constant 0 : i32
    return %arg0, %c0_i32 : i32, i32
  }
  func.func @transform_2(%arg0: i32) -> (i32, i32) {
    %c0_i32 = arith.constant 0 : i32
    %c0_i32_0 = arith.constant 0 : i32
    return %arg0, %c0_i32 : i32, i32
  }
  func.func @transform_3(%arg0: i32) -> (i32, i32) {
    %c0_i32 = arith.constant 0 : i32
    %c0_i32_0 = arith.constant 0 : i32
    return %arg0, %c0_i32 : i32, i32
  }
  func.func @transform_4(%arg0: i32) -> (i32, i32) {
    %c0_i32 = arith.constant 0 : i32
    %c0_i32_0 = arith.constant 0 : i32
    %c0_i32_1 = arith.constant 0 : i32
    return %c0_i32, %c0_i32_0 : i32, i32
  }
  func.func @transform_5(%arg0: i32) -> (i32, i32) {
    %c0_i32 = arith.constant 0 : i32
    %c0_i32_0 = arith.constant 0 : i32
    %c0_i32_1 = arith.constant 0 : i32
    return %c0_i32, %c0_i32_0 : i32, i32
  }
  func.func @transform_6(%arg0: i32) -> (i32, i32) {
    %c0_i32 = arith.constant 0 : i32
    %c0_i32_0 = arith.constant 0 : i32
    %c0_i32_1 = arith.constant 0 : i32
    return %c0_i32, %c0_i32_0 : i32, i32
  }
  func.func @transform_7(%arg0: i32) -> (i32, i32) {
    %c0_i32 = arith.constant 0 : i32
    %c0_i32_0 = arith.constant 0 : i32
    return %arg0, %c0_i32 : i32, i32
  }
}

module attributes {stable_mosaic.version = 14 : i64} {
  func.func @_encode_body(%arg0: i32, %arg1: memref<256x128xf32, #tpu.memory_space<vmem>>, %arg2: memref<8192x128xf32, #tpu.memory_space<vmem>>, %arg3: memref<8192x128xf32, #tpu.memory_space<vmem>>, %arg4: memref<256x32xi32, #tpu.memory_space<vmem>>, %arg5: memref<256x128xf32, #tpu.memory_space<vmem>>, %arg6: memref<1x128xf32, #tpu.memory_space<vmem>>, %arg7: memref<128x128xf32, #tpu.memory_space<vmem>>, %arg8: memref<256x128xf32, #tpu.memory_space<vmem>>) attributes {dimension_semantics = [#tpu.dimension_semantics<arbitrary>], iteration_bounds = array<i64: 8>, scalar_prefetch = 0 : i64, scratch_operands = 0 : i64, tpu.core_type = #tpu.core_type<tc>, window_params = [{transform_indices = @transform_0, window_bounds = array<i64: 256, 128>}, {transform_indices = @transform_1, window_bounds = array<i64: 8192, 128>}, {transform_indices = @transform_2, window_bounds = array<i64: 8192, 128>}, {transform_indices = @transform_3, window_bounds = array<i64: 256, 32>}, {pipeline_mode = #tpu.pipeline_mode<synchronous>, transform_indices = @transform_4, window_bounds = array<i64: 256, 128>}, {pipeline_mode = #tpu.pipeline_mode<synchronous>, transform_indices = @transform_5, window_bounds = array<i64: 1, 128>}, {pipeline_mode = #tpu.pipeline_mode<synchronous>, transform_indices = @transform_6, window_bounds = array<i64: 128, 128>}, {transform_indices = @transform_7, window_bounds = array<i64: 256, 128>}]} {
    %get3A = arith.constant 0 : index
    %get3A_0 = arith.constant 0 : index
    %get3A_1 = vector.load %arg5[%get3A, %get3A_0] : memref<256x128xf32, #tpu.memory_space<vmem>>, vector<256x128xf32>
    %slice3A = vector.extract_strided_slice %get3A_1 {offsets = [0, 0], sizes = [128, 128], strides = [1, 1]} : vector<256x128xf32> to vector<128x128xf32>
    %convert_element_type3A = arith.truncf %slice3A : vector<128x128xf32> to vector<128x128xbf16>
    %convert_element_type3A_2 = arith.extf %convert_element_type3A : vector<128x128xbf16> to vector<128x128xf32>
    %sub3A = arith.subf %slice3A, %convert_element_type3A_2 : vector<128x128xf32>
    %convert_element_type3A_3 = arith.truncf %sub3A : vector<128x128xf32> to vector<128x128xbf16>
    %slice3A_4 = vector.extract_strided_slice %get3A_1 {offsets = [128, 0], sizes = [128, 128], strides = [1, 1]} : vector<256x128xf32> to vector<128x128xf32>
    %convert_element_type3A_5 = arith.truncf %slice3A_4 : vector<128x128xf32> to vector<128x128xbf16>
    %convert_element_type3A_6 = arith.extf %convert_element_type3A_5 : vector<128x128xbf16> to vector<128x128xf32>
    %sub3A_7 = arith.subf %slice3A_4, %convert_element_type3A_6 : vector<128x128xf32>
    %convert_element_type3A_8 = arith.truncf %sub3A_7 : vector<128x128xf32> to vector<128x128xbf16>
    %get3A_9 = arith.constant 0 : index
    %get3A_10 = arith.constant 0 : index
    %get3A_11 = vector.load %arg6[%get3A_9, %get3A_10] : memref<1x128xf32, #tpu.memory_space<vmem>>, vector<1x128xf32>
    %get3A_12 = arith.constant 0 : index
    %get3A_13 = arith.constant 0 : index
    %get3A_14 = vector.load %arg1[%get3A_12, %get3A_13] : memref<256x128xf32, #tpu.memory_space<vmem>>, vector<256x128xf32>
    %get3A_15 = arith.constant 0 : index
    %get3A_16 = arith.constant 0 : index
    %get3A_17 = vector.load %arg7[%get3A_15, %get3A_16] : memref<128x128xf32, #tpu.memory_space<vmem>>, vector<128x128xf32>
    %dot_general3A = arith.constant dense<0.000000e+00> : vector<256x128xf32>
    %dot_general3A_18 = tpu.matmul %get3A_14, %get3A_17, %dot_general3A {dimension_numbers = #tpu.dot_dimension_numbers<[1], [0], [0], [1], [0, 0, 1, 1], [], []>, precision = #tpu.contract_precision<fp32>, transpose_lhs_hint = false} : vector<256x128xf32>, vector<128x128xf32>, vector<256x128xf32> -> vector<256x128xf32>
    %get3A_19 = arith.constant 0 : index
    %get3A_20 = arith.constant 0 : index
    %get3A_21 = vector.load %arg4[%get3A_19, %get3A_20] : memref<256x32xi32, #tpu.memory_space<vmem>>, vector<256x32xi32>
    %ne3A = arith.constant 0 : i32
    %ne3A_22 = vector.broadcast %ne3A : i32 to vector<256x32xi32>
    %ne3A_23 = arith.cmpi ne, %get3A_21, %ne3A_22 : vector<256x32xi32>
    %get3A_24 = arith.constant 0 : index
    %get3A_25 = arith.constant 0 : index
    %get3A_26 = vector.load %arg3[%get3A_24, %get3A_25] : memref<8192x128xf32, #tpu.memory_space<vmem>>, vector<512x128xf32>
    %convert_element_type3A_27 = arith.truncf %get3A_26 : vector<512x128xf32> to vector<512x128xbf16>
    %convert_element_type3A_28 = arith.extf %convert_element_type3A_27 : vector<512x128xbf16> to vector<512x128xf32>
    %sub3A_29 = arith.subf %get3A_26, %convert_element_type3A_28 : vector<512x128xf32>
    %convert_element_type3A_30 = arith.truncf %sub3A_29 : vector<512x128xf32> to vector<512x128xbf16>
    %dot_general3A_31 = arith.constant dense<0.000000e+00> : vector<512x128xf32>
    %dot_general3A_32 = tpu.matmul %convert_element_type3A_27, %convert_element_type3A, %dot_general3A_31 {dimension_numbers = #tpu.dot_dimension_numbers<[1], [0], [0], [1], [0, 0, 1, 1], [], []>, transpose_lhs_hint = false} : vector<512x128xbf16>, vector<128x128xbf16>, vector<512x128xf32> -> vector<512x128xf32>
    %dot_general3A_33 = arith.constant dense<0.000000e+00> : vector<512x128xf32>
    %dot_general3A_34 = tpu.matmul %convert_element_type3A_27, %convert_element_type3A_3, %dot_general3A_33 {dimension_numbers = #tpu.dot_dimension_numbers<[1], [0], [0], [1], [0, 0, 1, 1], [], []>, transpose_lhs_hint = false} : vector<512x128xbf16>, vector<128x128xbf16>, vector<512x128xf32> -> vector<512x128xf32>
    %dot_general3A_35 = arith.constant dense<0.000000e+00> : vector<512x128xf32>
    %dot_general3A_36 = tpu.matmul %convert_element_type3A_30, %convert_element_type3A, %dot_general3A_35 {dimension_numbers = #tpu.dot_dimension_numbers<[1], [0], [0], [1], [0, 0, 1, 1], [], []>, transpose_lhs_hint = false} : vector<512x128xbf16>, vector<128x128xbf16>, vector<512x128xf32> -> vector<512x128xf32>
    %add3A = arith.addf %dot_general3A_34, %dot_general3A_36 : vector<512x128xf32>
    %add3A_37 = arith.addf %dot_general3A_32, %add3A : vector<512x128xf32>
    %get3A_38 = arith.constant 0 : index
    %get3A_39 = arith.constant 0 : index
    %get3A_40 = vector.load %arg2[%get3A_38, %get3A_39] : memref<8192x128xf32, #tpu.memory_space<vmem>>, vector<512x128xf32>
    %convert_element_type3A_41 = arith.truncf %get3A_40 : vector<512x128xf32> to vector<512x128xbf16>
    %convert_element_type3A_42 = arith.extf %convert_element_type3A_41 : vector<512x128xbf16> to vector<512x128xf32>
    %sub3A_43 = arith.subf %get3A_40, %convert_element_type3A_42 : vector<512x128xf32>
    %convert_element_type3A_44 = arith.truncf %sub3A_43 : vector<512x128xf32> to vector<512x128xbf16>
    %dot_general3A_45 = arith.constant dense<0.000000e+00> : vector<512x128xf32>
    %dot_general3A_46 = tpu.matmul %convert_element_type3A_41, %convert_element_type3A_5, %dot_general3A_45 {dimension_numbers = #tpu.dot_dimension_numbers<[1], [0], [0], [1], [0, 0, 1, 1], [], []>, transpose_lhs_hint = false} : vector<512x128xbf16>, vector<128x128xbf16>, vector<512x128xf32> -> vector<512x128xf32>
    %dot_general3A_47 = arith.constant dense<0.000000e+00> : vector<512x128xf32>
    %dot_general3A_48 = tpu.matmul %convert_element_type3A_41, %convert_element_type3A_8, %dot_general3A_47 {dimension_numbers = #tpu.dot_dimension_numbers<[1], [0], [0], [1], [0, 0, 1, 1], [], []>, transpose_lhs_hint = false} : vector<512x128xbf16>, vector<128x128xbf16>, vector<512x128xf32> -> vector<512x128xf32>
    %dot_general3A_49 = arith.constant dense<0.000000e+00> : vector<512x128xf32>
    %dot_general3A_50 = tpu.matmul %convert_element_type3A_44, %convert_element_type3A_5, %dot_general3A_49 {dimension_numbers = #tpu.dot_dimension_numbers<[1], [0], [0], [1], [0, 0, 1, 1], [], []>, transpose_lhs_hint = false} : vector<512x128xbf16>, vector<128x128xbf16>, vector<512x128xf32> -> vector<512x128xf32>
    %add3A_51 = arith.addf %dot_general3A_48, %dot_general3A_50 : vector<512x128xf32>
    %add3A_52 = arith.addf %dot_general3A_46, %add3A_51 : vector<512x128xf32>
    %add3A_53 = arith.addf %add3A_37, %add3A_52 : vector<512x128xf32>
    %add3A_54 = vector.broadcast %get3A_11 : vector<1x128xf32> to vector<512x128xf32>
    %add3A_55 = arith.addf %add3A_53, %add3A_54 : vector<512x128xf32>
    %tanh3A = math.tanh %add3A_55 : vector<512x128xf32>
    %reshape3A = vector.shape_cast %tanh3A : vector<512x128xf32> to vector<16x32x128xf32>
    %slice3A_56 = vector.extract_strided_slice %dot_general3A_18 {offsets = [0, 0], sizes = [16, 128], strides = [1, 1]} : vector<256x128xf32> to vector<16x128xf32>
    %broadcast_in_dim3A = vector.shape_cast %slice3A_56 : vector<16x128xf32> to vector<16x1x128xf32>
    %mul3A = vector.broadcast %broadcast_in_dim3A : vector<16x1x128xf32> to vector<16x32x128xf32>
    %mul3A_57 = arith.mulf %reshape3A, %mul3A : vector<16x32x128xf32>
    %reduce_sum3A = arith.constant dense<0.000000e+00> : vector<16x32xf32>
    %reduce_sum3A_58 = vector.multi_reduction <add>, %mul3A_57, %reduce_sum3A [2] : vector<16x32x128xf32> to vector<16x32xf32>
    %mul3A_59 = arith.constant 0.0883883461 : f32
    %mul3A_60 = vector.broadcast %mul3A_59 : f32 to vector<16x32xf32>
    %mul3A_61 = arith.mulf %reduce_sum3A_58, %mul3A_60 : vector<16x32xf32>
    %slice3A_62 = vector.extract_strided_slice %ne3A_23 {offsets = [0, 0], sizes = [16, 32], strides = [1, 1]} : vector<256x32xi1> to vector<16x32xi1>
    %jit3A = arith.constant -1.000000e+09 : f32
    %broadcast_in_dim3A_63 = vector.broadcast %jit3A : f32 to vector<16x32xf32>
    %select_n3A = arith.select %slice3A_62, %mul3A_61, %broadcast_in_dim3A_63 : vector<16x32xi1>, vector<16x32xf32>
    %reduce_max3A = arith.constant dense<0xFF800000> : vector<16xf32>
    %reduce_max3A_64 = vector.multi_reduction <maximumf>, %select_n3A, %reduce_max3A [1] : vector<16x32xf32> to vector<16xf32>
    %broadcast_in_dim3A_65 = vector.shape_cast %reduce_max3A_64 : vector<16xf32> to vector<16x1xf32>
    %sub3A_66 = vector.broadcast %broadcast_in_dim3A_65 : vector<16x1xf32> to vector<16x32xf32>
    %sub3A_67 = arith.subf %select_n3A, %sub3A_66 : vector<16x32xf32>
    %exp3A = math.exp %sub3A_67 : vector<16x32xf32>
    %reduce_sum3A_68 = arith.constant dense<0.000000e+00> : vector<16xf32>
    %reduce_sum3A_69 = vector.multi_reduction <add>, %exp3A, %reduce_sum3A_68 [1] : vector<16x32xf32> to vector<16xf32>
    %broadcast_in_dim3A_70 = vector.shape_cast %reduce_sum3A_69 : vector<16xf32> to vector<16x1xf32>
    %div3A = vector.broadcast %broadcast_in_dim3A_70 : vector<16x1xf32> to vector<16x32xf32>
    %div3A_71 = arith.divf %exp3A, %div3A : vector<16x32xf32>
    %broadcast_in_dim3A_72 = vector.shape_cast %div3A_71 : vector<16x32xf32> to vector<16x32x1xf32>
    %mul3A_73 = vector.broadcast %broadcast_in_dim3A_72 : vector<16x32x1xf32> to vector<16x32x128xf32>
    %mul3A_74 = arith.mulf %reshape3A, %mul3A_73 : vector<16x32x128xf32>
    %reduce_sum3A_75 = arith.constant dense<0.000000e+00> : vector<16x128xf32>
    %reduce_sum3A_76 = vector.multi_reduction <add>, %mul3A_74, %reduce_sum3A_75 [1] : vector<16x32x128xf32> to vector<16x128xf32>
    %add3A_77 = arith.addf %slice3A_56, %reduce_sum3A_76 : vector<16x128xf32>
    %max3A = arith.constant 0.000000e+00 : f32
    %max3A_78 = vector.broadcast %max3A : f32 to vector<16x128xf32>
    %max3A_79 = arith.maximumf %add3A_77, %max3A_78 : vector<16x128xf32>
    %swap3A = arith.constant 0 : index
    %swap3A_80 = arith.constant 0 : index
    %swap3A_81 = vector.load %arg8[%swap3A, %swap3A_80] : memref<256x128xf32, #tpu.memory_space<vmem>>, vector<16x128xf32>
    tpu.vector_store %arg8[%swap3A, %swap3A_80], %max3A_79 {strides = array<i32>} : memref<256x128xf32, #tpu.memory_space<vmem>>, vector<16x128xf32>,
    %get3A_82 = arith.constant 512 : index
    %get3A_83 = arith.constant 0 : index
    %get3A_84 = vector.load %arg3[%get3A_82, %get3A_83] : memref<8192x128xf32, #tpu.memory_space<vmem>>, vector<512x128xf32>
    %convert_element_type3A_85 = arith.truncf %get3A_84 : vector<512x128xf32> to vector<512x128xbf16>
    %convert_element_type3A_86 = arith.extf %convert_element_type3A_85 : vector<512x128xbf16> to vector<512x128xf32>
    %sub3A_87 = arith.subf %get3A_84, %convert_element_type3A_86 : vector<512x128xf32>
    %convert_element_type3A_88 = arith.truncf %sub3A_87 : vector<512x128xf32> to vector<512x128xbf16>
    %dot_general3A_89 = arith.constant dense<0.000000e+00> : vector<512x128xf32>
    %dot_general3A_90 = tpu.matmul %convert_element_type3A_85, %convert_element_type3A, %dot_general3A_89 {dimension_numbers = #tpu.dot_dimension_numbers<[1], [0], [0], [1], [0, 0, 1, 1], [], []>, transpose_lhs_hint = false} : vector<512x128xbf16>, vector<128x128xbf16>, vector<512x128xf32> -> vector<512x128xf32>
    %dot_general3A_91 = arith.constant dense<0.000000e+00> : vector<512x128xf32>
    %dot_general3A_92 = tpu.matmul %convert_element_type3A_85, %convert_element_type3A_3, %dot_general3A_91 {dimension_numbers = #tpu.dot_dimension_numbers<[1], [0], [0], [1], [0, 0, 1, 1], [], []>, transpose_lhs_hint = false} : vector<512x128xbf16>, vector<128x128xbf16>, vector<512x128xf32> -> vector<512x128xf32>
    %dot_general3A_93 = arith.constant dense<0.000000e+00> : vector<512x128xf32>
    %dot_general3A_94 = tpu.matmul %convert_element_type3A_88, %convert_element_type3A, %dot_general3A_93 {dimension_numbers = #tpu.dot_dimension_numbers<[1], [0], [0], [1], [0, 0, 1, 1], [], []>, transpose_lhs_hint = false} : vector<512x128xbf16>, vector<128x128xbf16>, vector<512x128xf32> -> vector<512x128xf32>
    %add3A_95 = arith.addf %dot_general3A_92, %dot_general3A_94 : vector<512x128xf32>
    %add3A_96 = arith.addf %dot_general3A_90, %add3A_95 : vector<512x128xf32>
    %get3A_97 = arith.constant 512 : index
    %get3A_98 = arith.constant 0 : index
    %get3A_99 = vector.load %arg2[%get3A_97, %get3A_98] : memref<8192x128xf32, #tpu.memory_space<vmem>>, vector<512x128xf32>
    %convert_element_type3A_100 = arith.truncf %get3A_99 : vector<512x128xf32> to vector<512x128xbf16>
    %convert_element_type3A_101 = arith.extf %convert_element_type3A_100 : vector<512x128xbf16> to vector<512x128xf32>
    %sub3A_102 = arith.subf %get3A_99, %convert_element_type3A_101 : vector<512x128xf32>
    %convert_element_type3A_103 = arith.truncf %sub3A_102 : vector<512x128xf32> to vector<512x128xbf16>
    %dot_general3A_104 = arith.constant dense<0.000000e+00> : vector<512x128xf32>
    %dot_general3A_105 = tpu.matmul %convert_element_type3A_100, %convert_element_type3A_5, %dot_general3A_104 {dimension_numbers = #tpu.dot_dimension_numbers<[1], [0], [0], [1], [0, 0, 1, 1], [], []>, transpose_lhs_hint = false} : vector<512x128xbf16>, vector<128x128xbf16>, vector<512x128xf32> -> vector<512x128xf32>
    %dot_general3A_106 = arith.constant dense<0.000000e+00> : vector<512x128xf32>
    %dot_general3A_107 = tpu.matmul %convert_element_type3A_100, %convert_element_type3A_8, %dot_general3A_106 {dimension_numbers = #tpu.dot_dimension_numbers<[1], [0], [0], [1], [0, 0, 1, 1], [], []>, transpose_lhs_hint = false} : vector<512x128xbf16>, vector<128x128xbf16>, vector<512x128xf32> -> vector<512x128xf32>
    %dot_general3A_108 = arith.constant dense<0.000000e+00> : vector<512x128xf32>
    %dot_general3A_109 = tpu.matmul %convert_element_type3A_103, %convert_element_type3A_5, %dot_general3A_108 {dimension_numbers = #tpu.dot_dimension_numbers<[1], [0], [0], [1], [0, 0, 1, 1], [], []>, transpose_lhs_hint = false} : vector<512x128xbf16>, vector<128x128xbf16>, vector<512x128xf32> -> vector<512x128xf32>
    %add3A_110 = arith.addf %dot_general3A_107, %dot_general3A_109 : vector<512x128xf32>
    %add3A_111 = arith.addf %dot_general3A_105, %add3A_110 : vector<512x128xf32>
    %add3A_112 = arith.addf %add3A_96, %add3A_111 : vector<512x128xf32>
    %add3A_113 = vector.broadcast %get3A_11 : vector<1x128xf32> to vector<512x128xf32>
    %add3A_114 = arith.addf %add3A_112, %add3A_113 : vector<512x128xf32>
    %tanh3A_115 = math.tanh %add3A_114 : vector<512x128xf32>
    %reshape3A_116 = vector.shape_cast %tanh3A_115 : vector<512x128xf32> to vector<16x32x128xf32>
    %slice3A_117 = vector.extract_strided_slice %dot_general3A_18 {offsets = [16, 0], sizes = [16, 128], strides = [1, 1]} : vector<256x128xf32> to vector<16x128xf32>
    %broadcast_in_dim3A_118 = vector.shape_cast %slice3A_117 : vector<16x128xf32> to vector<16x1x128xf32>
    %mul3A_119 = vector.broadcast %broadcast_in_dim3A_118 : vector<16x1x128xf32> to vector<16x32x128xf32>
    %mul3A_120 = arith.mulf %reshape3A_116, %mul3A_119 : vector<16x32x128xf32>
    %reduce_sum3A_121 = arith.constant dense<0.000000e+00> : vector<16x32xf32>
    %reduce_sum3A_122 = vector.multi_reduction <add>, %mul3A_120, %reduce_sum3A_121 [2] : vector<16x32x128xf32> to vector<16x32xf32>
    %mul3A_123 = arith.constant 0.0883883461 : f32
    %mul3A_124 = vector.broadcast %mul3A_123 : f32 to vector<16x32xf32>
    %mul3A_125 = arith.mulf %reduce_sum3A_122, %mul3A_124 : vector<16x32xf32>
    %slice3A_126 = vector.extract_strided_slice %ne3A_23 {offsets = [16, 0], sizes = [16, 32], strides = [1, 1]} : vector<256x32xi1> to vector<16x32xi1>
    %jit3A_127 = arith.constant -1.000000e+09 : f32
    %broadcast_in_dim3A_128 = vector.broadcast %jit3A_127 : f32 to vector<16x32xf32>
    %select_n3A_129 = arith.select %slice3A_126, %mul3A_125, %broadcast_in_dim3A_128 : vector<16x32xi1>, vector<16x32xf32>
    %reduce_max3A_130 = arith.constant dense<0xFF800000> : vector<16xf32>
    %reduce_max3A_131 = vector.multi_reduction <maximumf>, %select_n3A_129, %reduce_max3A_130 [1] : vector<16x32xf32> to vector<16xf32>
    %broadcast_in_dim3A_132 = vector.shape_cast %reduce_max3A_131 : vector<16xf32> to vector<16x1xf32>
    %sub3A_133 = vector.broadcast %broadcast_in_dim3A_132 : vector<16x1xf32> to vector<16x32xf32>
    %sub3A_134 = arith.subf %select_n3A_129, %sub3A_133 : vector<16x32xf32>
    %exp3A_135 = math.exp %sub3A_134 : vector<16x32xf32>
    %reduce_sum3A_136 = arith.constant dense<0.000000e+00> : vector<16xf32>
    %reduce_sum3A_137 = vector.multi_reduction <add>, %exp3A_135, %reduce_sum3A_136 [1] : vector<16x32xf32> to vector<16xf32>
    %broadcast_in_dim3A_138 = vector.shape_cast %reduce_sum3A_137 : vector<16xf32> to vector<16x1xf32>
    %div3A_139 = vector.broadcast %broadcast_in_dim3A_138 : vector<16x1xf32> to vector<16x32xf32>
    %div3A_140 = arith.divf %exp3A_135, %div3A_139 : vector<16x32xf32>
    %broadcast_in_dim3A_141 = vector.shape_cast %div3A_140 : vector<16x32xf32> to vector<16x32x1xf32>
    %mul3A_142 = vector.broadcast %broadcast_in_dim3A_141 : vector<16x32x1xf32> to vector<16x32x128xf32>
    %mul3A_143 = arith.mulf %reshape3A_116, %mul3A_142 : vector<16x32x128xf32>
    %reduce_sum3A_144 = arith.constant dense<0.000000e+00> : vector<16x128xf32>
    %reduce_sum3A_145 = vector.multi_reduction <add>, %mul3A_143, %reduce_sum3A_144 [1] : vector<16x32x128xf32> to vector<16x128xf32>
    %add3A_146 = arith.addf %slice3A_117, %reduce_sum3A_145 : vector<16x128xf32>
    %max3A_147 = arith.constant 0.000000e+00 : f32
    %max3A_148 = vector.broadcast %max3A_147 : f32 to vector<16x128xf32>
    %max3A_149 = arith.maximumf %add3A_146, %max3A_148 : vector<16x128xf32>
    %swap3A_150 = arith.constant 16 : index
    %swap3A_151 = arith.constant 0 : index
    %swap3A_152 = vector.load %arg8[%swap3A_150, %swap3A_151] : memref<256x128xf32, #tpu.memory_space<vmem>>, vector<16x128xf32>
    tpu.vector_store %arg8[%swap3A_150, %swap3A_151], %max3A_149 {strides = array<i32>} : memref<256x128xf32, #tpu.memory_space<vmem>>, vector<16x128xf32>,
    %get3A_153 = arith.constant 1024 : index
    %get3A_154 = arith.constant 0 : index
    %get3A_155 = vector.load %arg3[%get3A_153, %get3A_154] : memref<8192x128xf32, #tpu.memory_space<vmem>>, vector<512x128xf32>
    %convert_element_type3A_156 = arith.truncf %get3A_155 : vector<512x128xf32> to vector<512x128xbf16>
    %convert_element_type3A_157 = arith.extf %convert_element_type3A_156 : vector<512x128xbf16> to vector<512x128xf32>
    %sub3A_158 = arith.subf %get3A_155, %convert_element_type3A_157 : vector<512x128xf32>
    %convert_element_type3A_159 = arith.truncf %sub3A_158 : vector<512x128xf32> to vector<512x128xbf16>
    %dot_general3A_160 = arith.constant dense<0.000000e+00> : vector<512x128xf32>
    %dot_general3A_161 = tpu.matmul %convert_element_type3A_156, %convert_element_type3A, %dot_general3A_160 {dimension_numbers = #tpu.dot_dimension_numbers<[1], [0], [0], [1], [0, 0, 1, 1], [], []>, transpose_lhs_hint = false} : vector<512x128xbf16>, vector<128x128xbf16>, vector<512x128xf32> -> vector<512x128xf32>
    %dot_general3A_162 = arith.constant dense<0.000000e+00> : vector<512x128xf32>
    %dot_general3A_163 = tpu.matmul %convert_element_type3A_156, %convert_element_type3A_3, %dot_general3A_162 {dimension_numbers = #tpu.dot_dimension_numbers<[1], [0], [0], [1], [0, 0, 1, 1], [], []>, transpose_lhs_hint = false} : vector<512x128xbf16>, vector<128x128xbf16>, vector<512x128xf32> -> vector<512x128xf32>
    %dot_general3A_164 = arith.constant dense<0.000000e+00> : vector<512x128xf32>
    %dot_general3A_165 = tpu.matmul %convert_element_type3A_159, %convert_element_type3A, %dot_general3A_164 {dimension_numbers = #tpu.dot_dimension_numbers<[1], [0], [0], [1], [0, 0, 1, 1], [], []>, transpose_lhs_hint = false} : vector<512x128xbf16>, vector<128x128xbf16>, vector<512x128xf32> -> vector<512x128xf32>
    %add3A_166 = arith.addf %dot_general3A_163, %dot_general3A_165 : vector<512x128xf32>
    %add3A_167 = arith.addf %dot_general3A_161, %add3A_166 : vector<512x128xf32>
    %get3A_168 = arith.constant 1024 : index
    %get3A_169 = arith.constant 0 : index
    %get3A_170 = vector.load %arg2[%get3A_168, %get3A_169] : memref<8192x128xf32, #tpu.memory_space<vmem>>, vector<512x128xf32>
    %convert_element_type3A_171 = arith.truncf %get3A_170 : vector<512x128xf32> to vector<512x128xbf16>
    %convert_element_type3A_172 = arith.extf %convert_element_type3A_171 : vector<512x128xbf16> to vector<512x128xf32>
    %sub3A_173 = arith.subf %get3A_170, %convert_element_type3A_172 : vector<512x128xf32>
    %convert_element_type3A_174 = arith.truncf %sub3A_173 : vector<512x128xf32> to vector<512x128xbf16>
    %dot_general3A_175 = arith.constant dense<0.000000e+00> : vector<512x128xf32>
    %dot_general3A_176 = tpu.matmul %convert_element_type3A_171, %convert_element_type3A_5, %dot_general3A_175 {dimension_numbers = #tpu.dot_dimension_numbers<[1], [0], [0], [1], [0, 0, 1, 1], [], []>, transpose_lhs_hint = false} : vector<512x128xbf16>, vector<128x128xbf16>, vector<512x128xf32> -> vector<512x128xf32>
    %dot_general3A_177 = arith.constant dense<0.000000e+00> : vector<512x128xf32>
    %dot_general3A_178 = tpu.matmul %convert_element_type3A_171, %convert_element_type3A_8, %dot_general3A_177 {dimension_numbers = #tpu.dot_dimension_numbers<[1], [0], [0], [1], [0, 0, 1, 1], [], []>, transpose_lhs_hint = false} : vector<512x128xbf16>, vector<128x128xbf16>, vector<512x128xf32> -> vector<512x128xf32>
    %dot_general3A_179 = arith.constant dense<0.000000e+00> : vector<512x128xf32>
    %dot_general3A_180 = tpu.matmul %convert_element_type3A_174, %convert_element_type3A_5, %dot_general3A_179 {dimension_numbers = #tpu.dot_dimension_numbers<[1], [0], [0], [1], [0, 0, 1, 1], [], []>, transpose_lhs_hint = false} : vector<512x128xbf16>, vector<128x128xbf16>, vector<512x128xf32> -> vector<512x128xf32>
    %add3A_181 = arith.addf %dot_general3A_178, %dot_general3A_180 : vector<512x128xf32>
    %add3A_182 = arith.addf %dot_general3A_176, %add3A_181 : vector<512x128xf32>
    %add3A_183 = arith.addf %add3A_167, %add3A_182 : vector<512x128xf32>
    %add3A_184 = vector.broadcast %get3A_11 : vector<1x128xf32> to vector<512x128xf32>
    %add3A_185 = arith.addf %add3A_183, %add3A_184 : vector<512x128xf32>
    %tanh3A_186 = math.tanh %add3A_185 : vector<512x128xf32>
    %reshape3A_187 = vector.shape_cast %tanh3A_186 : vector<512x128xf32> to vector<16x32x128xf32>
    %slice3A_188 = vector.extract_strided_slice %dot_general3A_18 {offsets = [32, 0], sizes = [16, 128], strides = [1, 1]} : vector<256x128xf32> to vector<16x128xf32>
    %broadcast_in_dim3A_189 = vector.shape_cast %slice3A_188 : vector<16x128xf32> to vector<16x1x128xf32>
    %mul3A_190 = vector.broadcast %broadcast_in_dim3A_189 : vector<16x1x128xf32> to vector<16x32x128xf32>
    %mul3A_191 = arith.mulf %reshape3A_187, %mul3A_190 : vector<16x32x128xf32>
    %reduce_sum3A_192 = arith.constant dense<0.000000e+00> : vector<16x32xf32>
    %reduce_sum3A_193 = vector.multi_reduction <add>, %mul3A_191, %reduce_sum3A_192 [2] : vector<16x32x128xf32> to vector<16x32xf32>
    %mul3A_194 = arith.constant 0.0883883461 : f32
    %mul3A_195 = vector.broadcast %mul3A_194 : f32 to vector<16x32xf32>
    %mul3A_196 = arith.mulf %reduce_sum3A_193, %mul3A_195 : vector<16x32xf32>
    %slice3A_197 = vector.extract_strided_slice %ne3A_23 {offsets = [32, 0], sizes = [16, 32], strides = [1, 1]} : vector<256x32xi1> to vector<16x32xi1>
    %jit3A_198 = arith.constant -1.000000e+09 : f32
    %broadcast_in_dim3A_199 = vector.broadcast %jit3A_198 : f32 to vector<16x32xf32>
    %select_n3A_200 = arith.select %slice3A_197, %mul3A_196, %broadcast_in_dim3A_199 : vector<16x32xi1>, vector<16x32xf32>
    %reduce_max3A_201 = arith.constant dense<0xFF800000> : vector<16xf32>
    %reduce_max3A_202 = vector.multi_reduction <maximumf>, %select_n3A_200, %reduce_max3A_201 [1] : vector<16x32xf32> to vector<16xf32>
    %broadcast_in_dim3A_203 = vector.shape_cast %reduce_max3A_202 : vector<16xf32> to vector<16x1xf32>
    %sub3A_204 = vector.broadcast %broadcast_in_dim3A_203 : vector<16x1xf32> to vector<16x32xf32>
    %sub3A_205 = arith.subf %select_n3A_200, %sub3A_204 : vector<16x32xf32>
    %exp3A_206 = math.exp %sub3A_205 : vector<16x32xf32>
    %reduce_sum3A_207 = arith.constant dense<0.000000e+00> : vector<16xf32>
    %reduce_sum3A_208 = vector.multi_reduction <add>, %exp3A_206, %reduce_sum3A_207 [1] : vector<16x32xf32> to vector<16xf32>
    %broadcast_in_dim3A_209 = vector.shape_cast %reduce_sum3A_208 : vector<16xf32> to vector<16x1xf32>
    %div3A_210 = vector.broadcast %broadcast_in_dim3A_209 : vector<16x1xf32> to vector<16x32xf32>
    %div3A_211 = arith.divf %exp3A_206, %div3A_210 : vector<16x32xf32>
    %broadcast_in_dim3A_212 = vector.shape_cast %div3A_211 : vector<16x32xf32> to vector<16x32x1xf32>
    %mul3A_213 = vector.broadcast %broadcast_in_dim3A_212 : vector<16x32x1xf32> to vector<16x32x128xf32>
    %mul3A_214 = arith.mulf %reshape3A_187, %mul3A_213 : vector<16x32x128xf32>
    %reduce_sum3A_215 = arith.constant dense<0.000000e+00> : vector<16x128xf32>
    %reduce_sum3A_216 = vector.multi_reduction <add>, %mul3A_214, %reduce_sum3A_215 [1] : vector<16x32x128xf32> to vector<16x128xf32>
    %add3A_217 = arith.addf %slice3A_188, %reduce_sum3A_216 : vector<16x128xf32>
    %max3A_218 = arith.constant 0.000000e+00 : f32
    %max3A_219 = vector.broadcast %max3A_218 : f32 to vector<16x128xf32>
    %max3A_220 = arith.maximumf %add3A_217, %max3A_219 : vector<16x128xf32>
    %swap3A_221 = arith.constant 32 : index
    %swap3A_222 = arith.constant 0 : index
    %swap3A_223 = vector.load %arg8[%swap3A_221, %swap3A_222] : memref<256x128xf32, #tpu.memory_space<vmem>>, vector<16x128xf32>
    tpu.vector_store %arg8[%swap3A_221, %swap3A_222], %max3A_220 {strides = array<i32>} : memref<256x128xf32, #tpu.memory_space<vmem>>, vector<16x128xf32>,
    %get3A_224 = arith.constant 1536 : index
    %get3A_225 = arith.constant 0 : index
    %get3A_226 = vector.load %arg3[%get3A_224, %get3A_225] : memref<8192x128xf32, #tpu.memory_space<vmem>>, vector<512x128xf32>
    %convert_element_type3A_227 = arith.truncf %get3A_226 : vector<512x128xf32> to vector<512x128xbf16>
    %convert_element_type3A_228 = arith.extf %convert_element_type3A_227 : vector<512x128xbf16> to vector<512x128xf32>
    %sub3A_229 = arith.subf %get3A_226, %convert_element_type3A_228 : vector<512x128xf32>
    %convert_element_type3A_230 = arith.truncf %sub3A_229 : vector<512x128xf32> to vector<512x128xbf16>
    %dot_general3A_231 = arith.constant dense<0.000000e+00> : vector<512x128xf32>
    %dot_general3A_232 = tpu.matmul %convert_element_type3A_227, %convert_element_type3A, %dot_general3A_231 {dimension_numbers = #tpu.dot_dimension_numbers<[1], [0], [0], [1], [0, 0, 1, 1], [], []>, transpose_lhs_hint = false} : vector<512x128xbf16>, vector<128x128xbf16>, vector<512x128xf32> -> vector<512x128xf32>
    %dot_general3A_233 = arith.constant dense<0.000000e+00> : vector<512x128xf32>
    %dot_general3A_234 = tpu.matmul %convert_element_type3A_227, %convert_element_type3A_3, %dot_general3A_233 {dimension_numbers = #tpu.dot_dimension_numbers<[1], [0], [0], [1], [0, 0, 1, 1], [], []>, transpose_lhs_hint = false} : vector<512x128xbf16>, vector<128x128xbf16>, vector<512x128xf32> -> vector<512x128xf32>
    %dot_general3A_235 = arith.constant dense<0.000000e+00> : vector<512x128xf32>
    %dot_general3A_236 = tpu.matmul %convert_element_type3A_230, %convert_element_type3A, %dot_general3A_235 {dimension_numbers = #tpu.dot_dimension_numbers<[1], [0], [0], [1], [0, 0, 1, 1], [], []>, transpose_lhs_hint = false} : vector<512x128xbf16>, vector<128x128xbf16>, vector<512x128xf32> -> vector<512x128xf32>
    %add3A_237 = arith.addf %dot_general3A_234, %dot_general3A_236 : vector<512x128xf32>
    %add3A_238 = arith.addf %dot_general3A_232, %add3A_237 : vector<512x128xf32>
    %get3A_239 = arith.constant 1536 : index
    %get3A_240 = arith.constant 0 : index
    %get3A_241 = vector.load %arg2[%get3A_239, %get3A_240] : memref<8192x128xf32, #tpu.memory_space<vmem>>, vector<512x128xf32>
    %convert_element_type3A_242 = arith.truncf %get3A_241 : vector<512x128xf32> to vector<512x128xbf16>
    %convert_element_type3A_243 = arith.extf %convert_element_type3A_242 : vector<512x128xbf16> to vector<512x128xf32>
    %sub3A_244 = arith.subf %get3A_241, %convert_element_type3A_243 : vector<512x128xf32>
    %convert_element_type3A_245 = arith.truncf %sub3A_244 : vector<512x128xf32> to vector<512x128xbf16>
    %dot_general3A_246 = arith.constant dense<0.000000e+00> : vector<512x128xf32>
    %dot_general3A_247 = tpu.matmul %convert_element_type3A_242, %convert_element_type3A_5, %dot_general3A_246 {dimension_numbers = #tpu.dot_dimension_numbers<[1], [0], [0], [1], [0, 0, 1, 1], [], []>, transpose_lhs_hint = false} : vector<512x128xbf16>, vector<128x128xbf16>, vector<512x128xf32> -> vector<512x128xf32>
    %dot_general3A_248 = arith.constant dense<0.000000e+00> : vector<512x128xf32>
    %dot_general3A_249 = tpu.matmul %convert_element_type3A_242, %convert_element_type3A_8, %dot_general3A_248 {dimension_numbers = #tpu.dot_dimension_numbers<[1], [0], [0], [1], [0, 0, 1, 1], [], []>, transpose_lhs_hint = false} : vector<512x128xbf16>, vector<128x128xbf16>, vector<512x128xf32> -> vector<512x128xf32>
    %dot_general3A_250 = arith.constant dense<0.000000e+00> : vector<512x128xf32>
    %dot_general3A_251 = tpu.matmul %convert_element_type3A_245, %convert_element_type3A_5, %dot_general3A_250 {dimension_numbers = #tpu.dot_dimension_numbers<[1], [0], [0], [1], [0, 0, 1, 1], [], []>, transpose_lhs_hint = false} : vector<512x128xbf16>, vector<128x128xbf16>, vector<512x128xf32> -> vector<512x128xf32>
    %add3A_252 = arith.addf %dot_general3A_249, %dot_general3A_251 : vector<512x128xf32>
    %add3A_253 = arith.addf %dot_general3A_247, %add3A_252 : vector<512x128xf32>
    %add3A_254 = arith.addf %add3A_238, %add3A_253 : vector<512x128xf32>
    %add3A_255 = vector.broadcast %get3A_11 : vector<1x128xf32> to vector<512x128xf32>
    %add3A_256 = arith.addf %add3A_254, %add3A_255 : vector<512x128xf32>
    %tanh3A_257 = math.tanh %add3A_256 : vector<512x128xf32>
    %reshape3A_258 = vector.shape_cast %tanh3A_257 : vector<512x128xf32> to vector<16x32x128xf32>
    %slice3A_259 = vector.extract_strided_slice %dot_general3A_18 {offsets = [48, 0], sizes = [16, 128], strides = [1, 1]} : vector<256x128xf32> to vector<16x128xf32>
    %broadcast_in_dim3A_260 = vector.shape_cast %slice3A_259 : vector<16x128xf32> to vector<16x1x128xf32>
    %mul3A_261 = vector.broadcast %broadcast_in_dim3A_260 : vector<16x1x128xf32> to vector<16x32x128xf32>
    %mul3A_262 = arith.mulf %reshape3A_258, %mul3A_261 : vector<16x32x128xf32>
    %reduce_sum3A_263 = arith.constant dense<0.000000e+00> : vector<16x32xf32>
    %reduce_sum3A_264 = vector.multi_reduction <add>, %mul3A_262, %reduce_sum3A_263 [2] : vector<16x32x128xf32> to vector<16x32xf32>
    %mul3A_265 = arith.constant 0.0883883461 : f32
    %mul3A_266 = vector.broadcast %mul3A_265 : f32 to vector<16x32xf32>
    %mul3A_267 = arith.mulf %reduce_sum3A_264, %mul3A_266 : vector<16x32xf32>
    %slice3A_268 = vector.extract_strided_slice %ne3A_23 {offsets = [48, 0], sizes = [16, 32], strides = [1, 1]} : vector<256x32xi1> to vector<16x32xi1>
    %jit3A_269 = arith.constant -1.000000e+09 : f32
    %broadcast_in_dim3A_270 = vector.broadcast %jit3A_269 : f32 to vector<16x32xf32>
    %select_n3A_271 = arith.select %slice3A_268, %mul3A_267, %broadcast_in_dim3A_270 : vector<16x32xi1>, vector<16x32xf32>
    %reduce_max3A_272 = arith.constant dense<0xFF800000> : vector<16xf32>
    %reduce_max3A_273 = vector.multi_reduction <maximumf>, %select_n3A_271, %reduce_max3A_272 [1] : vector<16x32xf32> to vector<16xf32>
    %broadcast_in_dim3A_274 = vector.shape_cast %reduce_max3A_273 : vector<16xf32> to vector<16x1xf32>
    %sub3A_275 = vector.broadcast %broadcast_in_dim3A_274 : vector<16x1xf32> to vector<16x32xf32>
    %sub3A_276 = arith.subf %select_n3A_271, %sub3A_275 : vector<16x32xf32>
    %exp3A_277 = math.exp %sub3A_276 : vector<16x32xf32>
    %reduce_sum3A_278 = arith.constant dense<0.000000e+00> : vector<16xf32>
    %reduce_sum3A_279 = vector.multi_reduction <add>, %exp3A_277, %reduce_sum3A_278 [1] : vector<16x32xf32> to vector<16xf32>
    %broadcast_in_dim3A_280 = vector.shape_cast %reduce_sum3A_279 : vector<16xf32> to vector<16x1xf32>
    %div3A_281 = vector.broadcast %broadcast_in_dim3A_280 : vector<16x1xf32> to vector<16x32xf32>
    %div3A_282 = arith.divf %exp3A_277, %div3A_281 : vector<16x32xf32>
    %broadcast_in_dim3A_283 = vector.shape_cast %div3A_282 : vector<16x32xf32> to vector<16x32x1xf32>
    %mul3A_284 = vector.broadcast %broadcast_in_dim3A_283 : vector<16x32x1xf32> to vector<16x32x128xf32>
    %mul3A_285 = arith.mulf %reshape3A_258, %mul3A_284 : vector<16x32x128xf32>
    %reduce_sum3A_286 = arith.constant dense<0.000000e+00> : vector<16x128xf32>
    %reduce_sum3A_287 = vector.multi_reduction <add>, %mul3A_285, %reduce_sum3A_286 [1] : vector<16x32x128xf32> to vector<16x128xf32>
    %add3A_288 = arith.addf %slice3A_259, %reduce_sum3A_287 : vector<16x128xf32>
    %max3A_289 = arith.constant 0.000000e+00 : f32
    %max3A_290 = vector.broadcast %max3A_289 : f32 to vector<16x128xf32>
    %max3A_291 = arith.maximumf %add3A_288, %max3A_290 : vector<16x128xf32>
    %swap3A_292 = arith.constant 48 : index
    %swap3A_293 = arith.constant 0 : index
    %swap3A_294 = vector.load %arg8[%swap3A_292, %swap3A_293] : memref<256x128xf32, #tpu.memory_space<vmem>>, vector<16x128xf32>
    tpu.vector_store %arg8[%swap3A_292, %swap3A_293], %max3A_291 {strides = array<i32>} : memref<256x128xf32, #tpu.memory_space<vmem>>, vector<16x128xf32>,
    %get3A_295 = arith.constant 2048 : index
    %get3A_296 = arith.constant 0 : index
    %get3A_297 = vector.load %arg3[%get3A_295, %get3A_296] : memref<8192x128xf32, #tpu.memory_space<vmem>>, vector<512x128xf32>
    %convert_element_type3A_298 = arith.truncf %get3A_297 : vector<512x128xf32> to vector<512x128xbf16>
    %convert_element_type3A_299 = arith.extf %convert_element_type3A_298 : vector<512x128xbf16> to vector<512x128xf32>
    %sub3A_300 = arith.subf %get3A_297, %convert_element_type3A_299 : vector<512x128xf32>
    %convert_element_type3A_301 = arith.truncf %sub3A_300 : vector<512x128xf32> to vector<512x128xbf16>
    %dot_general3A_302 = arith.constant dense<0.000000e+00> : vector<512x128xf32>
    %dot_general3A_303 = tpu.matmul %convert_element_type3A_298, %convert_element_type3A, %dot_general3A_302 {dimension_numbers = #tpu.dot_dimension_numbers<[1], [0], [0], [1], [0, 0, 1, 1], [], []>, transpose_lhs_hint = false} : vector<512x128xbf16>, vector<128x128xbf16>, vector<512x128xf32> -> vector<512x128xf32>
    %dot_general3A_304 = arith.constant dense<0.000000e+00> : vector<512x128xf32>
    %dot_general3A_305 = tpu.matmul %convert_element_type3A_298, %convert_element_type3A_3, %dot_general3A_304 {dimension_numbers = #tpu.dot_dimension_numbers<[1], [0], [0], [1], [0, 0, 1, 1], [], []>, transpose_lhs_hint = false} : vector<512x128xbf16>, vector<128x128xbf16>, vector<512x128xf32> -> vector<512x128xf32>
    %dot_general3A_306 = arith.constant dense<0.000000e+00> : vector<512x128xf32>
    %dot_general3A_307 = tpu.matmul %convert_element_type3A_301, %convert_element_type3A, %dot_general3A_306 {dimension_numbers = #tpu.dot_dimension_numbers<[1], [0], [0], [1], [0, 0, 1, 1], [], []>, transpose_lhs_hint = false} : vector<512x128xbf16>, vector<128x128xbf16>, vector<512x128xf32> -> vector<512x128xf32>
    %add3A_308 = arith.addf %dot_general3A_305, %dot_general3A_307 : vector<512x128xf32>
    %add3A_309 = arith.addf %dot_general3A_303, %add3A_308 : vector<512x128xf32>
    %get3A_310 = arith.constant 2048 : index
    %get3A_311 = arith.constant 0 : index
    %get3A_312 = vector.load %arg2[%get3A_310, %get3A_311] : memref<8192x128xf32, #tpu.memory_space<vmem>>, vector<512x128xf32>
    %convert_element_type3A_313 = arith.truncf %get3A_312 : vector<512x128xf32> to vector<512x128xbf16>
    %convert_element_type3A_314 = arith.extf %convert_element_type3A_313 : vector<512x128xbf16> to vector<512x128xf32>
    %sub3A_315 = arith.subf %get3A_312, %convert_element_type3A_314 : vector<512x128xf32>
    %convert_element_type3A_316 = arith.truncf %sub3A_315 : vector<512x128xf32> to vector<512x128xbf16>
    %dot_general3A_317 = arith.constant dense<0.000000e+00> : vector<512x128xf32>
    %dot_general3A_318 = tpu.matmul %convert_element_type3A_313, %convert_element_type3A_5, %dot_general3A_317 {dimension_numbers = #tpu.dot_dimension_numbers<[1], [0], [0], [1], [0, 0, 1, 1], [], []>, transpose_lhs_hint = false} : vector<512x128xbf16>, vector<128x128xbf16>, vector<512x128xf32> -> vector<512x128xf32>
    %dot_general3A_319 = arith.constant dense<0.000000e+00> : vector<512x128xf32>
    %dot_general3A_320 = tpu.matmul %convert_element_type3A_313, %convert_element_type3A_8, %dot_general3A_319 {dimension_numbers = #tpu.dot_dimension_numbers<[1], [0], [0], [1], [0, 0, 1, 1], [], []>, transpose_lhs_hint = false} : vector<512x128xbf16>, vector<128x128xbf16>, vector<512x128xf32> -> vector<512x128xf32>
    %dot_general3A_321 = arith.constant dense<0.000000e+00> : vector<512x128xf32>
    %dot_general3A_322 = tpu.matmul %convert_element_type3A_316, %convert_element_type3A_5, %dot_general3A_321 {dimension_numbers = #tpu.dot_dimension_numbers<[1], [0], [0], [1], [0, 0, 1, 1], [], []>, transpose_lhs_hint = false} : vector<512x128xbf16>, vector<128x128xbf16>, vector<512x128xf32> -> vector<512x128xf32>
    %add3A_323 = arith.addf %dot_general3A_320, %dot_general3A_322 : vector<512x128xf32>
    %add3A_324 = arith.addf %dot_general3A_318, %add3A_323 : vector<512x128xf32>
    %add3A_325 = arith.addf %add3A_309, %add3A_324 : vector<512x128xf32>
    %add3A_326 = vector.broadcast %get3A_11 : vector<1x128xf32> to vector<512x128xf32>
    %add3A_327 = arith.addf %add3A_325, %add3A_326 : vector<512x128xf32>
    %tanh3A_328 = math.tanh %add3A_327 : vector<512x128xf32>
    %reshape3A_329 = vector.shape_cast %tanh3A_328 : vector<512x128xf32> to vector<16x32x128xf32>
    %slice3A_330 = vector.extract_strided_slice %dot_general3A_18 {offsets = [64, 0], sizes = [16, 128], strides = [1, 1]} : vector<256x128xf32> to vector<16x128xf32>
    %broadcast_in_dim3A_331 = vector.shape_cast %slice3A_330 : vector<16x128xf32> to vector<16x1x128xf32>
    %mul3A_332 = vector.broadcast %broadcast_in_dim3A_331 : vector<16x1x128xf32> to vector<16x32x128xf32>
    %mul3A_333 = arith.mulf %reshape3A_329, %mul3A_332 : vector<16x32x128xf32>
    %reduce_sum3A_334 = arith.constant dense<0.000000e+00> : vector<16x32xf32>
    %reduce_sum3A_335 = vector.multi_reduction <add>, %mul3A_333, %reduce_sum3A_334 [2] : vector<16x32x128xf32> to vector<16x32xf32>
    %mul3A_336 = arith.constant 0.0883883461 : f32
    %mul3A_337 = vector.broadcast %mul3A_336 : f32 to vector<16x32xf32>
    %mul3A_338 = arith.mulf %reduce_sum3A_335, %mul3A_337 : vector<16x32xf32>
    %slice3A_339 = vector.extract_strided_slice %ne3A_23 {offsets = [64, 0], sizes = [16, 32], strides = [1, 1]} : vector<256x32xi1> to vector<16x32xi1>
    %jit3A_340 = arith.constant -1.000000e+09 : f32
    %broadcast_in_dim3A_341 = vector.broadcast %jit3A_340 : f32 to vector<16x32xf32>
    %select_n3A_342 = arith.select %slice3A_339, %mul3A_338, %broadcast_in_dim3A_341 : vector<16x32xi1>, vector<16x32xf32>
    %reduce_max3A_343 = arith.constant dense<0xFF800000> : vector<16xf32>
    %reduce_max3A_344 = vector.multi_reduction <maximumf>, %select_n3A_342, %reduce_max3A_343 [1] : vector<16x32xf32> to vector<16xf32>
    %broadcast_in_dim3A_345 = vector.shape_cast %reduce_max3A_344 : vector<16xf32> to vector<16x1xf32>
    %sub3A_346 = vector.broadcast %broadcast_in_dim3A_345 : vector<16x1xf32> to vector<16x32xf32>
    %sub3A_347 = arith.subf %select_n3A_342, %sub3A_346 : vector<16x32xf32>
    %exp3A_348 = math.exp %sub3A_347 : vector<16x32xf32>
    %reduce_sum3A_349 = arith.constant dense<0.000000e+00> : vector<16xf32>
    %reduce_sum3A_350 = vector.multi_reduction <add>, %exp3A_348, %reduce_sum3A_349 [1] : vector<16x32xf32> to vector<16xf32>
    %broadcast_in_dim3A_351 = vector.shape_cast %reduce_sum3A_350 : vector<16xf32> to vector<16x1xf32>
    %div3A_352 = vector.broadcast %broadcast_in_dim3A_351 : vector<16x1xf32> to vector<16x32xf32>
    %div3A_353 = arith.divf %exp3A_348, %div3A_352 : vector<16x32xf32>
    %broadcast_in_dim3A_354 = vector.shape_cast %div3A_353 : vector<16x32xf32> to vector<16x32x1xf32>
    %mul3A_355 = vector.broadcast %broadcast_in_dim3A_354 : vector<16x32x1xf32> to vector<16x32x128xf32>
    %mul3A_356 = arith.mulf %reshape3A_329, %mul3A_355 : vector<16x32x128xf32>
    %reduce_sum3A_357 = arith.constant dense<0.000000e+00> : vector<16x128xf32>
    %reduce_sum3A_358 = vector.multi_reduction <add>, %mul3A_356, %reduce_sum3A_357 [1] : vector<16x32x128xf32> to vector<16x128xf32>
    %add3A_359 = arith.addf %slice3A_330, %reduce_sum3A_358 : vector<16x128xf32>
    %max3A_360 = arith.constant 0.000000e+00 : f32
    %max3A_361 = vector.broadcast %max3A_360 : f32 to vector<16x128xf32>
    %max3A_362 = arith.maximumf %add3A_359, %max3A_361 : vector<16x128xf32>
    %swap3A_363 = arith.constant 64 : index
    %swap3A_364 = arith.constant 0 : index
    %swap3A_365 = vector.load %arg8[%swap3A_363, %swap3A_364] : memref<256x128xf32, #tpu.memory_space<vmem>>, vector<16x128xf32>
    tpu.vector_store %arg8[%swap3A_363, %swap3A_364], %max3A_362 {strides = array<i32>} : memref<256x128xf32, #tpu.memory_space<vmem>>, vector<16x128xf32>,
    %get3A_366 = arith.constant 2560 : index
    %get3A_367 = arith.constant 0 : index
    %get3A_368 = vector.load %arg3[%get3A_366, %get3A_367] : memref<8192x128xf32, #tpu.memory_space<vmem>>, vector<512x128xf32>
    %convert_element_type3A_369 = arith.truncf %get3A_368 : vector<512x128xf32> to vector<512x128xbf16>
    %convert_element_type3A_370 = arith.extf %convert_element_type3A_369 : vector<512x128xbf16> to vector<512x128xf32>
    %sub3A_371 = arith.subf %get3A_368, %convert_element_type3A_370 : vector<512x128xf32>
    %convert_element_type3A_372 = arith.truncf %sub3A_371 : vector<512x128xf32> to vector<512x128xbf16>
    %dot_general3A_373 = arith.constant dense<0.000000e+00> : vector<512x128xf32>
    %dot_general3A_374 = tpu.matmul %convert_element_type3A_369, %convert_element_type3A, %dot_general3A_373 {dimension_numbers = #tpu.dot_dimension_numbers<[1], [0], [0], [1], [0, 0, 1, 1], [], []>, transpose_lhs_hint = false} : vector<512x128xbf16>, vector<128x128xbf16>, vector<512x128xf32> -> vector<512x128xf32>
    %dot_general3A_375 = arith.constant dense<0.000000e+00> : vector<512x128xf32>
    %dot_general3A_376 = tpu.matmul %convert_element_type3A_369, %convert_element_type3A_3, %dot_general3A_375 {dimension_numbers = #tpu.dot_dimension_numbers<[1], [0], [0], [1], [0, 0, 1, 1], [], []>, transpose_lhs_hint = false} : vector<512x128xbf16>, vector<128x128xbf16>, vector<512x128xf32> -> vector<512x128xf32>
    %dot_general3A_377 = arith.constant dense<0.000000e+00> : vector<512x128xf32>
    %dot_general3A_378 = tpu.matmul %convert_element_type3A_372, %convert_element_type3A, %dot_general3A_377 {dimension_numbers = #tpu.dot_dimension_numbers<[1], [0], [0], [1], [0, 0, 1, 1], [], []>, transpose_lhs_hint = false} : vector<512x128xbf16>, vector<128x128xbf16>, vector<512x128xf32> -> vector<512x128xf32>
    %add3A_379 = arith.addf %dot_general3A_376, %dot_general3A_378 : vector<512x128xf32>
    %add3A_380 = arith.addf %dot_general3A_374, %add3A_379 : vector<512x128xf32>
    %get3A_381 = arith.constant 2560 : index
    %get3A_382 = arith.constant 0 : index
    %get3A_383 = vector.load %arg2[%get3A_381, %get3A_382] : memref<8192x128xf32, #tpu.memory_space<vmem>>, vector<512x128xf32>
    %convert_element_type3A_384 = arith.truncf %get3A_383 : vector<512x128xf32> to vector<512x128xbf16>
    %convert_element_type3A_385 = arith.extf %convert_element_type3A_384 : vector<512x128xbf16> to vector<512x128xf32>
    %sub3A_386 = arith.subf %get3A_383, %convert_element_type3A_385 : vector<512x128xf32>
    %convert_element_type3A_387 = arith.truncf %sub3A_386 : vector<512x128xf32> to vector<512x128xbf16>
    %dot_general3A_388 = arith.constant dense<0.000000e+00> : vector<512x128xf32>
    %dot_general3A_389 = tpu.matmul %convert_element_type3A_384, %convert_element_type3A_5, %dot_general3A_388 {dimension_numbers = #tpu.dot_dimension_numbers<[1], [0], [0], [1], [0, 0, 1, 1], [], []>, transpose_lhs_hint = false} : vector<512x128xbf16>, vector<128x128xbf16>, vector<512x128xf32> -> vector<512x128xf32>
    %dot_general3A_390 = arith.constant dense<0.000000e+00> : vector<512x128xf32>
    %dot_general3A_391 = tpu.matmul %convert_element_type3A_384, %convert_element_type3A_8, %dot_general3A_390 {dimension_numbers = #tpu.dot_dimension_numbers<[1], [0], [0], [1], [0, 0, 1, 1], [], []>, transpose_lhs_hint = false} : vector<512x128xbf16>, vector<128x128xbf16>, vector<512x128xf32> -> vector<512x128xf32>
    %dot_general3A_392 = arith.constant dense<0.000000e+00> : vector<512x128xf32>
    %dot_general3A_393 = tpu.matmul %convert_element_type3A_387, %convert_element_type3A_5, %dot_general3A_392 {dimension_numbers = #tpu.dot_dimension_numbers<[1], [0], [0], [1], [0, 0, 1, 1], [], []>, transpose_lhs_hint = false} : vector<512x128xbf16>, vector<128x128xbf16>, vector<512x128xf32> -> vector<512x128xf32>
    %add3A_394 = arith.addf %dot_general3A_391, %dot_general3A_393 : vector<512x128xf32>
    %add3A_395 = arith.addf %dot_general3A_389, %add3A_394 : vector<512x128xf32>
    %add3A_396 = arith.addf %add3A_380, %add3A_395 : vector<512x128xf32>
    %add3A_397 = vector.broadcast %get3A_11 : vector<1x128xf32> to vector<512x128xf32>
    %add3A_398 = arith.addf %add3A_396, %add3A_397 : vector<512x128xf32>
    %tanh3A_399 = math.tanh %add3A_398 : vector<512x128xf32>
    %reshape3A_400 = vector.shape_cast %tanh3A_399 : vector<512x128xf32> to vector<16x32x128xf32>
    %slice3A_401 = vector.extract_strided_slice %dot_general3A_18 {offsets = [80, 0], sizes = [16, 128], strides = [1, 1]} : vector<256x128xf32> to vector<16x128xf32>
    %broadcast_in_dim3A_402 = vector.shape_cast %slice3A_401 : vector<16x128xf32> to vector<16x1x128xf32>
    %mul3A_403 = vector.broadcast %broadcast_in_dim3A_402 : vector<16x1x128xf32> to vector<16x32x128xf32>
    %mul3A_404 = arith.mulf %reshape3A_400, %mul3A_403 : vector<16x32x128xf32>
    %reduce_sum3A_405 = arith.constant dense<0.000000e+00> : vector<16x32xf32>
    %reduce_sum3A_406 = vector.multi_reduction <add>, %mul3A_404, %reduce_sum3A_405 [2] : vector<16x32x128xf32> to vector<16x32xf32>
    %mul3A_407 = arith.constant 0.0883883461 : f32
    %mul3A_408 = vector.broadcast %mul3A_407 : f32 to vector<16x32xf32>
    %mul3A_409 = arith.mulf %reduce_sum3A_406, %mul3A_408 : vector<16x32xf32>
    %slice3A_410 = vector.extract_strided_slice %ne3A_23 {offsets = [80, 0], sizes = [16, 32], strides = [1, 1]} : vector<256x32xi1> to vector<16x32xi1>
    %jit3A_411 = arith.constant -1.000000e+09 : f32
    %broadcast_in_dim3A_412 = vector.broadcast %jit3A_411 : f32 to vector<16x32xf32>
    %select_n3A_413 = arith.select %slice3A_410, %mul3A_409, %broadcast_in_dim3A_412 : vector<16x32xi1>, vector<16x32xf32>
    %reduce_max3A_414 = arith.constant dense<0xFF800000> : vector<16xf32>
    %reduce_max3A_415 = vector.multi_reduction <maximumf>, %select_n3A_413, %reduce_max3A_414 [1] : vector<16x32xf32> to vector<16xf32>
    %broadcast_in_dim3A_416 = vector.shape_cast %reduce_max3A_415 : vector<16xf32> to vector<16x1xf32>
    %sub3A_417 = vector.broadcast %broadcast_in_dim3A_416 : vector<16x1xf32> to vector<16x32xf32>
    %sub3A_418 = arith.subf %select_n3A_413, %sub3A_417 : vector<16x32xf32>
    %exp3A_419 = math.exp %sub3A_418 : vector<16x32xf32>
    %reduce_sum3A_420 = arith.constant dense<0.000000e+00> : vector<16xf32>
    %reduce_sum3A_421 = vector.multi_reduction <add>, %exp3A_419, %reduce_sum3A_420 [1] : vector<16x32xf32> to vector<16xf32>
    %broadcast_in_dim3A_422 = vector.shape_cast %reduce_sum3A_421 : vector<16xf32> to vector<16x1xf32>
    %div3A_423 = vector.broadcast %broadcast_in_dim3A_422 : vector<16x1xf32> to vector<16x32xf32>
    %div3A_424 = arith.divf %exp3A_419, %div3A_423 : vector<16x32xf32>
    %broadcast_in_dim3A_425 = vector.shape_cast %div3A_424 : vector<16x32xf32> to vector<16x32x1xf32>
    %mul3A_426 = vector.broadcast %broadcast_in_dim3A_425 : vector<16x32x1xf32> to vector<16x32x128xf32>
    %mul3A_427 = arith.mulf %reshape3A_400, %mul3A_426 : vector<16x32x128xf32>
    %reduce_sum3A_428 = arith.constant dense<0.000000e+00> : vector<16x128xf32>
    %reduce_sum3A_429 = vector.multi_reduction <add>, %mul3A_427, %reduce_sum3A_428 [1] : vector<16x32x128xf32> to vector<16x128xf32>
    %add3A_430 = arith.addf %slice3A_401, %reduce_sum3A_429 : vector<16x128xf32>
    %max3A_431 = arith.constant 0.000000e+00 : f32
    %max3A_432 = vector.broadcast %max3A_431 : f32 to vector<16x128xf32>
    %max3A_433 = arith.maximumf %add3A_430, %max3A_432 : vector<16x128xf32>
    %swap3A_434 = arith.constant 80 : index
    %swap3A_435 = arith.constant 0 : index
    %swap3A_436 = vector.load %arg8[%swap3A_434, %swap3A_435] : memref<256x128xf32, #tpu.memory_space<vmem>>, vector<16x128xf32>
    tpu.vector_store %arg8[%swap3A_434, %swap3A_435], %max3A_433 {strides = array<i32>} : memref<256x128xf32, #tpu.memory_space<vmem>>, vector<16x128xf32>,
    %get3A_437 = arith.constant 3072 : index
    %get3A_438 = arith.constant 0 : index
    %get3A_439 = vector.load %arg3[%get3A_437, %get3A_438] : memref<8192x128xf32, #tpu.memory_space<vmem>>, vector<512x128xf32>
    %convert_element_type3A_440 = arith.truncf %get3A_439 : vector<512x128xf32> to vector<512x128xbf16>
    %convert_element_type3A_441 = arith.extf %convert_element_type3A_440 : vector<512x128xbf16> to vector<512x128xf32>
    %sub3A_442 = arith.subf %get3A_439, %convert_element_type3A_441 : vector<512x128xf32>
    %convert_element_type3A_443 = arith.truncf %sub3A_442 : vector<512x128xf32> to vector<512x128xbf16>
    %dot_general3A_444 = arith.constant dense<0.000000e+00> : vector<512x128xf32>
    %dot_general3A_445 = tpu.matmul %convert_element_type3A_440, %convert_element_type3A, %dot_general3A_444 {dimension_numbers = #tpu.dot_dimension_numbers<[1], [0], [0], [1], [0, 0, 1, 1], [], []>, transpose_lhs_hint = false} : vector<512x128xbf16>, vector<128x128xbf16>, vector<512x128xf32> -> vector<512x128xf32>
    %dot_general3A_446 = arith.constant dense<0.000000e+00> : vector<512x128xf32>
    %dot_general3A_447 = tpu.matmul %convert_element_type3A_440, %convert_element_type3A_3, %dot_general3A_446 {dimension_numbers = #tpu.dot_dimension_numbers<[1], [0], [0], [1], [0, 0, 1, 1], [], []>, transpose_lhs_hint = false} : vector<512x128xbf16>, vector<128x128xbf16>, vector<512x128xf32> -> vector<512x128xf32>
    %dot_general3A_448 = arith.constant dense<0.000000e+00> : vector<512x128xf32>
    %dot_general3A_449 = tpu.matmul %convert_element_type3A_443, %convert_element_type3A, %dot_general3A_448 {dimension_numbers = #tpu.dot_dimension_numbers<[1], [0], [0], [1], [0, 0, 1, 1], [], []>, transpose_lhs_hint = false} : vector<512x128xbf16>, vector<128x128xbf16>, vector<512x128xf32> -> vector<512x128xf32>
    %add3A_450 = arith.addf %dot_general3A_447, %dot_general3A_449 : vector<512x128xf32>
    %add3A_451 = arith.addf %dot_general3A_445, %add3A_450 : vector<512x128xf32>
    %get3A_452 = arith.constant 3072 : index
    %get3A_453 = arith.constant 0 : index
    %get3A_454 = vector.load %arg2[%get3A_452, %get3A_453] : memref<8192x128xf32, #tpu.memory_space<vmem>>, vector<512x128xf32>
    %convert_element_type3A_455 = arith.truncf %get3A_454 : vector<512x128xf32> to vector<512x128xbf16>
    %convert_element_type3A_456 = arith.extf %convert_element_type3A_455 : vector<512x128xbf16> to vector<512x128xf32>
    %sub3A_457 = arith.subf %get3A_454, %convert_element_type3A_456 : vector<512x128xf32>
    %convert_element_type3A_458 = arith.truncf %sub3A_457 : vector<512x128xf32> to vector<512x128xbf16>
    %dot_general3A_459 = arith.constant dense<0.000000e+00> : vector<512x128xf32>
    %dot_general3A_460 = tpu.matmul %convert_element_type3A_455, %convert_element_type3A_5, %dot_general3A_459 {dimension_numbers = #tpu.dot_dimension_numbers<[1], [0], [0], [1], [0, 0, 1, 1], [], []>, transpose_lhs_hint = false} : vector<512x128xbf16>, vector<128x128xbf16>, vector<512x128xf32> -> vector<512x128xf32>
    %dot_general3A_461 = arith.constant dense<0.000000e+00> : vector<512x128xf32>
    %dot_general3A_462 = tpu.matmul %convert_element_type3A_455, %convert_element_type3A_8, %dot_general3A_461 {dimension_numbers = #tpu.dot_dimension_numbers<[1], [0], [0], [1], [0, 0, 1, 1], [], []>, transpose_lhs_hint = false} : vector<512x128xbf16>, vector<128x128xbf16>, vector<512x128xf32> -> vector<512x128xf32>
    %dot_general3A_463 = arith.constant dense<0.000000e+00> : vector<512x128xf32>
    %dot_general3A_464 = tpu.matmul %convert_element_type3A_458, %convert_element_type3A_5, %dot_general3A_463 {dimension_numbers = #tpu.dot_dimension_numbers<[1], [0], [0], [1], [0, 0, 1, 1], [], []>, transpose_lhs_hint = false} : vector<512x128xbf16>, vector<128x128xbf16>, vector<512x128xf32> -> vector<512x128xf32>
    %add3A_465 = arith.addf %dot_general3A_462, %dot_general3A_464 : vector<512x128xf32>
    %add3A_466 = arith.addf %dot_general3A_460, %add3A_465 : vector<512x128xf32>
    %add3A_467 = arith.addf %add3A_451, %add3A_466 : vector<512x128xf32>
    %add3A_468 = vector.broadcast %get3A_11 : vector<1x128xf32> to vector<512x128xf32>
    %add3A_469 = arith.addf %add3A_467, %add3A_468 : vector<512x128xf32>
    %tanh3A_470 = math.tanh %add3A_469 : vector<512x128xf32>
    %reshape3A_471 = vector.shape_cast %tanh3A_470 : vector<512x128xf32> to vector<16x32x128xf32>
    %slice3A_472 = vector.extract_strided_slice %dot_general3A_18 {offsets = [96, 0], sizes = [16, 128], strides = [1, 1]} : vector<256x128xf32> to vector<16x128xf32>
    %broadcast_in_dim3A_473 = vector.shape_cast %slice3A_472 : vector<16x128xf32> to vector<16x1x128xf32>
    %mul3A_474 = vector.broadcast %broadcast_in_dim3A_473 : vector<16x1x128xf32> to vector<16x32x128xf32>
    %mul3A_475 = arith.mulf %reshape3A_471, %mul3A_474 : vector<16x32x128xf32>
    %reduce_sum3A_476 = arith.constant dense<0.000000e+00> : vector<16x32xf32>
    %reduce_sum3A_477 = vector.multi_reduction <add>, %mul3A_475, %reduce_sum3A_476 [2] : vector<16x32x128xf32> to vector<16x32xf32>
    %mul3A_478 = arith.constant 0.0883883461 : f32
    %mul3A_479 = vector.broadcast %mul3A_478 : f32 to vector<16x32xf32>
    %mul3A_480 = arith.mulf %reduce_sum3A_477, %mul3A_479 : vector<16x32xf32>
    %slice3A_481 = vector.extract_strided_slice %ne3A_23 {offsets = [96, 0], sizes = [16, 32], strides = [1, 1]} : vector<256x32xi1> to vector<16x32xi1>
    %jit3A_482 = arith.constant -1.000000e+09 : f32
    %broadcast_in_dim3A_483 = vector.broadcast %jit3A_482 : f32 to vector<16x32xf32>
    %select_n3A_484 = arith.select %slice3A_481, %mul3A_480, %broadcast_in_dim3A_483 : vector<16x32xi1>, vector<16x32xf32>
    %reduce_max3A_485 = arith.constant dense<0xFF800000> : vector<16xf32>
    %reduce_max3A_486 = vector.multi_reduction <maximumf>, %select_n3A_484, %reduce_max3A_485 [1] : vector<16x32xf32> to vector<16xf32>
    %broadcast_in_dim3A_487 = vector.shape_cast %reduce_max3A_486 : vector<16xf32> to vector<16x1xf32>
    %sub3A_488 = vector.broadcast %broadcast_in_dim3A_487 : vector<16x1xf32> to vector<16x32xf32>
    %sub3A_489 = arith.subf %select_n3A_484, %sub3A_488 : vector<16x32xf32>
    %exp3A_490 = math.exp %sub3A_489 : vector<16x32xf32>
    %reduce_sum3A_491 = arith.constant dense<0.000000e+00> : vector<16xf32>
    %reduce_sum3A_492 = vector.multi_reduction <add>, %exp3A_490, %reduce_sum3A_491 [1] : vector<16x32xf32> to vector<16xf32>
    %broadcast_in_dim3A_493 = vector.shape_cast %reduce_sum3A_492 : vector<16xf32> to vector<16x1xf32>
    %div3A_494 = vector.broadcast %broadcast_in_dim3A_493 : vector<16x1xf32> to vector<16x32xf32>
    %div3A_495 = arith.divf %exp3A_490, %div3A_494 : vector<16x32xf32>
    %broadcast_in_dim3A_496 = vector.shape_cast %div3A_495 : vector<16x32xf32> to vector<16x32x1xf32>
    %mul3A_497 = vector.broadcast %broadcast_in_dim3A_496 : vector<16x32x1xf32> to vector<16x32x128xf32>
    %mul3A_498 = arith.mulf %reshape3A_471, %mul3A_497 : vector<16x32x128xf32>
    %reduce_sum3A_499 = arith.constant dense<0.000000e+00> : vector<16x128xf32>
    %reduce_sum3A_500 = vector.multi_reduction <add>, %mul3A_498, %reduce_sum3A_499 [1] : vector<16x32x128xf32> to vector<16x128xf32>
    %add3A_501 = arith.addf %slice3A_472, %reduce_sum3A_500 : vector<16x128xf32>
    %max3A_502 = arith.constant 0.000000e+00 : f32
    %max3A_503 = vector.broadcast %max3A_502 : f32 to vector<16x128xf32>
    %max3A_504 = arith.maximumf %add3A_501, %max3A_503 : vector<16x128xf32>
    %swap3A_505 = arith.constant 96 : index
    %swap3A_506 = arith.constant 0 : index
    %swap3A_507 = vector.load %arg8[%swap3A_505, %swap3A_506] : memref<256x128xf32, #tpu.memory_space<vmem>>, vector<16x128xf32>
    tpu.vector_store %arg8[%swap3A_505, %swap3A_506], %max3A_504 {strides = array<i32>} : memref<256x128xf32, #tpu.memory_space<vmem>>, vector<16x128xf32>,
    %get3A_508 = arith.constant 3584 : index
    %get3A_509 = arith.constant 0 : index
    %get3A_510 = vector.load %arg3[%get3A_508, %get3A_509] : memref<8192x128xf32, #tpu.memory_space<vmem>>, vector<512x128xf32>
    %convert_element_type3A_511 = arith.truncf %get3A_510 : vector<512x128xf32> to vector<512x128xbf16>
    %convert_element_type3A_512 = arith.extf %convert_element_type3A_511 : vector<512x128xbf16> to vector<512x128xf32>
    %sub3A_513 = arith.subf %get3A_510, %convert_element_type3A_512 : vector<512x128xf32>
    %convert_element_type3A_514 = arith.truncf %sub3A_513 : vector<512x128xf32> to vector<512x128xbf16>
    %dot_general3A_515 = arith.constant dense<0.000000e+00> : vector<512x128xf32>
    %dot_general3A_516 = tpu.matmul %convert_element_type3A_511, %convert_element_type3A, %dot_general3A_515 {dimension_numbers = #tpu.dot_dimension_numbers<[1], [0], [0], [1], [0, 0, 1, 1], [], []>, transpose_lhs_hint = false} : vector<512x128xbf16>, vector<128x128xbf16>, vector<512x128xf32> -> vector<512x128xf32>
    %dot_general3A_517 = arith.constant dense<0.000000e+00> : vector<512x128xf32>
    %dot_general3A_518 = tpu.matmul %convert_element_type3A_511, %convert_element_type3A_3, %dot_general3A_517 {dimension_numbers = #tpu.dot_dimension_numbers<[1], [0], [0], [1], [0, 0, 1, 1], [], []>, transpose_lhs_hint = false} : vector<512x128xbf16>, vector<128x128xbf16>, vector<512x128xf32> -> vector<512x128xf32>
    %dot_general3A_519 = arith.constant dense<0.000000e+00> : vector<512x128xf32>
    %dot_general3A_520 = tpu.matmul %convert_element_type3A_514, %convert_element_type3A, %dot_general3A_519 {dimension_numbers = #tpu.dot_dimension_numbers<[1], [0], [0], [1], [0, 0, 1, 1], [], []>, transpose_lhs_hint = false} : vector<512x128xbf16>, vector<128x128xbf16>, vector<512x128xf32> -> vector<512x128xf32>
    %add3A_521 = arith.addf %dot_general3A_518, %dot_general3A_520 : vector<512x128xf32>
    %add3A_522 = arith.addf %dot_general3A_516, %add3A_521 : vector<512x128xf32>
    %get3A_523 = arith.constant 3584 : index
    %get3A_524 = arith.constant 0 : index
    %get3A_525 = vector.load %arg2[%get3A_523, %get3A_524] : memref<8192x128xf32, #tpu.memory_space<vmem>>, vector<512x128xf32>
    %convert_element_type3A_526 = arith.truncf %get3A_525 : vector<512x128xf32> to vector<512x128xbf16>
    %convert_element_type3A_527 = arith.extf %convert_element_type3A_526 : vector<512x128xbf16> to vector<512x128xf32>
    %sub3A_528 = arith.subf %get3A_525, %convert_element_type3A_527 : vector<512x128xf32>
    %convert_element_type3A_529 = arith.truncf %sub3A_528 : vector<512x128xf32> to vector<512x128xbf16>
    %dot_general3A_530 = arith.constant dense<0.000000e+00> : vector<512x128xf32>
    %dot_general3A_531 = tpu.matmul %convert_element_type3A_526, %convert_element_type3A_5, %dot_general3A_530 {dimension_numbers = #tpu.dot_dimension_numbers<[1], [0], [0], [1], [0, 0, 1, 1], [], []>, transpose_lhs_hint = false} : vector<512x128xbf16>, vector<128x128xbf16>, vector<512x128xf32> -> vector<512x128xf32>
    %dot_general3A_532 = arith.constant dense<0.000000e+00> : vector<512x128xf32>
    %dot_general3A_533 = tpu.matmul %convert_element_type3A_526, %convert_element_type3A_8, %dot_general3A_532 {dimension_numbers = #tpu.dot_dimension_numbers<[1], [0], [0], [1], [0, 0, 1, 1], [], []>, transpose_lhs_hint = false} : vector<512x128xbf16>, vector<128x128xbf16>, vector<512x128xf32> -> vector<512x128xf32>
    %dot_general3A_534 = arith.constant dense<0.000000e+00> : vector<512x128xf32>
    %dot_general3A_535 = tpu.matmul %convert_element_type3A_529, %convert_element_type3A_5, %dot_general3A_534 {dimension_numbers = #tpu.dot_dimension_numbers<[1], [0], [0], [1], [0, 0, 1, 1], [], []>, transpose_lhs_hint = false} : vector<512x128xbf16>, vector<128x128xbf16>, vector<512x128xf32> -> vector<512x128xf32>
    %add3A_536 = arith.addf %dot_general3A_533, %dot_general3A_535 : vector<512x128xf32>
    %add3A_537 = arith.addf %dot_general3A_531, %add3A_536 : vector<512x128xf32>
    %add3A_538 = arith.addf %add3A_522, %add3A_537 : vector<512x128xf32>
    %add3A_539 = vector.broadcast %get3A_11 : vector<1x128xf32> to vector<512x128xf32>
    %add3A_540 = arith.addf %add3A_538, %add3A_539 : vector<512x128xf32>
    %tanh3A_541 = math.tanh %add3A_540 : vector<512x128xf32>
    %reshape3A_542 = vector.shape_cast %tanh3A_541 : vector<512x128xf32> to vector<16x32x128xf32>
    %slice3A_543 = vector.extract_strided_slice %dot_general3A_18 {offsets = [112, 0], sizes = [16, 128], strides = [1, 1]} : vector<256x128xf32> to vector<16x128xf32>
    %broadcast_in_dim3A_544 = vector.shape_cast %slice3A_543 : vector<16x128xf32> to vector<16x1x128xf32>
    %mul3A_545 = vector.broadcast %broadcast_in_dim3A_544 : vector<16x1x128xf32> to vector<16x32x128xf32>
    %mul3A_546 = arith.mulf %reshape3A_542, %mul3A_545 : vector<16x32x128xf32>
    %reduce_sum3A_547 = arith.constant dense<0.000000e+00> : vector<16x32xf32>
    %reduce_sum3A_548 = vector.multi_reduction <add>, %mul3A_546, %reduce_sum3A_547 [2] : vector<16x32x128xf32> to vector<16x32xf32>
    %mul3A_549 = arith.constant 0.0883883461 : f32
    %mul3A_550 = vector.broadcast %mul3A_549 : f32 to vector<16x32xf32>
    %mul3A_551 = arith.mulf %reduce_sum3A_548, %mul3A_550 : vector<16x32xf32>
    %slice3A_552 = vector.extract_strided_slice %ne3A_23 {offsets = [112, 0], sizes = [16, 32], strides = [1, 1]} : vector<256x32xi1> to vector<16x32xi1>
    %jit3A_553 = arith.constant -1.000000e+09 : f32
    %broadcast_in_dim3A_554 = vector.broadcast %jit3A_553 : f32 to vector<16x32xf32>
    %select_n3A_555 = arith.select %slice3A_552, %mul3A_551, %broadcast_in_dim3A_554 : vector<16x32xi1>, vector<16x32xf32>
    %reduce_max3A_556 = arith.constant dense<0xFF800000> : vector<16xf32>
    %reduce_max3A_557 = vector.multi_reduction <maximumf>, %select_n3A_555, %reduce_max3A_556 [1] : vector<16x32xf32> to vector<16xf32>
    %broadcast_in_dim3A_558 = vector.shape_cast %reduce_max3A_557 : vector<16xf32> to vector<16x1xf32>
    %sub3A_559 = vector.broadcast %broadcast_in_dim3A_558 : vector<16x1xf32> to vector<16x32xf32>
    %sub3A_560 = arith.subf %select_n3A_555, %sub3A_559 : vector<16x32xf32>
    %exp3A_561 = math.exp %sub3A_560 : vector<16x32xf32>
    %reduce_sum3A_562 = arith.constant dense<0.000000e+00> : vector<16xf32>
    %reduce_sum3A_563 = vector.multi_reduction <add>, %exp3A_561, %reduce_sum3A_562 [1] : vector<16x32xf32> to vector<16xf32>
    %broadcast_in_dim3A_564 = vector.shape_cast %reduce_sum3A_563 : vector<16xf32> to vector<16x1xf32>
    %div3A_565 = vector.broadcast %broadcast_in_dim3A_564 : vector<16x1xf32> to vector<16x32xf32>
    %div3A_566 = arith.divf %exp3A_561, %div3A_565 : vector<16x32xf32>
    %broadcast_in_dim3A_567 = vector.shape_cast %div3A_566 : vector<16x32xf32> to vector<16x32x1xf32>
    %mul3A_568 = vector.broadcast %broadcast_in_dim3A_567 : vector<16x32x1xf32> to vector<16x32x128xf32>
    %mul3A_569 = arith.mulf %reshape3A_542, %mul3A_568 : vector<16x32x128xf32>
    %reduce_sum3A_570 = arith.constant dense<0.000000e+00> : vector<16x128xf32>
    %reduce_sum3A_571 = vector.multi_reduction <add>, %mul3A_569, %reduce_sum3A_570 [1] : vector<16x32x128xf32> to vector<16x128xf32>
    %add3A_572 = arith.addf %slice3A_543, %reduce_sum3A_571 : vector<16x128xf32>
    %max3A_573 = arith.constant 0.000000e+00 : f32
    %max3A_574 = vector.broadcast %max3A_573 : f32 to vector<16x128xf32>
    %max3A_575 = arith.maximumf %add3A_572, %max3A_574 : vector<16x128xf32>
    %swap3A_576 = arith.constant 112 : index
    %swap3A_577 = arith.constant 0 : index
    %swap3A_578 = vector.load %arg8[%swap3A_576, %swap3A_577] : memref<256x128xf32, #tpu.memory_space<vmem>>, vector<16x128xf32>
    tpu.vector_store %arg8[%swap3A_576, %swap3A_577], %max3A_575 {strides = array<i32>} : memref<256x128xf32, #tpu.memory_space<vmem>>, vector<16x128xf32>,
    %get3A_579 = arith.constant 4096 : index
    %get3A_580 = arith.constant 0 : index
    %get3A_581 = vector.load %arg3[%get3A_579, %get3A_580] : memref<8192x128xf32, #tpu.memory_space<vmem>>, vector<512x128xf32>
    %convert_element_type3A_582 = arith.truncf %get3A_581 : vector<512x128xf32> to vector<512x128xbf16>
    %convert_element_type3A_583 = arith.extf %convert_element_type3A_582 : vector<512x128xbf16> to vector<512x128xf32>
    %sub3A_584 = arith.subf %get3A_581, %convert_element_type3A_583 : vector<512x128xf32>
    %convert_element_type3A_585 = arith.truncf %sub3A_584 : vector<512x128xf32> to vector<512x128xbf16>
    %dot_general3A_586 = arith.constant dense<0.000000e+00> : vector<512x128xf32>
    %dot_general3A_587 = tpu.matmul %convert_element_type3A_582, %convert_element_type3A, %dot_general3A_586 {dimension_numbers = #tpu.dot_dimension_numbers<[1], [0], [0], [1], [0, 0, 1, 1], [], []>, transpose_lhs_hint = false} : vector<512x128xbf16>, vector<128x128xbf16>, vector<512x128xf32> -> vector<512x128xf32>
    %dot_general3A_588 = arith.constant dense<0.000000e+00> : vector<512x128xf32>
    %dot_general3A_589 = tpu.matmul %convert_element_type3A_582, %convert_element_type3A_3, %dot_general3A_588 {dimension_numbers = #tpu.dot_dimension_numbers<[1], [0], [0], [1], [0, 0, 1, 1], [], []>, transpose_lhs_hint = false} : vector<512x128xbf16>, vector<128x128xbf16>, vector<512x128xf32> -> vector<512x128xf32>
    %dot_general3A_590 = arith.constant dense<0.000000e+00> : vector<512x128xf32>
    %dot_general3A_591 = tpu.matmul %convert_element_type3A_585, %convert_element_type3A, %dot_general3A_590 {dimension_numbers = #tpu.dot_dimension_numbers<[1], [0], [0], [1], [0, 0, 1, 1], [], []>, transpose_lhs_hint = false} : vector<512x128xbf16>, vector<128x128xbf16>, vector<512x128xf32> -> vector<512x128xf32>
    %add3A_592 = arith.addf %dot_general3A_589, %dot_general3A_591 : vector<512x128xf32>
    %add3A_593 = arith.addf %dot_general3A_587, %add3A_592 : vector<512x128xf32>
    %get3A_594 = arith.constant 4096 : index
    %get3A_595 = arith.constant 0 : index
    %get3A_596 = vector.load %arg2[%get3A_594, %get3A_595] : memref<8192x128xf32, #tpu.memory_space<vmem>>, vector<512x128xf32>
    %convert_element_type3A_597 = arith.truncf %get3A_596 : vector<512x128xf32> to vector<512x128xbf16>
    %convert_element_type3A_598 = arith.extf %convert_element_type3A_597 : vector<512x128xbf16> to vector<512x128xf32>
    %sub3A_599 = arith.subf %get3A_596, %convert_element_type3A_598 : vector<512x128xf32>
    %convert_element_type3A_600 = arith.truncf %sub3A_599 : vector<512x128xf32> to vector<512x128xbf16>
    %dot_general3A_601 = arith.constant dense<0.000000e+00> : vector<512x128xf32>
    %dot_general3A_602 = tpu.matmul %convert_element_type3A_597, %convert_element_type3A_5, %dot_general3A_601 {dimension_numbers = #tpu.dot_dimension_numbers<[1], [0], [0], [1], [0, 0, 1, 1], [], []>, transpose_lhs_hint = false} : vector<512x128xbf16>, vector<128x128xbf16>, vector<512x128xf32> -> vector<512x128xf32>
    %dot_general3A_603 = arith.constant dense<0.000000e+00> : vector<512x128xf32>
    %dot_general3A_604 = tpu.matmul %convert_element_type3A_597, %convert_element_type3A_8, %dot_general3A_603 {dimension_numbers = #tpu.dot_dimension_numbers<[1], [0], [0], [1], [0, 0, 1, 1], [], []>, transpose_lhs_hint = false} : vector<512x128xbf16>, vector<128x128xbf16>, vector<512x128xf32> -> vector<512x128xf32>
    %dot_general3A_605 = arith.constant dense<0.000000e+00> : vector<512x128xf32>
    %dot_general3A_606 = tpu.matmul %convert_element_type3A_600, %convert_element_type3A_5, %dot_general3A_605 {dimension_numbers = #tpu.dot_dimension_numbers<[1], [0], [0], [1], [0, 0, 1, 1], [], []>, transpose_lhs_hint = false} : vector<512x128xbf16>, vector<128x128xbf16>, vector<512x128xf32> -> vector<512x128xf32>
    %add3A_607 = arith.addf %dot_general3A_604, %dot_general3A_606 : vector<512x128xf32>
    %add3A_608 = arith.addf %dot_general3A_602, %add3A_607 : vector<512x128xf32>
    %add3A_609 = arith.addf %add3A_593, %add3A_608 : vector<512x128xf32>
    %add3A_610 = vector.broadcast %get3A_11 : vector<1x128xf32> to vector<512x128xf32>
    %add3A_611 = arith.addf %add3A_609, %add3A_610 : vector<512x128xf32>
    %tanh3A_612 = math.tanh %add3A_611 : vector<512x128xf32>
    %reshape3A_613 = vector.shape_cast %tanh3A_612 : vector<512x128xf32> to vector<16x32x128xf32>
    %slice3A_614 = vector.extract_strided_slice %dot_general3A_18 {offsets = [128, 0], sizes = [16, 128], strides = [1, 1]} : vector<256x128xf32> to vector<16x128xf32>
    %broadcast_in_dim3A_615 = vector.shape_cast %slice3A_614 : vector<16x128xf32> to vector<16x1x128xf32>
    %mul3A_616 = vector.broadcast %broadcast_in_dim3A_615 : vector<16x1x128xf32> to vector<16x32x128xf32>
    %mul3A_617 = arith.mulf %reshape3A_613, %mul3A_616 : vector<16x32x128xf32>
    %reduce_sum3A_618 = arith.constant dense<0.000000e+00> : vector<16x32xf32>
    %reduce_sum3A_619 = vector.multi_reduction <add>, %mul3A_617, %reduce_sum3A_618 [2] : vector<16x32x128xf32> to vector<16x32xf32>
    %mul3A_620 = arith.constant 0.0883883461 : f32
    %mul3A_621 = vector.broadcast %mul3A_620 : f32 to vector<16x32xf32>
    %mul3A_622 = arith.mulf %reduce_sum3A_619, %mul3A_621 : vector<16x32xf32>
    %slice3A_623 = vector.extract_strided_slice %ne3A_23 {offsets = [128, 0], sizes = [16, 32], strides = [1, 1]} : vector<256x32xi1> to vector<16x32xi1>
    %jit3A_624 = arith.constant -1.000000e+09 : f32
    %broadcast_in_dim3A_625 = vector.broadcast %jit3A_624 : f32 to vector<16x32xf32>
    %select_n3A_626 = arith.select %slice3A_623, %mul3A_622, %broadcast_in_dim3A_625 : vector<16x32xi1>, vector<16x32xf32>
    %reduce_max3A_627 = arith.constant dense<0xFF800000> : vector<16xf32>
    %reduce_max3A_628 = vector.multi_reduction <maximumf>, %select_n3A_626, %reduce_max3A_627 [1] : vector<16x32xf32> to vector<16xf32>
    %broadcast_in_dim3A_629 = vector.shape_cast %reduce_max3A_628 : vector<16xf32> to vector<16x1xf32>
    %sub3A_630 = vector.broadcast %broadcast_in_dim3A_629 : vector<16x1xf32> to vector<16x32xf32>
    %sub3A_631 = arith.subf %select_n3A_626, %sub3A_630 : vector<16x32xf32>
    %exp3A_632 = math.exp %sub3A_631 : vector<16x32xf32>
    %reduce_sum3A_633 = arith.constant dense<0.000000e+00> : vector<16xf32>
    %reduce_sum3A_634 = vector.multi_reduction <add>, %exp3A_632, %reduce_sum3A_633 [1] : vector<16x32xf32> to vector<16xf32>
    %broadcast_in_dim3A_635 = vector.shape_cast %reduce_sum3A_634 : vector<16xf32> to vector<16x1xf32>
    %div3A_636 = vector.broadcast %broadcast_in_dim3A_635 : vector<16x1xf32> to vector<16x32xf32>
    %div3A_637 = arith.divf %exp3A_632, %div3A_636 : vector<16x32xf32>
    %broadcast_in_dim3A_638 = vector.shape_cast %div3A_637 : vector<16x32xf32> to vector<16x32x1xf32>
    %mul3A_639 = vector.broadcast %broadcast_in_dim3A_638 : vector<16x32x1xf32> to vector<16x32x128xf32>
    %mul3A_640 = arith.mulf %reshape3A_613, %mul3A_639 : vector<16x32x128xf32>
    %reduce_sum3A_641 = arith.constant dense<0.000000e+00> : vector<16x128xf32>
    %reduce_sum3A_642 = vector.multi_reduction <add>, %mul3A_640, %reduce_sum3A_641 [1] : vector<16x32x128xf32> to vector<16x128xf32>
    %add3A_643 = arith.addf %slice3A_614, %reduce_sum3A_642 : vector<16x128xf32>
    %max3A_644 = arith.constant 0.000000e+00 : f32
    %max3A_645 = vector.broadcast %max3A_644 : f32 to vector<16x128xf32>
    %max3A_646 = arith.maximumf %add3A_643, %max3A_645 : vector<16x128xf32>
    %swap3A_647 = arith.constant 128 : index
    %swap3A_648 = arith.constant 0 : index
    %swap3A_649 = vector.load %arg8[%swap3A_647, %swap3A_648] : memref<256x128xf32, #tpu.memory_space<vmem>>, vector<16x128xf32>
    tpu.vector_store %arg8[%swap3A_647, %swap3A_648], %max3A_646 {strides = array<i32>} : memref<256x128xf32, #tpu.memory_space<vmem>>, vector<16x128xf32>,
    %get3A_650 = arith.constant 4608 : index
    %get3A_651 = arith.constant 0 : index
    %get3A_652 = vector.load %arg3[%get3A_650, %get3A_651] : memref<8192x128xf32, #tpu.memory_space<vmem>>, vector<512x128xf32>
    %convert_element_type3A_653 = arith.truncf %get3A_652 : vector<512x128xf32> to vector<512x128xbf16>
    %convert_element_type3A_654 = arith.extf %convert_element_type3A_653 : vector<512x128xbf16> to vector<512x128xf32>
    %sub3A_655 = arith.subf %get3A_652, %convert_element_type3A_654 : vector<512x128xf32>
    %convert_element_type3A_656 = arith.truncf %sub3A_655 : vector<512x128xf32> to vector<512x128xbf16>
    %dot_general3A_657 = arith.constant dense<0.000000e+00> : vector<512x128xf32>
    %dot_general3A_658 = tpu.matmul %convert_element_type3A_653, %convert_element_type3A, %dot_general3A_657 {dimension_numbers = #tpu.dot_dimension_numbers<[1], [0], [0], [1], [0, 0, 1, 1], [], []>, transpose_lhs_hint = false} : vector<512x128xbf16>, vector<128x128xbf16>, vector<512x128xf32> -> vector<512x128xf32>
    %dot_general3A_659 = arith.constant dense<0.000000e+00> : vector<512x128xf32>
    %dot_general3A_660 = tpu.matmul %convert_element_type3A_653, %convert_element_type3A_3, %dot_general3A_659 {dimension_numbers = #tpu.dot_dimension_numbers<[1], [0], [0], [1], [0, 0, 1, 1], [], []>, transpose_lhs_hint = false} : vector<512x128xbf16>, vector<128x128xbf16>, vector<512x128xf32> -> vector<512x128xf32>
    %dot_general3A_661 = arith.constant dense<0.000000e+00> : vector<512x128xf32>
    %dot_general3A_662 = tpu.matmul %convert_element_type3A_656, %convert_element_type3A, %dot_general3A_661 {dimension_numbers = #tpu.dot_dimension_numbers<[1], [0], [0], [1], [0, 0, 1, 1], [], []>, transpose_lhs_hint = false} : vector<512x128xbf16>, vector<128x128xbf16>, vector<512x128xf32> -> vector<512x128xf32>
    %add3A_663 = arith.addf %dot_general3A_660, %dot_general3A_662 : vector<512x128xf32>
    %add3A_664 = arith.addf %dot_general3A_658, %add3A_663 : vector<512x128xf32>
    %get3A_665 = arith.constant 4608 : index
    %get3A_666 = arith.constant 0 : index
    %get3A_667 = vector.load %arg2[%get3A_665, %get3A_666] : memref<8192x128xf32, #tpu.memory_space<vmem>>, vector<512x128xf32>
    %convert_element_type3A_668 = arith.truncf %get3A_667 : vector<512x128xf32> to vector<512x128xbf16>
    %convert_element_type3A_669 = arith.extf %convert_element_type3A_668 : vector<512x128xbf16> to vector<512x128xf32>
    %sub3A_670 = arith.subf %get3A_667, %convert_element_type3A_669 : vector<512x128xf32>
    %convert_element_type3A_671 = arith.truncf %sub3A_670 : vector<512x128xf32> to vector<512x128xbf16>
    %dot_general3A_672 = arith.constant dense<0.000000e+00> : vector<512x128xf32>
    %dot_general3A_673 = tpu.matmul %convert_element_type3A_668, %convert_element_type3A_5, %dot_general3A_672 {dimension_numbers = #tpu.dot_dimension_numbers<[1], [0], [0], [1], [0, 0, 1, 1], [], []>, transpose_lhs_hint = false} : vector<512x128xbf16>, vector<128x128xbf16>, vector<512x128xf32> -> vector<512x128xf32>
    %dot_general3A_674 = arith.constant dense<0.000000e+00> : vector<512x128xf32>
    %dot_general3A_675 = tpu.matmul %convert_element_type3A_668, %convert_element_type3A_8, %dot_general3A_674 {dimension_numbers = #tpu.dot_dimension_numbers<[1], [0], [0], [1], [0, 0, 1, 1], [], []>, transpose_lhs_hint = false} : vector<512x128xbf16>, vector<128x128xbf16>, vector<512x128xf32> -> vector<512x128xf32>
    %dot_general3A_676 = arith.constant dense<0.000000e+00> : vector<512x128xf32>
    %dot_general3A_677 = tpu.matmul %convert_element_type3A_671, %convert_element_type3A_5, %dot_general3A_676 {dimension_numbers = #tpu.dot_dimension_numbers<[1], [0], [0], [1], [0, 0, 1, 1], [], []>, transpose_lhs_hint = false} : vector<512x128xbf16>, vector<128x128xbf16>, vector<512x128xf32> -> vector<512x128xf32>
    %add3A_678 = arith.addf %dot_general3A_675, %dot_general3A_677 : vector<512x128xf32>
    %add3A_679 = arith.addf %dot_general3A_673, %add3A_678 : vector<512x128xf32>
    %add3A_680 = arith.addf %add3A_664, %add3A_679 : vector<512x128xf32>
    %add3A_681 = vector.broadcast %get3A_11 : vector<1x128xf32> to vector<512x128xf32>
    %add3A_682 = arith.addf %add3A_680, %add3A_681 : vector<512x128xf32>
    %tanh3A_683 = math.tanh %add3A_682 : vector<512x128xf32>
    %reshape3A_684 = vector.shape_cast %tanh3A_683 : vector<512x128xf32> to vector<16x32x128xf32>
    %slice3A_685 = vector.extract_strided_slice %dot_general3A_18 {offsets = [144, 0], sizes = [16, 128], strides = [1, 1]} : vector<256x128xf32> to vector<16x128xf32>
    %broadcast_in_dim3A_686 = vector.shape_cast %slice3A_685 : vector<16x128xf32> to vector<16x1x128xf32>
    %mul3A_687 = vector.broadcast %broadcast_in_dim3A_686 : vector<16x1x128xf32> to vector<16x32x128xf32>
    %mul3A_688 = arith.mulf %reshape3A_684, %mul3A_687 : vector<16x32x128xf32>
    %reduce_sum3A_689 = arith.constant dense<0.000000e+00> : vector<16x32xf32>
    %reduce_sum3A_690 = vector.multi_reduction <add>, %mul3A_688, %reduce_sum3A_689 [2] : vector<16x32x128xf32> to vector<16x32xf32>
    %mul3A_691 = arith.constant 0.0883883461 : f32
    %mul3A_692 = vector.broadcast %mul3A_691 : f32 to vector<16x32xf32>
    %mul3A_693 = arith.mulf %reduce_sum3A_690, %mul3A_692 : vector<16x32xf32>
    %slice3A_694 = vector.extract_strided_slice %ne3A_23 {offsets = [144, 0], sizes = [16, 32], strides = [1, 1]} : vector<256x32xi1> to vector<16x32xi1>
    %jit3A_695 = arith.constant -1.000000e+09 : f32
    %broadcast_in_dim3A_696 = vector.broadcast %jit3A_695 : f32 to vector<16x32xf32>
    %select_n3A_697 = arith.select %slice3A_694, %mul3A_693, %broadcast_in_dim3A_696 : vector<16x32xi1>, vector<16x32xf32>
    %reduce_max3A_698 = arith.constant dense<0xFF800000> : vector<16xf32>
    %reduce_max3A_699 = vector.multi_reduction <maximumf>, %select_n3A_697, %reduce_max3A_698 [1] : vector<16x32xf32> to vector<16xf32>
    %broadcast_in_dim3A_700 = vector.shape_cast %reduce_max3A_699 : vector<16xf32> to vector<16x1xf32>
    %sub3A_701 = vector.broadcast %broadcast_in_dim3A_700 : vector<16x1xf32> to vector<16x32xf32>
    %sub3A_702 = arith.subf %select_n3A_697, %sub3A_701 : vector<16x32xf32>
    %exp3A_703 = math.exp %sub3A_702 : vector<16x32xf32>
    %reduce_sum3A_704 = arith.constant dense<0.000000e+00> : vector<16xf32>
    %reduce_sum3A_705 = vector.multi_reduction <add>, %exp3A_703, %reduce_sum3A_704 [1] : vector<16x32xf32> to vector<16xf32>
    %broadcast_in_dim3A_706 = vector.shape_cast %reduce_sum3A_705 : vector<16xf32> to vector<16x1xf32>
    %div3A_707 = vector.broadcast %broadcast_in_dim3A_706 : vector<16x1xf32> to vector<16x32xf32>
    %div3A_708 = arith.divf %exp3A_703, %div3A_707 : vector<16x32xf32>
    %broadcast_in_dim3A_709 = vector.shape_cast %div3A_708 : vector<16x32xf32> to vector<16x32x1xf32>
    %mul3A_710 = vector.broadcast %broadcast_in_dim3A_709 : vector<16x32x1xf32> to vector<16x32x128xf32>
    %mul3A_711 = arith.mulf %reshape3A_684, %mul3A_710 : vector<16x32x128xf32>
    %reduce_sum3A_712 = arith.constant dense<0.000000e+00> : vector<16x128xf32>
    %reduce_sum3A_713 = vector.multi_reduction <add>, %mul3A_711, %reduce_sum3A_712 [1] : vector<16x32x128xf32> to vector<16x128xf32>
    %add3A_714 = arith.addf %slice3A_685, %reduce_sum3A_713 : vector<16x128xf32>
    %max3A_715 = arith.constant 0.000000e+00 : f32
    %max3A_716 = vector.broadcast %max3A_715 : f32 to vector<16x128xf32>
    %max3A_717 = arith.maximumf %add3A_714, %max3A_716 : vector<16x128xf32>
    %swap3A_718 = arith.constant 144 : index
    %swap3A_719 = arith.constant 0 : index
    %swap3A_720 = vector.load %arg8[%swap3A_718, %swap3A_719] : memref<256x128xf32, #tpu.memory_space<vmem>>, vector<16x128xf32>
    tpu.vector_store %arg8[%swap3A_718, %swap3A_719], %max3A_717 {strides = array<i32>} : memref<256x128xf32, #tpu.memory_space<vmem>>, vector<16x128xf32>,
    %get3A_721 = arith.constant 5120 : index
    %get3A_722 = arith.constant 0 : index
    %get3A_723 = vector.load %arg3[%get3A_721, %get3A_722] : memref<8192x128xf32, #tpu.memory_space<vmem>>, vector<512x128xf32>
    %convert_element_type3A_724 = arith.truncf %get3A_723 : vector<512x128xf32> to vector<512x128xbf16>
    %convert_element_type3A_725 = arith.extf %convert_element_type3A_724 : vector<512x128xbf16> to vector<512x128xf32>
    %sub3A_726 = arith.subf %get3A_723, %convert_element_type3A_725 : vector<512x128xf32>
    %convert_element_type3A_727 = arith.truncf %sub3A_726 : vector<512x128xf32> to vector<512x128xbf16>
    %dot_general3A_728 = arith.constant dense<0.000000e+00> : vector<512x128xf32>
    %dot_general3A_729 = tpu.matmul %convert_element_type3A_724, %convert_element_type3A, %dot_general3A_728 {dimension_numbers = #tpu.dot_dimension_numbers<[1], [0], [0], [1], [0, 0, 1, 1], [], []>, transpose_lhs_hint = false} : vector<512x128xbf16>, vector<128x128xbf16>, vector<512x128xf32> -> vector<512x128xf32>
    %dot_general3A_730 = arith.constant dense<0.000000e+00> : vector<512x128xf32>
    %dot_general3A_731 = tpu.matmul %convert_element_type3A_724, %convert_element_type3A_3, %dot_general3A_730 {dimension_numbers = #tpu.dot_dimension_numbers<[1], [0], [0], [1], [0, 0, 1, 1], [], []>, transpose_lhs_hint = false} : vector<512x128xbf16>, vector<128x128xbf16>, vector<512x128xf32> -> vector<512x128xf32>
    %dot_general3A_732 = arith.constant dense<0.000000e+00> : vector<512x128xf32>
    %dot_general3A_733 = tpu.matmul %convert_element_type3A_727, %convert_element_type3A, %dot_general3A_732 {dimension_numbers = #tpu.dot_dimension_numbers<[1], [0], [0], [1], [0, 0, 1, 1], [], []>, transpose_lhs_hint = false} : vector<512x128xbf16>, vector<128x128xbf16>, vector<512x128xf32> -> vector<512x128xf32>
    %add3A_734 = arith.addf %dot_general3A_731, %dot_general3A_733 : vector<512x128xf32>
    %add3A_735 = arith.addf %dot_general3A_729, %add3A_734 : vector<512x128xf32>
    %get3A_736 = arith.constant 5120 : index
    %get3A_737 = arith.constant 0 : index
    %get3A_738 = vector.load %arg2[%get3A_736, %get3A_737] : memref<8192x128xf32, #tpu.memory_space<vmem>>, vector<512x128xf32>
    %convert_element_type3A_739 = arith.truncf %get3A_738 : vector<512x128xf32> to vector<512x128xbf16>
    %convert_element_type3A_740 = arith.extf %convert_element_type3A_739 : vector<512x128xbf16> to vector<512x128xf32>
    %sub3A_741 = arith.subf %get3A_738, %convert_element_type3A_740 : vector<512x128xf32>
    %convert_element_type3A_742 = arith.truncf %sub3A_741 : vector<512x128xf32> to vector<512x128xbf16>
    %dot_general3A_743 = arith.constant dense<0.000000e+00> : vector<512x128xf32>
    %dot_general3A_744 = tpu.matmul %convert_element_type3A_739, %convert_element_type3A_5, %dot_general3A_743 {dimension_numbers = #tpu.dot_dimension_numbers<[1], [0], [0], [1], [0, 0, 1, 1], [], []>, transpose_lhs_hint = false} : vector<512x128xbf16>, vector<128x128xbf16>, vector<512x128xf32> -> vector<512x128xf32>
    %dot_general3A_745 = arith.constant dense<0.000000e+00> : vector<512x128xf32>
    %dot_general3A_746 = tpu.matmul %convert_element_type3A_739, %convert_element_type3A_8, %dot_general3A_745 {dimension_numbers = #tpu.dot_dimension_numbers<[1], [0], [0], [1], [0, 0, 1, 1], [], []>, transpose_lhs_hint = false} : vector<512x128xbf16>, vector<128x128xbf16>, vector<512x128xf32> -> vector<512x128xf32>
    %dot_general3A_747 = arith.constant dense<0.000000e+00> : vector<512x128xf32>
    %dot_general3A_748 = tpu.matmul %convert_element_type3A_742, %convert_element_type3A_5, %dot_general3A_747 {dimension_numbers = #tpu.dot_dimension_numbers<[1], [0], [0], [1], [0, 0, 1, 1], [], []>, transpose_lhs_hint = false} : vector<512x128xbf16>, vector<128x128xbf16>, vector<512x128xf32> -> vector<512x128xf32>
    %add3A_749 = arith.addf %dot_general3A_746, %dot_general3A_748 : vector<512x128xf32>
    %add3A_750 = arith.addf %dot_general3A_744, %add3A_749 : vector<512x128xf32>
    %add3A_751 = arith.addf %add3A_735, %add3A_750 : vector<512x128xf32>
    %add3A_752 = vector.broadcast %get3A_11 : vector<1x128xf32> to vector<512x128xf32>
    %add3A_753 = arith.addf %add3A_751, %add3A_752 : vector<512x128xf32>
    %tanh3A_754 = math.tanh %add3A_753 : vector<512x128xf32>
    %reshape3A_755 = vector.shape_cast %tanh3A_754 : vector<512x128xf32> to vector<16x32x128xf32>
    %slice3A_756 = vector.extract_strided_slice %dot_general3A_18 {offsets = [160, 0], sizes = [16, 128], strides = [1, 1]} : vector<256x128xf32> to vector<16x128xf32>
    %broadcast_in_dim3A_757 = vector.shape_cast %slice3A_756 : vector<16x128xf32> to vector<16x1x128xf32>
    %mul3A_758 = vector.broadcast %broadcast_in_dim3A_757 : vector<16x1x128xf32> to vector<16x32x128xf32>
    %mul3A_759 = arith.mulf %reshape3A_755, %mul3A_758 : vector<16x32x128xf32>
    %reduce_sum3A_760 = arith.constant dense<0.000000e+00> : vector<16x32xf32>
    %reduce_sum3A_761 = vector.multi_reduction <add>, %mul3A_759, %reduce_sum3A_760 [2] : vector<16x32x128xf32> to vector<16x32xf32>
    %mul3A_762 = arith.constant 0.0883883461 : f32
    %mul3A_763 = vector.broadcast %mul3A_762 : f32 to vector<16x32xf32>
    %mul3A_764 = arith.mulf %reduce_sum3A_761, %mul3A_763 : vector<16x32xf32>
    %slice3A_765 = vector.extract_strided_slice %ne3A_23 {offsets = [160, 0], sizes = [16, 32], strides = [1, 1]} : vector<256x32xi1> to vector<16x32xi1>
    %jit3A_766 = arith.constant -1.000000e+09 : f32
    %broadcast_in_dim3A_767 = vector.broadcast %jit3A_766 : f32 to vector<16x32xf32>
    %select_n3A_768 = arith.select %slice3A_765, %mul3A_764, %broadcast_in_dim3A_767 : vector<16x32xi1>, vector<16x32xf32>
    %reduce_max3A_769 = arith.constant dense<0xFF800000> : vector<16xf32>
    %reduce_max3A_770 = vector.multi_reduction <maximumf>, %select_n3A_768, %reduce_max3A_769 [1] : vector<16x32xf32> to vector<16xf32>
    %broadcast_in_dim3A_771 = vector.shape_cast %reduce_max3A_770 : vector<16xf32> to vector<16x1xf32>
    %sub3A_772 = vector.broadcast %broadcast_in_dim3A_771 : vector<16x1xf32> to vector<16x32xf32>
    %sub3A_773 = arith.subf %select_n3A_768, %sub3A_772 : vector<16x32xf32>
    %exp3A_774 = math.exp %sub3A_773 : vector<16x32xf32>
    %reduce_sum3A_775 = arith.constant dense<0.000000e+00> : vector<16xf32>
    %reduce_sum3A_776 = vector.multi_reduction <add>, %exp3A_774, %reduce_sum3A_775 [1] : vector<16x32xf32> to vector<16xf32>
    %broadcast_in_dim3A_777 = vector.shape_cast %reduce_sum3A_776 : vector<16xf32> to vector<16x1xf32>
    %div3A_778 = vector.broadcast %broadcast_in_dim3A_777 : vector<16x1xf32> to vector<16x32xf32>
    %div3A_779 = arith.divf %exp3A_774, %div3A_778 : vector<16x32xf32>
    %broadcast_in_dim3A_780 = vector.shape_cast %div3A_779 : vector<16x32xf32> to vector<16x32x1xf32>
    %mul3A_781 = vector.broadcast %broadcast_in_dim3A_780 : vector<16x32x1xf32> to vector<16x32x128xf32>
    %mul3A_782 = arith.mulf %reshape3A_755, %mul3A_781 : vector<16x32x128xf32>
    %reduce_sum3A_783 = arith.constant dense<0.000000e+00> : vector<16x128xf32>
    %reduce_sum3A_784 = vector.multi_reduction <add>, %mul3A_782, %reduce_sum3A_783 [1] : vector<16x32x128xf32> to vector<16x128xf32>
    %add3A_785 = arith.addf %slice3A_756, %reduce_sum3A_784 : vector<16x128xf32>
    %max3A_786 = arith.constant 0.000000e+00 : f32
    %max3A_787 = vector.broadcast %max3A_786 : f32 to vector<16x128xf32>
    %max3A_788 = arith.maximumf %add3A_785, %max3A_787 : vector<16x128xf32>
    %swap3A_789 = arith.constant 160 : index
    %swap3A_790 = arith.constant 0 : index
    %swap3A_791 = vector.load %arg8[%swap3A_789, %swap3A_790] : memref<256x128xf32, #tpu.memory_space<vmem>>, vector<16x128xf32>
    tpu.vector_store %arg8[%swap3A_789, %swap3A_790], %max3A_788 {strides = array<i32>} : memref<256x128xf32, #tpu.memory_space<vmem>>, vector<16x128xf32>,
    %get3A_792 = arith.constant 5632 : index
    %get3A_793 = arith.constant 0 : index
    %get3A_794 = vector.load %arg3[%get3A_792, %get3A_793] : memref<8192x128xf32, #tpu.memory_space<vmem>>, vector<512x128xf32>
    %convert_element_type3A_795 = arith.truncf %get3A_794 : vector<512x128xf32> to vector<512x128xbf16>
    %convert_element_type3A_796 = arith.extf %convert_element_type3A_795 : vector<512x128xbf16> to vector<512x128xf32>
    %sub3A_797 = arith.subf %get3A_794, %convert_element_type3A_796 : vector<512x128xf32>
    %convert_element_type3A_798 = arith.truncf %sub3A_797 : vector<512x128xf32> to vector<512x128xbf16>
    %dot_general3A_799 = arith.constant dense<0.000000e+00> : vector<512x128xf32>
    %dot_general3A_800 = tpu.matmul %convert_element_type3A_795, %convert_element_type3A, %dot_general3A_799 {dimension_numbers = #tpu.dot_dimension_numbers<[1], [0], [0], [1], [0, 0, 1, 1], [], []>, transpose_lhs_hint = false} : vector<512x128xbf16>, vector<128x128xbf16>, vector<512x128xf32> -> vector<512x128xf32>
    %dot_general3A_801 = arith.constant dense<0.000000e+00> : vector<512x128xf32>
    %dot_general3A_802 = tpu.matmul %convert_element_type3A_795, %convert_element_type3A_3, %dot_general3A_801 {dimension_numbers = #tpu.dot_dimension_numbers<[1], [0], [0], [1], [0, 0, 1, 1], [], []>, transpose_lhs_hint = false} : vector<512x128xbf16>, vector<128x128xbf16>, vector<512x128xf32> -> vector<512x128xf32>
    %dot_general3A_803 = arith.constant dense<0.000000e+00> : vector<512x128xf32>
    %dot_general3A_804 = tpu.matmul %convert_element_type3A_798, %convert_element_type3A, %dot_general3A_803 {dimension_numbers = #tpu.dot_dimension_numbers<[1], [0], [0], [1], [0, 0, 1, 1], [], []>, transpose_lhs_hint = false} : vector<512x128xbf16>, vector<128x128xbf16>, vector<512x128xf32> -> vector<512x128xf32>
    %add3A_805 = arith.addf %dot_general3A_802, %dot_general3A_804 : vector<512x128xf32>
    %add3A_806 = arith.addf %dot_general3A_800, %add3A_805 : vector<512x128xf32>
    %get3A_807 = arith.constant 5632 : index
    %get3A_808 = arith.constant 0 : index
    %get3A_809 = vector.load %arg2[%get3A_807, %get3A_808] : memref<8192x128xf32, #tpu.memory_space<vmem>>, vector<512x128xf32>
    %convert_element_type3A_810 = arith.truncf %get3A_809 : vector<512x128xf32> to vector<512x128xbf16>
    %convert_element_type3A_811 = arith.extf %convert_element_type3A_810 : vector<512x128xbf16> to vector<512x128xf32>
    %sub3A_812 = arith.subf %get3A_809, %convert_element_type3A_811 : vector<512x128xf32>
    %convert_element_type3A_813 = arith.truncf %sub3A_812 : vector<512x128xf32> to vector<512x128xbf16>
    %dot_general3A_814 = arith.constant dense<0.000000e+00> : vector<512x128xf32>
    %dot_general3A_815 = tpu.matmul %convert_element_type3A_810, %convert_element_type3A_5, %dot_general3A_814 {dimension_numbers = #tpu.dot_dimension_numbers<[1], [0], [0], [1], [0, 0, 1, 1], [], []>, transpose_lhs_hint = false} : vector<512x128xbf16>, vector<128x128xbf16>, vector<512x128xf32> -> vector<512x128xf32>
    %dot_general3A_816 = arith.constant dense<0.000000e+00> : vector<512x128xf32>
    %dot_general3A_817 = tpu.matmul %convert_element_type3A_810, %convert_element_type3A_8, %dot_general3A_816 {dimension_numbers = #tpu.dot_dimension_numbers<[1], [0], [0], [1], [0, 0, 1, 1], [], []>, transpose_lhs_hint = false} : vector<512x128xbf16>, vector<128x128xbf16>, vector<512x128xf32> -> vector<512x128xf32>
    %dot_general3A_818 = arith.constant dense<0.000000e+00> : vector<512x128xf32>
    %dot_general3A_819 = tpu.matmul %convert_element_type3A_813, %convert_element_type3A_5, %dot_general3A_818 {dimension_numbers = #tpu.dot_dimension_numbers<[1], [0], [0], [1], [0, 0, 1, 1], [], []>, transpose_lhs_hint = false} : vector<512x128xbf16>, vector<128x128xbf16>, vector<512x128xf32> -> vector<512x128xf32>
    %add3A_820 = arith.addf %dot_general3A_817, %dot_general3A_819 : vector<512x128xf32>
    %add3A_821 = arith.addf %dot_general3A_815, %add3A_820 : vector<512x128xf32>
    %add3A_822 = arith.addf %add3A_806, %add3A_821 : vector<512x128xf32>
    %add3A_823 = vector.broadcast %get3A_11 : vector<1x128xf32> to vector<512x128xf32>
    %add3A_824 = arith.addf %add3A_822, %add3A_823 : vector<512x128xf32>
    %tanh3A_825 = math.tanh %add3A_824 : vector<512x128xf32>
    %reshape3A_826 = vector.shape_cast %tanh3A_825 : vector<512x128xf32> to vector<16x32x128xf32>
    %slice3A_827 = vector.extract_strided_slice %dot_general3A_18 {offsets = [176, 0], sizes = [16, 128], strides = [1, 1]} : vector<256x128xf32> to vector<16x128xf32>
    %broadcast_in_dim3A_828 = vector.shape_cast %slice3A_827 : vector<16x128xf32> to vector<16x1x128xf32>
    %mul3A_829 = vector.broadcast %broadcast_in_dim3A_828 : vector<16x1x128xf32> to vector<16x32x128xf32>
    %mul3A_830 = arith.mulf %reshape3A_826, %mul3A_829 : vector<16x32x128xf32>
    %reduce_sum3A_831 = arith.constant dense<0.000000e+00> : vector<16x32xf32>
    %reduce_sum3A_832 = vector.multi_reduction <add>, %mul3A_830, %reduce_sum3A_831 [2] : vector<16x32x128xf32> to vector<16x32xf32>
    %mul3A_833 = arith.constant 0.0883883461 : f32
    %mul3A_834 = vector.broadcast %mul3A_833 : f32 to vector<16x32xf32>
    %mul3A_835 = arith.mulf %reduce_sum3A_832, %mul3A_834 : vector<16x32xf32>
    %slice3A_836 = vector.extract_strided_slice %ne3A_23 {offsets = [176, 0], sizes = [16, 32], strides = [1, 1]} : vector<256x32xi1> to vector<16x32xi1>
    %jit3A_837 = arith.constant -1.000000e+09 : f32
    %broadcast_in_dim3A_838 = vector.broadcast %jit3A_837 : f32 to vector<16x32xf32>
    %select_n3A_839 = arith.select %slice3A_836, %mul3A_835, %broadcast_in_dim3A_838 : vector<16x32xi1>, vector<16x32xf32>
    %reduce_max3A_840 = arith.constant dense<0xFF800000> : vector<16xf32>
    %reduce_max3A_841 = vector.multi_reduction <maximumf>, %select_n3A_839, %reduce_max3A_840 [1] : vector<16x32xf32> to vector<16xf32>
    %broadcast_in_dim3A_842 = vector.shape_cast %reduce_max3A_841 : vector<16xf32> to vector<16x1xf32>
    %sub3A_843 = vector.broadcast %broadcast_in_dim3A_842 : vector<16x1xf32> to vector<16x32xf32>
    %sub3A_844 = arith.subf %select_n3A_839, %sub3A_843 : vector<16x32xf32>
    %exp3A_845 = math.exp %sub3A_844 : vector<16x32xf32>
    %reduce_sum3A_846 = arith.constant dense<0.000000e+00> : vector<16xf32>
    %reduce_sum3A_847 = vector.multi_reduction <add>, %exp3A_845, %reduce_sum3A_846 [1] : vector<16x32xf32> to vector<16xf32>
    %broadcast_in_dim3A_848 = vector.shape_cast %reduce_sum3A_847 : vector<16xf32> to vector<16x1xf32>
    %div3A_849 = vector.broadcast %broadcast_in_dim3A_848 : vector<16x1xf32> to vector<16x32xf32>
    %div3A_850 = arith.divf %exp3A_845, %div3A_849 : vector<16x32xf32>
    %broadcast_in_dim3A_851 = vector.shape_cast %div3A_850 : vector<16x32xf32> to vector<16x32x1xf32>
    %mul3A_852 = vector.broadcast %broadcast_in_dim3A_851 : vector<16x32x1xf32> to vector<16x32x128xf32>
    %mul3A_853 = arith.mulf %reshape3A_826, %mul3A_852 : vector<16x32x128xf32>
    %reduce_sum3A_854 = arith.constant dense<0.000000e+00> : vector<16x128xf32>
    %reduce_sum3A_855 = vector.multi_reduction <add>, %mul3A_853, %reduce_sum3A_854 [1] : vector<16x32x128xf32> to vector<16x128xf32>
    %add3A_856 = arith.addf %slice3A_827, %reduce_sum3A_855 : vector<16x128xf32>
    %max3A_857 = arith.constant 0.000000e+00 : f32
    %max3A_858 = vector.broadcast %max3A_857 : f32 to vector<16x128xf32>
    %max3A_859 = arith.maximumf %add3A_856, %max3A_858 : vector<16x128xf32>
    %swap3A_860 = arith.constant 176 : index
    %swap3A_861 = arith.constant 0 : index
    %swap3A_862 = vector.load %arg8[%swap3A_860, %swap3A_861] : memref<256x128xf32, #tpu.memory_space<vmem>>, vector<16x128xf32>
    tpu.vector_store %arg8[%swap3A_860, %swap3A_861], %max3A_859 {strides = array<i32>} : memref<256x128xf32, #tpu.memory_space<vmem>>, vector<16x128xf32>,
    %get3A_863 = arith.constant 6144 : index
    %get3A_864 = arith.constant 0 : index
    %get3A_865 = vector.load %arg3[%get3A_863, %get3A_864] : memref<8192x128xf32, #tpu.memory_space<vmem>>, vector<512x128xf32>
    %convert_element_type3A_866 = arith.truncf %get3A_865 : vector<512x128xf32> to vector<512x128xbf16>
    %convert_element_type3A_867 = arith.extf %convert_element_type3A_866 : vector<512x128xbf16> to vector<512x128xf32>
    %sub3A_868 = arith.subf %get3A_865, %convert_element_type3A_867 : vector<512x128xf32>
    %convert_element_type3A_869 = arith.truncf %sub3A_868 : vector<512x128xf32> to vector<512x128xbf16>
    %dot_general3A_870 = arith.constant dense<0.000000e+00> : vector<512x128xf32>
    %dot_general3A_871 = tpu.matmul %convert_element_type3A_866, %convert_element_type3A, %dot_general3A_870 {dimension_numbers = #tpu.dot_dimension_numbers<[1], [0], [0], [1], [0, 0, 1, 1], [], []>, transpose_lhs_hint = false} : vector<512x128xbf16>, vector<128x128xbf16>, vector<512x128xf32> -> vector<512x128xf32>
    %dot_general3A_872 = arith.constant dense<0.000000e+00> : vector<512x128xf32>
    %dot_general3A_873 = tpu.matmul %convert_element_type3A_866, %convert_element_type3A_3, %dot_general3A_872 {dimension_numbers = #tpu.dot_dimension_numbers<[1], [0], [0], [1], [0, 0, 1, 1], [], []>, transpose_lhs_hint = false} : vector<512x128xbf16>, vector<128x128xbf16>, vector<512x128xf32> -> vector<512x128xf32>
    %dot_general3A_874 = arith.constant dense<0.000000e+00> : vector<512x128xf32>
    %dot_general3A_875 = tpu.matmul %convert_element_type3A_869, %convert_element_type3A, %dot_general3A_874 {dimension_numbers = #tpu.dot_dimension_numbers<[1], [0], [0], [1], [0, 0, 1, 1], [], []>, transpose_lhs_hint = false} : vector<512x128xbf16>, vector<128x128xbf16>, vector<512x128xf32> -> vector<512x128xf32>
    %add3A_876 = arith.addf %dot_general3A_873, %dot_general3A_875 : vector<512x128xf32>
    %add3A_877 = arith.addf %dot_general3A_871, %add3A_876 : vector<512x128xf32>
    %get3A_878 = arith.constant 6144 : index
    %get3A_879 = arith.constant 0 : index
    %get3A_880 = vector.load %arg2[%get3A_878, %get3A_879] : memref<8192x128xf32, #tpu.memory_space<vmem>>, vector<512x128xf32>
    %convert_element_type3A_881 = arith.truncf %get3A_880 : vector<512x128xf32> to vector<512x128xbf16>
    %convert_element_type3A_882 = arith.extf %convert_element_type3A_881 : vector<512x128xbf16> to vector<512x128xf32>
    %sub3A_883 = arith.subf %get3A_880, %convert_element_type3A_882 : vector<512x128xf32>
    %convert_element_type3A_884 = arith.truncf %sub3A_883 : vector<512x128xf32> to vector<512x128xbf16>
    %dot_general3A_885 = arith.constant dense<0.000000e+00> : vector<512x128xf32>
    %dot_general3A_886 = tpu.matmul %convert_element_type3A_881, %convert_element_type3A_5, %dot_general3A_885 {dimension_numbers = #tpu.dot_dimension_numbers<[1], [0], [0], [1], [0, 0, 1, 1], [], []>, transpose_lhs_hint = false} : vector<512x128xbf16>, vector<128x128xbf16>, vector<512x128xf32> -> vector<512x128xf32>
    %dot_general3A_887 = arith.constant dense<0.000000e+00> : vector<512x128xf32>
    %dot_general3A_888 = tpu.matmul %convert_element_type3A_881, %convert_element_type3A_8, %dot_general3A_887 {dimension_numbers = #tpu.dot_dimension_numbers<[1], [0], [0], [1], [0, 0, 1, 1], [], []>, transpose_lhs_hint = false} : vector<512x128xbf16>, vector<128x128xbf16>, vector<512x128xf32> -> vector<512x128xf32>
    %dot_general3A_889 = arith.constant dense<0.000000e+00> : vector<512x128xf32>
    %dot_general3A_890 = tpu.matmul %convert_element_type3A_884, %convert_element_type3A_5, %dot_general3A_889 {dimension_numbers = #tpu.dot_dimension_numbers<[1], [0], [0], [1], [0, 0, 1, 1], [], []>, transpose_lhs_hint = false} : vector<512x128xbf16>, vector<128x128xbf16>, vector<512x128xf32> -> vector<512x128xf32>
    %add3A_891 = arith.addf %dot_general3A_888, %dot_general3A_890 : vector<512x128xf32>
    %add3A_892 = arith.addf %dot_general3A_886, %add3A_891 : vector<512x128xf32>
    %add3A_893 = arith.addf %add3A_877, %add3A_892 : vector<512x128xf32>
    %add3A_894 = vector.broadcast %get3A_11 : vector<1x128xf32> to vector<512x128xf32>
    %add3A_895 = arith.addf %add3A_893, %add3A_894 : vector<512x128xf32>
    %tanh3A_896 = math.tanh %add3A_895 : vector<512x128xf32>
    %reshape3A_897 = vector.shape_cast %tanh3A_896 : vector<512x128xf32> to vector<16x32x128xf32>
    %slice3A_898 = vector.extract_strided_slice %dot_general3A_18 {offsets = [192, 0], sizes = [16, 128], strides = [1, 1]} : vector<256x128xf32> to vector<16x128xf32>
    %broadcast_in_dim3A_899 = vector.shape_cast %slice3A_898 : vector<16x128xf32> to vector<16x1x128xf32>
    %mul3A_900 = vector.broadcast %broadcast_in_dim3A_899 : vector<16x1x128xf32> to vector<16x32x128xf32>
    %mul3A_901 = arith.mulf %reshape3A_897, %mul3A_900 : vector<16x32x128xf32>
    %reduce_sum3A_902 = arith.constant dense<0.000000e+00> : vector<16x32xf32>
    %reduce_sum3A_903 = vector.multi_reduction <add>, %mul3A_901, %reduce_sum3A_902 [2] : vector<16x32x128xf32> to vector<16x32xf32>
    %mul3A_904 = arith.constant 0.0883883461 : f32
    %mul3A_905 = vector.broadcast %mul3A_904 : f32 to vector<16x32xf32>
    %mul3A_906 = arith.mulf %reduce_sum3A_903, %mul3A_905 : vector<16x32xf32>
    %slice3A_907 = vector.extract_strided_slice %ne3A_23 {offsets = [192, 0], sizes = [16, 32], strides = [1, 1]} : vector<256x32xi1> to vector<16x32xi1>
    %jit3A_908 = arith.constant -1.000000e+09 : f32
    %broadcast_in_dim3A_909 = vector.broadcast %jit3A_908 : f32 to vector<16x32xf32>
    %select_n3A_910 = arith.select %slice3A_907, %mul3A_906, %broadcast_in_dim3A_909 : vector<16x32xi1>, vector<16x32xf32>
    %reduce_max3A_911 = arith.constant dense<0xFF800000> : vector<16xf32>
    %reduce_max3A_912 = vector.multi_reduction <maximumf>, %select_n3A_910, %reduce_max3A_911 [1] : vector<16x32xf32> to vector<16xf32>
    %broadcast_in_dim3A_913 = vector.shape_cast %reduce_max3A_912 : vector<16xf32> to vector<16x1xf32>
    %sub3A_914 = vector.broadcast %broadcast_in_dim3A_913 : vector<16x1xf32> to vector<16x32xf32>
    %sub3A_915 = arith.subf %select_n3A_910, %sub3A_914 : vector<16x32xf32>
    %exp3A_916 = math.exp %sub3A_915 : vector<16x32xf32>
    %reduce_sum3A_917 = arith.constant dense<0.000000e+00> : vector<16xf32>
    %reduce_sum3A_918 = vector.multi_reduction <add>, %exp3A_916, %reduce_sum3A_917 [1] : vector<16x32xf32> to vector<16xf32>
    %broadcast_in_dim3A_919 = vector.shape_cast %reduce_sum3A_918 : vector<16xf32> to vector<16x1xf32>
    %div3A_920 = vector.broadcast %broadcast_in_dim3A_919 : vector<16x1xf32> to vector<16x32xf32>
    %div3A_921 = arith.divf %exp3A_916, %div3A_920 : vector<16x32xf32>
    %broadcast_in_dim3A_922 = vector.shape_cast %div3A_921 : vector<16x32xf32> to vector<16x32x1xf32>
    %mul3A_923 = vector.broadcast %broadcast_in_dim3A_922 : vector<16x32x1xf32> to vector<16x32x128xf32>
    %mul3A_924 = arith.mulf %reshape3A_897, %mul3A_923 : vector<16x32x128xf32>
    %reduce_sum3A_925 = arith.constant dense<0.000000e+00> : vector<16x128xf32>
    %reduce_sum3A_926 = vector.multi_reduction <add>, %mul3A_924, %reduce_sum3A_925 [1] : vector<16x32x128xf32> to vector<16x128xf32>
    %add3A_927 = arith.addf %slice3A_898, %reduce_sum3A_926 : vector<16x128xf32>
    %max3A_928 = arith.constant 0.000000e+00 : f32
    %max3A_929 = vector.broadcast %max3A_928 : f32 to vector<16x128xf32>
    %max3A_930 = arith.maximumf %add3A_927, %max3A_929 : vector<16x128xf32>
    %swap3A_931 = arith.constant 192 : index
    %swap3A_932 = arith.constant 0 : index
    %swap3A_933 = vector.load %arg8[%swap3A_931, %swap3A_932] : memref<256x128xf32, #tpu.memory_space<vmem>>, vector<16x128xf32>
    tpu.vector_store %arg8[%swap3A_931, %swap3A_932], %max3A_930 {strides = array<i32>} : memref<256x128xf32, #tpu.memory_space<vmem>>, vector<16x128xf32>,
    %get3A_934 = arith.constant 6656 : index
    %get3A_935 = arith.constant 0 : index
    %get3A_936 = vector.load %arg3[%get3A_934, %get3A_935] : memref<8192x128xf32, #tpu.memory_space<vmem>>, vector<512x128xf32>
    %convert_element_type3A_937 = arith.truncf %get3A_936 : vector<512x128xf32> to vector<512x128xbf16>
    %convert_element_type3A_938 = arith.extf %convert_element_type3A_937 : vector<512x128xbf16> to vector<512x128xf32>
    %sub3A_939 = arith.subf %get3A_936, %convert_element_type3A_938 : vector<512x128xf32>
    %convert_element_type3A_940 = arith.truncf %sub3A_939 : vector<512x128xf32> to vector<512x128xbf16>
    %dot_general3A_941 = arith.constant dense<0.000000e+00> : vector<512x128xf32>
    %dot_general3A_942 = tpu.matmul %convert_element_type3A_937, %convert_element_type3A, %dot_general3A_941 {dimension_numbers = #tpu.dot_dimension_numbers<[1], [0], [0], [1], [0, 0, 1, 1], [], []>, transpose_lhs_hint = false} : vector<512x128xbf16>, vector<128x128xbf16>, vector<512x128xf32> -> vector<512x128xf32>
    %dot_general3A_943 = arith.constant dense<0.000000e+00> : vector<512x128xf32>
    %dot_general3A_944 = tpu.matmul %convert_element_type3A_937, %convert_element_type3A_3, %dot_general3A_943 {dimension_numbers = #tpu.dot_dimension_numbers<[1], [0], [0], [1], [0, 0, 1, 1], [], []>, transpose_lhs_hint = false} : vector<512x128xbf16>, vector<128x128xbf16>, vector<512x128xf32> -> vector<512x128xf32>
    %dot_general3A_945 = arith.constant dense<0.000000e+00> : vector<512x128xf32>
    %dot_general3A_946 = tpu.matmul %convert_element_type3A_940, %convert_element_type3A, %dot_general3A_945 {dimension_numbers = #tpu.dot_dimension_numbers<[1], [0], [0], [1], [0, 0, 1, 1], [], []>, transpose_lhs_hint = false} : vector<512x128xbf16>, vector<128x128xbf16>, vector<512x128xf32> -> vector<512x128xf32>
    %add3A_947 = arith.addf %dot_general3A_944, %dot_general3A_946 : vector<512x128xf32>
    %add3A_948 = arith.addf %dot_general3A_942, %add3A_947 : vector<512x128xf32>
    %get3A_949 = arith.constant 6656 : index
    %get3A_950 = arith.constant 0 : index
    %get3A_951 = vector.load %arg2[%get3A_949, %get3A_950] : memref<8192x128xf32, #tpu.memory_space<vmem>>, vector<512x128xf32>
    %convert_element_type3A_952 = arith.truncf %get3A_951 : vector<512x128xf32> to vector<512x128xbf16>
    %convert_element_type3A_953 = arith.extf %convert_element_type3A_952 : vector<512x128xbf16> to vector<512x128xf32>
    %sub3A_954 = arith.subf %get3A_951, %convert_element_type3A_953 : vector<512x128xf32>
    %convert_element_type3A_955 = arith.truncf %sub3A_954 : vector<512x128xf32> to vector<512x128xbf16>
    %dot_general3A_956 = arith.constant dense<0.000000e+00> : vector<512x128xf32>
    %dot_general3A_957 = tpu.matmul %convert_element_type3A_952, %convert_element_type3A_5, %dot_general3A_956 {dimension_numbers = #tpu.dot_dimension_numbers<[1], [0], [0], [1], [0, 0, 1, 1], [], []>, transpose_lhs_hint = false} : vector<512x128xbf16>, vector<128x128xbf16>, vector<512x128xf32> -> vector<512x128xf32>
    %dot_general3A_958 = arith.constant dense<0.000000e+00> : vector<512x128xf32>
    %dot_general3A_959 = tpu.matmul %convert_element_type3A_952, %convert_element_type3A_8, %dot_general3A_958 {dimension_numbers = #tpu.dot_dimension_numbers<[1], [0], [0], [1], [0, 0, 1, 1], [], []>, transpose_lhs_hint = false} : vector<512x128xbf16>, vector<128x128xbf16>, vector<512x128xf32> -> vector<512x128xf32>
    %dot_general3A_960 = arith.constant dense<0.000000e+00> : vector<512x128xf32>
    %dot_general3A_961 = tpu.matmul %convert_element_type3A_955, %convert_element_type3A_5, %dot_general3A_960 {dimension_numbers = #tpu.dot_dimension_numbers<[1], [0], [0], [1], [0, 0, 1, 1], [], []>, transpose_lhs_hint = false} : vector<512x128xbf16>, vector<128x128xbf16>, vector<512x128xf32> -> vector<512x128xf32>
    %add3A_962 = arith.addf %dot_general3A_959, %dot_general3A_961 : vector<512x128xf32>
    %add3A_963 = arith.addf %dot_general3A_957, %add3A_962 : vector<512x128xf32>
    %add3A_964 = arith.addf %add3A_948, %add3A_963 : vector<512x128xf32>
    %add3A_965 = vector.broadcast %get3A_11 : vector<1x128xf32> to vector<512x128xf32>
    %add3A_966 = arith.addf %add3A_964, %add3A_965 : vector<512x128xf32>
    %tanh3A_967 = math.tanh %add3A_966 : vector<512x128xf32>
    %reshape3A_968 = vector.shape_cast %tanh3A_967 : vector<512x128xf32> to vector<16x32x128xf32>
    %slice3A_969 = vector.extract_strided_slice %dot_general3A_18 {offsets = [208, 0], sizes = [16, 128], strides = [1, 1]} : vector<256x128xf32> to vector<16x128xf32>
    %broadcast_in_dim3A_970 = vector.shape_cast %slice3A_969 : vector<16x128xf32> to vector<16x1x128xf32>
    %mul3A_971 = vector.broadcast %broadcast_in_dim3A_970 : vector<16x1x128xf32> to vector<16x32x128xf32>
    %mul3A_972 = arith.mulf %reshape3A_968, %mul3A_971 : vector<16x32x128xf32>
    %reduce_sum3A_973 = arith.constant dense<0.000000e+00> : vector<16x32xf32>
    %reduce_sum3A_974 = vector.multi_reduction <add>, %mul3A_972, %reduce_sum3A_973 [2] : vector<16x32x128xf32> to vector<16x32xf32>
    %mul3A_975 = arith.constant 0.0883883461 : f32
    %mul3A_976 = vector.broadcast %mul3A_975 : f32 to vector<16x32xf32>
    %mul3A_977 = arith.mulf %reduce_sum3A_974, %mul3A_976 : vector<16x32xf32>
    %slice3A_978 = vector.extract_strided_slice %ne3A_23 {offsets = [208, 0], sizes = [16, 32], strides = [1, 1]} : vector<256x32xi1> to vector<16x32xi1>
    %jit3A_979 = arith.constant -1.000000e+09 : f32
    %broadcast_in_dim3A_980 = vector.broadcast %jit3A_979 : f32 to vector<16x32xf32>
    %select_n3A_981 = arith.select %slice3A_978, %mul3A_977, %broadcast_in_dim3A_980 : vector<16x32xi1>, vector<16x32xf32>
    %reduce_max3A_982 = arith.constant dense<0xFF800000> : vector<16xf32>
    %reduce_max3A_983 = vector.multi_reduction <maximumf>, %select_n3A_981, %reduce_max3A_982 [1] : vector<16x32xf32> to vector<16xf32>
    %broadcast_in_dim3A_984 = vector.shape_cast %reduce_max3A_983 : vector<16xf32> to vector<16x1xf32>
    %sub3A_985 = vector.broadcast %broadcast_in_dim3A_984 : vector<16x1xf32> to vector<16x32xf32>
    %sub3A_986 = arith.subf %select_n3A_981, %sub3A_985 : vector<16x32xf32>
    %exp3A_987 = math.exp %sub3A_986 : vector<16x32xf32>
    %reduce_sum3A_988 = arith.constant dense<0.000000e+00> : vector<16xf32>
    %reduce_sum3A_989 = vector.multi_reduction <add>, %exp3A_987, %reduce_sum3A_988 [1] : vector<16x32xf32> to vector<16xf32>
    %broadcast_in_dim3A_990 = vector.shape_cast %reduce_sum3A_989 : vector<16xf32> to vector<16x1xf32>
    %div3A_991 = vector.broadcast %broadcast_in_dim3A_990 : vector<16x1xf32> to vector<16x32xf32>
    %div3A_992 = arith.divf %exp3A_987, %div3A_991 : vector<16x32xf32>
    %broadcast_in_dim3A_993 = vector.shape_cast %div3A_992 : vector<16x32xf32> to vector<16x32x1xf32>
    %mul3A_994 = vector.broadcast %broadcast_in_dim3A_993 : vector<16x32x1xf32> to vector<16x32x128xf32>
    %mul3A_995 = arith.mulf %reshape3A_968, %mul3A_994 : vector<16x32x128xf32>
    %reduce_sum3A_996 = arith.constant dense<0.000000e+00> : vector<16x128xf32>
    %reduce_sum3A_997 = vector.multi_reduction <add>, %mul3A_995, %reduce_sum3A_996 [1] : vector<16x32x128xf32> to vector<16x128xf32>
    %add3A_998 = arith.addf %slice3A_969, %reduce_sum3A_997 : vector<16x128xf32>
    %max3A_999 = arith.constant 0.000000e+00 : f32
    %max3A_1000 = vector.broadcast %max3A_999 : f32 to vector<16x128xf32>
    %max3A_1001 = arith.maximumf %add3A_998, %max3A_1000 : vector<16x128xf32>
    %swap3A_1002 = arith.constant 208 : index
    %swap3A_1003 = arith.constant 0 : index
    %swap3A_1004 = vector.load %arg8[%swap3A_1002, %swap3A_1003] : memref<256x128xf32, #tpu.memory_space<vmem>>, vector<16x128xf32>
    tpu.vector_store %arg8[%swap3A_1002, %swap3A_1003], %max3A_1001 {strides = array<i32>} : memref<256x128xf32, #tpu.memory_space<vmem>>, vector<16x128xf32>,
    %get3A_1005 = arith.constant 7168 : index
    %get3A_1006 = arith.constant 0 : index
    %get3A_1007 = vector.load %arg3[%get3A_1005, %get3A_1006] : memref<8192x128xf32, #tpu.memory_space<vmem>>, vector<512x128xf32>
    %convert_element_type3A_1008 = arith.truncf %get3A_1007 : vector<512x128xf32> to vector<512x128xbf16>
    %convert_element_type3A_1009 = arith.extf %convert_element_type3A_1008 : vector<512x128xbf16> to vector<512x128xf32>
    %sub3A_1010 = arith.subf %get3A_1007, %convert_element_type3A_1009 : vector<512x128xf32>
    %convert_element_type3A_1011 = arith.truncf %sub3A_1010 : vector<512x128xf32> to vector<512x128xbf16>
    %dot_general3A_1012 = arith.constant dense<0.000000e+00> : vector<512x128xf32>
    %dot_general3A_1013 = tpu.matmul %convert_element_type3A_1008, %convert_element_type3A, %dot_general3A_1012 {dimension_numbers = #tpu.dot_dimension_numbers<[1], [0], [0], [1], [0, 0, 1, 1], [], []>, transpose_lhs_hint = false} : vector<512x128xbf16>, vector<128x128xbf16>, vector<512x128xf32> -> vector<512x128xf32>
    %dot_general3A_1014 = arith.constant dense<0.000000e+00> : vector<512x128xf32>
    %dot_general3A_1015 = tpu.matmul %convert_element_type3A_1008, %convert_element_type3A_3, %dot_general3A_1014 {dimension_numbers = #tpu.dot_dimension_numbers<[1], [0], [0], [1], [0, 0, 1, 1], [], []>, transpose_lhs_hint = false} : vector<512x128xbf16>, vector<128x128xbf16>, vector<512x128xf32> -> vector<512x128xf32>
    %dot_general3A_1016 = arith.constant dense<0.000000e+00> : vector<512x128xf32>
    %dot_general3A_1017 = tpu.matmul %convert_element_type3A_1011, %convert_element_type3A, %dot_general3A_1016 {dimension_numbers = #tpu.dot_dimension_numbers<[1], [0], [0], [1], [0, 0, 1, 1], [], []>, transpose_lhs_hint = false} : vector<512x128xbf16>, vector<128x128xbf16>, vector<512x128xf32> -> vector<512x128xf32>
    %add3A_1018 = arith.addf %dot_general3A_1015, %dot_general3A_1017 : vector<512x128xf32>
    %add3A_1019 = arith.addf %dot_general3A_1013, %add3A_1018 : vector<512x128xf32>
    %get3A_1020 = arith.constant 7168 : index
    %get3A_1021 = arith.constant 0 : index
    %get3A_1022 = vector.load %arg2[%get3A_1020, %get3A_1021] : memref<8192x128xf32, #tpu.memory_space<vmem>>, vector<512x128xf32>
    %convert_element_type3A_1023 = arith.truncf %get3A_1022 : vector<512x128xf32> to vector<512x128xbf16>
    %convert_element_type3A_1024 = arith.extf %convert_element_type3A_1023 : vector<512x128xbf16> to vector<512x128xf32>
    %sub3A_1025 = arith.subf %get3A_1022, %convert_element_type3A_1024 : vector<512x128xf32>
    %convert_element_type3A_1026 = arith.truncf %sub3A_1025 : vector<512x128xf32> to vector<512x128xbf16>
    %dot_general3A_1027 = arith.constant dense<0.000000e+00> : vector<512x128xf32>
    %dot_general3A_1028 = tpu.matmul %convert_element_type3A_1023, %convert_element_type3A_5, %dot_general3A_1027 {dimension_numbers = #tpu.dot_dimension_numbers<[1], [0], [0], [1], [0, 0, 1, 1], [], []>, transpose_lhs_hint = false} : vector<512x128xbf16>, vector<128x128xbf16>, vector<512x128xf32> -> vector<512x128xf32>
    %dot_general3A_1029 = arith.constant dense<0.000000e+00> : vector<512x128xf32>
    %dot_general3A_1030 = tpu.matmul %convert_element_type3A_1023, %convert_element_type3A_8, %dot_general3A_1029 {dimension_numbers = #tpu.dot_dimension_numbers<[1], [0], [0], [1], [0, 0, 1, 1], [], []>, transpose_lhs_hint = false} : vector<512x128xbf16>, vector<128x128xbf16>, vector<512x128xf32> -> vector<512x128xf32>
    %dot_general3A_1031 = arith.constant dense<0.000000e+00> : vector<512x128xf32>
    %dot_general3A_1032 = tpu.matmul %convert_element_type3A_1026, %convert_element_type3A_5, %dot_general3A_1031 {dimension_numbers = #tpu.dot_dimension_numbers<[1], [0], [0], [1], [0, 0, 1, 1], [], []>, transpose_lhs_hint = false} : vector<512x128xbf16>, vector<128x128xbf16>, vector<512x128xf32> -> vector<512x128xf32>
    %add3A_1033 = arith.addf %dot_general3A_1030, %dot_general3A_1032 : vector<512x128xf32>
    %add3A_1034 = arith.addf %dot_general3A_1028, %add3A_1033 : vector<512x128xf32>
    %add3A_1035 = arith.addf %add3A_1019, %add3A_1034 : vector<512x128xf32>
    %add3A_1036 = vector.broadcast %get3A_11 : vector<1x128xf32> to vector<512x128xf32>
    %add3A_1037 = arith.addf %add3A_1035, %add3A_1036 : vector<512x128xf32>
    %tanh3A_1038 = math.tanh %add3A_1037 : vector<512x128xf32>
    %reshape3A_1039 = vector.shape_cast %tanh3A_1038 : vector<512x128xf32> to vector<16x32x128xf32>
    %slice3A_1040 = vector.extract_strided_slice %dot_general3A_18 {offsets = [224, 0], sizes = [16, 128], strides = [1, 1]} : vector<256x128xf32> to vector<16x128xf32>
    %broadcast_in_dim3A_1041 = vector.shape_cast %slice3A_1040 : vector<16x128xf32> to vector<16x1x128xf32>
    %mul3A_1042 = vector.broadcast %broadcast_in_dim3A_1041 : vector<16x1x128xf32> to vector<16x32x128xf32>
    %mul3A_1043 = arith.mulf %reshape3A_1039, %mul3A_1042 : vector<16x32x128xf32>
    %reduce_sum3A_1044 = arith.constant dense<0.000000e+00> : vector<16x32xf32>
    %reduce_sum3A_1045 = vector.multi_reduction <add>, %mul3A_1043, %reduce_sum3A_1044 [2] : vector<16x32x128xf32> to vector<16x32xf32>
    %mul3A_1046 = arith.constant 0.0883883461 : f32
    %mul3A_1047 = vector.broadcast %mul3A_1046 : f32 to vector<16x32xf32>
    %mul3A_1048 = arith.mulf %reduce_sum3A_1045, %mul3A_1047 : vector<16x32xf32>
    %slice3A_1049 = vector.extract_strided_slice %ne3A_23 {offsets = [224, 0], sizes = [16, 32], strides = [1, 1]} : vector<256x32xi1> to vector<16x32xi1>
    %jit3A_1050 = arith.constant -1.000000e+09 : f32
    %broadcast_in_dim3A_1051 = vector.broadcast %jit3A_1050 : f32 to vector<16x32xf32>
    %select_n3A_1052 = arith.select %slice3A_1049, %mul3A_1048, %broadcast_in_dim3A_1051 : vector<16x32xi1>, vector<16x32xf32>
    %reduce_max3A_1053 = arith.constant dense<0xFF800000> : vector<16xf32>
    %reduce_max3A_1054 = vector.multi_reduction <maximumf>, %select_n3A_1052, %reduce_max3A_1053 [1] : vector<16x32xf32> to vector<16xf32>
    %broadcast_in_dim3A_1055 = vector.shape_cast %reduce_max3A_1054 : vector<16xf32> to vector<16x1xf32>
    %sub3A_1056 = vector.broadcast %broadcast_in_dim3A_1055 : vector<16x1xf32> to vector<16x32xf32>
    %sub3A_1057 = arith.subf %select_n3A_1052, %sub3A_1056 : vector<16x32xf32>
    %exp3A_1058 = math.exp %sub3A_1057 : vector<16x32xf32>
    %reduce_sum3A_1059 = arith.constant dense<0.000000e+00> : vector<16xf32>
    %reduce_sum3A_1060 = vector.multi_reduction <add>, %exp3A_1058, %reduce_sum3A_1059 [1] : vector<16x32xf32> to vector<16xf32>
    %broadcast_in_dim3A_1061 = vector.shape_cast %reduce_sum3A_1060 : vector<16xf32> to vector<16x1xf32>
    %div3A_1062 = vector.broadcast %broadcast_in_dim3A_1061 : vector<16x1xf32> to vector<16x32xf32>
    %div3A_1063 = arith.divf %exp3A_1058, %div3A_1062 : vector<16x32xf32>
    %broadcast_in_dim3A_1064 = vector.shape_cast %div3A_1063 : vector<16x32xf32> to vector<16x32x1xf32>
    %mul3A_1065 = vector.broadcast %broadcast_in_dim3A_1064 : vector<16x32x1xf32> to vector<16x32x128xf32>
    %mul3A_1066 = arith.mulf %reshape3A_1039, %mul3A_1065 : vector<16x32x128xf32>
    %reduce_sum3A_1067 = arith.constant dense<0.000000e+00> : vector<16x128xf32>
    %reduce_sum3A_1068 = vector.multi_reduction <add>, %mul3A_1066, %reduce_sum3A_1067 [1] : vector<16x32x128xf32> to vector<16x128xf32>
    %add3A_1069 = arith.addf %slice3A_1040, %reduce_sum3A_1068 : vector<16x128xf32>
    %max3A_1070 = arith.constant 0.000000e+00 : f32
    %max3A_1071 = vector.broadcast %max3A_1070 : f32 to vector<16x128xf32>
    %max3A_1072 = arith.maximumf %add3A_1069, %max3A_1071 : vector<16x128xf32>
    %swap3A_1073 = arith.constant 224 : index
    %swap3A_1074 = arith.constant 0 : index
    %swap3A_1075 = vector.load %arg8[%swap3A_1073, %swap3A_1074] : memref<256x128xf32, #tpu.memory_space<vmem>>, vector<16x128xf32>
    tpu.vector_store %arg8[%swap3A_1073, %swap3A_1074], %max3A_1072 {strides = array<i32>} : memref<256x128xf32, #tpu.memory_space<vmem>>, vector<16x128xf32>,
    %get3A_1076 = arith.constant 7680 : index
    %get3A_1077 = arith.constant 0 : index
    %get3A_1078 = vector.load %arg3[%get3A_1076, %get3A_1077] : memref<8192x128xf32, #tpu.memory_space<vmem>>, vector<512x128xf32>
    %convert_element_type3A_1079 = arith.truncf %get3A_1078 : vector<512x128xf32> to vector<512x128xbf16>
    %convert_element_type3A_1080 = arith.extf %convert_element_type3A_1079 : vector<512x128xbf16> to vector<512x128xf32>
    %sub3A_1081 = arith.subf %get3A_1078, %convert_element_type3A_1080 : vector<512x128xf32>
    %convert_element_type3A_1082 = arith.truncf %sub3A_1081 : vector<512x128xf32> to vector<512x128xbf16>
    %dot_general3A_1083 = arith.constant dense<0.000000e+00> : vector<512x128xf32>
    %dot_general3A_1084 = tpu.matmul %convert_element_type3A_1079, %convert_element_type3A, %dot_general3A_1083 {dimension_numbers = #tpu.dot_dimension_numbers<[1], [0], [0], [1], [0, 0, 1, 1], [], []>, transpose_lhs_hint = false} : vector<512x128xbf16>, vector<128x128xbf16>, vector<512x128xf32> -> vector<512x128xf32>
    %dot_general3A_1085 = arith.constant dense<0.000000e+00> : vector<512x128xf32>
    %dot_general3A_1086 = tpu.matmul %convert_element_type3A_1079, %convert_element_type3A_3, %dot_general3A_1085 {dimension_numbers = #tpu.dot_dimension_numbers<[1], [0], [0], [1], [0, 0, 1, 1], [], []>, transpose_lhs_hint = false} : vector<512x128xbf16>, vector<128x128xbf16>, vector<512x128xf32> -> vector<512x128xf32>
    %dot_general3A_1087 = arith.constant dense<0.000000e+00> : vector<512x128xf32>
    %dot_general3A_1088 = tpu.matmul %convert_element_type3A_1082, %convert_element_type3A, %dot_general3A_1087 {dimension_numbers = #tpu.dot_dimension_numbers<[1], [0], [0], [1], [0, 0, 1, 1], [], []>, transpose_lhs_hint = false} : vector<512x128xbf16>, vector<128x128xbf16>, vector<512x128xf32> -> vector<512x128xf32>
    %add3A_1089 = arith.addf %dot_general3A_1086, %dot_general3A_1088 : vector<512x128xf32>
    %add3A_1090 = arith.addf %dot_general3A_1084, %add3A_1089 : vector<512x128xf32>
    %get3A_1091 = arith.constant 7680 : index
    %get3A_1092 = arith.constant 0 : index
    %get3A_1093 = vector.load %arg2[%get3A_1091, %get3A_1092] : memref<8192x128xf32, #tpu.memory_space<vmem>>, vector<512x128xf32>
    %convert_element_type3A_1094 = arith.truncf %get3A_1093 : vector<512x128xf32> to vector<512x128xbf16>
    %convert_element_type3A_1095 = arith.extf %convert_element_type3A_1094 : vector<512x128xbf16> to vector<512x128xf32>
    %sub3A_1096 = arith.subf %get3A_1093, %convert_element_type3A_1095 : vector<512x128xf32>
    %convert_element_type3A_1097 = arith.truncf %sub3A_1096 : vector<512x128xf32> to vector<512x128xbf16>
    %dot_general3A_1098 = arith.constant dense<0.000000e+00> : vector<512x128xf32>
    %dot_general3A_1099 = tpu.matmul %convert_element_type3A_1094, %convert_element_type3A_5, %dot_general3A_1098 {dimension_numbers = #tpu.dot_dimension_numbers<[1], [0], [0], [1], [0, 0, 1, 1], [], []>, transpose_lhs_hint = false} : vector<512x128xbf16>, vector<128x128xbf16>, vector<512x128xf32> -> vector<512x128xf32>
    %dot_general3A_1100 = arith.constant dense<0.000000e+00> : vector<512x128xf32>
    %dot_general3A_1101 = tpu.matmul %convert_element_type3A_1094, %convert_element_type3A_8, %dot_general3A_1100 {dimension_numbers = #tpu.dot_dimension_numbers<[1], [0], [0], [1], [0, 0, 1, 1], [], []>, transpose_lhs_hint = false} : vector<512x128xbf16>, vector<128x128xbf16>, vector<512x128xf32> -> vector<512x128xf32>
    %dot_general3A_1102 = arith.constant dense<0.000000e+00> : vector<512x128xf32>
    %dot_general3A_1103 = tpu.matmul %convert_element_type3A_1097, %convert_element_type3A_5, %dot_general3A_1102 {dimension_numbers = #tpu.dot_dimension_numbers<[1], [0], [0], [1], [0, 0, 1, 1], [], []>, transpose_lhs_hint = false} : vector<512x128xbf16>, vector<128x128xbf16>, vector<512x128xf32> -> vector<512x128xf32>
    %add3A_1104 = arith.addf %dot_general3A_1101, %dot_general3A_1103 : vector<512x128xf32>
    %add3A_1105 = arith.addf %dot_general3A_1099, %add3A_1104 : vector<512x128xf32>
    %add3A_1106 = arith.addf %add3A_1090, %add3A_1105 : vector<512x128xf32>
    %add3A_1107 = vector.broadcast %get3A_11 : vector<1x128xf32> to vector<512x128xf32>
    %add3A_1108 = arith.addf %add3A_1106, %add3A_1107 : vector<512x128xf32>
    %tanh3A_1109 = math.tanh %add3A_1108 : vector<512x128xf32>
    %reshape3A_1110 = vector.shape_cast %tanh3A_1109 : vector<512x128xf32> to vector<16x32x128xf32>
    %slice3A_1111 = vector.extract_strided_slice %dot_general3A_18 {offsets = [240, 0], sizes = [16, 128], strides = [1, 1]} : vector<256x128xf32> to vector<16x128xf32>
    %broadcast_in_dim3A_1112 = vector.shape_cast %slice3A_1111 : vector<16x128xf32> to vector<16x1x128xf32>
    %mul3A_1113 = vector.broadcast %broadcast_in_dim3A_1112 : vector<16x1x128xf32> to vector<16x32x128xf32>
    %mul3A_1114 = arith.mulf %reshape3A_1110, %mul3A_1113 : vector<16x32x128xf32>
    %reduce_sum3A_1115 = arith.constant dense<0.000000e+00> : vector<16x32xf32>
    %reduce_sum3A_1116 = vector.multi_reduction <add>, %mul3A_1114, %reduce_sum3A_1115 [2] : vector<16x32x128xf32> to vector<16x32xf32>
    %mul3A_1117 = arith.constant 0.0883883461 : f32
    %mul3A_1118 = vector.broadcast %mul3A_1117 : f32 to vector<16x32xf32>
    %mul3A_1119 = arith.mulf %reduce_sum3A_1116, %mul3A_1118 : vector<16x32xf32>
    %slice3A_1120 = vector.extract_strided_slice %ne3A_23 {offsets = [240, 0], sizes = [16, 32], strides = [1, 1]} : vector<256x32xi1> to vector<16x32xi1>
    %jit3A_1121 = arith.constant -1.000000e+09 : f32
    %broadcast_in_dim3A_1122 = vector.broadcast %jit3A_1121 : f32 to vector<16x32xf32>
    %select_n3A_1123 = arith.select %slice3A_1120, %mul3A_1119, %broadcast_in_dim3A_1122 : vector<16x32xi1>, vector<16x32xf32>
    %reduce_max3A_1124 = arith.constant dense<0xFF800000> : vector<16xf32>
    %reduce_max3A_1125 = vector.multi_reduction <maximumf>, %select_n3A_1123, %reduce_max3A_1124 [1] : vector<16x32xf32> to vector<16xf32>
    %broadcast_in_dim3A_1126 = vector.shape_cast %reduce_max3A_1125 : vector<16xf32> to vector<16x1xf32>
    %sub3A_1127 = vector.broadcast %broadcast_in_dim3A_1126 : vector<16x1xf32> to vector<16x32xf32>
    %sub3A_1128 = arith.subf %select_n3A_1123, %sub3A_1127 : vector<16x32xf32>
    %exp3A_1129 = math.exp %sub3A_1128 : vector<16x32xf32>
    %reduce_sum3A_1130 = arith.constant dense<0.000000e+00> : vector<16xf32>
    %reduce_sum3A_1131 = vector.multi_reduction <add>, %exp3A_1129, %reduce_sum3A_1130 [1] : vector<16x32xf32> to vector<16xf32>
    %broadcast_in_dim3A_1132 = vector.shape_cast %reduce_sum3A_1131 : vector<16xf32> to vector<16x1xf32>
    %div3A_1133 = vector.broadcast %broadcast_in_dim3A_1132 : vector<16x1xf32> to vector<16x32xf32>
    %div3A_1134 = arith.divf %exp3A_1129, %div3A_1133 : vector<16x32xf32>
    %broadcast_in_dim3A_1135 = vector.shape_cast %div3A_1134 : vector<16x32xf32> to vector<16x32x1xf32>
    %mul3A_1136 = vector.broadcast %broadcast_in_dim3A_1135 : vector<16x32x1xf32> to vector<16x32x128xf32>
    %mul3A_1137 = arith.mulf %reshape3A_1110, %mul3A_1136 : vector<16x32x128xf32>
    %reduce_sum3A_1138 = arith.constant dense<0.000000e+00> : vector<16x128xf32>
    %reduce_sum3A_1139 = vector.multi_reduction <add>, %mul3A_1137, %reduce_sum3A_1138 [1] : vector<16x32x128xf32> to vector<16x128xf32>
    %add3A_1140 = arith.addf %slice3A_1111, %reduce_sum3A_1139 : vector<16x128xf32>
    %max3A_1141 = arith.constant 0.000000e+00 : f32
    %max3A_1142 = vector.broadcast %max3A_1141 : f32 to vector<16x128xf32>
    %max3A_1143 = arith.maximumf %add3A_1140, %max3A_1142 : vector<16x128xf32>
    %swap3A_1144 = arith.constant 240 : index
    %swap3A_1145 = arith.constant 0 : index
    %swap3A_1146 = vector.load %arg8[%swap3A_1144, %swap3A_1145] : memref<256x128xf32, #tpu.memory_space<vmem>>, vector<16x128xf32>
    tpu.vector_store %arg8[%swap3A_1144, %swap3A_1145], %max3A_1143 {strides = array<i32>} : memref<256x128xf32, #tpu.memory_space<vmem>>, vector<16x128xf32>,
    return
  }
  func.func @transform_0(%arg0: i32) -> (i32, i32) {
    %c0_i32 = arith.constant 0 : i32
    %c0_i32_0 = arith.constant 0 : i32
    return %arg0, %c0_i32 : i32, i32
  }
  func.func @transform_1(%arg0: i32) -> (i32, i32) {
    %c0_i32 = arith.constant 0 : i32
    %c0_i32_0 = arith.constant 0 : i32
    return %arg0, %c0_i32 : i32, i32
  }
  func.func @transform_2(%arg0: i32) -> (i32, i32) {
    %c0_i32 = arith.constant 0 : i32
    %c0_i32_0 = arith.constant 0 : i32
    return %arg0, %c0_i32 : i32, i32
  }
  func.func @transform_3(%arg0: i32) -> (i32, i32) {
    %c0_i32 = arith.constant 0 : i32
    %c0_i32_0 = arith.constant 0 : i32
    return %arg0, %c0_i32 : i32, i32
  }
  func.func @transform_4(%arg0: i32) -> (i32, i32) {
    %c0_i32 = arith.constant 0 : i32
    %c0_i32_0 = arith.constant 0 : i32
    %c0_i32_1 = arith.constant 0 : i32
    return %c0_i32, %c0_i32_0 : i32, i32
  }
  func.func @transform_5(%arg0: i32) -> (i32, i32) {
    %c0_i32 = arith.constant 0 : i32
    %c0_i32_0 = arith.constant 0 : i32
    %c0_i32_1 = arith.constant 0 : i32
    return %c0_i32, %c0_i32_0 : i32, i32
  }
  func.func @transform_6(%arg0: i32) -> (i32, i32) {
    %c0_i32 = arith.constant 0 : i32
    %c0_i32_0 = arith.constant 0 : i32
    %c0_i32_1 = arith.constant 0 : i32
    return %c0_i32, %c0_i32_0 : i32, i32
  }
  func.func @transform_7(%arg0: i32) -> (i32, i32) {
    %c0_i32 = arith.constant 0 : i32
    %c0_i32_0 = arith.constant 0 : i32
    return %arg0, %c0_i32 : i32, i32
  }
}

module attributes {stable_mosaic.version = 14 : i64} {
  func.func @_compare_body(%arg0: memref<4096x128xf32, #tpu.memory_space<vmem>>, %arg1: memref<2048x128xf32, #tpu.memory_space<vmem>>, %arg2: memref<512x256xf32, #tpu.memory_space<vmem>>, %arg3: memref<1x256xf32, #tpu.memory_space<vmem>>, %arg4: memref<1x256xf32, #tpu.memory_space<vmem>>, %arg5: memref<1x1xf32, #tpu.memory_space<vmem>>, %arg6: memref<16x2xf32, #tpu.memory_space<vmem>>) attributes {dimension_semantics = [], scalar_prefetch = 0 : i64, scratch_operands = 0 : i64, tpu.core_type = #tpu.core_type<tc>} {
    %get3A = arith.constant 0 : index
    %get3A_0 = arith.constant 0 : index
    %get3A_1 = vector.load %arg0[%get3A, %get3A_0] : memref<4096x128xf32, #tpu.memory_space<vmem>>, vector<4096x128xf32>
    %get3A_2 = arith.constant 0 : index
    %get3A_3 = arith.constant 0 : index
    %get3A_4 = vector.load %arg1[%get3A_2, %get3A_3] : memref<2048x128xf32, #tpu.memory_space<vmem>>, vector<2048x128xf32>
    %concatenate3A = tpu.concatenate %get3A_1, %get3A_4 in 0 : vector<4096x128xf32>, vector<2048x128xf32> -> vector<6144x128xf32>
    %slice3A = vector.extract_strided_slice %concatenate3A {offsets = [0, 0], sizes = [1024, 128], strides = [1, 1]} : vector<6144x128xf32> to vector<1024x128xf32>
    %reshape3A = vector.shape_cast %slice3A : vector<1024x128xf32> to vector<16x64x128xf32>
    %reduce_sum3A = arith.constant dense<0.000000e+00> : vector<16x128xf32>
    %reduce_sum3A_5 = vector.multi_reduction <add>, %reshape3A, %reduce_sum3A [1] : vector<16x64x128xf32> to vector<16x128xf32>
    %div3A = arith.constant 6.400000e+01 : f32
    %div3A_6 = vector.broadcast %div3A : f32 to vector<16x128xf32>
    %div3A_7 = arith.divf %reduce_sum3A_5, %div3A_6 : vector<16x128xf32>
    %slice3A_8 = vector.extract_strided_slice %concatenate3A {offsets = [1024, 0], sizes = [1024, 128], strides = [1, 1]} : vector<6144x128xf32> to vector<1024x128xf32>
    %reshape3A_9 = vector.shape_cast %slice3A_8 : vector<1024x128xf32> to vector<16x64x128xf32>
    %reduce_sum3A_10 = arith.constant dense<0.000000e+00> : vector<16x128xf32>
    %reduce_sum3A_11 = vector.multi_reduction <add>, %reshape3A_9, %reduce_sum3A_10 [1] : vector<16x64x128xf32> to vector<16x128xf32>
    %div3A_12 = arith.constant 6.400000e+01 : f32
    %div3A_13 = vector.broadcast %div3A_12 : f32 to vector<16x128xf32>
    %div3A_14 = arith.divf %reduce_sum3A_11, %div3A_13 : vector<16x128xf32>
    %slice3A_15 = vector.extract_strided_slice %concatenate3A {offsets = [2048, 0], sizes = [1024, 128], strides = [1, 1]} : vector<6144x128xf32> to vector<1024x128xf32>
    %reshape3A_16 = vector.shape_cast %slice3A_15 : vector<1024x128xf32> to vector<16x64x128xf32>
    %reduce_sum3A_17 = arith.constant dense<0.000000e+00> : vector<16x128xf32>
    %reduce_sum3A_18 = vector.multi_reduction <add>, %reshape3A_16, %reduce_sum3A_17 [1] : vector<16x64x128xf32> to vector<16x128xf32>
    %div3A_19 = arith.constant 6.400000e+01 : f32
    %div3A_20 = vector.broadcast %div3A_19 : f32 to vector<16x128xf32>
    %div3A_21 = arith.divf %reduce_sum3A_18, %div3A_20 : vector<16x128xf32>
    %slice3A_22 = vector.extract_strided_slice %concatenate3A {offsets = [3072, 0], sizes = [1024, 128], strides = [1, 1]} : vector<6144x128xf32> to vector<1024x128xf32>
    %reshape3A_23 = vector.shape_cast %slice3A_22 : vector<1024x128xf32> to vector<16x64x128xf32>
    %reduce_sum3A_24 = arith.constant dense<0.000000e+00> : vector<16x128xf32>
    %reduce_sum3A_25 = vector.multi_reduction <add>, %reshape3A_23, %reduce_sum3A_24 [1] : vector<16x64x128xf32> to vector<16x128xf32>
    %div3A_26 = arith.constant 6.400000e+01 : f32
    %div3A_27 = vector.broadcast %div3A_26 : f32 to vector<16x128xf32>
    %div3A_28 = arith.divf %reduce_sum3A_25, %div3A_27 : vector<16x128xf32>
    %slice3A_29 = vector.extract_strided_slice %concatenate3A {offsets = [4096, 0], sizes = [1024, 128], strides = [1, 1]} : vector<6144x128xf32> to vector<1024x128xf32>
    %reshape3A_30 = vector.shape_cast %slice3A_29 : vector<1024x128xf32> to vector<16x64x128xf32>
    %reduce_sum3A_31 = arith.constant dense<0.000000e+00> : vector<16x128xf32>
    %reduce_sum3A_32 = vector.multi_reduction <add>, %reshape3A_30, %reduce_sum3A_31 [1] : vector<16x64x128xf32> to vector<16x128xf32>
    %div3A_33 = arith.constant 6.400000e+01 : f32
    %div3A_34 = vector.broadcast %div3A_33 : f32 to vector<16x128xf32>
    %div3A_35 = arith.divf %reduce_sum3A_32, %div3A_34 : vector<16x128xf32>
    %slice3A_36 = vector.extract_strided_slice %concatenate3A {offsets = [5120, 0], sizes = [1024, 128], strides = [1, 1]} : vector<6144x128xf32> to vector<1024x128xf32>
    %reshape3A_37 = vector.shape_cast %slice3A_36 : vector<1024x128xf32> to vector<16x64x128xf32>
    %reduce_sum3A_38 = arith.constant dense<0.000000e+00> : vector<16x128xf32>
    %reduce_sum3A_39 = vector.multi_reduction <add>, %reshape3A_37, %reduce_sum3A_38 [1] : vector<16x64x128xf32> to vector<16x128xf32>
    %div3A_40 = arith.constant 6.400000e+01 : f32
    %div3A_41 = vector.broadcast %div3A_40 : f32 to vector<16x128xf32>
    %div3A_42 = arith.divf %reduce_sum3A_39, %div3A_41 : vector<16x128xf32>
    %concatenate3A_43 = tpu.concatenate %div3A_7, %div3A_14 in 1 : vector<16x128xf32>, vector<16x128xf32> -> vector<16x256xf32>
    %concatenate3A_44 = tpu.concatenate %div3A_21, %div3A_28 in 1 : vector<16x128xf32>, vector<16x128xf32> -> vector<16x256xf32>
    %concatenate3A_45 = tpu.concatenate %div3A_35, %div3A_42 in 1 : vector<16x128xf32>, vector<16x128xf32> -> vector<16x256xf32>
    %get3A_46 = arith.constant 0 : index
    %get3A_47 = arith.constant 0 : index
    %get3A_48 = vector.load %arg2[%get3A_46, %get3A_47] : memref<512x256xf32, #tpu.memory_space<vmem>>, vector<512x256xf32>
    %get3A_49 = arith.constant 0 : index
    %get3A_50 = arith.constant 0 : index
    %get3A_51 = vector.load %arg3[%get3A_49, %get3A_50] : memref<1x256xf32, #tpu.memory_space<vmem>>, vector<1x256xf32>
    %get3A_52 = arith.constant 0 : index
    %get3A_53 = arith.constant 0 : index
    %get3A_54 = vector.load %arg4[%get3A_52, %get3A_53] : memref<1x256xf32, #tpu.memory_space<vmem>>, vector<1x256xf32>
    %get3A_55 = arith.constant 0 : index
    %get3A_56 = arith.constant 0 : index
    %get3A_57 = vector.load %arg5[%get3A_55, %get3A_56] : memref<1x1xf32, #tpu.memory_space<vmem>>, vector<1x1xf32>
    %concatenate3A_58 = tpu.concatenate %concatenate3A_43, %concatenate3A_44 in 1 : vector<16x256xf32>, vector<16x256xf32> -> vector<16x512xf32>
    %dot_general3A = arith.constant dense<0.000000e+00> : vector<16x256xf32>
    %dot_general3A_59 = tpu.matmul %concatenate3A_58, %get3A_48, %dot_general3A {dimension_numbers = #tpu.dot_dimension_numbers<[1], [0], [0], [1], [0, 0, 1, 1], [], []>, precision = #tpu.contract_precision<fp32>, transpose_lhs_hint = false} : vector<16x512xf32>, vector<512x256xf32>, vector<16x256xf32> -> vector<16x256xf32>
    %add3A = vector.broadcast %get3A_51 : vector<1x256xf32> to vector<16x256xf32>
    %add3A_60 = arith.addf %dot_general3A_59, %add3A : vector<16x256xf32>
    %max3A = arith.constant 0.000000e+00 : f32
    %max3A_61 = vector.broadcast %max3A : f32 to vector<16x256xf32>
    %max3A_62 = arith.maximumf %add3A_60, %max3A_61 : vector<16x256xf32>
    %mul3A = vector.broadcast %get3A_54 : vector<1x256xf32> to vector<16x256xf32>
    %mul3A_63 = arith.mulf %max3A_62, %mul3A : vector<16x256xf32>
    %reduce_sum3A_64 = arith.constant dense<0.000000e+00> : vector<16xf32>
    %reduce_sum3A_65 = vector.multi_reduction <add>, %mul3A_63, %reduce_sum3A_64 [1] : vector<16x256xf32> to vector<16xf32>
    %broadcast_in_dim3A = vector.shape_cast %reduce_sum3A_65 : vector<16xf32> to vector<16x1xf32>
    %add3A_66 = vector.broadcast %get3A_57 : vector<1x1xf32> to vector<16x1xf32>
    %add3A_67 = arith.addf %broadcast_in_dim3A, %add3A_66 : vector<16x1xf32>
    %concatenate3A_68 = tpu.concatenate %concatenate3A_43, %concatenate3A_45 in 1 : vector<16x256xf32>, vector<16x256xf32> -> vector<16x512xf32>
    %dot_general3A_69 = arith.constant dense<0.000000e+00> : vector<16x256xf32>
    %dot_general3A_70 = tpu.matmul %concatenate3A_68, %get3A_48, %dot_general3A_69 {dimension_numbers = #tpu.dot_dimension_numbers<[1], [0], [0], [1], [0, 0, 1, 1], [], []>, precision = #tpu.contract_precision<fp32>, transpose_lhs_hint = false} : vector<16x512xf32>, vector<512x256xf32>, vector<16x256xf32> -> vector<16x256xf32>
    %add3A_71 = vector.broadcast %get3A_51 : vector<1x256xf32> to vector<16x256xf32>
    %add3A_72 = arith.addf %dot_general3A_70, %add3A_71 : vector<16x256xf32>
    %max3A_73 = arith.constant 0.000000e+00 : f32
    %max3A_74 = vector.broadcast %max3A_73 : f32 to vector<16x256xf32>
    %max3A_75 = arith.maximumf %add3A_72, %max3A_74 : vector<16x256xf32>
    %mul3A_76 = vector.broadcast %get3A_54 : vector<1x256xf32> to vector<16x256xf32>
    %mul3A_77 = arith.mulf %max3A_75, %mul3A_76 : vector<16x256xf32>
    %reduce_sum3A_78 = arith.constant dense<0.000000e+00> : vector<16xf32>
    %reduce_sum3A_79 = vector.multi_reduction <add>, %mul3A_77, %reduce_sum3A_78 [1] : vector<16x256xf32> to vector<16xf32>
    %broadcast_in_dim3A_80 = vector.shape_cast %reduce_sum3A_79 : vector<16xf32> to vector<16x1xf32>
    %add3A_81 = vector.broadcast %get3A_57 : vector<1x1xf32> to vector<16x1xf32>
    %add3A_82 = arith.addf %broadcast_in_dim3A_80, %add3A_81 : vector<16x1xf32>
    %concatenate3A_83 = tpu.concatenate %add3A_67, %add3A_82 in 1 : vector<16x1xf32>, vector<16x1xf32> -> vector<16x2xf32>
    %swap3A = arith.constant 0 : index
    %swap3A_84 = arith.constant 0 : index
    %swap3A_85 = vector.load %arg6[%swap3A, %swap3A_84] : memref<16x2xf32, #tpu.memory_space<vmem>>, vector<16x2xf32>
    tpu.vector_store %arg6[%swap3A, %swap3A_84], %concatenate3A_83 {strides = array<i32>} : memref<16x2xf32, #tpu.memory_space<vmem>>, vector<16x2xf32>,
    return
  }
}

</mosaic_0001>

<sc_bundles>
// kernel: kernel.10.cloned.1.call-start
scs
__scs_entry_jumppad:
0x0: {  	(pc) =	sbr.rel $0x88, $3  }
0x1: {  	(tag) =	ssettag $0x0;
	lr =	simm.s32 $0x1  }
0x2: {  	[smem:$0x3F8F] =	sst lr;
	_ =	strace $0xD0000000  }
0x3: {  	_ = 	snop  }
0x4: {  	_ = 	snop  }
0x5: {  	_ = 	snop  }
0x6: {  	_ = 	snop  }
0x7: {  	_ = 	snop  }
__scs_overlays_trampoline_lowered:
0x8: {  	[smem:$0x3F9E] =	sst s0  }
0x9: {  	[smem:$0x3F9F] =	sst s1  }
0xa: {  	[smem:$0x3FA0] =	sst s2  }
0xb: {  	[smem:$0x3FA1] =	sst s3  }
0xc: {  	[smem:$0x3FA2] =	sst s4  }
0xd: {  	[smem:$0x3FA3] =	sst s5  }
0xe: {  	[smem:$0x3FA4] =	sst s6  }
0xf: {  	[smem:$0x3FA5] =	sst s7  }
0x10: {  	[smem:$0x3FA6] =	sst s8  }
0x11: {  	[smem:$0x3FA7] =	sst s9;
	s0 =	simm.s32 @!p0 $0x0  }
0x12: {  	s1 =	sld [smem:$0x3F8D];
	s0 =	simm.s32 @p0 $0x1  }
0x13: {  	[smem:$0x3FA8] =	sst s0;
	s0 =	simm.s32 @!p1 $0x0  }
0x14: {  	s2 =	sld [smem:$0x3F8C];
	s0 =	simm.s32 @p1 $0x1  }
0x15: {  	[smem:$0x3FA9] =	sst s0;
	s0 =	simm.s32 @!p2 $0x0  }
0x16: {  	s3 =	sld [smem:$0x3FDB];
	s0 =	simm.s32 @p2 $0x1  }
0x17: {  	s4 =	simm.s32 $0x1BF5;
	[smem:$0x3FAB] =	sst s0  }
0x18: {  	s0 =	sld [smem:$0x3F8E];
	_ =	swait.ge [sflag:s4], $0x0  }
0x19: {  	s7 =	sld [smem:$0x3F8F]  }
0x1a: {  	s8 =	sadd.s32 $0xFFFFE003, lr  }
0x1b: {  	s9 =	sadd.s32 $0xFFFFFEF7, lr;
	s5 =	simm.s32 $0xFFFFFFFF;
	p2 =	slt.u32 s8, $0xFFFFF086  }
0x1c: {  	p1 =	slt.u32 s9, $0xF7A;
	s5 =	simm.s32 @!p2 $0x0  }
0x1d: {  	s5 =	simm.s32 @p1 $0x1;
	p0 =	seq.s32 s7, s2  }
0x1e: {  	s7 =	smul.u32 @!p0 $0xF7A, s2;
	p2 =	seq.s32 @!p0 s5, $0x0  }
0x1f: {  	s9 =	smul.u32 $0xF7A, s1;
	s8 =	simm.s32 @!p0 $0x1BF5;
	p2 =	por !p2, p0  }
0x20: {  	[sflag:s8] =	ssyncset.s32 @!p0 $0xFFFFF086;
	s6 =	sadd.s32 @!p0 s3, s7;
	s7 =	simm.s32 @!p0 $0x108  }
0x21: {  	s3 =	sadd.s32 s3, s9;
	s6 =	sadd.s32 @!p0 $0x88, s6;
	s7 =	simm.s32 @p2 $0x1082  }
0x22: {  	[simem:s7], [sflag:s8] =	dma.local @!p0 [hbm:s6], $0xF7A  }
0x23: {  	s9 =	sor.u32 $0xD0000000, s2;
	s6 =	simm.s32 $0x108;
	_ =	swait.ge @!p0 [sflag:s8], $0x0  }
0x24: {  	s3 =	sadd.s32 $0x88, s3;
	s6 =	simm.s32 @!p1 $0x1082;
	[sflag:s4] =	ssyncset.s32 $0xFFFFF086  }
0x25: {  	[simem:s6], [sflag:s4] =	dma.local [hbm:s3], $0xF7A  }
0x26: {  	[smem:$0x3F8F] =	sst s1;
	(tag) =	ssettag s2;
	_ =	strace s9  }
0x27: {  	s1 =	sld [smem:$0x3F9F]  }
0x28: {  	s2 =	sld [smem:$0x3FA0]  }
0x29: {  	s4 =	sld [smem:$0x3FA2]  }
0x2a: {  	p0 =	seq.s32 s5, $0x0;
	s5 =	sld [smem:$0x3FA3]  }
0x2b: {  	s6 =	sld [smem:$0x3FA4]  }
0x2c: {  	s7 =	sld [smem:$0x3FA5]  }
0x2d: {  	s3 =	simm.s32 $0x108;
	s8 =	sld [smem:$0x3FA6]  }
0x2e: {  	s3 =	simm.s32 @!p0 $0x1082;
	s9 =	sld [smem:$0x3FA7]  }
0x2f: {  	lr =	sadd.s32 s0, s3;
	s0 =	sld [smem:$0x3F9E]  }
0x30: {  	s3 =	sld [smem:$0x3FA1]  }
0x31: {  	[smem:$0x3FAA] =	sst s10  }
0x32: {  	s10 =	sld [smem:$0x3FA8];
	_ =	sdelay $0x3  }
0x33: {  	p0 =	seq.s32 s10, $0x1;
	s10 =	sld [smem:$0x3FAA];
	_ =	sdelay $0x3  }
0x34: {  	[smem:$0x3FAA] =	sst s10  }
0x35: {  	s10 =	sld [smem:$0x3FA9];
	_ =	sdelay $0x3  }
0x36: {  	p1 =	seq.s32 s10, $0x1;
	s10 =	sld [smem:$0x3FAA];
	_ =	sdelay $0x3  }
0x37: {  	[smem:$0x3FAA] =	sst s10  }
0x38: {  	s10 =	sld [smem:$0x3FAB]  }
0x39: {  	_ = 	snop;
	(pc) =	sbr.ind lr, $3  }
0x3a: {  	_ = 	snop  }
0x3b: {  	_ = 	snop  }
0x3c: {  	p2 =	seq.s32 s10, $0x1;
	s10 =	sld [smem:$0x3FAA]  }
0x3d: {  	_ =	shalt  }
0x3e: {  	_ =	shalt  }
0x3f: {  	_ =	shalt  }
0x40: {  	_ =	shalt  }
0x41: {  	_ =	shalt  }
0x42: {  	_ =	shalt  }
0x43: {  	_ =	shalt  }
0x44: {  	_ =	shalt  }
0x45: {  	_ =	shalt  }
0x46: {  	_ =	shalt  }
0x47: {  	_ =	shalt  }
0x48: {  	_ =	shalt  }
0x49: {  	_ =	shalt  }
0x4a: {  	_ =	shalt  }
0x4b: {  	_ =	shalt  }
0x4c: {  	_ =	shalt  }
0x4d: {  	_ =	shalt  }
0x4e: {  	_ =	shalt  }
0x4f: {  	_ =	shalt  }
0x50: {  	_ =	shalt  }
0x51: {  	_ =	shalt  }
0x52: {  	_ =	shalt  }
0x53: {  	_ =	shalt  }
0x54: {  	_ =	shalt  }
0x55: {  	_ =	shalt  }
0x56: {  	_ =	shalt  }
0x57: {  	_ =	shalt  }
0x58: {  	_ =	shalt  }
0x59: {  	_ =	shalt  }
0x5a: {  	_ =	shalt  }
0x5b: {  	_ =	shalt  }
0x5c: {  	_ =	shalt  }
0x5d: {  	_ =	shalt  }
0x5e: {  	_ =	shalt  }
0x5f: {  	_ =	shalt  }
0x60: {  	_ =	shalt  }
0x61: {  	_ =	shalt  }
0x62: {  	_ =	shalt  }
0x63: {  	_ =	shalt  }
0x64: {  	_ =	shalt  }
0x65: {  	_ =	shalt  }
0x66: {  	_ =	shalt  }
0x67: {  	_ =	shalt  }
0x68: {  	_ =	shalt  }
0x69: {  	_ =	shalt  }
0x6a: {  	_ =	shalt  }
0x6b: {  	_ =	shalt  }
0x6c: {  	_ =	shalt  }
0x6d: {  	_ =	shalt  }
0x6e: {  	_ =	shalt  }
0x6f: {  	_ =	shalt  }
0x70: {  	_ =	shalt  }
0x71: {  	_ =	shalt  }
0x72: {  	_ =	shalt  }
0x73: {  	_ =	shalt  }
0x74: {  	_ =	shalt  }
0x75: {  	_ =	shalt  }
0x76: {  	_ =	shalt  }
0x77: {  	_ =	shalt  }
0x78: {  	_ =	shalt  }
0x79: {  	_ =	shalt  }
0x7a: {  	_ =	shalt  }
0x7b: {  	_ =	shalt  }
0x7c: {  	_ =	shalt  }
0x7d: {  	_ =	shalt  }
0x7e: {  	_ =	shalt  }
0x7f: {  	_ =	shalt  }
0x80: {  	_ =	shalt  }
0x81: {  	_ =	shalt  }
0x82: {  	_ =	shalt  }
0x83: {  	_ =	shalt  }
0x84: {  	_ =	shalt  }
0x85: {  	_ =	shalt  }
0x86: {  	_ =	shalt  }
0x87: {  	_ =	shalt  }
.Lfunc_end0:
.L_simem_size_0:
called_computation.1_lowered:
.L_overlay_start_0:
0x88: {  	s2 =	sld [smem:$0x3FD9]  }
0x89: {  	s3 =	sld [smem:$0x3FFE];
	_ =	sdelay $0x1  }
0x8a: {  	s1 =	srdreg.scid  }
0x8b: {  	s0 =	sand.u32 $0x1, s1  }
0x8c: {  	s17 =	sshll.u32 s0, $0xA;
	s2 =	sadd.s32 s3, s2  }
0x8d: {  	s2 =	sadd.s32 s2, s17  }
0x8e: {  	[smem:$0x3FB6] =	sst s2  }
0x8f: {  	_ = 	snop  }
0x90: {  	s18 =	sld [smem:$0x3FC0]  }
0x91: {  	s4 =	sld [smem:$0x3FBF];
	(tm) =	ssettm $0x1  }
0x92: {  	s19 =	sld [smem:$0x3FFB];
	_ =	sdelay $0x3  }
0x93: {  	_ =	strace s19  }
0x94: {  	s2 =	sld [smem:$0x3FFC];
	_ =	sdelay $0x3  }
0x95: {  	_ =	strace s2  }
0x96: {  	s2 =	sld [smem:$0x3FFD];
	_ =	sdelay $0x3  }
0x97: {  	_ =	strace s2  }
0x98: {  	_ =	strace $0x8FFFFFFF  }
0x99: {  	s20 =	sld [smem:$0x3FDB];
	_ =	sdelay $0x1  }
0x9a: {  	s5 =	simm.s32 $_scs_section_size  }
0x9b: {  	s6 =	simm.s32 $_size__tile_overlayer_lowered;
	s7 =	simm.s32 $_tile_overlayer_lowered  }
0x9c: {  	s8 =	simm.s32 $0x1BFF;
	s21 =	sshll.u32 s7, $0x1;
	s5 =	sadd.s32 s5, s20  }
0x9d: {  	s22 =	simm.s32 $0x0;
	s6 =	sshll.u32 s6, $0x1;
	s7 =	sadd.s32 s21, s5  }
0x9e: {  	[timem:s22], [sflag:s8] =	dma.local [hbm:s7], s6  }
0x9f: {  	_ =	swait.ge [sflag:s8], s6  }
0xa0: {  	s6 =	ssub.s32 $0x0, s6;
	[sflag:s8] =	ssyncset.done $0x0  }
0xa1: {  	[sflag:s8] =	ssyncadd.s32 s6;
	_ =	sdelay $0x1  }
0xa2: {  	s23 =	simm.s32 $0x1B8B  }
0xa3: {  	_ =	swait.ge [sflag:s23], $0x1  }
0xa4: {  	[sflag:s23] =	ssyncset.done $0x0  }
0xa5: {  	[sflag:s23] =	ssyncadd.s32 $0xFFFFFFFF  }
0xa6: {  	s6 =	sld [smem:$0x0]  }
0xa7: {  	s7 =	sand.u32 $0xFFFFFFFE, s1  }
0xa8: {  	p0 =	sne.s32 s1, s7  }
0xa9: {  	s7 =	sshll.u32 @p0 s7, $0xE  }
0xaa: {  	s7 =	sadd.s32 @p0 $0x11B8D, s7;
	s8 =	sshll.u32 @p0 s6, $0x11  }
0xab: {  	s7 =	sor.u32 @p0 s8, s7  }
0xac: {  	[sflag:s7] =	ssyncadd.remote.s32 @p0 $0x1;
	_ =	sdelay $0x1  }
0xad: {  	s7 =	simm.s32 @p0 $0x1B8D  }
0xae: {  	_ =	swait.eq @p0 [sflag:s7], $0x1  }
0xaf: {  	[sflag:s7] =	ssyncadd.s32 @p0 $0xFFFFFFFF  }
0xb0: {  	s8 =	sshll.u32 @!p0 s1, $0xE  }
0xb1: {  	s8 =	sor.u32 @!p0 $0x4000, s8;
	s7 =	simm.s32 @!p0 $0x1B8D  }
0xb2: {  	s6 =	sshll.u32 @!p0 s6, $0x11;
	s8 =	sadd.s32 @!p0 $0x11B8D, s8;
	_ =	swait.eq @!p0 [sflag:s7], $0x1  }
0xb3: {  	s6 =	sor.u32 @!p0 s6, s8;
	[sflag:s7] =	ssyncadd.s32 @!p0 $0xFFFFFFFF  }
0xb4: {  	s25 =	simm.s32 $0x1B8E;
	s24 =	sld [smem:$0x3FFE];
	[sflag:s6] =	ssyncadd.remote.s32 @!p0 $0x1  }
0xb5: {  	s26 =	simm.s32 $execute0_lowered;
	[smem:$0x3FD2] =	sst s25  }
0xb6: {  	s7 =	sshll.u32 s26, $0x1;
	_ =	strace $0x80000049;
	[dreg:$0x1] =	wrdreg $0xFFFFFFFF  }
0xb7: {  	s28 =	simm.s32 $_size_execute0_lowered;
	s5 =	sadd.s32 s5, s7;
	[dreg:$0x0] =	wrdreg $0x0  }
0xb8: {  	s7 =	sshll.u32 s28, $0x1;
	[dreg:$0x2] =	wrdreg s5  }
0xb9: {  	[dreg:$0x3] =	wrdreg s7  }
0xba: {  	[dreg:$0x4] =	wrdreg $0xC0  }
0xbb: {  	_ =	task [dreg:s22], $0x5FFFF  }
0xbc: {  	[dreg:$0x1] =	wrdreg $0xFFFFFFFF  }
0xbd: {  	[dreg:$0x0] =	wrdreg $0x60  }
0xbe: {  	[dreg:$0x2] =	wrdreg s18  }
0xbf: {  	[dreg:$0x3] =	wrdreg s4  }
0xc0: {  	[dreg:$0x4] =	wrdreg s24  }
0xc1: {  	[dreg:$0x5] =	wrdreg $0xA  }
0xc2: {  	_ =	task.clear_ibuf [dreg:s22], $0x6FFFF;
	_ =	strace $0x90000049  }
0xc3: {  	s29 =	simm.s32 $0xA;
	_ =	strace $0x8000004B  }
0xc4: {  	_ =	swait.ge [sflag:s29], $0x1  }
0xc5: {  	[sflag:s29] =	ssyncadd.s32 $0xFFFFFFFF  }
0xc6: {  	_ =	strace $0x9000004B  }
0xc7: {  	_ =	sfence  }
0xc8: {  	s30 =	sld [smem:$0x0];
	_ =	sdelay $0x2  }
0xc9: {  	s31 =	sshll.u32 s1, $0xD;
	s1 =	sshrl.u32 s1, $0x2  }
0xca: {  	s4 =	sand.u32 $0x4000, s31;
	s1 =	sadd.s32 s1, s30  }
0xcb: {  	s0 =	sor.u32 s4, s0;
	s1 =	sshll.u32 s1, $0x11  }
0xcc: {  	s0 =	sor.u32 s1, s0  }
0xcd: {  	s0 =	sadd.s32 $0x8F2B, s0  }
0xce: {  	[sflag:s0] =	ssyncadd.remote.s32 $0x1  }
0xcf: {  	_ =	sfence.sel $0xFFFF  }
0xd0: {  	[dreg:$0x0] =	wrdreg $0xFFFFFFFF;
	(pc) =	sbr.abs _section_cstart, $3  }
0xd1: {  	[dreg:$0x1] =	wrdreg $0xFFFFFFFF  }
0xd2: {  	_ =	task.clear_ibuf [dreg:s22], $0x2FFFF;
	_ =	strace $0x9FFFFFFF  }
0xd3: {  	(tm) =	ssettm $0x7FFFFFFF  }
tec
execute0_lowered:
.L_overlay_start_1:
0x0: {  	(tag) =	ssettag $0x1  }
0x1: {  	s1 =	rddreg [dreg:$0x0]  }
0x2: {  	s3 =	rddreg [dreg:$0x1]  }
0x3: {  	s0 =	srdreg.scid;
	s8 =	stileid.u32  }
0x4: {  	s2 =	rddreg [dreg:$0x2];
	s4 =	simm.s32 $0x0;
	s12 =	simm.s32 $0x3  }
0x5: {  	s13 =	simm.s32 $0x80;
	s14 =	simm.s32 $0x880;
	s15 =	simm.s32 $0x1080  }
0x6: {  	s16 =	simm.s32 $0x1;
	s17 =	simm.s32 $0x2;
	s19 =	simm.s32 $0x5080  }
0x7: {  	s21 =	simm.s32 $0x9080;
	s23 =	simm.s32 $0xD080;
	s25 =	simm.s32 $0x11080  }
0x8: {  	s28 =	simm.s32 $0x15080;
	s31 =	simm.s32 $0xA00;
	s18 =	simm.s32 $0x0  }
0x9: {  	s0 =	sand.u32 $0x1, s0;
	s5 =	sshll.u32 s8, $0x1;
	[smem:$0x7FF] =	sst s4  }
0xa: {  	s8 =	sshll.u32 s8, $0x10;
	s5 =	sor.u32 s0, s5;
	_ =	strace $0x8000004A  }
0xb: {  	s30 =	ssub.s32 $0x2, s0;
	s0 =	sshll.u32 s0, $0xF;
	s6 =	sshll.u32 s5, $0x4  }
0xc: {  	s7 =	sshll.u32 s5, $0x8;
	s5 =	sshll.u32 s5, $0xB;
	s10 =	sshrl.u32 s30, $0x1  }
0xd: {  	s6 =	sadd.s32 s6, s2;
	s7 =	sadd.s32 s7, s2;
	s9 =	sadd.s32 s5, s2  }
0xe: {  	s2 =	sadd.s32 s8, s2;
	s10 =	ssub.s32 s30, s10;
	s5 =	sadd.s32 $0x42CE00, s6  }
0xf: {  	s6 =	sadd.s32 $0x42D200, s7;
	s7 =	sadd.s32 $0x42F200, s7;
	s0 =	sadd.s32 s0, s2  }
0x10: {  	s8 =	sadd.s32 $0x431200, s9;
	s9 =	smax.u32 s10, $0x1;
	s22 =	sadd.s32 $0x441200, s0  }
0x11: {  	s2 =	simm.s32 $0xA80;
	s11 =	sadd.s32 $0x541200, s0;
	s0 =	simm.s32 $0xB00  }
.LBB2_1:
0x12: {  	[tilespmem:s4], [sflag:$0x3] =	stream.linear.gather [hbm4b:s5+s4], $0x80, $0x38;
	[tilespmem:$0x1D080] =	vst v63  }
0x13: {  	_ =	swait.ge [sflag:s12], $0x80  }
0x14: {  	[sflag:s12] =	ssyncset.done $0x0  }
0x15: {  	[sflag:s12] =	ssyncadd.s32 $0xFFFFFF80  }
0x16: {  	[tilespmem:s13], [sflag:$0x3] =	stream.linear.gather [hbm4b:s6+s4], $0x800, $0x38;
	[tilespmem:$0x1D080] =	vst v63  }
0x17: {  	_ =	swait.ge [sflag:s12], $0x800  }
0x18: {  	[sflag:s12] =	ssyncset.done $0x0  }
0x19: {  	[sflag:s12] =	ssyncadd.s32 $0xFFFFF800  }
0x1a: {  	[tilespmem:s14], [sflag:$0x3] =	stream.linear.gather [hbm4b:s7+s4], $0x800, $0x38;
	[tilespmem:$0x1D080] =	vst v63  }
0x1b: {  	_ =	swait.ge [sflag:s12], $0x800  }
0x1c: {  	[sflag:s12] =	ssyncset.done $0x0  }
0x1d: {  	[sflag:s12] =	ssyncadd.s32 $0xFFFFF800  }
0x1e: {  	[tilespmem:s15], [sflag:$0x1] =	stream.indirect.gather [hbm4b:s1+s13], $0x80, s4, s13, $0xb8;
	[tilespmem:$0x1D080] =	vst v63  }
0x1f: {  	_ =	swait.ge [sflag:s16], $0x4000  }
0x20: {  	[sflag:s16] =	ssyncset.done $0x0  }
0x21: {  	[sflag:s16] =	ssyncadd.s32 $0xFFFFC000  }
0x22: {  	[hbm4b:s8+s4] =	stream.linear.scatter [tilespmem:s15], [sflag:$0x2], $0x4000, $0x38;
	[tilespmem:$0x1D080] =	vst v63  }
0x23: {  	_ =	swait.ge [sflag:s17], $0x4000  }
0x24: {  	[sflag:s17] =	ssyncset.done $0x0  }
0x25: {  	[sflag:s17] =	ssyncadd.s32 $0xFFFFC000  }
0x26: {  	[tilespmem:s15], [sflag:$0x1] =	stream.indirect.gather [hbm4b:s1+s13], $0x80, s13, s13, $0xb8;
	[tilespmem:$0x1D080] =	vst v63  }
0x27: {  	s10 =	simm.s32 $0x100  }
0x28: {  	[tilespmem:s19], [sflag:$0x1] =	stream.indirect.gather [hbm4b:s1+s13], $0x80, s10, s13, $0xb8;
	[tilespmem:$0x1D080] =	vst v63  }
0x29: {  	s24 =	simm.s32 $0x180  }
0x2a: {  	[tilespmem:s21], [sflag:$0x1] =	stream.indirect.gather [hbm4b:s1+s13], $0x80, s24, s13, $0xb8;
	[tilespmem:$0x1D080] =	vst v63  }
0x2b: {  	s26 =	simm.s32 $0x200  }
0x2c: {  	[tilespmem:s23], [sflag:$0x1] =	stream.indirect.gather [hbm4b:s1+s13], $0x80, s26, s13, $0xb8;
	[tilespmem:$0x1D080] =	vst v63  }
0x2d: {  	s29 =	simm.s32 $0x280;
	s30 =	simm.s32 $0x300  }
0x2e: {  	[tilespmem:s25], [sflag:$0x1] =	stream.indirect.gather [hbm4b:s1+s13], $0x80, s29, s13, $0xb8;
	[tilespmem:$0x1D080] =	vst v63  }
0x2f: {  	s20 =	simm.s32 $0x380;
	s10 =	smov.u32 s22;
	s24 =	simm.s32 $0x0  }
0x30: {  	[tilespmem:s28], [sflag:$0x1] =	stream.indirect.gather [hbm4b:s1+s13], $0x80, s30, s13, $0xb8;
	[tilespmem:$0x1D080] =	vst v63  }
.LBB2_2:
0x31: {  	p0 =	slt.u32 s24, $0x2  }
0x32: {  	s26 =	simm.s32 @!p0 $0x2  }
0x33: {  	p1 =	sgt.u32 @!p0 s24, $0x9;
	_ =	swait.ge @!p0 [sflag:s26], $0x4000  }
0x34: {  	p1 =	por p0, !p1;
	[sflag:s26] =	ssyncset.done @!p0 $0x0  }
0x35: {  	[sflag:s26] =	ssyncadd.s32 @!p0 $0xFFFFC000;
	s26 =	sadd.s32 @p1 $0x6, s24  }
0x36: {  	s29 =	smul.u32 @p1 $0x25, s26;
	_ =	sdelay $0x1  }
0x37: {  	s29 =	sshrl.u32 @p1 s29, $0x8  }
0x38: {  	s30 =	ssub.s32 @p1 s26, s29  }
0x39: {  	s30 =	sand.u32 @p1 $0xFE, s30  }
0x3a: {  	s30 =	sshrl.u32 @p1 s30, $0x1  }
0x3b: {  	s29 =	sadd.s32 @p1 s29, s30  }
0x3c: {  	s29 =	sand.u32 @p1 $0xFC, s29  }
0x3d: {  	s29 =	sshrl.u32 @p1 s29, $0x2  }
0x3e: {  	s29 =	smul.u32 @p1 $0x7, s29;
	_ =	sdelay $0x1  }
0x3f: {  	s26 =	ssub.s32 @p1 s26, s29  }
0x40: {  	s26 =	sand.u32 @p1 $0xFF, s26  }
0x41: {  	s26 =	sshll.u32 @p1 s26, $0xE  }
0x42: {  	s29 =	smul.u32 $0x25, s24;
	s26 =	sor.u32 @p1 $0x1080, s26  }
0x43: {  	[tilespmem:s26], [sflag:$0x1] =	stream.indirect.gather @p1 [hbm4b:s1+s13], $0x80, s20, s13, $0xb8;
	[tilespmem:$0x1D080] =	vst v63  }
0x44: {  	s26 =	sshrl.u32 s29, $0x8  }
0x45: {  	s30 =	ssub.s32 s24, s26  }
0x46: {  	s29 =	sand.u32 $0xFE, s30  }
0x47: {  	s29 =	sshrl.u32 s29, $0x1  }
0x48: {  	s26 =	sadd.s32 s26, s29  }
0x49: {  	s26 =	sand.u32 $0xFC, s26  }
0x4a: {  	s26 =	sshrl.u32 s26, $0x2  }
0x4b: {  	s26 =	smul.u32 $0x7, s26;
	_ =	sdelay $0x1  }
0x4c: {  	s26 =	ssub.s32 s24, s26;
	s24 =	sadd.s32 $0x1, s24  }
0x4d: {  	p0 =	sne.s32 s24, $0x10  }
.Ltmp0:
0x4e: {  	_ =	swait.ge [sflag:s16], $0x4000;
	s26 =	sand.u32 $0xFF, s26;
	(pc) =	sbr.rel @p0 .LBB2_2-.Ltmp0, $4  }
0x4f: {  	[sflag:s16] =	ssyncset.done $0x0;
	s26 =	sshll.u32 s26, $0xE  }
0x50: {  	[sflag:s16] =	ssyncadd.s32 $0xFFFFC000;
	s26 =	sor.u32 $0x1080, s26  }
0x51: {  	[hbm4b:s10+s4] =	stream.linear.scatter [tilespmem:s26], [sflag:$0x2], $0x4000, $0x38;
	[tilespmem:$0x1D080] =	vst v63  }
0x52: {  	s20 =	sadd.s32 $0x80, s20;
	s10 =	sadd.s32 $0x800, s10  }
0x53: {  	_ =	swait.ge [sflag:s17], $0x4000  }
0x54: {  	[sflag:s17] =	ssyncset.done $0x0  }
0x55: {  	[sflag:s17] =	ssyncadd.s32 $0xFFFFC000  }
0x56: {  	_ =	swait.ge [sflag:s17], $0x4000  }
0x57: {  	[sflag:s17] =	ssyncset.done $0x0  }
0x58: {  	[sflag:s17] =	ssyncadd.s32 $0xFFFFC000  }
0x59: {  	[tilespmem:s15], [sflag:$0x1] =	stream.indirect.gather [hbm4b:s3+s13], $0x80, s14, s13, $0xb8;
	[tilespmem:$0x1D080] =	vst v63  }
0x5a: {  	s10 =	simm.s32 $0x900  }
0x5b: {  	[tilespmem:s19], [sflag:$0x1] =	stream.indirect.gather [hbm4b:s3+s13], $0x80, s10, s13, $0xb8;
	[tilespmem:$0x1D080] =	vst v63  }
0x5c: {  	s30 =	simm.s32 $0x980  }
0x5d: {  	[tilespmem:s21], [sflag:$0x1] =	stream.indirect.gather [hbm4b:s3+s13], $0x80, s30, s13, $0xb8;
	[tilespmem:$0x1D080] =	vst v63  }
0x5e: {  	_ = 	snop  }
0x5f: {  	[tilespmem:s23], [sflag:$0x1] =	stream.indirect.gather [hbm4b:s3+s13], $0x80, s31, s13, $0xb8;
	[tilespmem:$0x1D080] =	vst v63  }
0x60: {  	_ = 	snop  }
0x61: {  	[tilespmem:s25], [sflag:$0x1] =	stream.indirect.gather [hbm4b:s3+s13], $0x80, s2, s13, $0xb8;
	[tilespmem:$0x1D080] =	vst v63  }
0x62: {  	s20 =	simm.s32 $0x0;
	s24 =	smov.u32 s11;
	s10 =	simm.s32 $0xB80  }
0x63: {  	[tilespmem:s28], [sflag:$0x1] =	stream.indirect.gather [hbm4b:s3+s13], $0x80, s0, s13, $0xb8;
	[tilespmem:$0x1D080] =	vst v63  }
.LBB2_4:
0x64: {  	p0 =	slt.u32 s20, $0x2  }
0x65: {  	s26 =	simm.s32 @!p0 $0x2  }
0x66: {  	p1 =	sgt.u32 @!p0 s20, $0x9;
	_ =	swait.ge @!p0 [sflag:s26], $0x4000  }
0x67: {  	p1 =	por p0, !p1;
	[sflag:s26] =	ssyncset.done @!p0 $0x0  }
0x68: {  	[sflag:s26] =	ssyncadd.s32 @!p0 $0xFFFFC000;
	s26 =	sadd.s32 @p1 $0x6, s20  }
0x69: {  	s29 =	smul.u32 @p1 $0x25, s26;
	_ =	sdelay $0x1  }
0x6a: {  	s29 =	sshrl.u32 @p1 s29, $0x8  }
0x6b: {  	s30 =	ssub.s32 @p1 s26, s29  }
0x6c: {  	s30 =	sand.u32 @p1 $0xFE, s30  }
0x6d: {  	s30 =	sshrl.u32 @p1 s30, $0x1  }
0x6e: {  	s29 =	sadd.s32 @p1 s29, s30  }
0x6f: {  	s29 =	sand.u32 @p1 $0xFC, s29  }
0x70: {  	s29 =	sshrl.u32 @p1 s29, $0x2  }
0x71: {  	s29 =	smul.u32 @p1 $0x7, s29;
	_ =	sdelay $0x1  }
0x72: {  	s26 =	ssub.s32 @p1 s26, s29  }
0x73: {  	s26 =	sand.u32 @p1 $0xFF, s26  }
0x74: {  	s26 =	sshll.u32 @p1 s26, $0xE  }
0x75: {  	s29 =	smul.u32 $0x25, s20;
	s26 =	sor.u32 @p1 $0x1080, s26  }
0x76: {  	[tilespmem:s26], [sflag:$0x1] =	stream.indirect.gather @p1 [hbm4b:s3+s13], $0x80, s10, s13, $0xb8;
	[tilespmem:$0x1D080] =	vst v63  }
0x77: {  	s26 =	sshrl.u32 s29, $0x8  }
0x78: {  	s30 =	ssub.s32 s20, s26  }
0x79: {  	s29 =	sand.u32 $0xFE, s30  }
0x7a: {  	s29 =	sshrl.u32 s29, $0x1  }
0x7b: {  	s26 =	sadd.s32 s26, s29  }
0x7c: {  	s26 =	sand.u32 $0xFC, s26  }
0x7d: {  	s26 =	sshrl.u32 s26, $0x2  }
0x7e: {  	s26 =	smul.u32 $0x7, s26;
	_ =	sdelay $0x1  }
0x7f: {  	s26 =	ssub.s32 s20, s26;
	s20 =	sadd.s32 $0x1, s20  }
0x80: {  	p0 =	sne.s32 s20, $0x10  }
.Ltmp1:
0x81: {  	_ =	swait.ge [sflag:s16], $0x4000;
	s26 =	sand.u32 $0xFF, s26;
	(pc) =	sbr.rel @p0 .LBB2_4-.Ltmp1, $4  }
0x82: {  	[sflag:s16] =	ssyncset.done $0x0;
	s26 =	sshll.u32 s26, $0xE  }
0x83: {  	[sflag:s16] =	ssyncadd.s32 $0xFFFFC000;
	s26 =	sor.u32 $0x1080, s26  }
0x84: {  	[hbm4b:s24+s4] =	stream.linear.scatter [tilespmem:s26], [sflag:$0x2], $0x4000, $0x38;
	[tilespmem:$0x1D080] =	vst v63  }
0x85: {  	s10 =	sadd.s32 $0x80, s10;
	s24 =	sadd.s32 $0x800, s24  }
0x86: {  	s18 =	sadd.s32 $0x1, s18  }
0x87: {  	_ =	swait.ge [sflag:s17], $0x4000;
	p0 =	sne.s32 s18, s9  }
.Ltmp2:
0x88: {  	[sflag:s17] =	ssyncset.done $0x0;
	(pc) =	sbr.rel @p0 .LBB2_1-.Ltmp2, $4  }
0x89: {  	[sflag:s17] =	ssyncadd.s32 $0xFFFFC000  }
0x8a: {  	_ =	swait.ge [sflag:s17], $0x4000  }
0x8b: {  	[sflag:s17] =	ssyncset.done $0x0  }
0x8c: {  	[sflag:s17] =	ssyncadd.s32 $0xFFFFC000  }
0x8d: {  	_ =	sfence.sel $0x180000  }
0x8e: {  	[bflag:$0x0] =	sbarrier.arrive $0xFFFF  }
0x8f: {  	_ =	strace $0x9000004A  }
0x90: {  	s0 =	stileid.u32;
	[bflag:$0x2] =	sbarrier.arrive $0xFFFF  }
0x91: {  	p0 =	sne.s32 s0, $0x0;
	s0 =	rddreg [dreg:$0x3]  }
0x92: {  	s0 =	sadd.s32 @!p0 $0x100000, s0  }
0x93: {  	[sflag:s0] =	ssyncadd.tile.s32 @!p0 $0x1;
	_ =	shalt  }
.Lfunc_end2:
_tile_overlayer_lowered:
.L_overlay_start_2:
0x94: {  	(tag) =	ssettag $0x2  }
0x95: {  	s0 =	rddreg [dreg:$0x0];
	s2 =	stileid.u32  }
0x96: {  	s1 =	rddreg [dreg:$0x1];
	p0 =	sne.s32 s2, $0x0  }
0x97: {  	s3 =	rddreg [dreg:$0x2];
	[bflag:$0x3] =	sbarrier.arrive $0xFFFF;
	s2 =	simm.s32 @!p0 $0x1C03  }
0x98: {  	[timem:s3], [sflag:s2] =	dma.local @!p0 [hbm:s0], s1  }
0x99: {  	s0 =	simm.s32 @!p0 $0x3  }
0x9a: {  	_ =	swait.ge @!p0 [sflag:s0], s1  }
0x9b: {  	s1 =	ssub.s32 @!p0 $0x0, s1;
	[sflag:s0] =	ssyncset.done @!p0 $0x0  }
0x9c: {  	[sflag:s0] =	ssyncadd.s32 @!p0 s1  }
0x9d: {  	[bflag:$0x3] =	sbarrier.arrive $0xFFFF  }
0x9e: {  	_ =	shalt  }

// kernel: kernel.7.cloned.1.call-start
scs
__scs_entry_jumppad:
0x0: {  	(pc) =	sbr.rel $0x88, $3  }
0x1: {  	(tag) =	ssettag $0x0;
	lr =	simm.s32 $0x1  }
0x2: {  	[smem:$0x3F8F] =	sst lr;
	_ =	strace $0xD0000000  }
0x3: {  	_ = 	snop  }
0x4: {  	_ = 	snop  }
0x5: {  	_ = 	snop  }
0x6: {  	_ = 	snop  }
0x7: {  	_ = 	snop  }
__scs_overlays_trampoline_lowered:
0x8: {  	[smem:$0x3F9E] =	sst s0  }
0x9: {  	[smem:$0x3F9F] =	sst s1  }
0xa: {  	[smem:$0x3FA0] =	sst s2  }
0xb: {  	[smem:$0x3FA1] =	sst s3  }
0xc: {  	[smem:$0x3FA2] =	sst s4  }
0xd: {  	[smem:$0x3FA3] =	sst s5  }
0xe: {  	[smem:$0x3FA4] =	sst s6  }
0xf: {  	[smem:$0x3FA5] =	sst s7  }
0x10: {  	[smem:$0x3FA6] =	sst s8  }
0x11: {  	[smem:$0x3FA7] =	sst s9;
	s0 =	simm.s32 @!p0 $0x0  }
0x12: {  	s1 =	sld [smem:$0x3F8D];
	s0 =	simm.s32 @p0 $0x1  }
0x13: {  	[smem:$0x3FA8] =	sst s0;
	s0 =	simm.s32 @!p1 $0x0  }
0x14: {  	s2 =	sld [smem:$0x3F8C];
	s0 =	simm.s32 @p1 $0x1  }
0x15: {  	[smem:$0x3FA9] =	sst s0;
	s0 =	simm.s32 @!p2 $0x0  }
0x16: {  	s3 =	sld [smem:$0x3FDB];
	s0 =	simm.s32 @p2 $0x1  }
0x17: {  	s4 =	simm.s32 $0x1BF5;
	[smem:$0x3FAB] =	sst s0  }
0x18: {  	s0 =	sld [smem:$0x3F8E];
	_ =	swait.ge [sflag:s4], $0x0  }
0x19: {  	s7 =	sld [smem:$0x3F8F]  }
0x1a: {  	s8 =	sadd.s32 $0xFFFFE003, lr  }
0x1b: {  	s9 =	sadd.s32 $0xFFFFFEF7, lr;
	s5 =	simm.s32 $0xFFFFFFFF;
	p2 =	slt.u32 s8, $0xFFFFF086  }
0x1c: {  	p1 =	slt.u32 s9, $0xF7A;
	s5 =	simm.s32 @!p2 $0x0  }
0x1d: {  	s5 =	simm.s32 @p1 $0x1;
	p0 =	seq.s32 s7, s2  }
0x1e: {  	s7 =	smul.u32 @!p0 $0xF7A, s2;
	p2 =	seq.s32 @!p0 s5, $0x0  }
0x1f: {  	s9 =	smul.u32 $0xF7A, s1;
	s8 =	simm.s32 @!p0 $0x1BF5;
	p2 =	por !p2, p0  }
0x20: {  	[sflag:s8] =	ssyncset.s32 @!p0 $0xFFFFF086;
	s6 =	sadd.s32 @!p0 s3, s7;
	s7 =	simm.s32 @!p0 $0x108  }
0x21: {  	s3 =	sadd.s32 s3, s9;
	s6 =	sadd.s32 @!p0 $0x88, s6;
	s7 =	simm.s32 @p2 $0x1082  }
0x22: {  	[simem:s7], [sflag:s8] =	dma.local @!p0 [hbm:s6], $0xF7A  }
0x23: {  	s9 =	sor.u32 $0xD0000000, s2;
	s6 =	simm.s32 $0x108;
	_ =	swait.ge @!p0 [sflag:s8], $0x0  }
0x24: {  	s3 =	sadd.s32 $0x88, s3;
	s6 =	simm.s32 @!p1 $0x1082;
	[sflag:s4] =	ssyncset.s32 $0xFFFFF086  }
0x25: {  	[simem:s6], [sflag:s4] =	dma.local [hbm:s3], $0xF7A  }
0x26: {  	[smem:$0x3F8F] =	sst s1;
	(tag) =	ssettag s2;
	_ =	strace s9  }
0x27: {  	s1 =	sld [smem:$0x3F9F]  }
0x28: {  	s2 =	sld [smem:$0x3FA0]  }
0x29: {  	s4 =	sld [smem:$0x3FA2]  }
0x2a: {  	p0 =	seq.s32 s5, $0x0;
	s5 =	sld [smem:$0x3FA3]  }
0x2b: {  	s6 =	sld [smem:$0x3FA4]  }
0x2c: {  	s7 =	sld [smem:$0x3FA5]  }
0x2d: {  	s3 =	simm.s32 $0x108;
	s8 =	sld [smem:$0x3FA6]  }
0x2e: {  	s3 =	simm.s32 @!p0 $0x1082;
	s9 =	sld [smem:$0x3FA7]  }
0x2f: {  	lr =	sadd.s32 s0, s3;
	s0 =	sld [smem:$0x3F9E]  }
0x30: {  	s3 =	sld [smem:$0x3FA1]  }
0x31: {  	[smem:$0x3FAA] =	sst s10  }
0x32: {  	s10 =	sld [smem:$0x3FA8];
	_ =	sdelay $0x3  }
0x33: {  	p0 =	seq.s32 s10, $0x1;
	s10 =	sld [smem:$0x3FAA];
	_ =	sdelay $0x3  }
0x34: {  	[smem:$0x3FAA] =	sst s10  }
0x35: {  	s10 =	sld [smem:$0x3FA9];
	_ =	sdelay $0x3  }
0x36: {  	p1 =	seq.s32 s10, $0x1;
	s10 =	sld [smem:$0x3FAA];
	_ =	sdelay $0x3  }
0x37: {  	[smem:$0x3FAA] =	sst s10  }
0x38: {  	s10 =	sld [smem:$0x3FAB]  }
0x39: {  	_ = 	snop;
	(pc) =	sbr.ind lr, $3  }
0x3a: {  	_ = 	snop  }
0x3b: {  	_ = 	snop  }
0x3c: {  	p2 =	seq.s32 s10, $0x1;
	s10 =	sld [smem:$0x3FAA]  }
0x3d: {  	_ =	shalt  }
0x3e: {  	_ =	shalt  }
0x3f: {  	_ =	shalt  }
0x40: {  	_ =	shalt  }
0x41: {  	_ =	shalt  }
0x42: {  	_ =	shalt  }
0x43: {  	_ =	shalt  }
0x44: {  	_ =	shalt  }
0x45: {  	_ =	shalt  }
0x46: {  	_ =	shalt  }
0x47: {  	_ =	shalt  }
0x48: {  	_ =	shalt  }
0x49: {  	_ =	shalt  }
0x4a: {  	_ =	shalt  }
0x4b: {  	_ =	shalt  }
0x4c: {  	_ =	shalt  }
0x4d: {  	_ =	shalt  }
0x4e: {  	_ =	shalt  }
0x4f: {  	_ =	shalt  }
0x50: {  	_ =	shalt  }
0x51: {  	_ =	shalt  }
0x52: {  	_ =	shalt  }
0x53: {  	_ =	shalt  }
0x54: {  	_ =	shalt  }
0x55: {  	_ =	shalt  }
0x56: {  	_ =	shalt  }
0x57: {  	_ =	shalt  }
0x58: {  	_ =	shalt  }
0x59: {  	_ =	shalt  }
0x5a: {  	_ =	shalt  }
0x5b: {  	_ =	shalt  }
0x5c: {  	_ =	shalt  }
0x5d: {  	_ =	shalt  }
0x5e: {  	_ =	shalt  }
0x5f: {  	_ =	shalt  }
0x60: {  	_ =	shalt  }
0x61: {  	_ =	shalt  }
0x62: {  	_ =	shalt  }
0x63: {  	_ =	shalt  }
0x64: {  	_ =	shalt  }
0x65: {  	_ =	shalt  }
0x66: {  	_ =	shalt  }
0x67: {  	_ =	shalt  }
0x68: {  	_ =	shalt  }
0x69: {  	_ =	shalt  }
0x6a: {  	_ =	shalt  }
0x6b: {  	_ =	shalt  }
0x6c: {  	_ =	shalt  }
0x6d: {  	_ =	shalt  }
0x6e: {  	_ =	shalt  }
0x6f: {  	_ =	shalt  }
0x70: {  	_ =	shalt  }
0x71: {  	_ =	shalt  }
0x72: {  	_ =	shalt  }
0x73: {  	_ =	shalt  }
0x74: {  	_ =	shalt  }
0x75: {  	_ =	shalt  }
0x76: {  	_ =	shalt  }
0x77: {  	_ =	shalt  }
0x78: {  	_ =	shalt  }
0x79: {  	_ =	shalt  }
0x7a: {  	_ =	shalt  }
0x7b: {  	_ =	shalt  }
0x7c: {  	_ =	shalt  }
0x7d: {  	_ =	shalt  }
0x7e: {  	_ =	shalt  }
0x7f: {  	_ =	shalt  }
0x80: {  	_ =	shalt  }
0x81: {  	_ =	shalt  }
0x82: {  	_ =	shalt  }
0x83: {  	_ =	shalt  }
0x84: {  	_ =	shalt  }
0x85: {  	_ =	shalt  }
0x86: {  	_ =	shalt  }
0x87: {  	_ =	shalt  }
.Lfunc_end0:
.L_simem_size_0:
called_computation_lowered:
.L_overlay_start_0:
0x88: {  	s2 =	sld [smem:$0x3FD9]  }
0x89: {  	s3 =	sld [smem:$0x3FFE];
	_ =	sdelay $0x1  }
0x8a: {  	s1 =	srdreg.scid  }
0x8b: {  	s0 =	sand.u32 $0x1, s1  }
0x8c: {  	s17 =	sshll.u32 s0, $0xA;
	s2 =	sadd.s32 s3, s2  }
0x8d: {  	s2 =	sadd.s32 s2, s17  }
0x8e: {  	[smem:$0x3FB6] =	sst s2  }
0x8f: {  	_ = 	snop  }
0x90: {  	s2 =	sld [smem:$0x3FC0]  }
0x91: {  	s18 =	sld [smem:$0x3FBF];
	(tm) =	ssettm $0x1  }
0x92: {  	s4 =	sld [smem:$0x3FFB];
	_ =	sdelay $0x3  }
0x93: {  	_ =	strace s4  }
0x94: {  	s4 =	sld [smem:$0x3FFC];
	_ =	sdelay $0x3  }
0x95: {  	_ =	strace s4  }
0x96: {  	s4 =	sld [smem:$0x3FFD];
	_ =	sdelay $0x3  }
0x97: {  	_ =	strace s4  }
0x98: {  	_ =	strace $0x8FFFFFFF  }
0x99: {  	s19 =	sld [smem:$0x3FDB];
	_ =	sdelay $0x1  }
0x9a: {  	s5 =	simm.s32 $_scs_section_size  }
0x9b: {  	s6 =	simm.s32 $_size__tile_overlayer_lowered;
	s7 =	simm.s32 $_tile_overlayer_lowered  }
0x9c: {  	s22 =	simm.s32 $0x1BFF;
	s21 =	sshll.u32 s7, $0x1;
	s4 =	sadd.s32 s5, s19  }
0x9d: {  	s8 =	simm.s32 $0x0;
	s20 =	sshll.u32 s6, $0x1;
	s6 =	sadd.s32 s21, s4  }
0x9e: {  	[timem:s8], [sflag:s22] =	dma.local [hbm:s6], s20  }
0x9f: {  	_ =	swait.ge [sflag:s22], s20  }
0xa0: {  	s5 =	ssub.s32 $0x0, s20;
	[sflag:s22] =	ssyncset.done $0x0  }
0xa1: {  	[sflag:s22] =	ssyncadd.s32 s5;
	_ =	sdelay $0x1  }
0xa2: {  	s23 =	simm.s32 $0x1B8B  }
0xa3: {  	_ =	swait.ge [sflag:s23], $0x1  }
0xa4: {  	[sflag:s23] =	ssyncset.done $0x0  }
0xa5: {  	s25 =	simm.s32 $0x1B8E;
	s24 =	sld [smem:$0x3FFE];
	[sflag:s23] =	ssyncadd.s32 $0xFFFFFFFF  }
0xa6: {  	s26 =	simm.s32 $execute0_lowered;
	[smem:$0x3FD2] =	sst s25  }
0xa7: {  	s6 =	sshll.u32 s26, $0x1;
	_ =	strace $0x80000046;
	[dreg:$0x1] =	wrdreg $0xFFFFFFFF  }
0xa8: {  	s28 =	simm.s32 $_size_execute0_lowered;
	s4 =	sadd.s32 s4, s6;
	[dreg:$0x0] =	wrdreg $0x0  }
0xa9: {  	s6 =	sshll.u32 s28, $0x1;
	[dreg:$0x2] =	wrdreg s4  }
0xaa: {  	[dreg:$0x3] =	wrdreg s6  }
0xab: {  	[dreg:$0x4] =	wrdreg $0xC0  }
0xac: {  	_ =	task [dreg:s8], $0x5FFFF  }
0xad: {  	[dreg:$0x1] =	wrdreg $0xFFFFFFFF  }
0xae: {  	[dreg:$0x0] =	wrdreg $0x60  }
0xaf: {  	[dreg:$0x2] =	wrdreg s2  }
0xb0: {  	[dreg:$0x3] =	wrdreg s18  }
0xb1: {  	[dreg:$0x4] =	wrdreg s24  }
0xb2: {  	[dreg:$0x5] =	wrdreg $0x9  }
0xb3: {  	_ =	task.clear_ibuf [dreg:s8], $0x6FFFF;
	_ =	strace $0x90000046  }
0xb4: {  	s29 =	simm.s32 $0x9;
	_ =	strace $0x80000048  }
0xb5: {  	_ =	swait.ge [sflag:s29], $0x1  }
0xb6: {  	[sflag:s29] =	ssyncadd.s32 $0xFFFFFFFF  }
0xb7: {  	_ =	strace $0x90000048  }
0xb8: {  	_ =	sfence  }
0xb9: {  	s30 =	sld [smem:$0x0];
	_ =	sdelay $0x2  }
0xba: {  	s31 =	sshll.u32 s1, $0xD;
	s1 =	sshrl.u32 s1, $0x2  }
0xbb: {  	s3 =	sand.u32 $0x4000, s31;
	s1 =	sadd.s32 s1, s30  }
0xbc: {  	s0 =	sor.u32 s3, s0;
	s1 =	sshll.u32 s1, $0x11  }
0xbd: {  	s0 =	sor.u32 s1, s0  }
0xbe: {  	s0 =	sadd.s32 $0x8F2B, s0  }
0xbf: {  	[sflag:s0] =	ssyncadd.remote.s32 $0x1  }
0xc0: {  	_ =	sfence.sel $0xFFFF  }
0xc1: {  	[dreg:$0x0] =	wrdreg $0xFFFFFFFF;
	(pc) =	sbr.abs _section_cstart, $3  }
0xc2: {  	[dreg:$0x1] =	wrdreg $0xFFFFFFFF  }
0xc3: {  	_ =	task.clear_ibuf [dreg:s8], $0x2FFFF;
	_ =	strace $0x9FFFFFFF  }
0xc4: {  	(tm) =	ssettm $0x7FFFFFFF  }
0xc5: {  	_ =	shalt  }
tec
execute0_lowered:
.L_overlay_start_1:
0x0: {  	(tag) =	ssettag $0x1  }
0x1: {  	s1 =	rddreg [dreg:$0x0]  }
0x2: {  	s3 =	rddreg [dreg:$0x1]  }
0x3: {  	s0 =	srdreg.scid;
	s10 =	stileid.u32  }
0x4: {  	s2 =	rddreg [dreg:$0x2];
	s4 =	simm.s32 $0x0;
	s12 =	simm.s32 $0x3  }
0x5: {  	s13 =	simm.s32 $0x80;
	s14 =	simm.s32 $0x1080;
	s15 =	simm.s32 $0x2080  }
0x6: {  	s16 =	simm.s32 $0x1;
	s17 =	simm.s32 $0x2;
	s19 =	simm.s32 $0x6080  }
0x7: {  	s21 =	simm.s32 $0xA080;
	s23 =	simm.s32 $0xE080;
	s25 =	simm.s32 $0x12080  }
0x8: {  	s28 =	simm.s32 $0x16080;
	s31 =	simm.s32 $0x1200;
	s18 =	simm.s32 $0x0  }
0x9: {  	s0 =	sand.u32 $0x1, s0;
	s5 =	sshll.u32 s10, $0x1;
	[smem:$0x7FF] =	sst s4  }
0xa: {  	s29 =	sshll.u32 s10, $0x11;
	s5 =	sor.u32 s0, s5;
	_ =	strace $0x80000047  }
0xb: {  	s8 =	ssub.s32 $0x2, s0;
	s0 =	sshll.u32 s0, $0x10;
	s6 =	sshll.u32 s5, $0x4  }
0xc: {  	s7 =	sshll.u32 s5, $0x9;
	s5 =	sshll.u32 s5, $0xB;
	s30 =	sshrl.u32 s8, $0x1  }
0xd: {  	s6 =	sadd.s32 s6, s2;
	s7 =	sadd.s32 s7, s2;
	s9 =	sadd.s32 s5, s2  }
0xe: {  	s2 =	sadd.s32 s29, s2;
	s10 =	ssub.s32 s8, s30;
	s5 =	sadd.s32 $0x4C00, s6  }
0xf: {  	s6 =	sadd.s32 $0x4E00, s7;
	s7 =	sadd.s32 $0x18E00, s7;
	s8 =	sadd.s32 $0x1CE00, s9  }
0x10: {  	s9 =	smax.u32 s10, $0x1;
	s0 =	sadd.s32 s0, s2;
	s2 =	simm.s32 $0x1280  }
0x11: {  	s22 =	sadd.s32 $0x2CE00, s0;
	s11 =	sadd.s32 $0x22CE00, s0;
	s0 =	simm.s32 $0x1300  }
.LBB2_1:
0x12: {  	[tilespmem:s4], [sflag:$0x3] =	stream.linear.gather [hbm4b:s5+s4], $0x80, $0x38;
	[tilespmem:$0x1E080] =	vst v63  }
0x13: {  	_ =	swait.ge [sflag:s12], $0x80  }
0x14: {  	[sflag:s12] =	ssyncset.done $0x0  }
0x15: {  	[sflag:s12] =	ssyncadd.s32 $0xFFFFFF80  }
0x16: {  	[tilespmem:s13], [sflag:$0x3] =	stream.linear.gather [hbm4b:s6+s4], $0x1000, $0x38;
	[tilespmem:$0x1E080] =	vst v63  }
0x17: {  	_ =	swait.ge [sflag:s12], $0x1000  }
0x18: {  	[sflag:s12] =	ssyncset.done $0x0  }
0x19: {  	[sflag:s12] =	ssyncadd.s32 $0xFFFFF000  }
0x1a: {  	[tilespmem:s14], [sflag:$0x3] =	stream.linear.gather [hbm4b:s7+s4], $0x1000, $0x38;
	[tilespmem:$0x1E080] =	vst v63  }
0x1b: {  	_ =	swait.ge [sflag:s12], $0x1000  }
0x1c: {  	[sflag:s12] =	ssyncset.done $0x0  }
0x1d: {  	[sflag:s12] =	ssyncadd.s32 $0xFFFFF000  }
0x1e: {  	[tilespmem:s15], [sflag:$0x1] =	stream.indirect.gather [hbm4b:s1+s13], $0x80, s4, s13, $0xb8;
	[tilespmem:$0x1E080] =	vst v63  }
0x1f: {  	_ =	swait.ge [sflag:s16], $0x4000  }
0x20: {  	[sflag:s16] =	ssyncset.done $0x0  }
0x21: {  	[sflag:s16] =	ssyncadd.s32 $0xFFFFC000  }
0x22: {  	[hbm4b:s8+s4] =	stream.linear.scatter [tilespmem:s15], [sflag:$0x2], $0x4000, $0x38;
	[tilespmem:$0x1E080] =	vst v63  }
0x23: {  	_ =	swait.ge [sflag:s17], $0x4000  }
0x24: {  	[sflag:s17] =	ssyncset.done $0x0  }
0x25: {  	[sflag:s17] =	ssyncadd.s32 $0xFFFFC000  }
0x26: {  	[tilespmem:s15], [sflag:$0x1] =	stream.indirect.gather [hbm4b:s1+s13], $0x80, s13, s13, $0xb8;
	[tilespmem:$0x1E080] =	vst v63  }
0x27: {  	s10 =	simm.s32 $0x100  }
0x28: {  	[tilespmem:s19], [sflag:$0x1] =	stream.indirect.gather [hbm4b:s1+s13], $0x80, s10, s13, $0xb8;
	[tilespmem:$0x1E080] =	vst v63  }
0x29: {  	s24 =	simm.s32 $0x180  }
0x2a: {  	[tilespmem:s21], [sflag:$0x1] =	stream.indirect.gather [hbm4b:s1+s13], $0x80, s24, s13, $0xb8;
	[tilespmem:$0x1E080] =	vst v63  }
0x2b: {  	s26 =	simm.s32 $0x200  }
0x2c: {  	[tilespmem:s23], [sflag:$0x1] =	stream.indirect.gather [hbm4b:s1+s13], $0x80, s26, s13, $0xb8;
	[tilespmem:$0x1E080] =	vst v63  }
0x2d: {  	s29 =	simm.s32 $0x280;
	s30 =	simm.s32 $0x300  }
0x2e: {  	[tilespmem:s25], [sflag:$0x1] =	stream.indirect.gather [hbm4b:s1+s13], $0x80, s29, s13, $0xb8;
	[tilespmem:$0x1E080] =	vst v63  }
0x2f: {  	s20 =	simm.s32 $0x380;
	s10 =	smov.u32 s22;
	s24 =	simm.s32 $0x0  }
0x30: {  	[tilespmem:s28], [sflag:$0x1] =	stream.indirect.gather [hbm4b:s1+s13], $0x80, s30, s13, $0xb8;
	[tilespmem:$0x1E080] =	vst v63  }
.LBB2_2:
0x31: {  	p0 =	slt.u32 s24, $0x2  }
0x32: {  	s26 =	simm.s32 @!p0 $0x2  }
0x33: {  	p1 =	sgt.u32 @!p0 s24, $0x19;
	_ =	swait.ge @!p0 [sflag:s26], $0x4000  }
0x34: {  	p1 =	por p0, !p1;
	[sflag:s26] =	ssyncset.done @!p0 $0x0  }
0x35: {  	[sflag:s26] =	ssyncadd.s32 @!p0 $0xFFFFC000;
	s26 =	sadd.s32 @p1 $0x6, s24  }
0x36: {  	s29 =	smul.u32 @p1 $0x25, s26;
	_ =	sdelay $0x1  }
0x37: {  	s29 =	sshrl.u32 @p1 s29, $0x8  }
0x38: {  	s30 =	ssub.s32 @p1 s26, s29  }
0x39: {  	s30 =	sand.u32 @p1 $0xFE, s30  }
0x3a: {  	s30 =	sshrl.u32 @p1 s30, $0x1  }
0x3b: {  	s29 =	sadd.s32 @p1 s29, s30  }
0x3c: {  	s29 =	sand.u32 @p1 $0xFC, s29  }
0x3d: {  	s29 =	sshrl.u32 @p1 s29, $0x2  }
0x3e: {  	s29 =	smul.u32 @p1 $0x7, s29;
	_ =	sdelay $0x1  }
0x3f: {  	s26 =	ssub.s32 @p1 s26, s29  }
0x40: {  	s26 =	sand.u32 @p1 $0xFF, s26  }
0x41: {  	s26 =	sshll.u32 @p1 s26, $0xE  }
0x42: {  	s29 =	smul.u32 $0x25, s24;
	s26 =	sor.u32 @p1 $0x2080, s26  }
0x43: {  	[tilespmem:s26], [sflag:$0x1] =	stream.indirect.gather @p1 [hbm4b:s1+s13], $0x80, s20, s13, $0xb8;
	[tilespmem:$0x1E080] =	vst v63  }
0x44: {  	s26 =	sshrl.u32 s29, $0x8  }
0x45: {  	s30 =	ssub.s32 s24, s26  }
0x46: {  	s29 =	sand.u32 $0xFE, s30  }
0x47: {  	s29 =	sshrl.u32 s29, $0x1  }
0x48: {  	s26 =	sadd.s32 s26, s29  }
0x49: {  	s26 =	sand.u32 $0xFC, s26  }
0x4a: {  	s26 =	sshrl.u32 s26, $0x2  }
0x4b: {  	s26 =	smul.u32 $0x7, s26;
	_ =	sdelay $0x1  }
0x4c: {  	s26 =	ssub.s32 s24, s26;
	s24 =	sadd.s32 $0x1, s24  }
0x4d: {  	p0 =	sne.s32 s24, $0x20  }
.Ltmp0:
0x4e: {  	_ =	swait.ge [sflag:s16], $0x4000;
	s26 =	sand.u32 $0xFF, s26;
	(pc) =	sbr.rel @p0 .LBB2_2-.Ltmp0, $4  }
0x4f: {  	[sflag:s16] =	ssyncset.done $0x0;
	s26 =	sshll.u32 s26, $0xE  }
0x50: {  	[sflag:s16] =	ssyncadd.s32 $0xFFFFC000;
	s26 =	sor.u32 $0x2080, s26  }
0x51: {  	[hbm4b:s10+s4] =	stream.linear.scatter [tilespmem:s26], [sflag:$0x2], $0x4000, $0x38;
	[tilespmem:$0x1E080] =	vst v63  }
0x52: {  	s20 =	sadd.s32 $0x80, s20;
	s10 =	sadd.s32 $0x800, s10  }
0x53: {  	_ =	swait.ge [sflag:s17], $0x4000  }
0x54: {  	[sflag:s17] =	ssyncset.done $0x0  }
0x55: {  	[sflag:s17] =	ssyncadd.s32 $0xFFFFC000  }
0x56: {  	_ =	swait.ge [sflag:s17], $0x4000  }
0x57: {  	[sflag:s17] =	ssyncset.done $0x0  }
0x58: {  	[sflag:s17] =	ssyncadd.s32 $0xFFFFC000  }
0x59: {  	[tilespmem:s15], [sflag:$0x1] =	stream.indirect.gather [hbm4b:s3+s13], $0x80, s14, s13, $0xb8;
	[tilespmem:$0x1E080] =	vst v63  }
0x5a: {  	s10 =	simm.s32 $0x1100  }
0x5b: {  	[tilespmem:s19], [sflag:$0x1] =	stream.indirect.gather [hbm4b:s3+s13], $0x80, s10, s13, $0xb8;
	[tilespmem:$0x1E080] =	vst v63  }
0x5c: {  	s30 =	simm.s32 $0x1180  }
0x5d: {  	[tilespmem:s21], [sflag:$0x1] =	stream.indirect.gather [hbm4b:s3+s13], $0x80, s30, s13, $0xb8;
	[tilespmem:$0x1E080] =	vst v63  }
0x5e: {  	_ = 	snop  }
0x5f: {  	[tilespmem:s23], [sflag:$0x1] =	stream.indirect.gather [hbm4b:s3+s13], $0x80, s31, s13, $0xb8;
	[tilespmem:$0x1E080] =	vst v63  }
0x60: {  	_ = 	snop  }
0x61: {  	[tilespmem:s25], [sflag:$0x1] =	stream.indirect.gather [hbm4b:s3+s13], $0x80, s2, s13, $0xb8;
	[tilespmem:$0x1E080] =	vst v63  }
0x62: {  	s20 =	simm.s32 $0x0;
	s24 =	smov.u32 s11;
	s10 =	simm.s32 $0x1380  }
0x63: {  	[tilespmem:s28], [sflag:$0x1] =	stream.indirect.gather [hbm4b:s3+s13], $0x80, s0, s13, $0xb8;
	[tilespmem:$0x1E080] =	vst v63  }
.LBB2_4:
0x64: {  	p0 =	slt.u32 s20, $0x2  }
0x65: {  	s26 =	simm.s32 @!p0 $0x2  }
0x66: {  	p1 =	sgt.u32 @!p0 s20, $0x19;
	_ =	swait.ge @!p0 [sflag:s26], $0x4000  }
0x67: {  	p1 =	por p0, !p1;
	[sflag:s26] =	ssyncset.done @!p0 $0x0  }
0x68: {  	[sflag:s26] =	ssyncadd.s32 @!p0 $0xFFFFC000;
	s26 =	sadd.s32 @p1 $0x6, s20  }
0x69: {  	s29 =	smul.u32 @p1 $0x25, s26;
	_ =	sdelay $0x1  }
0x6a: {  	s29 =	sshrl.u32 @p1 s29, $0x8  }
0x6b: {  	s30 =	ssub.s32 @p1 s26, s29  }
0x6c: {  	s30 =	sand.u32 @p1 $0xFE, s30  }
0x6d: {  	s30 =	sshrl.u32 @p1 s30, $0x1  }
0x6e: {  	s29 =	sadd.s32 @p1 s29, s30  }
0x6f: {  	s29 =	sand.u32 @p1 $0xFC, s29  }
0x70: {  	s29 =	sshrl.u32 @p1 s29, $0x2  }
0x71: {  	s29 =	smul.u32 @p1 $0x7, s29;
	_ =	sdelay $0x1  }
0x72: {  	s26 =	ssub.s32 @p1 s26, s29  }
0x73: {  	s26 =	sand.u32 @p1 $0xFF, s26  }
0x74: {  	s26 =	sshll.u32 @p1 s26, $0xE  }
0x75: {  	s29 =	smul.u32 $0x25, s20;
	s26 =	sor.u32 @p1 $0x2080, s26  }
0x76: {  	[tilespmem:s26], [sflag:$0x1] =	stream.indirect.gather @p1 [hbm4b:s3+s13], $0x80, s10, s13, $0xb8;
	[tilespmem:$0x1E080] =	vst v63  }
0x77: {  	s26 =	sshrl.u32 s29, $0x8  }
0x78: {  	s30 =	ssub.s32 s20, s26  }
0x79: {  	s29 =	sand.u32 $0xFE, s30  }
0x7a: {  	s29 =	sshrl.u32 s29, $0x1  }
0x7b: {  	s26 =	sadd.s32 s26, s29  }
0x7c: {  	s26 =	sand.u32 $0xFC, s26  }
0x7d: {  	s26 =	sshrl.u32 s26, $0x2  }
0x7e: {  	s26 =	smul.u32 $0x7, s26;
	_ =	sdelay $0x1  }
0x7f: {  	s26 =	ssub.s32 s20, s26;
	s20 =	sadd.s32 $0x1, s20  }
0x80: {  	p0 =	sne.s32 s20, $0x20  }
.Ltmp1:
0x81: {  	_ =	swait.ge [sflag:s16], $0x4000;
	s26 =	sand.u32 $0xFF, s26;
	(pc) =	sbr.rel @p0 .LBB2_4-.Ltmp1, $4  }
0x82: {  	[sflag:s16] =	ssyncset.done $0x0;
	s26 =	sshll.u32 s26, $0xE  }
0x83: {  	[sflag:s16] =	ssyncadd.s32 $0xFFFFC000;
	s26 =	sor.u32 $0x2080, s26  }
0x84: {  	[hbm4b:s24+s4] =	stream.linear.scatter [tilespmem:s26], [sflag:$0x2], $0x4000, $0x38;
	[tilespmem:$0x1E080] =	vst v63  }
0x85: {  	s10 =	sadd.s32 $0x80, s10;
	s24 =	sadd.s32 $0x800, s24  }
0x86: {  	s18 =	sadd.s32 $0x1, s18  }
0x87: {  	_ =	swait.ge [sflag:s17], $0x4000;
	p0 =	sne.s32 s18, s9  }
.Ltmp2:
0x88: {  	[sflag:s17] =	ssyncset.done $0x0;
	(pc) =	sbr.rel @p0 .LBB2_1-.Ltmp2, $4  }
0x89: {  	[sflag:s17] =	ssyncadd.s32 $0xFFFFC000  }
0x8a: {  	_ =	swait.ge [sflag:s17], $0x4000  }
0x8b: {  	[sflag:s17] =	ssyncset.done $0x0  }
0x8c: {  	[sflag:s17] =	ssyncadd.s32 $0xFFFFC000  }
0x8d: {  	_ =	sfence.sel $0x180000  }
0x8e: {  	[bflag:$0x0] =	sbarrier.arrive $0xFFFF  }
0x8f: {  	_ =	strace $0x90000047  }
0x90: {  	s0 =	stileid.u32;
	[bflag:$0x2] =	sbarrier.arrive $0xFFFF  }
0x91: {  	p0 =	sne.s32 s0, $0x0;
	s0 =	rddreg [dreg:$0x3]  }
0x92: {  	s0 =	sadd.s32 @!p0 $0x100000, s0  }
0x93: {  	[sflag:s0] =	ssyncadd.tile.s32 @!p0 $0x1;
	_ =	shalt  }
.Lfunc_end2:
_tile_overlayer_lowered:
.L_overlay_start_2:
0x94: {  	(tag) =	ssettag $0x2  }
0x95: {  	s0 =	rddreg [dreg:$0x0];
	s2 =	stileid.u32  }
0x96: {  	s1 =	rddreg [dreg:$0x1];
	p0 =	sne.s32 s2, $0x0  }
0x97: {  	s3 =	rddreg [dreg:$0x2];
	[bflag:$0x3] =	sbarrier.arrive $0xFFFF;
	s2 =	simm.s32 @!p0 $0x1C03  }
0x98: {  	[timem:s3], [sflag:s2] =	dma.local @!p0 [hbm:s0], s1  }
0x99: {  	s0 =	simm.s32 @!p0 $0x3  }
0x9a: {  	_ =	swait.ge @!p0 [sflag:s0], s1  }
0x9b: {  	s1 =	ssub.s32 @!p0 $0x0, s1;
	[sflag:s0] =	ssyncset.done @!p0 $0x0  }
0x9c: {  	[sflag:s0] =	ssyncadd.s32 @!p0 s1  }
0x9d: {  	[bflag:$0x3] =	sbarrier.arrive $0xFFFF  }
0x9e: {  	_ =	shalt  }

</sc_bundles>
